<compile_context>
chip_gen: v7x
topology: tpu7x:2x2x1
jax: 0.10.2.dev20260603
libtpu: 0.0.44.dev20260713+nightly
codegen_flags: <defaults>
</compile_context>

<pallas_src>
import functools

import jax
import jax.numpy as jnp
import numpy as np
from jax import lax
from jax.experimental import pallas as pl
from jax.experimental.pallas import tpu as pltpu
from jax.experimental.pallas import tpu_sc as plsc

F32 = jnp.float32
NC, NS, L = 2, 16, 16
BR = 256


def _pre_body(h_ref, w1a_ref, w1b_ref, b1_ref, w2_ref, wct_ref, b2_ref,
              bc_ref, crw_ref, ha_out, hb_out, w2c_out, c_out, crw_out):
    hblk = h_ref[...]
    ha_out[...] = (jnp.dot(hblk, w1a_ref[...], precision=lax.Precision.DEFAULT,
                           preferred_element_type=F32)
                   + b1_ref[...]).astype(jnp.bfloat16)
    hb_out[...] = jnp.dot(hblk, w1b_ref[...], precision=lax.Precision.DEFAULT,
                          preferred_element_type=F32).astype(jnp.bfloat16)
    wct = wct_ref[...]
    w2c_out[...] = lax.dot_general(wct, w2_ref[...], (((1,), (1,)), ((), ())),
                                   precision=lax.Precision.DEFAULT,
                                   preferred_element_type=F32)
    cval = lax.dot_general(b2_ref[...], wct, (((1,), (1,)), ((), ())),
                           precision=lax.Precision.DEFAULT,
                           preferred_element_type=F32)
    z = jnp.zeros_like(wct)
    c_out[...] = z + (cval[0, 0] + bc_ref[0, 0])
    crw_out[...] = z + crw_ref[0, 0]


def _post_body(h_ref, s0_ref, s1_ref, d0_ref, d1_ref, x_ref, w2_ref, b2_ref,
               wna_ref, wnb_ref, bn_ref, g_ref, b_ref, crw_ref,
               ho_out, xo_out):
    s = s0_ref[...] + s1_ref[...]
    dsum = d0_ref[...] + d1_ref[...]
    cnt = dsum[:, 3:4]
    agg = jnp.dot(s, w2_ref[...], precision=lax.Precision.DEFAULT,
                  preferred_element_type=F32) + cnt * b2_ref[...]
    hblk = h_ref[...]
    hn = jnp.dot(hblk, wna_ref[...], precision=lax.Precision.DEFAULT,
                 preferred_element_type=F32)
    hn = hn + jnp.dot(agg, wnb_ref[...], precision=lax.Precision.DEFAULT,
                      preferred_element_type=F32) + bn_ref[...]
    hn = jnp.maximum(hn, 0.0)
    y = hblk + hn
    mu = jnp.mean(y, axis=-1, keepdims=True)
    var = jnp.mean((y - mu) ** 2, axis=-1, keepdims=True)
    ho_out[...] = (y - mu) * lax.rsqrt(var + 1e-5) * g_ref[...] + b_ref[...]
    xo_out[...] = x_ref[...] + crw_ref[0, 0] * dsum


def _sc_body(ha_hbm, hb_hbm, x16_hbm, row_hbm, col_hbm, w1c_hbm, w2c_hbm,
             c_hbm, zs_hbm, zd_hbm, s_out, d_out,
             idxr0, idxc0, ha0, hb0, xr0, xc0,
             idxr1, idxc1, ha1, hb1, xr1, xc1,
             tbuf0, tbuf1, cub0, cub1, idxs0, idxs1,
             d2b, sbuf, w1cb, w2cb, cvb,
             sem_i0, sem_i1, sem_g0, sem_g1, sem_s0, sem_s1,
             s_sh, d_sh, *, ssh, e_per_tile, ch, dw):
    cid = lax.axis_index("c")
    sid = lax.axis_index("s")
    rows_per_tile = ssh // NS
    ept0, ept1 = e_per_tile
    my_ept = jnp.where(cid == 0, ept0, ept1)
    tile_start = cid * NS * ept0 + sid * my_ept
    nchunks = my_ept // ch

    idxr = [idxr0, idxr1]
    idxc = [idxc0, idxc1]
    ha = [ha0, ha1]
    hb = [hb0, hb1]
    xr16 = [xr0, xr1]
    xc16 = [xc0, xc1]
    tbuf = [tbuf0, tbuf1]
    cub = [cub0, cub1]
    idxs = [idxs0, idxs1]
    sem_i = [sem_i0, sem_i1]
    sem_g = [sem_g0, sem_g1]
    sem_s = [sem_s0, sem_s1]

    zofs = sid * rows_per_tile
    zs_cp = pltpu.async_copy(zs_hbm, s_sh.at[pl.ds(zofs, rows_per_tile)],
                             sem_s0)
    zd_cp = pltpu.async_copy(zd_hbm, d_sh.at[pl.ds(zofs, rows_per_tile)],
                             sem_s1)

    pltpu.sync_copy(w1c_hbm, w1cb)
    pltpu.sync_copy(w2c_hbm.at[0], w2cb)
    pltpu.sync_copy(c_hbm.at[0, pl.ds(0, L)], cvb)

    lanes = lax.iota(jnp.int32, L)

    zs_cp.wait()
    zd_cp.wait()
    plsc.subcore_barrier()

    w1v = [w1cb[pl.ds(L * j, L)] for j in range(8)]
    w2v = [w2cb[pl.ds(L * j, L)] for j in range(8)]
    cvec = cvb[...]
    m15 = lanes == 15

    def ebase(c):
        return tile_start + c * ch

    def start_idx(b, c):
        pltpu.async_copy(row_hbm.at[pl.ds(ebase(c), ch)], idxr[b], sem_i[b])
        pltpu.async_copy(col_hbm.at[pl.ds(ebase(c), ch)], idxc[b], sem_i[b])

    def wait_idx(b):
        pltpu.make_async_copy(row_hbm.at[pl.ds(0, ch)], idxr[b],
                              sem_i[b]).wait()
        pltpu.make_async_copy(col_hbm.at[pl.ds(0, ch)], idxc[b],
                              sem_i[b]).wait()

    def start_g(b):
        pltpu.async_copy(ha_hbm.at[idxr[b]], ha[b], sem_g[b])
        pltpu.async_copy(hb_hbm.at[idxc[b]], hb[b], sem_g[b])
        pltpu.async_copy(x16_hbm.at[idxr[b]], xr16[b], sem_g[b])
        pltpu.async_copy(x16_hbm.at[idxc[b]], xc16[b], sem_g[b])

    def wait_s(b):
        pltpu.make_async_copy(tbuf[b], s_sh.at[idxs[b]], sem_s[b]).wait()
        pltpu.make_async_copy(cub[b], d_sh.at[idxs[b]], sem_s[b]).wait()

    def wait_g(b):
        pltpu.make_async_copy(ha_hbm.at[idxr[b]], ha[b], sem_g[b]).wait()
        pltpu.make_async_copy(hb_hbm.at[idxc[b]], hb[b], sem_g[b]).wait()
        pltpu.make_async_copy(x16_hbm.at[idxr[b]], xr16[b], sem_g[b]).wait()
        pltpu.make_async_copy(x16_hbm.at[idxc[b]], xc16[b], sem_g[b]).wait()

    def compute(b):
        hab, hbb, xrb, xcb = ha[b], hb[b], xr16[b], xc16[b]
        tb, cb = tbuf[b], cub[b]

        @plsc.parallel_loop(0, ch, unroll=2)
        def _edge(e):
            ef = jnp.full((L,), e, jnp.int32)
            rel = xrb[e, :] - xcb[e, :]
            d2c = plsc.cumsum(rel * rel)
            plsc.store_scatter(d2b, [ef], d2c, mask=m15)
            d2s = plsc.load_gather(d2b, [ef])
            acc = jnp.zeros((L,), F32)
            for j2 in range(4):
                hav = hab[e, pl.ds(2 * L * j2, 2 * L)]
                hbv = hbb[e, pl.ds(2 * L * j2, 2 * L)]
                ha_ab = plsc.unpack(hav, format=plsc.PackFormat.INTERLEAVED)
                hb_ab = plsc.unpack(hbv, format=plsc.PackFormat.INTERLEAVED)
                for half in range(2):
                    j = 2 * j2 + half
                    t = jnp.maximum(ha_ab[half] + hb_ab[half] + d2s * w1v[j],
                                    0.0)
                    acc = acc + t * w2v[j]
                    tb[e, pl.ds(L * j, L)] = t
            cs = plsc.cumsum(acc)
            zv = jnp.maximum(cs + cvec, 0.0)
            e2 = jnp.exp(zv + zv)
            sv = 1.0 - 2.0 / (e2 + 1.0)
            plsc.store_scatter(sbuf, [ef], sv, mask=m15)
            ssp = plsc.load_gather(sbuf, [ef])
            cb[e, :] = jnp.where(lanes < 3, rel * ssp,
                                 jnp.where(lanes == 3, 1.0, 0.0))

        for k in range(ch // L):
            idxs[b][pl.ds(L * k, L)] = idxr[b][pl.ds(L * k, L)]
        pltpu.async_copy(tb, s_sh.at[idxs[b]], sem_s[b], add=True)
        pltpu.async_copy(cb, d_sh.at[idxs[b]], sem_s[b], add=True)

    start_idx(0, 0)
    wait_idx(0)
    start_g(0)
    start_idx(1, 1)

    def _step(ci, _):
        for b in (0, 1):
            c = 2 * ci + b
            nb = 1 - b
            wait_idx(nb)
            start_g(nb)
            wait_g(b)
            @pl.when(ci >= 1)
            def _():
                wait_s(b)
            compute(b)
            start_idx(b, c + 2)
        return 0

    lax.fori_loop(0, nchunks // 2, _step, 0)

    wait_g(0)
    wait_idx(1)
    wait_s(0)
    wait_s(1)

    plsc.subcore_barrier()

    ofs = sid * rows_per_tile
    o1 = pltpu.async_copy(s_sh.at[pl.ds(ofs, rows_per_tile)],
                          s_out.at[cid, pl.ds(ofs, rows_per_tile)], sem_s0)
    o2 = pltpu.async_copy(d_sh.at[pl.ds(ofs, rows_per_tile)],
                          d_out.at[cid, pl.ds(ofs, rows_per_tile)], sem_s1)
    o1.wait()
    o2.wait()


def kernel(h, x, edge_index, W1, b1, W2, b2, Wc, bc, Wn, bn, gamma, beta, crw):
    N, D = h.shape
    E = edge_index.shape[1]
    assert N == 10000 and D == 128 and E == 320000
    Npad = 10240
    CH = 64
    EPT0, EPT1 = 13184, 7296
    Epad = (EPT0 + EPT1) * NS
    SSH = 10112
    DW = 16

    xp16 = jnp.pad(x, ((0, Npad - N), (0, DW - 3)))
    pad_idx = jnp.full((Epad + 2 * CH - E,), N, jnp.int32)
    row = jnp.concatenate([edge_index[0], pad_idx])
    col = jnp.concatenate([edge_index[1], pad_idx])
    W1a, W1b, w1c = W1[:D], W1[D:2 * D], W1[2 * D]
    perm = np.concatenate([np.concatenate([np.arange(32 * m, 32 * m + 32, 2),
                                           np.arange(32 * m + 1, 32 * m + 32,
                                                     2)])
                           for m in range(D // 32)])
    W2p = W2[perm]
    w1cp = w1c[perm]
    WnA, WnB = Wn[:D], Wn[D:]
    b1r = b1.reshape(1, D)
    b2r = b2.reshape(1, D)
    bnr = bn.reshape(1, D)
    gr = gamma.reshape(1, D)
    btr = beta.reshape(1, D)
    wct = Wc.reshape(1, D)
    bcr = bc.reshape(1, 1)
    crwr = crw.reshape(1, 1)
    zs = jnp.zeros((SSH // NS, D), F32)
    zd = jnp.zeros((SSH // NS, DW), F32)

    grid = (Npad // BR,)
    full = lambda: pl.BlockSpec(index_map=lambda i: (0, 0))
    rblk = lambda w: pl.BlockSpec((BR, w), lambda i: (i, 0))

    ha_full, hb_full, w2cr, cr, crwrow = pl.pallas_call(
        _pre_body,
        grid=grid,
        in_specs=[rblk(D), full(), full(), full(), full(), full(), full(),
                  full(), full()],
        out_specs=[rblk(D), rblk(D), full(), full(), full()],
        out_shape=[jax.ShapeDtypeStruct((Npad, D), jnp.bfloat16),
                   jax.ShapeDtypeStruct((Npad, D), jnp.bfloat16),
                   jax.ShapeDtypeStruct((1, D), F32),
                   jax.ShapeDtypeStruct((1, D), F32),
                   jax.ShapeDtypeStruct((1, D), F32)],
    )(h, W1a, W1b, b1r, W2p, wct, b2r, bcr, crwr)

    mesh = plsc.VectorSubcoreMesh(core_axis_name="c", subcore_axis_name="s",
                                  num_cores=NC, num_subcores=NS)
    sc = pl.kernel(
        functools.partial(_sc_body, ssh=SSH, e_per_tile=(EPT0, EPT1), ch=CH, dw=DW),
        out_type=[jax.ShapeDtypeStruct((NC, Npad, D), F32),
                  jax.ShapeDtypeStruct((NC, Npad, DW), F32)],
        mesh=mesh,
        compiler_params=pltpu.CompilerParams(use_tc_tiling_on_sc=False,
                                             needs_layout_passes=False),
        scratch_types=(
            [pltpu.VMEM((CH,), jnp.int32),
             pltpu.VMEM((CH,), jnp.int32),
             pltpu.VMEM((CH, D), jnp.bfloat16),
             pltpu.VMEM((CH, D), jnp.bfloat16),
             pltpu.VMEM((CH, DW), F32),
             pltpu.VMEM((CH, DW), F32)] * 2
            + [pltpu.VMEM((CH, D), F32),
               pltpu.VMEM((CH, D), F32),
               pltpu.VMEM((CH, DW), F32),
               pltpu.VMEM((CH, DW), F32),
               pltpu.VMEM((CH,), jnp.int32),
               pltpu.VMEM((CH,), jnp.int32),
               pltpu.VMEM((CH,), F32),
               pltpu.VMEM((CH,), F32),
               pltpu.VMEM((D,), F32),
               pltpu.VMEM((D,), F32),
               pltpu.VMEM((L,), F32)]
            + [pltpu.SemaphoreType.DMA] * 6
            + [pltpu.VMEM_SHARED((SSH, D), F32),
               pltpu.VMEM_SHARED((SSH, DW), F32)]
        ),
    )
    s_parts, d_parts = sc(ha_full, hb_full, xp16, row, col, w1cp, w2cr, cr,
                          zs, zd)

    ho, xo = pl.pallas_call(
        _post_body,
        grid=grid,
        in_specs=[rblk(D), rblk(D), rblk(D), rblk(DW), rblk(DW), rblk(DW),
                  full(), full(), full(), full(), full(), full(), full(),
                  full()],
        out_specs=[rblk(D), rblk(DW)],
        out_shape=[jax.ShapeDtypeStruct((N, D), F32),
                   jax.ShapeDtypeStruct((N, DW), F32)],
    )(h, s_parts[0], s_parts[1], d_parts[0], d_parts[1], xp16,
      W2p, b2r, WnA, WnB, bnr, gr, btr, crwrow)

    return (ho, xo[:, :3])

# --- scband reference (transcript-rebuilt; emitter-appended) ---
"""Pipeline reference for scband-egnn-layer-51496657879383 (READ-ONLY COPY).

The authoritative reference and input builder live on the scoring server;
editing this copy changes nothing except your own understanding.
"""

import jax, jax.numpy as jnp
import numpy as np


def setup_inputs(seed: int = 0) -> dict:
    key = jax.random.key(seed)
    ks = jax.random.split(key, 12)
    N, E, D = 10000, 320000, 128
    h = jax.random.normal(ks[0], (N, D), dtype=jnp.float32)
    x = jax.random.normal(ks[1], (N, 3), dtype=jnp.float32)
    edge_index = jax.random.randint(ks[2], (2, E), 0, N, dtype=jnp.int32)
    s1 = 1.0 / np.sqrt(2 * D + 1)
    s2 = 1.0 / np.sqrt(D)
    s3 = 1.0 / np.sqrt(2 * D)
    W1 = jax.random.uniform(ks[3], (2 * D + 1, D), jnp.float32, -s1, s1)
    b1 = jax.random.uniform(ks[4], (D,), jnp.float32, -s1, s1)
    W2 = jax.random.uniform(ks[5], (D, D), jnp.float32, -s2, s2)
    b2 = jax.random.uniform(ks[6], (D,), jnp.float32, -s2, s2)
    Wc = jax.random.uniform(ks[7], (D, 1), jnp.float32, -s2, s2)
    bc = jax.random.uniform(ks[8], (1,), jnp.float32, -s2, s2)
    Wn = jax.random.uniform(ks[9], (2 * D, D), jnp.float32, -s3, s3)
    bn = jax.random.uniform(ks[10], (D,), jnp.float32, -s3, s3)
    gamma = jnp.ones((D,), jnp.float32)
    beta = jnp.zeros((D,), jnp.float32)
    crw = jnp.array(0.1, jnp.float32)
    return {"h": h, "x": x, "edge_index": edge_index, "W1": W1, "b1": b1,
            "W2": W2, "b2": b2, "Wc": Wc, "bc": bc, "Wn": Wn, "bn": bn,
            "gamma": gamma, "beta": beta, "crw": crw}


def _layernorm(y, gamma, beta, eps=1e-5):
    mu = jnp.mean(y, axis=-1, keepdims=True)
    var = jnp.mean((y - mu) ** 2, axis=-1, keepdims=True)
    return (y - mu) / jnp.sqrt(var + eps) * gamma + beta


def reference(h, x, edge_index, W1, b1, W2, b2, Wc, bc, Wn, bn, gamma, beta, crw):
    row = edge_index[0]
    col = edge_index[1]
    rel_pos = x[row] - x[col]
    dist2 = jnp.sum(rel_pos ** 2, axis=-1, keepdims=True)
    edge_feat = jnp.concatenate([h[row], h[col], dist2], axis=-1)
    m_ij = jax.nn.relu(edge_feat @ W1 + b1) @ W2 + b2
    scale = jnp.tanh(jax.nn.relu(m_ij @ Wc + bc))
    coord_update = rel_pos * scale
    delta = jnp.zeros_like(x).at[row].add(coord_update)
    x_out = x + crw * delta
    agg = jnp.zeros_like(h).at[row].add(m_ij)
    h_new = jax.nn.relu(jnp.concatenate([h, agg], axis=-1) @ Wn + bn)
    h_out = _layernorm(h + h_new, gamma, beta)
    return (h_out, x_out)

if __name__ == "__main__":
    import jax
    _d = setup_inputs()
    print(jax.jit(kernel)(*tuple(_d.values())))

</pallas_src>

<mosaic_0001>
#map = affine_map<(d0, d1) -> (0, 0)>
#map1 = affine_map<(d0, d1) -> (0)>
#map2 = affine_map<(d0, d1) -> (0, 0, 0)>
module attributes {stable_mosaic.version = 14 : i64} {
  func.func @_sc_body(%arg0: i32, %arg1: i32, %arg2: memref<10240x128xbf16, #tpu.memory_space<hbm>>, %arg3: memref<10240x128xbf16, #tpu.memory_space<hbm>>, %arg4: memref<10240x16xf32, #tpu.memory_space<hbm>>, %arg5: memref<327808xi32, #tpu.memory_space<hbm>>, %arg6: memref<327808xi32, #tpu.memory_space<hbm>>, %arg7: memref<128xf32, #tpu.memory_space<hbm>>, %arg8: memref<1x128xf32, #tpu.memory_space<hbm>>, %arg9: memref<1x128xf32, #tpu.memory_space<hbm>>, %arg10: memref<632x128xf32, #tpu.memory_space<hbm>>, %arg11: memref<632x16xf32, #tpu.memory_space<hbm>>, %arg12: memref<2x10240x128xf32, #tpu.memory_space<hbm>>, %arg13: memref<2x10240x16xf32, #tpu.memory_space<hbm>>, %arg14: memref<64xi32, #tpu.memory_space<vmem>>, %arg15: memref<64xi32, #tpu.memory_space<vmem>>, %arg16: memref<64x128xbf16, #tpu.memory_space<vmem>>, %arg17: memref<64x128xbf16, #tpu.memory_space<vmem>>, %arg18: memref<64x16xf32, #tpu.memory_space<vmem>>, %arg19: memref<64x16xf32, #tpu.memory_space<vmem>>, %arg20: memref<64xi32, #tpu.memory_space<vmem>>, %arg21: memref<64xi32, #tpu.memory_space<vmem>>, %arg22: memref<64x128xbf16, #tpu.memory_space<vmem>>, %arg23: memref<64x128xbf16, #tpu.memory_space<vmem>>, %arg24: memref<64x16xf32, #tpu.memory_space<vmem>>, %arg25: memref<64x16xf32, #tpu.memory_space<vmem>>, %arg26: memref<64x128xf32, #tpu.memory_space<vmem>>, %arg27: memref<64x128xf32, #tpu.memory_space<vmem>>, %arg28: memref<64x16xf32, #tpu.memory_space<vmem>>, %arg29: memref<64x16xf32, #tpu.memory_space<vmem>>, %arg30: memref<64xi32, #tpu.memory_space<vmem>>, %arg31: memref<64xi32, #tpu.memory_space<vmem>>, %arg32: memref<64xf32, #tpu.memory_space<vmem>>, %arg33: memref<64xf32, #tpu.memory_space<vmem>>, %arg34: memref<128xf32, #tpu.memory_space<vmem>>, %arg35: memref<128xf32, #tpu.memory_space<vmem>>, %arg36: memref<16xf32, #tpu.memory_space<vmem>>, %arg37: memref<!tpu.dma_semaphore, #tpu.memory_space<semaphore_mem>>, %arg38: memref<!tpu.dma_semaphore, #tpu.memory_space<semaphore_mem>>, %arg39: memref<!tpu.dma_semaphore, #tpu.memory_space<semaphore_mem>>, %arg40: memref<!tpu.dma_semaphore, #tpu.memory_space<semaphore_mem>>, %arg41: memref<!tpu.dma_semaphore, #tpu.memory_space<semaphore_mem>>, %arg42: memref<!tpu.dma_semaphore, #tpu.memory_space<semaphore_mem>>, %arg43: memref<10112x128xf32, #tpu.memory_space<vmem_shared>>, %arg44: memref<10112x16xf32, #tpu.memory_space<vmem_shared>>) attributes {dimension_semantics = [#tpu.dimension_semantics<core_parallel>, #tpu.dimension_semantics<subcore_parallel>], iteration_bounds = array<i64: 2, 16>, scalar_prefetch = 0 : i64, scratch_operands = 31 : i64, tpu.core_type = #tpu.core_type<sc_vector_subcore>, window_params = [{transform_indices = #map}, {transform_indices = #map}, {transform_indices = #map}, {transform_indices = #map1}, {transform_indices = #map1}, {transform_indices = #map1}, {transform_indices = #map}, {transform_indices = #map}, {transform_indices = #map}, {transform_indices = #map}, {transform_indices = #map2}, {transform_indices = #map2}]} {
    %eq3A = arith.constant 0 : i32
    %eq3A_0 = arith.cmpi eq, %arg0, %eq3A : i32
    %jit3A = arith.constant 13184 : i32
    %jit3A_1 = arith.constant 7296 : i32
    %select_n3A = arith.select %eq3A_0, %jit3A, %jit3A_1 : i32
    %mul3A = arith.constant 16 : i32
    %mul3A_2 = arith.muli %arg0, %mul3A : i32
    %mul3A_3 = arith.constant 13184 : i32
    %mul3A_4 = arith.muli %mul3A_2, %mul3A_3 : i32
    %mul3A_5 = arith.muli %arg1, %select_n3A : i32
    %add3A = arith.addi %mul3A_4, %mul3A_5 : i32
    %jit3A_6 = arith.constant 64 : i32
    %div3A = arith.divsi %select_n3A, %jit3A_6 : i32
    %sign3A = arith.constant 0 : i32
    %sign3A_7 = arith.cmpi sgt, %select_n3A, %sign3A : i32
    %sign3A_8 = arith.extui %sign3A_7 : i1 to i32
    %sign3A_9 = arith.constant 0 : i32
    %sign3A_10 = arith.cmpi slt, %select_n3A, %sign3A_9 : i32
    %sign3A_11 = arith.extui %sign3A_10 : i1 to i32
    %sign3A_12 = arith.subi %sign3A_8, %sign3A_11 : i32
    %sign3A_13 = arith.constant 0 : i32
    %sign3A_14 = arith.cmpi sgt, %jit3A_6, %sign3A_13 : i32
    %sign3A_15 = arith.extui %sign3A_14 : i1 to i32
    %sign3A_16 = arith.constant 0 : i32
    %sign3A_17 = arith.cmpi slt, %jit3A_6, %sign3A_16 : i32
    %sign3A_18 = arith.extui %sign3A_17 : i1 to i32
    %sign3A_19 = arith.subi %sign3A_15, %sign3A_18 : i32
    %ne3A = arith.cmpi ne, %sign3A_12, %sign3A_19 : i32
    %rem3A = arith.remsi %select_n3A, %jit3A_6 : i32
    %ne3A_20 = arith.constant 0 : i32
    %ne3A_21 = arith.cmpi ne, %rem3A, %ne3A_20 : i32
    %and3A = arith.andi %ne3A, %ne3A_21 : i1
    %sub3A = arith.constant 1 : i32
    %sub3A_22 = arith.subi %div3A, %sub3A : i32
    %select_n3A_23 = arith.select %and3A, %sub3A_22, %div3A : i32
    %mul3A_24 = arith.constant 632 : i32
    %mul3A_25 = arith.muli %arg1, %mul3A_24 : i32
    %dma_start3A = arith.constant 0 : i32
    %dma_start3A_26 = tpu.memref_slice %arg43[%mul3A_25, %dma_start3A] : memref<10112x128xf32, #tpu.memory_space<vmem_shared>> -> memref<632x128xf32, #tpu.memory_space<vmem_shared>>
    tpu.enqueue_dma source(%arg10 : memref<632x128xf32, #tpu.memory_space<hbm>>) target(%dma_start3A_26 : memref<632x128xf32, #tpu.memory_space<vmem_shared>>) target_semaphore(%arg41 : memref<!tpu.dma_semaphore, #tpu.memory_space<semaphore_mem>>)
    %dma_start3A_27 = arith.constant 0 : i32
    %dma_start3A_28 = tpu.memref_slice %arg44[%mul3A_25, %dma_start3A_27] : memref<10112x16xf32, #tpu.memory_space<vmem_shared>> -> memref<632x16xf32, #tpu.memory_space<vmem_shared>>
    tpu.enqueue_dma source(%arg11 : memref<632x16xf32, #tpu.memory_space<hbm>>) target(%dma_start3A_28 : memref<632x16xf32, #tpu.memory_space<vmem_shared>>) target_semaphore(%arg42 : memref<!tpu.dma_semaphore, #tpu.memory_space<semaphore_mem>>)
    "tpu.region"() ({
      %run_scoped3A_195 = tpu.sem_alloc : memref<!tpu.dma_semaphore, #tpu.memory_space<semaphore_mem>>
      tpu.enqueue_dma source(%arg7 : memref<128xf32, #tpu.memory_space<hbm>>) target(%arg34 : memref<128xf32, #tpu.memory_space<vmem>>) target_semaphore(%run_scoped3A_195 : memref<!tpu.dma_semaphore, #tpu.memory_space<semaphore_mem>>)
      tpu.wait_dma2 semaphore(%run_scoped3A_195 : memref<!tpu.dma_semaphore, #tpu.memory_space<semaphore_mem>>) src(%arg7 : memref<128xf32, #tpu.memory_space<hbm>>) dst(%arg34 : memref<128xf32, #tpu.memory_space<vmem>>)
      tpu.yield
    }) : () -> ()
    %run_scoped3A = arith.constant 0 : i32
    "tpu.region"() ({
      %run_scoped3A_195 = tpu.sem_alloc : memref<!tpu.dma_semaphore, #tpu.memory_space<semaphore_mem>>
      %dma_start3A_196 = arith.constant 0 : i32
      %dma_start3A_197 = tpu.memref_slice %arg8[%run_scoped3A, %dma_start3A_196] : memref<1x128xf32, #tpu.memory_space<hbm>> -> memref<1x128xf32, #tpu.memory_space<hbm>>
      %dma_start3A_198 = tpu.memref_squeeze %dma_start3A_197 : memref<1x128xf32, #tpu.memory_space<hbm>> -> memref<128xf32, #tpu.memory_space<hbm>>
      %dma_start3A_199 = arith.constant 0 : i32
      %dma_start3A_200 = tpu.memref_slice %arg8[%run_scoped3A, %dma_start3A_199] : memref<1x128xf32, #tpu.memory_space<hbm>> -> memref<1x128xf32, #tpu.memory_space<hbm>>
      %dma_start3A_201 = tpu.memref_squeeze %dma_start3A_200 : memref<1x128xf32, #tpu.memory_space<hbm>> -> memref<128xf32, #tpu.memory_space<hbm>>
      tpu.enqueue_dma source(%dma_start3A_201 : memref<128xf32, #tpu.memory_space<hbm>>) target(%arg35 : memref<128xf32, #tpu.memory_space<vmem>>) target_semaphore(%run_scoped3A_195 : memref<!tpu.dma_semaphore, #tpu.memory_space<semaphore_mem>>)
      %dma_wait3A_202 = arith.constant 0 : i32
      %dma_wait3A_203 = tpu.memref_slice %arg8[%run_scoped3A, %dma_wait3A_202] : memref<1x128xf32, #tpu.memory_space<hbm>> -> memref<1x128xf32, #tpu.memory_space<hbm>>
      %dma_wait3A_204 = tpu.memref_squeeze %dma_wait3A_203 : memref<1x128xf32, #tpu.memory_space<hbm>> -> memref<128xf32, #tpu.memory_space<hbm>>
      %dma_wait3A_205 = arith.constant 0 : i32
      %dma_wait3A_206 = tpu.memref_slice %arg8[%run_scoped3A, %dma_wait3A_205] : memref<1x128xf32, #tpu.memory_space<hbm>> -> memref<1x128xf32, #tpu.memory_space<hbm>>
      %dma_wait3A_207 = tpu.memref_squeeze %dma_wait3A_206 : memref<1x128xf32, #tpu.memory_space<hbm>> -> memref<128xf32, #tpu.memory_space<hbm>>
      tpu.wait_dma2 semaphore(%run_scoped3A_195 : memref<!tpu.dma_semaphore, #tpu.memory_space<semaphore_mem>>) src(%dma_wait3A_207 : memref<128xf32, #tpu.memory_space<hbm>>) dst(%arg35 : memref<128xf32, #tpu.memory_space<vmem>>)
      tpu.yield
    }) : () -> ()
    %run_scoped3A_29 = arith.constant 0 : i32
    "tpu.region"() ({
      %run_scoped3A_195 = tpu.sem_alloc : memref<!tpu.dma_semaphore, #tpu.memory_space<semaphore_mem>>
      %dma_start3A_196 = arith.constant 0 : i32
      %dma_start3A_197 = tpu.memref_slice %arg9[%run_scoped3A_29, %dma_start3A_196] : memref<1x128xf32, #tpu.memory_space<hbm>> -> memref<1x16xf32, #tpu.memory_space<hbm>>
      %dma_start3A_198 = tpu.memref_squeeze %dma_start3A_197 : memref<1x16xf32, #tpu.memory_space<hbm>> -> memref<16xf32, #tpu.memory_space<hbm>>
      %dma_start3A_199 = arith.constant 0 : i32
      %dma_start3A_200 = tpu.memref_slice %arg9[%run_scoped3A_29, %dma_start3A_199] : memref<1x128xf32, #tpu.memory_space<hbm>> -> memref<1x16xf32, #tpu.memory_space<hbm>>
      %dma_start3A_201 = tpu.memref_squeeze %dma_start3A_200 : memref<1x16xf32, #tpu.memory_space<hbm>> -> memref<16xf32, #tpu.memory_space<hbm>>
      tpu.enqueue_dma source(%dma_start3A_201 : memref<16xf32, #tpu.memory_space<hbm>>) target(%arg36 : memref<16xf32, #tpu.memory_space<vmem>>) target_semaphore(%run_scoped3A_195 : memref<!tpu.dma_semaphore, #tpu.memory_space<semaphore_mem>>)
      %dma_wait3A_202 = arith.constant 0 : i32
      %dma_wait3A_203 = tpu.memref_slice %arg9[%run_scoped3A_29, %dma_wait3A_202] : memref<1x128xf32, #tpu.memory_space<hbm>> -> memref<1x16xf32, #tpu.memory_space<hbm>>
      %dma_wait3A_204 = tpu.memref_squeeze %dma_wait3A_203 : memref<1x16xf32, #tpu.memory_space<hbm>> -> memref<16xf32, #tpu.memory_space<hbm>>
      %dma_wait3A_205 = arith.constant 0 : i32
      %dma_wait3A_206 = tpu.memref_slice %arg9[%run_scoped3A_29, %dma_wait3A_205] : memref<1x128xf32, #tpu.memory_space<hbm>> -> memref<1x16xf32, #tpu.memory_space<hbm>>
      %dma_wait3A_207 = tpu.memref_squeeze %dma_wait3A_206 : memref<1x16xf32, #tpu.memory_space<hbm>> -> memref<16xf32, #tpu.memory_space<hbm>>
      tpu.wait_dma2 semaphore(%run_scoped3A_195 : memref<!tpu.dma_semaphore, #tpu.memory_space<semaphore_mem>>) src(%dma_wait3A_207 : memref<16xf32, #tpu.memory_space<hbm>>) dst(%arg36 : memref<16xf32, #tpu.memory_space<vmem>>)
      tpu.yield
    }) : () -> ()
    %iota3A = tpu.iota {dimensions = array<i32: 0>} : vector<16xi32>
    %dma_wait3A = arith.constant 0 : i32
    %dma_wait3A_30 = tpu.memref_slice %arg43[%mul3A_25, %dma_wait3A] : memref<10112x128xf32, #tpu.memory_space<vmem_shared>> -> memref<632x128xf32, #tpu.memory_space<vmem_shared>>
    tpu.wait_dma2 semaphore(%arg41 : memref<!tpu.dma_semaphore, #tpu.memory_space<semaphore_mem>>) src(%arg10 : memref<632x128xf32, #tpu.memory_space<hbm>>) dst(%dma_wait3A_30 : memref<632x128xf32, #tpu.memory_space<vmem_shared>>)
    %dma_wait3A_31 = arith.constant 0 : i32
    %dma_wait3A_32 = tpu.memref_slice %arg44[%mul3A_25, %dma_wait3A_31] : memref<10112x16xf32, #tpu.memory_space<vmem_shared>> -> memref<632x16xf32, #tpu.memory_space<vmem_shared>>
    tpu.wait_dma2 semaphore(%arg42 : memref<!tpu.dma_semaphore, #tpu.memory_space<semaphore_mem>>) src(%arg11 : memref<632x16xf32, #tpu.memory_space<hbm>>) dst(%dma_wait3A_32 : memref<632x16xf32, #tpu.memory_space<vmem_shared>>)
    %barrier3A = arith.constant 0 : index
    tpu.barrier barrier_id(%barrier3A)
    %get3A = arith.constant 0 : index
    %get3A_33 = tpu.vector_load %arg34[%get3A] {strides = array<i32>} : memref<128xf32, #tpu.memory_space<vmem>>, vector<16xf32>,
    %get3A_34 = arith.constant 16 : index
    %get3A_35 = tpu.vector_load %arg34[%get3A_34] {strides = array<i32>} : memref<128xf32, #tpu.memory_space<vmem>>, vector<16xf32>,
    %get3A_36 = arith.constant 32 : index
    %get3A_37 = tpu.vector_load %arg34[%get3A_36] {strides = array<i32>} : memref<128xf32, #tpu.memory_space<vmem>>, vector<16xf32>,
    %get3A_38 = arith.constant 48 : index
    %get3A_39 = tpu.vector_load %arg34[%get3A_38] {strides = array<i32>} : memref<128xf32, #tpu.memory_space<vmem>>, vector<16xf32>,
    %get3A_40 = arith.constant 64 : index
    %get3A_41 = tpu.vector_load %arg34[%get3A_40] {strides = array<i32>} : memref<128xf32, #tpu.memory_space<vmem>>, vector<16xf32>,
    %get3A_42 = arith.constant 80 : index
    %get3A_43 = tpu.vector_load %arg34[%get3A_42] {strides = array<i32>} : memref<128xf32, #tpu.memory_space<vmem>>, vector<16xf32>,
    %get3A_44 = arith.constant 96 : index
    %get3A_45 = tpu.vector_load %arg34[%get3A_44] {strides = array<i32>} : memref<128xf32, #tpu.memory_space<vmem>>, vector<16xf32>,
    %get3A_46 = arith.constant 112 : index
    %get3A_47 = tpu.vector_load %arg34[%get3A_46] {strides = array<i32>} : memref<128xf32, #tpu.memory_space<vmem>>, vector<16xf32>,
    %get3A_48 = arith.constant 0 : index
    %get3A_49 = tpu.vector_load %arg35[%get3A_48] {strides = array<i32>} : memref<128xf32, #tpu.memory_space<vmem>>, vector<16xf32>,
    %get3A_50 = arith.constant 16 : index
    %get3A_51 = tpu.vector_load %arg35[%get3A_50] {strides = array<i32>} : memref<128xf32, #tpu.memory_space<vmem>>, vector<16xf32>,
    %get3A_52 = arith.constant 32 : index
    %get3A_53 = tpu.vector_load %arg35[%get3A_52] {strides = array<i32>} : memref<128xf32, #tpu.memory_space<vmem>>, vector<16xf32>,
    %get3A_54 = arith.constant 48 : index
    %get3A_55 = tpu.vector_load %arg35[%get3A_54] {strides = array<i32>} : memref<128xf32, #tpu.memory_space<vmem>>, vector<16xf32>,
    %get3A_56 = arith.constant 64 : index
    %get3A_57 = tpu.vector_load %arg35[%get3A_56] {strides = array<i32>} : memref<128xf32, #tpu.memory_space<vmem>>, vector<16xf32>,
    %get3A_58 = arith.constant 80 : index
    %get3A_59 = tpu.vector_load %arg35[%get3A_58] {strides = array<i32>} : memref<128xf32, #tpu.memory_space<vmem>>, vector<16xf32>,
    %get3A_60 = arith.constant 96 : index
    %get3A_61 = tpu.vector_load %arg35[%get3A_60] {strides = array<i32>} : memref<128xf32, #tpu.memory_space<vmem>>, vector<16xf32>,
    %get3A_62 = arith.constant 112 : index
    %get3A_63 = tpu.vector_load %arg35[%get3A_62] {strides = array<i32>} : memref<128xf32, #tpu.memory_space<vmem>>, vector<16xf32>,
    %get3A_64 = arith.constant 0 : index
    %get3A_65 = tpu.vector_load %arg36[%get3A_64] {strides = array<i32>} : memref<16xf32, #tpu.memory_space<vmem>>, vector<16xf32>,
    %eq3A_66 = arith.constant 15 : i32
    %eq3A_67 = vector.broadcast %eq3A_66 : i32 to vector<16xi32>
    %eq3A_68 = arith.cmpi eq, %iota3A, %eq3A_67 : vector<16xi32>
    %add3A_69 = arith.constant 0 : i32
    %add3A_70 = arith.addi %add3A, %add3A_69 : i32
    %dma_start3A_71 = tpu.memref_slice %arg5[%add3A_70] : memref<327808xi32, #tpu.memory_space<hbm>> -> memref<64xi32, #tpu.memory_space<hbm>>
    %dma_start3A_72 = tpu.memref_slice %arg5[%add3A_70] : memref<327808xi32, #tpu.memory_space<hbm>> -> memref<64xi32, #tpu.memory_space<hbm>>
    tpu.enqueue_dma source(%dma_start3A_72 : memref<64xi32, #tpu.memory_space<hbm>>) target(%arg14 : memref<64xi32, #tpu.memory_space<vmem>>) target_semaphore(%arg37 : memref<!tpu.dma_semaphore, #tpu.memory_space<semaphore_mem>>)
    %add3A_73 = arith.constant 0 : i32
    %add3A_74 = arith.addi %add3A, %add3A_73 : i32
    %dma_start3A_75 = tpu.memref_slice %arg6[%add3A_74] : memref<327808xi32, #tpu.memory_space<hbm>> -> memref<64xi32, #tpu.memory_space<hbm>>
    %dma_start3A_76 = tpu.memref_slice %arg6[%add3A_74] : memref<327808xi32, #tpu.memory_space<hbm>> -> memref<64xi32, #tpu.memory_space<hbm>>
    tpu.enqueue_dma source(%dma_start3A_76 : memref<64xi32, #tpu.memory_space<hbm>>) target(%arg15 : memref<64xi32, #tpu.memory_space<vmem>>) target_semaphore(%arg37 : memref<!tpu.dma_semaphore, #tpu.memory_space<semaphore_mem>>)
    %dma_wait3A_77 = arith.constant 0 : i32
    %dma_wait3A_78 = tpu.memref_slice %arg5[%dma_wait3A_77] : memref<327808xi32, #tpu.memory_space<hbm>> -> memref<64xi32, #tpu.memory_space<hbm>>
    %dma_wait3A_79 = arith.constant 0 : i32
    %dma_wait3A_80 = tpu.memref_slice %arg5[%dma_wait3A_79] : memref<327808xi32, #tpu.memory_space<hbm>> -> memref<64xi32, #tpu.memory_space<hbm>>
    tpu.wait_dma2 semaphore(%arg37 : memref<!tpu.dma_semaphore, #tpu.memory_space<semaphore_mem>>) src(%dma_wait3A_80 : memref<64xi32, #tpu.memory_space<hbm>>) dst(%arg14 : memref<64xi32, #tpu.memory_space<vmem>>)
    %dma_wait3A_81 = arith.constant 0 : i32
    %dma_wait3A_82 = tpu.memref_slice %arg6[%dma_wait3A_81] : memref<327808xi32, #tpu.memory_space<hbm>> -> memref<64xi32, #tpu.memory_space<hbm>>
    %dma_wait3A_83 = arith.constant 0 : i32
    %dma_wait3A_84 = tpu.memref_slice %arg6[%dma_wait3A_83] : memref<327808xi32, #tpu.memory_space<hbm>> -> memref<64xi32, #tpu.memory_space<hbm>>
    tpu.wait_dma2 semaphore(%arg37 : memref<!tpu.dma_semaphore, #tpu.memory_space<semaphore_mem>>) src(%dma_wait3A_84 : memref<64xi32, #tpu.memory_space<hbm>>) dst(%arg15 : memref<64xi32, #tpu.memory_space<vmem>>)
    %dma_start3A_85 = arith.constant 0 : i32
    %dma_start3A_86 = arith.constant 0 : i32
    %dma_start3A_87 = tpu.memref_slice %arg2[%dma_start3A_85, %dma_start3A_86] : memref<10240x128xbf16, #tpu.memory_space<hbm>> -> memref<10240x128xbf16, #tpu.memory_space<hbm>>
    tpu.enqueue_indirect_dma source(%dma_start3A_87 : memref<10240x128xbf16, #tpu.memory_space<hbm>>) target(%arg16 : memref<64x128xbf16, #tpu.memory_space<vmem>>) offsets(%arg14 : memref<64xi32, #tpu.memory_space<vmem>>) semaphore(%arg39 : memref<!tpu.dma_semaphore, #tpu.memory_space<semaphore_mem>>)
    %dma_start3A_88 = arith.constant 0 : i32
    %dma_start3A_89 = arith.constant 0 : i32
    %dma_start3A_90 = tpu.memref_slice %arg3[%dma_start3A_88, %dma_start3A_89] : memref<10240x128xbf16, #tpu.memory_space<hbm>> -> memref<10240x128xbf16, #tpu.memory_space<hbm>>
    tpu.enqueue_indirect_dma source(%dma_start3A_90 : memref<10240x128xbf16, #tpu.memory_space<hbm>>) target(%arg17 : memref<64x128xbf16, #tpu.memory_space<vmem>>) offsets(%arg15 : memref<64xi32, #tpu.memory_space<vmem>>) semaphore(%arg39 : memref<!tpu.dma_semaphore, #tpu.memory_space<semaphore_mem>>)
    %dma_start3A_91 = arith.constant 0 : i32
    %dma_start3A_92 = arith.constant 0 : i32
    %dma_start3A_93 = tpu.memref_slice %arg4[%dma_start3A_91, %dma_start3A_92] : memref<10240x16xf32, #tpu.memory_space<hbm>> -> memref<10240x16xf32, #tpu.memory_space<hbm>>
    tpu.enqueue_indirect_dma source(%dma_start3A_93 : memref<10240x16xf32, #tpu.memory_space<hbm>>) target(%arg18 : memref<64x16xf32, #tpu.memory_space<vmem>>) offsets(%arg14 : memref<64xi32, #tpu.memory_space<vmem>>) semaphore(%arg39 : memref<!tpu.dma_semaphore, #tpu.memory_space<semaphore_mem>>)
    %dma_start3A_94 = arith.constant 0 : i32
    %dma_start3A_95 = arith.constant 0 : i32
    %dma_start3A_96 = tpu.memref_slice %arg4[%dma_start3A_94, %dma_start3A_95] : memref<10240x16xf32, #tpu.memory_space<hbm>> -> memref<10240x16xf32, #tpu.memory_space<hbm>>
    tpu.enqueue_indirect_dma source(%dma_start3A_96 : memref<10240x16xf32, #tpu.memory_space<hbm>>) target(%arg19 : memref<64x16xf32, #tpu.memory_space<vmem>>) offsets(%arg15 : memref<64xi32, #tpu.memory_space<vmem>>) semaphore(%arg39 : memref<!tpu.dma_semaphore, #tpu.memory_space<semaphore_mem>>)
    %add3A_97 = arith.constant 64 : i32
    %add3A_98 = arith.addi %add3A, %add3A_97 : i32
    %dma_start3A_99 = tpu.memref_slice %arg5[%add3A_98] : memref<327808xi32, #tpu.memory_space<hbm>> -> memref<64xi32, #tpu.memory_space<hbm>>
    %dma_start3A_100 = tpu.memref_slice %arg5[%add3A_98] : memref<327808xi32, #tpu.memory_space<hbm>> -> memref<64xi32, #tpu.memory_space<hbm>>
    tpu.enqueue_dma source(%dma_start3A_100 : memref<64xi32, #tpu.memory_space<hbm>>) target(%arg20 : memref<64xi32, #tpu.memory_space<vmem>>) target_semaphore(%arg38 : memref<!tpu.dma_semaphore, #tpu.memory_space<semaphore_mem>>)
    %add3A_101 = arith.constant 64 : i32
    %add3A_102 = arith.addi %add3A, %add3A_101 : i32
    %dma_start3A_103 = tpu.memref_slice %arg6[%add3A_102] : memref<327808xi32, #tpu.memory_space<hbm>> -> memref<64xi32, #tpu.memory_space<hbm>>
    %dma_start3A_104 = tpu.memref_slice %arg6[%add3A_102] : memref<327808xi32, #tpu.memory_space<hbm>> -> memref<64xi32, #tpu.memory_space<hbm>>
    tpu.enqueue_dma source(%dma_start3A_104 : memref<64xi32, #tpu.memory_space<hbm>>) target(%arg21 : memref<64xi32, #tpu.memory_space<vmem>>) target_semaphore(%arg38 : memref<!tpu.dma_semaphore, #tpu.memory_space<semaphore_mem>>)
    %jit3A_105 = arith.constant 2 : i32
    %div3A_106 = arith.divsi %select_n3A_23, %jit3A_105 : i32
    %sign3A_107 = arith.constant 0 : i32
    %sign3A_108 = arith.cmpi sgt, %select_n3A_23, %sign3A_107 : i32
    %sign3A_109 = arith.extui %sign3A_108 : i1 to i32
    %sign3A_110 = arith.constant 0 : i32
    %sign3A_111 = arith.cmpi slt, %select_n3A_23, %sign3A_110 : i32
    %sign3A_112 = arith.extui %sign3A_111 : i1 to i32
    %sign3A_113 = arith.subi %sign3A_109, %sign3A_112 : i32
    %sign3A_114 = arith.constant 0 : i32
    %sign3A_115 = arith.cmpi sgt, %jit3A_105, %sign3A_114 : i32
    %sign3A_116 = arith.extui %sign3A_115 : i1 to i32
    %sign3A_117 = arith.constant 0 : i32
    %sign3A_118 = arith.cmpi slt, %jit3A_105, %sign3A_117 : i32
    %sign3A_119 = arith.extui %sign3A_118 : i1 to i32
    %sign3A_120 = arith.subi %sign3A_116, %sign3A_119 : i32
    %ne3A_121 = arith.cmpi ne, %sign3A_113, %sign3A_120 : i32
    %rem3A_122 = arith.remsi %select_n3A_23, %jit3A_105 : i32
    %ne3A_123 = arith.constant 0 : i32
    %ne3A_124 = arith.cmpi ne, %rem3A_122, %ne3A_123 : i32
    %and3A_125 = arith.andi %ne3A_121, %ne3A_124 : i1
    %sub3A_126 = arith.constant 1 : i32
    %sub3A_127 = arith.subi %div3A_106, %sub3A_126 : i32
    %select_n3A_128 = arith.select %and3A_125, %sub3A_127, %div3A_106 : i32
    %while3A = arith.constant 0 : i32
    %while3A_129 = arith.constant 0 : i32
    %while3A_130 = arith.subi %select_n3A_128, %while3A : i32
    %while3A_131 = arith.addi %while3A, %while3A_130 : i32
    %while3A_132 = arith.constant 1 : i32
    %while3A_133 = arith.divsi %while3A_130, %while3A_132 : i32
    %while3A_134 = arith.muli %while3A_133, %while3A_132 : i32
    %while3A_135 = arith.addi %while3A, %while3A_134 : i32
    %while3A_136 = arith.constant 1 : i32
    %while3A_137 = scf.for %while3A_195 = %while3A to %while3A_135 step %while3A_136 iter_args(%while3A_196 = %while3A_129) -> (i32)  : i32 {
      %mul3A_197 = arith.constant 2 : i32
      %mul3A_198 = arith.muli %mul3A_197, %while3A_195 : i32
      %add3A_199 = arith.constant 0 : i32
      %add3A_200 = arith.addi %mul3A_198, %add3A_199 : i32
      %dma_wait3A_201 = arith.constant 0 : i32
      %dma_wait3A_202 = tpu.memref_slice %arg5[%dma_wait3A_201] : memref<327808xi32, #tpu.memory_space<hbm>> -> memref<64xi32, #tpu.memory_space<hbm>>
      %dma_wait3A_203 = arith.constant 0 : i32
      %dma_wait3A_204 = tpu.memref_slice %arg5[%dma_wait3A_203] : memref<327808xi32, #tpu.memory_space<hbm>> -> memref<64xi32, #tpu.memory_space<hbm>>
      tpu.wait_dma2 semaphore(%arg38 : memref<!tpu.dma_semaphore, #tpu.memory_space<semaphore_mem>>) src(%dma_wait3A_204 : memref<64xi32, #tpu.memory_space<hbm>>) dst(%arg20 : memref<64xi32, #tpu.memory_space<vmem>>)
      %dma_wait3A_205 = arith.constant 0 : i32
      %dma_wait3A_206 = tpu.memref_slice %arg6[%dma_wait3A_205] : memref<327808xi32, #tpu.memory_space<hbm>> -> memref<64xi32, #tpu.memory_space<hbm>>
      %dma_wait3A_207 = arith.constant 0 : i32
      %dma_wait3A_208 = tpu.memref_slice %arg6[%dma_wait3A_207] : memref<327808xi32, #tpu.memory_space<hbm>> -> memref<64xi32, #tpu.memory_space<hbm>>
      tpu.wait_dma2 semaphore(%arg38 : memref<!tpu.dma_semaphore, #tpu.memory_space<semaphore_mem>>) src(%dma_wait3A_208 : memref<64xi32, #tpu.memory_space<hbm>>) dst(%arg21 : memref<64xi32, #tpu.memory_space<vmem>>)
      %dma_start3A_209 = arith.constant 0 : i32
      %dma_start3A_210 = arith.constant 0 : i32
      %dma_start3A_211 = tpu.memref_slice %arg2[%dma_start3A_209, %dma_start3A_210] : memref<10240x128xbf16, #tpu.memory_space<hbm>> -> memref<10240x128xbf16, #tpu.memory_space<hbm>>
      tpu.enqueue_indirect_dma source(%dma_start3A_211 : memref<10240x128xbf16, #tpu.memory_space<hbm>>) target(%arg22 : memref<64x128xbf16, #tpu.memory_space<vmem>>) offsets(%arg20 : memref<64xi32, #tpu.memory_space<vmem>>) semaphore(%arg40 : memref<!tpu.dma_semaphore, #tpu.memory_space<semaphore_mem>>)
      %dma_start3A_212 = arith.constant 0 : i32
      %dma_start3A_213 = arith.constant 0 : i32
      %dma_start3A_214 = tpu.memref_slice %arg3[%dma_start3A_212, %dma_start3A_213] : memref<10240x128xbf16, #tpu.memory_space<hbm>> -> memref<10240x128xbf16, #tpu.memory_space<hbm>>
      tpu.enqueue_indirect_dma source(%dma_start3A_214 : memref<10240x128xbf16, #tpu.memory_space<hbm>>) target(%arg23 : memref<64x128xbf16, #tpu.memory_space<vmem>>) offsets(%arg21 : memref<64xi32, #tpu.memory_space<vmem>>) semaphore(%arg40 : memref<!tpu.dma_semaphore, #tpu.memory_space<semaphore_mem>>)
      %dma_start3A_215 = arith.constant 0 : i32
      %dma_start3A_216 = arith.constant 0 : i32
      %dma_start3A_217 = tpu.memref_slice %arg4[%dma_start3A_215, %dma_start3A_216] : memref<10240x16xf32, #tpu.memory_space<hbm>> -> memref<10240x16xf32, #tpu.memory_space<hbm>>
      tpu.enqueue_indirect_dma source(%dma_start3A_217 : memref<10240x16xf32, #tpu.memory_space<hbm>>) target(%arg24 : memref<64x16xf32, #tpu.memory_space<vmem>>) offsets(%arg20 : memref<64xi32, #tpu.memory_space<vmem>>) semaphore(%arg40 : memref<!tpu.dma_semaphore, #tpu.memory_space<semaphore_mem>>)
      %dma_start3A_218 = arith.constant 0 : i32
      %dma_start3A_219 = arith.constant 0 : i32
      %dma_start3A_220 = tpu.memref_slice %arg4[%dma_start3A_218, %dma_start3A_219] : memref<10240x16xf32, #tpu.memory_space<hbm>> -> memref<10240x16xf32, #tpu.memory_space<hbm>>
      tpu.enqueue_indirect_dma source(%dma_start3A_220 : memref<10240x16xf32, #tpu.memory_space<hbm>>) target(%arg25 : memref<64x16xf32, #tpu.memory_space<vmem>>) offsets(%arg21 : memref<64xi32, #tpu.memory_space<vmem>>) semaphore(%arg40 : memref<!tpu.dma_semaphore, #tpu.memory_space<semaphore_mem>>)
      %dma_wait3A_221 = arith.constant 0 : i32
      %dma_wait3A_222 = arith.constant 0 : i32
      %dma_wait3A_223 = tpu.memref_slice %arg2[%dma_wait3A_221, %dma_wait3A_222] : memref<10240x128xbf16, #tpu.memory_space<hbm>> -> memref<10240x128xbf16, #tpu.memory_space<hbm>>
      tpu.wait_indirect_dma semaphore(%arg39 : memref<!tpu.dma_semaphore, #tpu.memory_space<semaphore_mem>>) src(%dma_wait3A_223 : memref<10240x128xbf16, #tpu.memory_space<hbm>>) dst(%arg16 : memref<64x128xbf16, #tpu.memory_space<vmem>>)
      %dma_wait3A_224 = arith.constant 0 : i32
      %dma_wait3A_225 = arith.constant 0 : i32
      %dma_wait3A_226 = tpu.memref_slice %arg3[%dma_wait3A_224, %dma_wait3A_225] : memref<10240x128xbf16, #tpu.memory_space<hbm>> -> memref<10240x128xbf16, #tpu.memory_space<hbm>>
      tpu.wait_indirect_dma semaphore(%arg39 : memref<!tpu.dma_semaphore, #tpu.memory_space<semaphore_mem>>) src(%dma_wait3A_226 : memref<10240x128xbf16, #tpu.memory_space<hbm>>) dst(%arg17 : memref<64x128xbf16, #tpu.memory_space<vmem>>)
      %dma_wait3A_227 = arith.constant 0 : i32
      %dma_wait3A_228 = arith.constant 0 : i32
      %dma_wait3A_229 = tpu.memref_slice %arg4[%dma_wait3A_227, %dma_wait3A_228] : memref<10240x16xf32, #tpu.memory_space<hbm>> -> memref<10240x16xf32, #tpu.memory_space<hbm>>
      tpu.wait_indirect_dma semaphore(%arg39 : memref<!tpu.dma_semaphore, #tpu.memory_space<semaphore_mem>>) src(%dma_wait3A_229 : memref<10240x16xf32, #tpu.memory_space<hbm>>) dst(%arg18 : memref<64x16xf32, #tpu.memory_space<vmem>>)
      %dma_wait3A_230 = arith.constant 0 : i32
      %dma_wait3A_231 = arith.constant 0 : i32
      %dma_wait3A_232 = tpu.memref_slice %arg4[%dma_wait3A_230, %dma_wait3A_231] : memref<10240x16xf32, #tpu.memory_space<hbm>> -> memref<10240x16xf32, #tpu.memory_space<hbm>>
      tpu.wait_indirect_dma semaphore(%arg39 : memref<!tpu.dma_semaphore, #tpu.memory_space<semaphore_mem>>) src(%dma_wait3A_232 : memref<10240x16xf32, #tpu.memory_space<hbm>>) dst(%arg19 : memref<64x16xf32, #tpu.memory_space<vmem>>)
      %ge3A = arith.constant 1 : i32
      %ge3A_233 = arith.cmpi sge, %while3A_195, %ge3A : i32
      %convert_element_type3A = arith.extui %ge3A_233 : i1 to i32
      %cond3A = arith.constant 0 : i32
      %cond3A_234 = arith.cmpi ne, %convert_element_type3A, %cond3A : i32
      scf.if %cond3A_234 {
        %dma_wait3A_349 = arith.constant 0 : i32
        %dma_wait3A_350 = arith.constant 0 : i32
        %dma_wait3A_351 = tpu.memref_slice %arg43[%dma_wait3A_349, %dma_wait3A_350] : memref<10112x128xf32, #tpu.memory_space<vmem_shared>> -> memref<10112x128xf32, #tpu.memory_space<vmem_shared>>
        tpu.wait_indirect_dma semaphore(%arg41 : memref<!tpu.dma_semaphore, #tpu.memory_space<semaphore_mem>>) src(%arg26 : memref<64x128xf32, #tpu.memory_space<vmem>>) dst(%dma_wait3A_351 : memref<10112x128xf32, #tpu.memory_space<vmem_shared>>)
        %dma_wait3A_352 = arith.constant 0 : i32
        %dma_wait3A_353 = arith.constant 0 : i32
        %dma_wait3A_354 = tpu.memref_slice %arg44[%dma_wait3A_352, %dma_wait3A_353] : memref<10112x16xf32, #tpu.memory_space<vmem_shared>> -> memref<10112x16xf32, #tpu.memory_space<vmem_shared>>
        tpu.wait_indirect_dma semaphore(%arg41 : memref<!tpu.dma_semaphore, #tpu.memory_space<semaphore_mem>>) src(%arg28 : memref<64x16xf32, #tpu.memory_space<vmem>>) dst(%dma_wait3A_354 : memref<10112x16xf32, #tpu.memory_space<vmem_shared>>)
      } else {
      }
      %parallel_loop3A = arith.constant 0 : i32
      %parallel_loop3A_235 = arith.constant 64 : i32
      %parallel_loop3A_236 = arith.constant 1 : i32
      scf.for %parallel_loop3A_349 = %parallel_loop3A to %parallel_loop3A_235 step %parallel_loop3A_236  : i32 {
        %parallel_loop3A_350 = vector.broadcast %parallel_loop3A_349 : i32 to vector<16xi32>
        %parallel_loop3A_351 = arith.index_cast %parallel_loop3A_349 : i32 to index
        %parallel_loop3A_352 = arith.constant 0 : index
        %parallel_loop3A_353 = tpu.vector_load %arg18[%parallel_loop3A_351, %parallel_loop3A_352] {strides = array<i32>} : memref<64x16xf32, #tpu.memory_space<vmem>>, vector<16xf32>,
        %parallel_loop3A_354 = arith.index_cast %parallel_loop3A_349 : i32 to index
        %parallel_loop3A_355 = arith.constant 0 : index
        %parallel_loop3A_356 = tpu.vector_load %arg19[%parallel_loop3A_354, %parallel_loop3A_355] {strides = array<i32>} : memref<64x16xf32, #tpu.memory_space<vmem>>, vector<16xf32>,
        %parallel_loop3A_357 = arith.subf %parallel_loop3A_353, %parallel_loop3A_356 : vector<16xf32>
        %parallel_loop3A_358 = arith.mulf %parallel_loop3A_357, %parallel_loop3A_357 : vector<16xf32>
        %parallel_loop3A_359 = arith.constant true
        %parallel_loop3A_360 = vector.broadcast %parallel_loop3A_359 : i1 to vector<16xi1>
        %parallel_loop3A_361 = tpu.scan <sum>, %parallel_loop3A_358 masked %parallel_loop3A_360 : vector<16xf32>, vector<16xi1> -> vector<16xf32>
        tpu.vector_store_idx %arg32[%parallel_loop3A_350], %parallel_loop3A_361 masked %eq3A_68 : memref<64xf32, #tpu.memory_space<vmem>>[vector<16xi32>], vector<16xf32>, vector<16xi1>
        %parallel_loop3A_362 = tpu.vector_load_idx %arg32[%parallel_loop3A_350] : memref<64xf32, #tpu.memory_space<vmem>>[vector<16xi32>], vector<16xf32>,
        %parallel_loop3A_363 = arith.constant 0.000000e+00 : f32
        %parallel_loop3A_364 = vector.broadcast %parallel_loop3A_363 : f32 to vector<16xf32>
        %parallel_loop3A_365 = arith.index_cast %parallel_loop3A_349 : i32 to index
        %parallel_loop3A_366 = arith.constant 0 : index
        %parallel_loop3A_367 = tpu.vector_load %arg16[%parallel_loop3A_365, %parallel_loop3A_366] {strides = array<i32>} : memref<64x128xbf16, #tpu.memory_space<vmem>>, vector<32xbf16>,
        %parallel_loop3A_368 = arith.index_cast %parallel_loop3A_349 : i32 to index
        %parallel_loop3A_369 = arith.constant 0 : index
        %parallel_loop3A_370 = tpu.vector_load %arg17[%parallel_loop3A_368, %parallel_loop3A_369] {strides = array<i32>} : memref<64x128xbf16, #tpu.memory_space<vmem>>, vector<32xbf16>,
        %parallel_loop3A_371 = tpu.unpack_subelements %parallel_loop3A_367, 0 {pack_format = #tpu.pack_format<interleaved>} : vector<32xbf16> -> vector<16xf32>
        %parallel_loop3A_372 = tpu.unpack_subelements %parallel_loop3A_367, 1 {pack_format = #tpu.pack_format<interleaved>} : vector<32xbf16> -> vector<16xf32>
        %parallel_loop3A_373 = tpu.unpack_subelements %parallel_loop3A_370, 0 {pack_format = #tpu.pack_format<interleaved>} : vector<32xbf16> -> vector<16xf32>
        %parallel_loop3A_374 = tpu.unpack_subelements %parallel_loop3A_370, 1 {pack_format = #tpu.pack_format<interleaved>} : vector<32xbf16> -> vector<16xf32>
        %parallel_loop3A_375 = arith.addf %parallel_loop3A_371, %parallel_loop3A_373 : vector<16xf32>
        %parallel_loop3A_376 = arith.mulf %parallel_loop3A_362, %get3A_33 : vector<16xf32>
        %parallel_loop3A_377 = arith.addf %parallel_loop3A_375, %parallel_loop3A_376 : vector<16xf32>
        %parallel_loop3A_378 = arith.constant 0.000000e+00 : f32
        %parallel_loop3A_379 = vector.broadcast %parallel_loop3A_378 : f32 to vector<16xf32>
        %parallel_loop3A_380 = arith.maximumf %parallel_loop3A_377, %parallel_loop3A_379 : vector<16xf32>
        %parallel_loop3A_381 = arith.mulf %parallel_loop3A_380, %get3A_49 : vector<16xf32>
        %parallel_loop3A_382 = arith.addf %parallel_loop3A_364, %parallel_loop3A_381 : vector<16xf32>
        %parallel_loop3A_383 = arith.index_cast %parallel_loop3A_349 : i32 to index
        %parallel_loop3A_384 = arith.constant 0 : index
        %parallel_loop3A_385 = tpu.vector_load %arg26[%parallel_loop3A_383, %parallel_loop3A_384] {strides = array<i32>} : memref<64x128xf32, #tpu.memory_space<vmem>>, vector<16xf32>,
        tpu.vector_store %arg26[%parallel_loop3A_383, %parallel_loop3A_384], %parallel_loop3A_380 {strides = array<i32>} : memref<64x128xf32, #tpu.memory_space<vmem>>, vector<16xf32>,
        %parallel_loop3A_386 = arith.addf %parallel_loop3A_372, %parallel_loop3A_374 : vector<16xf32>
        %parallel_loop3A_387 = arith.mulf %parallel_loop3A_362, %get3A_35 : vector<16xf32>
        %parallel_loop3A_388 = arith.addf %parallel_loop3A_386, %parallel_loop3A_387 : vector<16xf32>
        %parallel_loop3A_389 = arith.constant 0.000000e+00 : f32
        %parallel_loop3A_390 = vector.broadcast %parallel_loop3A_389 : f32 to vector<16xf32>
        %parallel_loop3A_391 = arith.maximumf %parallel_loop3A_388, %parallel_loop3A_390 : vector<16xf32>
        %parallel_loop3A_392 = arith.mulf %parallel_loop3A_391, %get3A_51 : vector<16xf32>
        %parallel_loop3A_393 = arith.addf %parallel_loop3A_382, %parallel_loop3A_392 : vector<16xf32>
        %parallel_loop3A_394 = arith.index_cast %parallel_loop3A_349 : i32 to index
        %parallel_loop3A_395 = arith.constant 16 : index
        %parallel_loop3A_396 = tpu.vector_load %arg26[%parallel_loop3A_394, %parallel_loop3A_395] {strides = array<i32>} : memref<64x128xf32, #tpu.memory_space<vmem>>, vector<16xf32>,
        tpu.vector_store %arg26[%parallel_loop3A_394, %parallel_loop3A_395], %parallel_loop3A_391 {strides = array<i32>} : memref<64x128xf32, #tpu.memory_space<vmem>>, vector<16xf32>,
        %parallel_loop3A_397 = arith.index_cast %parallel_loop3A_349 : i32 to index
        %parallel_loop3A_398 = arith.constant 32 : index
        %parallel_loop3A_399 = tpu.vector_load %arg16[%parallel_loop3A_397, %parallel_loop3A_398] {strides = array<i32>} : memref<64x128xbf16, #tpu.memory_space<vmem>>, vector<32xbf16>,
        %parallel_loop3A_400 = arith.index_cast %parallel_loop3A_349 : i32 to index
        %parallel_loop3A_401 = arith.constant 32 : index
        %parallel_loop3A_402 = tpu.vector_load %arg17[%parallel_loop3A_400, %parallel_loop3A_401] {strides = array<i32>} : memref<64x128xbf16, #tpu.memory_space<vmem>>, vector<32xbf16>,
        %parallel_loop3A_403 = tpu.unpack_subelements %parallel_loop3A_399, 0 {pack_format = #tpu.pack_format<interleaved>} : vector<32xbf16> -> vector<16xf32>
        %parallel_loop3A_404 = tpu.unpack_subelements %parallel_loop3A_399, 1 {pack_format = #tpu.pack_format<interleaved>} : vector<32xbf16> -> vector<16xf32>
        %parallel_loop3A_405 = tpu.unpack_subelements %parallel_loop3A_402, 0 {pack_format = #tpu.pack_format<interleaved>} : vector<32xbf16> -> vector<16xf32>
        %parallel_loop3A_406 = tpu.unpack_subelements %parallel_loop3A_402, 1 {pack_format = #tpu.pack_format<interleaved>} : vector<32xbf16> -> vector<16xf32>
        %parallel_loop3A_407 = arith.addf %parallel_loop3A_403, %parallel_loop3A_405 : vector<16xf32>
        %parallel_loop3A_408 = arith.mulf %parallel_loop3A_362, %get3A_37 : vector<16xf32>
        %parallel_loop3A_409 = arith.addf %parallel_loop3A_407, %parallel_loop3A_408 : vector<16xf32>
        %parallel_loop3A_410 = arith.constant 0.000000e+00 : f32
        %parallel_loop3A_411 = vector.broadcast %parallel_loop3A_410 : f32 to vector<16xf32>
        %parallel_loop3A_412 = arith.maximumf %parallel_loop3A_409, %parallel_loop3A_411 : vector<16xf32>
        %parallel_loop3A_413 = arith.mulf %parallel_loop3A_412, %get3A_53 : vector<16xf32>
        %parallel_loop3A_414 = arith.addf %parallel_loop3A_393, %parallel_loop3A_413 : vector<16xf32>
        %parallel_loop3A_415 = arith.index_cast %parallel_loop3A_349 : i32 to index
        %parallel_loop3A_416 = arith.constant 32 : index
        %parallel_loop3A_417 = tpu.vector_load %arg26[%parallel_loop3A_415, %parallel_loop3A_416] {strides = array<i32>} : memref<64x128xf32, #tpu.memory_space<vmem>>, vector<16xf32>,
        tpu.vector_store %arg26[%parallel_loop3A_415, %parallel_loop3A_416], %parallel_loop3A_412 {strides = array<i32>} : memref<64x128xf32, #tpu.memory_space<vmem>>, vector<16xf32>,
        %parallel_loop3A_418 = arith.addf %parallel_loop3A_404, %parallel_loop3A_406 : vector<16xf32>
        %parallel_loop3A_419 = arith.mulf %parallel_loop3A_362, %get3A_39 : vector<16xf32>
        %parallel_loop3A_420 = arith.addf %parallel_loop3A_418, %parallel_loop3A_419 : vector<16xf32>
        %parallel_loop3A_421 = arith.constant 0.000000e+00 : f32
        %parallel_loop3A_422 = vector.broadcast %parallel_loop3A_421 : f32 to vector<16xf32>
        %parallel_loop3A_423 = arith.maximumf %parallel_loop3A_420, %parallel_loop3A_422 : vector<16xf32>
        %parallel_loop3A_424 = arith.mulf %parallel_loop3A_423, %get3A_55 : vector<16xf32>
        %parallel_loop3A_425 = arith.addf %parallel_loop3A_414, %parallel_loop3A_424 : vector<16xf32>
        %parallel_loop3A_426 = arith.index_cast %parallel_loop3A_349 : i32 to index
        %parallel_loop3A_427 = arith.constant 48 : index
        %parallel_loop3A_428 = tpu.vector_load %arg26[%parallel_loop3A_426, %parallel_loop3A_427] {strides = array<i32>} : memref<64x128xf32, #tpu.memory_space<vmem>>, vector<16xf32>,
        tpu.vector_store %arg26[%parallel_loop3A_426, %parallel_loop3A_427], %parallel_loop3A_423 {strides = array<i32>} : memref<64x128xf32, #tpu.memory_space<vmem>>, vector<16xf32>,
        %parallel_loop3A_429 = arith.index_cast %parallel_loop3A_349 : i32 to index
        %parallel_loop3A_430 = arith.constant 64 : index
        %parallel_loop3A_431 = tpu.vector_load %arg16[%parallel_loop3A_429, %parallel_loop3A_430] {strides = array<i32>} : memref<64x128xbf16, #tpu.memory_space<vmem>>, vector<32xbf16>,
        %parallel_loop3A_432 = arith.index_cast %parallel_loop3A_349 : i32 to index
        %parallel_loop3A_433 = arith.constant 64 : index
        %parallel_loop3A_434 = tpu.vector_load %arg17[%parallel_loop3A_432, %parallel_loop3A_433] {strides = array<i32>} : memref<64x128xbf16, #tpu.memory_space<vmem>>, vector<32xbf16>,
        %parallel_loop3A_435 = tpu.unpack_subelements %parallel_loop3A_431, 0 {pack_format = #tpu.pack_format<interleaved>} : vector<32xbf16> -> vector<16xf32>
        %parallel_loop3A_436 = tpu.unpack_subelements %parallel_loop3A_431, 1 {pack_format = #tpu.pack_format<interleaved>} : vector<32xbf16> -> vector<16xf32>
        %parallel_loop3A_437 = tpu.unpack_subelements %parallel_loop3A_434, 0 {pack_format = #tpu.pack_format<interleaved>} : vector<32xbf16> -> vector<16xf32>
        %parallel_loop3A_438 = tpu.unpack_subelements %parallel_loop3A_434, 1 {pack_format = #tpu.pack_format<interleaved>} : vector<32xbf16> -> vector<16xf32>
        %parallel_loop3A_439 = arith.addf %parallel_loop3A_435, %parallel_loop3A_437 : vector<16xf32>
        %parallel_loop3A_440 = arith.mulf %parallel_loop3A_362, %get3A_41 : vector<16xf32>
        %parallel_loop3A_441 = arith.addf %parallel_loop3A_439, %parallel_loop3A_440 : vector<16xf32>
        %parallel_loop3A_442 = arith.constant 0.000000e+00 : f32
        %parallel_loop3A_443 = vector.broadcast %parallel_loop3A_442 : f32 to vector<16xf32>
        %parallel_loop3A_444 = arith.maximumf %parallel_loop3A_441, %parallel_loop3A_443 : vector<16xf32>
        %parallel_loop3A_445 = arith.mulf %parallel_loop3A_444, %get3A_57 : vector<16xf32>
        %parallel_loop3A_446 = arith.addf %parallel_loop3A_425, %parallel_loop3A_445 : vector<16xf32>
        %parallel_loop3A_447 = arith.index_cast %parallel_loop3A_349 : i32 to index
        %parallel_loop3A_448 = arith.constant 64 : index
        %parallel_loop3A_449 = tpu.vector_load %arg26[%parallel_loop3A_447, %parallel_loop3A_448] {strides = array<i32>} : memref<64x128xf32, #tpu.memory_space<vmem>>, vector<16xf32>,
        tpu.vector_store %arg26[%parallel_loop3A_447, %parallel_loop3A_448], %parallel_loop3A_444 {strides = array<i32>} : memref<64x128xf32, #tpu.memory_space<vmem>>, vector<16xf32>,
        %parallel_loop3A_450 = arith.addf %parallel_loop3A_436, %parallel_loop3A_438 : vector<16xf32>
        %parallel_loop3A_451 = arith.mulf %parallel_loop3A_362, %get3A_43 : vector<16xf32>
        %parallel_loop3A_452 = arith.addf %parallel_loop3A_450, %parallel_loop3A_451 : vector<16xf32>
        %parallel_loop3A_453 = arith.constant 0.000000e+00 : f32
        %parallel_loop3A_454 = vector.broadcast %parallel_loop3A_453 : f32 to vector<16xf32>
        %parallel_loop3A_455 = arith.maximumf %parallel_loop3A_452, %parallel_loop3A_454 : vector<16xf32>
        %parallel_loop3A_456 = arith.mulf %parallel_loop3A_455, %get3A_59 : vector<16xf32>
        %parallel_loop3A_457 = arith.addf %parallel_loop3A_446, %parallel_loop3A_456 : vector<16xf32>
        %parallel_loop3A_458 = arith.index_cast %parallel_loop3A_349 : i32 to index
        %parallel_loop3A_459 = arith.constant 80 : index
        %parallel_loop3A_460 = tpu.vector_load %arg26[%parallel_loop3A_458, %parallel_loop3A_459] {strides = array<i32>} : memref<64x128xf32, #tpu.memory_space<vmem>>, vector<16xf32>,
        tpu.vector_store %arg26[%parallel_loop3A_458, %parallel_loop3A_459], %parallel_loop3A_455 {strides = array<i32>} : memref<64x128xf32, #tpu.memory_space<vmem>>, vector<16xf32>,
        %parallel_loop3A_461 = arith.index_cast %parallel_loop3A_349 : i32 to index
        %parallel_loop3A_462 = arith.constant 96 : index
        %parallel_loop3A_463 = tpu.vector_load %arg16[%parallel_loop3A_461, %parallel_loop3A_462] {strides = array<i32>} : memref<64x128xbf16, #tpu.memory_space<vmem>>, vector<32xbf16>,
        %parallel_loop3A_464 = arith.index_cast %parallel_loop3A_349 : i32 to index
        %parallel_loop3A_465 = arith.constant 96 : index
        %parallel_loop3A_466 = tpu.vector_load %arg17[%parallel_loop3A_464, %parallel_loop3A_465] {strides = array<i32>} : memref<64x128xbf16, #tpu.memory_space<vmem>>, vector<32xbf16>,
        %parallel_loop3A_467 = tpu.unpack_subelements %parallel_loop3A_463, 0 {pack_format = #tpu.pack_format<interleaved>} : vector<32xbf16> -> vector<16xf32>
        %parallel_loop3A_468 = tpu.unpack_subelements %parallel_loop3A_463, 1 {pack_format = #tpu.pack_format<interleaved>} : vector<32xbf16> -> vector<16xf32>
        %parallel_loop3A_469 = tpu.unpack_subelements %parallel_loop3A_466, 0 {pack_format = #tpu.pack_format<interleaved>} : vector<32xbf16> -> vector<16xf32>
        %parallel_loop3A_470 = tpu.unpack_subelements %parallel_loop3A_466, 1 {pack_format = #tpu.pack_format<interleaved>} : vector<32xbf16> -> vector<16xf32>
        %parallel_loop3A_471 = arith.addf %parallel_loop3A_467, %parallel_loop3A_469 : vector<16xf32>
        %parallel_loop3A_472 = arith.mulf %parallel_loop3A_362, %get3A_45 : vector<16xf32>
        %parallel_loop3A_473 = arith.addf %parallel_loop3A_471, %parallel_loop3A_472 : vector<16xf32>
        %parallel_loop3A_474 = arith.constant 0.000000e+00 : f32
        %parallel_loop3A_475 = vector.broadcast %parallel_loop3A_474 : f32 to vector<16xf32>
        %parallel_loop3A_476 = arith.maximumf %parallel_loop3A_473, %parallel_loop3A_475 : vector<16xf32>
        %parallel_loop3A_477 = arith.mulf %parallel_loop3A_476, %get3A_61 : vector<16xf32>
        %parallel_loop3A_478 = arith.addf %parallel_loop3A_457, %parallel_loop3A_477 : vector<16xf32>
        %parallel_loop3A_479 = arith.index_cast %parallel_loop3A_349 : i32 to index
        %parallel_loop3A_480 = arith.constant 96 : index
        %parallel_loop3A_481 = tpu.vector_load %arg26[%parallel_loop3A_479, %parallel_loop3A_480] {strides = array<i32>} : memref<64x128xf32, #tpu.memory_space<vmem>>, vector<16xf32>,
        tpu.vector_store %arg26[%parallel_loop3A_479, %parallel_loop3A_480], %parallel_loop3A_476 {strides = array<i32>} : memref<64x128xf32, #tpu.memory_space<vmem>>, vector<16xf32>,
        %parallel_loop3A_482 = arith.addf %parallel_loop3A_468, %parallel_loop3A_470 : vector<16xf32>
        %parallel_loop3A_483 = arith.mulf %parallel_loop3A_362, %get3A_47 : vector<16xf32>
        %parallel_loop3A_484 = arith.addf %parallel_loop3A_482, %parallel_loop3A_483 : vector<16xf32>
        %parallel_loop3A_485 = arith.constant 0.000000e+00 : f32
        %parallel_loop3A_486 = vector.broadcast %parallel_loop3A_485 : f32 to vector<16xf32>
        %parallel_loop3A_487 = arith.maximumf %parallel_loop3A_484, %parallel_loop3A_486 : vector<16xf32>
        %parallel_loop3A_488 = arith.mulf %parallel_loop3A_487, %get3A_63 : vector<16xf32>
        %parallel_loop3A_489 = arith.addf %parallel_loop3A_478, %parallel_loop3A_488 : vector<16xf32>
        %parallel_loop3A_490 = arith.index_cast %parallel_loop3A_349 : i32 to index
        %parallel_loop3A_491 = arith.constant 112 : index
        %parallel_loop3A_492 = tpu.vector_load %arg26[%parallel_loop3A_490, %parallel_loop3A_491] {strides = array<i32>} : memref<64x128xf32, #tpu.memory_space<vmem>>, vector<16xf32>,
        tpu.vector_store %arg26[%parallel_loop3A_490, %parallel_loop3A_491], %parallel_loop3A_487 {strides = array<i32>} : memref<64x128xf32, #tpu.memory_space<vmem>>, vector<16xf32>,
        %parallel_loop3A_493 = arith.constant true
        %parallel_loop3A_494 = vector.broadcast %parallel_loop3A_493 : i1 to vector<16xi1>
        %parallel_loop3A_495 = tpu.scan <sum>, %parallel_loop3A_489 masked %parallel_loop3A_494 : vector<16xf32>, vector<16xi1> -> vector<16xf32>
        %parallel_loop3A_496 = arith.addf %parallel_loop3A_495, %get3A_65 : vector<16xf32>
        %parallel_loop3A_497 = arith.constant 0.000000e+00 : f32
        %parallel_loop3A_498 = vector.broadcast %parallel_loop3A_497 : f32 to vector<16xf32>
        %parallel_loop3A_499 = arith.maximumf %parallel_loop3A_496, %parallel_loop3A_498 : vector<16xf32>
        %parallel_loop3A_500 = arith.addf %parallel_loop3A_499, %parallel_loop3A_499 : vector<16xf32>
        %parallel_loop3A_501 = math.exp %parallel_loop3A_500 : vector<16xf32>
        %parallel_loop3A_502 = arith.constant 1.000000e+00 : f32
        %parallel_loop3A_503 = vector.broadcast %parallel_loop3A_502 : f32 to vector<16xf32>
        %parallel_loop3A_504 = arith.addf %parallel_loop3A_501, %parallel_loop3A_503 : vector<16xf32>
        %parallel_loop3A_505 = arith.constant 2.000000e+00 : f32
        %parallel_loop3A_506 = vector.broadcast %parallel_loop3A_505 : f32 to vector<16xf32>
        %parallel_loop3A_507 = arith.divf %parallel_loop3A_506, %parallel_loop3A_504 : vector<16xf32>
        %parallel_loop3A_508 = arith.constant 1.000000e+00 : f32
        %parallel_loop3A_509 = vector.broadcast %parallel_loop3A_508 : f32 to vector<16xf32>
        %parallel_loop3A_510 = arith.subf %parallel_loop3A_509, %parallel_loop3A_507 : vector<16xf32>
        tpu.vector_store_idx %arg33[%parallel_loop3A_350], %parallel_loop3A_510 masked %eq3A_68 : memref<64xf32, #tpu.memory_space<vmem>>[vector<16xi32>], vector<16xf32>, vector<16xi1>
        %parallel_loop3A_511 = tpu.vector_load_idx %arg33[%parallel_loop3A_350] : memref<64xf32, #tpu.memory_space<vmem>>[vector<16xi32>], vector<16xf32>,
        %parallel_loop3A_512 = arith.constant 3 : i32
        %parallel_loop3A_513 = vector.broadcast %parallel_loop3A_512 : i32 to vector<16xi32>
        %parallel_loop3A_514 = arith.cmpi slt, %iota3A, %parallel_loop3A_513 : vector<16xi32>
        %parallel_loop3A_515 = arith.mulf %parallel_loop3A_357, %parallel_loop3A_511 : vector<16xf32>
        %parallel_loop3A_516 = arith.constant 3 : i32
        %parallel_loop3A_517 = vector.broadcast %parallel_loop3A_516 : i32 to vector<16xi32>
        %parallel_loop3A_518 = arith.cmpi eq, %iota3A, %parallel_loop3A_517 : vector<16xi32>
        %parallel_loop3A_519 = arith.constant 1.000000e+00 : f32
        %parallel_loop3A_520 = arith.constant 0.000000e+00 : f32
        %parallel_loop3A_521 = vector.broadcast %parallel_loop3A_519 : f32 to vector<16xf32>
        %parallel_loop3A_522 = vector.broadcast %parallel_loop3A_520 : f32 to vector<16xf32>
        %parallel_loop3A_523 = arith.select %parallel_loop3A_518, %parallel_loop3A_521, %parallel_loop3A_522 : vector<16xi1>, vector<16xf32>
        %parallel_loop3A_524 = arith.select %parallel_loop3A_514, %parallel_loop3A_515, %parallel_loop3A_523 : vector<16xi1>, vector<16xf32>
        %parallel_loop3A_525 = arith.index_cast %parallel_loop3A_349 : i32 to index
        %parallel_loop3A_526 = arith.constant 0 : index
        %parallel_loop3A_527 = tpu.vector_load %arg28[%parallel_loop3A_525, %parallel_loop3A_526] {strides = array<i32>} : memref<64x16xf32, #tpu.memory_space<vmem>>, vector<16xf32>,
        tpu.vector_store %arg28[%parallel_loop3A_525, %parallel_loop3A_526], %parallel_loop3A_524 {strides = array<i32>} : memref<64x16xf32, #tpu.memory_space<vmem>>, vector<16xf32>,
      } {sc.loop_unroll_factor = 2 : i64, sc.parallel_access}
      %get3A_237 = arith.constant 0 : index
      %get3A_238 = tpu.vector_load %arg14[%get3A_237] {strides = array<i32>} : memref<64xi32, #tpu.memory_space<vmem>>, vector<16xi32>,
      %swap3A = arith.constant 0 : index
      %swap3A_239 = tpu.vector_load %arg30[%swap3A] {strides = array<i32>} : memref<64xi32, #tpu.memory_space<vmem>>, vector<16xi32>,
      tpu.vector_store %arg30[%swap3A], %get3A_238 {strides = array<i32>} : memref<64xi32, #tpu.memory_space<vmem>>, vector<16xi32>,
      %get3A_240 = arith.constant 16 : index
      %get3A_241 = tpu.vector_load %arg14[%get3A_240] {strides = array<i32>} : memref<64xi32, #tpu.memory_space<vmem>>, vector<16xi32>,
      %swap3A_242 = arith.constant 16 : index
      %swap3A_243 = tpu.vector_load %arg30[%swap3A_242] {strides = array<i32>} : memref<64xi32, #tpu.memory_space<vmem>>, vector<16xi32>,
      tpu.vector_store %arg30[%swap3A_242], %get3A_241 {strides = array<i32>} : memref<64xi32, #tpu.memory_space<vmem>>, vector<16xi32>,
      %get3A_244 = arith.constant 32 : index
      %get3A_245 = tpu.vector_load %arg14[%get3A_244] {strides = array<i32>} : memref<64xi32, #tpu.memory_space<vmem>>, vector<16xi32>,
      %swap3A_246 = arith.constant 32 : index
      %swap3A_247 = tpu.vector_load %arg30[%swap3A_246] {strides = array<i32>} : memref<64xi32, #tpu.memory_space<vmem>>, vector<16xi32>,
      tpu.vector_store %arg30[%swap3A_246], %get3A_245 {strides = array<i32>} : memref<64xi32, #tpu.memory_space<vmem>>, vector<16xi32>,
      %get3A_248 = arith.constant 48 : index
      %get3A_249 = tpu.vector_load %arg14[%get3A_248] {strides = array<i32>} : memref<64xi32, #tpu.memory_space<vmem>>, vector<16xi32>,
      %swap3A_250 = arith.constant 48 : index
      %swap3A_251 = tpu.vector_load %arg30[%swap3A_250] {strides = array<i32>} : memref<64xi32, #tpu.memory_space<vmem>>, vector<16xi32>,
      tpu.vector_store %arg30[%swap3A_250], %get3A_249 {strides = array<i32>} : memref<64xi32, #tpu.memory_space<vmem>>, vector<16xi32>,
      %dma_start3A_252 = arith.constant 0 : i32
      %dma_start3A_253 = arith.constant 0 : i32
      %dma_start3A_254 = tpu.memref_slice %arg43[%dma_start3A_252, %dma_start3A_253] : memref<10112x128xf32, #tpu.memory_space<vmem_shared>> -> memref<10112x128xf32, #tpu.memory_space<vmem_shared>>
      tpu.enqueue_indirect_dma source(%arg26 : memref<64x128xf32, #tpu.memory_space<vmem>>) target(%dma_start3A_254 : memref<10112x128xf32, #tpu.memory_space<vmem_shared>>) offsets(%arg30 : memref<64xi32, #tpu.memory_space<vmem>>) semaphore(%arg41 : memref<!tpu.dma_semaphore, #tpu.memory_space<semaphore_mem>>) {add = true}
      %dma_start3A_255 = arith.constant 0 : i32
      %dma_start3A_256 = arith.constant 0 : i32
      %dma_start3A_257 = tpu.memref_slice %arg44[%dma_start3A_255, %dma_start3A_256] : memref<10112x16xf32, #tpu.memory_space<vmem_shared>> -> memref<10112x16xf32, #tpu.memory_space<vmem_shared>>
      tpu.enqueue_indirect_dma source(%arg28 : memref<64x16xf32, #tpu.memory_space<vmem>>) target(%dma_start3A_257 : memref<10112x16xf32, #tpu.memory_space<vmem_shared>>) offsets(%arg30 : memref<64xi32, #tpu.memory_space<vmem>>) semaphore(%arg41 : memref<!tpu.dma_semaphore, #tpu.memory_space<semaphore_mem>>) {add = true}
      %add3A_258 = arith.constant 2 : i32
      %add3A_259 = arith.addi %add3A_200, %add3A_258 : i32
      %mul3A_260 = arith.constant 64 : i32
      %mul3A_261 = arith.muli %add3A_259, %mul3A_260 : i32
      %add3A_262 = arith.addi %add3A, %mul3A_261 : i32
      %dma_start3A_263 = tpu.memref_slice %arg5[%add3A_262] : memref<327808xi32, #tpu.memory_space<hbm>> -> memref<64xi32, #tpu.memory_space<hbm>>
      %dma_start3A_264 = tpu.memref_slice %arg5[%add3A_262] : memref<327808xi32, #tpu.memory_space<hbm>> -> memref<64xi32, #tpu.memory_space<hbm>>
      tpu.enqueue_dma source(%dma_start3A_264 : memref<64xi32, #tpu.memory_space<hbm>>) target(%arg14 : memref<64xi32, #tpu.memory_space<vmem>>) target_semaphore(%arg37 : memref<!tpu.dma_semaphore, #tpu.memory_space<semaphore_mem>>)
      %mul3A_265 = arith.constant 64 : i32
      %mul3A_266 = arith.muli %add3A_259, %mul3A_265 : i32
      %add3A_267 = arith.addi %add3A, %mul3A_266 : i32
      %dma_start3A_268 = tpu.memref_slice %arg6[%add3A_267] : memref<327808xi32, #tpu.memory_space<hbm>> -> memref<64xi32, #tpu.memory_space<hbm>>
      %dma_start3A_269 = tpu.memref_slice %arg6[%add3A_267] : memref<327808xi32, #tpu.memory_space<hbm>> -> memref<64xi32, #tpu.memory_space<hbm>>
      tpu.enqueue_dma source(%dma_start3A_269 : memref<64xi32, #tpu.memory_space<hbm>>) target(%arg15 : memref<64xi32, #tpu.memory_space<vmem>>) target_semaphore(%arg37 : memref<!tpu.dma_semaphore, #tpu.memory_space<semaphore_mem>>)
      %mul3A_270 = arith.constant 2 : i32
      %mul3A_271 = arith.muli %mul3A_270, %while3A_195 : i32
      %add3A_272 = arith.constant 1 : i32
      %add3A_273 = arith.addi %mul3A_271, %add3A_272 : i32
      %dma_wait3A_274 = arith.constant 0 : i32
      %dma_wait3A_275 = tpu.memref_slice %arg5[%dma_wait3A_274] : memref<327808xi32, #tpu.memory_space<hbm>> -> memref<64xi32, #tpu.memory_space<hbm>>
      %dma_wait3A_276 = arith.constant 0 : i32
      %dma_wait3A_277 = tpu.memref_slice %arg5[%dma_wait3A_276] : memref<327808xi32, #tpu.memory_space<hbm>> -> memref<64xi32, #tpu.memory_space<hbm>>
      tpu.wait_dma2 semaphore(%arg37 : memref<!tpu.dma_semaphore, #tpu.memory_space<semaphore_mem>>) src(%dma_wait3A_277 : memref<64xi32, #tpu.memory_space<hbm>>) dst(%arg14 : memref<64xi32, #tpu.memory_space<vmem>>)
      %dma_wait3A_278 = arith.constant 0 : i32
      %dma_wait3A_279 = tpu.memref_slice %arg6[%dma_wait3A_278] : memref<327808xi32, #tpu.memory_space<hbm>> -> memref<64xi32, #tpu.memory_space<hbm>>
      %dma_wait3A_280 = arith.constant 0 : i32
      %dma_wait3A_281 = tpu.memref_slice %arg6[%dma_wait3A_280] : memref<327808xi32, #tpu.memory_space<hbm>> -> memref<64xi32, #tpu.memory_space<hbm>>
      tpu.wait_dma2 semaphore(%arg37 : memref<!tpu.dma_semaphore, #tpu.memory_space<semaphore_mem>>) src(%dma_wait3A_281 : memref<64xi32, #tpu.memory_space<hbm>>) dst(%arg15 : memref<64xi32, #tpu.memory_space<vmem>>)
      %dma_start3A_282 = arith.constant 0 : i32
      %dma_start3A_283 = arith.constant 0 : i32
      %dma_start3A_284 = tpu.memref_slice %arg2[%dma_start3A_282, %dma_start3A_283] : memref<10240x128xbf16, #tpu.memory_space<hbm>> -> memref<10240x128xbf16, #tpu.memory_space<hbm>>
      tpu.enqueue_indirect_dma source(%dma_start3A_284 : memref<10240x128xbf16, #tpu.memory_space<hbm>>) target(%arg16 : memref<64x128xbf16, #tpu.memory_space<vmem>>) offsets(%arg14 : memref<64xi32, #tpu.memory_space<vmem>>) semaphore(%arg39 : memref<!tpu.dma_semaphore, #tpu.memory_space<semaphore_mem>>)
      %dma_start3A_285 = arith.constant 0 : i32
      %dma_start3A_286 = arith.constant 0 : i32
      %dma_start3A_287 = tpu.memref_slice %arg3[%dma_start3A_285, %dma_start3A_286] : memref<10240x128xbf16, #tpu.memory_space<hbm>> -> memref<10240x128xbf16, #tpu.memory_space<hbm>>
      tpu.enqueue_indirect_dma source(%dma_start3A_287 : memref<10240x128xbf16, #tpu.memory_space<hbm>>) target(%arg17 : memref<64x128xbf16, #tpu.memory_space<vmem>>) offsets(%arg15 : memref<64xi32, #tpu.memory_space<vmem>>) semaphore(%arg39 : memref<!tpu.dma_semaphore, #tpu.memory_space<semaphore_mem>>)
      %dma_start3A_288 = arith.constant 0 : i32
      %dma_start3A_289 = arith.constant 0 : i32
      %dma_start3A_290 = tpu.memref_slice %arg4[%dma_start3A_288, %dma_start3A_289] : memref<10240x16xf32, #tpu.memory_space<hbm>> -> memref<10240x16xf32, #tpu.memory_space<hbm>>
      tpu.enqueue_indirect_dma source(%dma_start3A_290 : memref<10240x16xf32, #tpu.memory_space<hbm>>) target(%arg18 : memref<64x16xf32, #tpu.memory_space<vmem>>) offsets(%arg14 : memref<64xi32, #tpu.memory_space<vmem>>) semaphore(%arg39 : memref<!tpu.dma_semaphore, #tpu.memory_space<semaphore_mem>>)
      %dma_start3A_291 = arith.constant 0 : i32
      %dma_start3A_292 = arith.constant 0 : i32
      %dma_start3A_293 = tpu.memref_slice %arg4[%dma_start3A_291, %dma_start3A_292] : memref<10240x16xf32, #tpu.memory_space<hbm>> -> memref<10240x16xf32, #tpu.memory_space<hbm>>
      tpu.enqueue_indirect_dma source(%dma_start3A_293 : memref<10240x16xf32, #tpu.memory_space<hbm>>) target(%arg19 : memref<64x16xf32, #tpu.memory_space<vmem>>) offsets(%arg15 : memref<64xi32, #tpu.memory_space<vmem>>) semaphore(%arg39 : memref<!tpu.dma_semaphore, #tpu.memory_space<semaphore_mem>>)
      %dma_wait3A_294 = arith.constant 0 : i32
      %dma_wait3A_295 = arith.constant 0 : i32
      %dma_wait3A_296 = tpu.memref_slice %arg2[%dma_wait3A_294, %dma_wait3A_295] : memref<10240x128xbf16, #tpu.memory_space<hbm>> -> memref<10240x128xbf16, #tpu.memory_space<hbm>>
      tpu.wait_indirect_dma semaphore(%arg40 : memref<!tpu.dma_semaphore, #tpu.memory_space<semaphore_mem>>) src(%dma_wait3A_296 : memref<10240x128xbf16, #tpu.memory_space<hbm>>) dst(%arg22 : memref<64x128xbf16, #tpu.memory_space<vmem>>)
      %dma_wait3A_297 = arith.constant 0 : i32
      %dma_wait3A_298 = arith.constant 0 : i32
      %dma_wait3A_299 = tpu.memref_slice %arg3[%dma_wait3A_297, %dma_wait3A_298] : memref<10240x128xbf16, #tpu.memory_space<hbm>> -> memref<10240x128xbf16, #tpu.memory_space<hbm>>
      tpu.wait_indirect_dma semaphore(%arg40 : memref<!tpu.dma_semaphore, #tpu.memory_space<semaphore_mem>>) src(%dma_wait3A_299 : memref<10240x128xbf16, #tpu.memory_space<hbm>>) dst(%arg23 : memref<64x128xbf16, #tpu.memory_space<vmem>>)
      %dma_wait3A_300 = arith.constant 0 : i32
      %dma_wait3A_301 = arith.constant 0 : i32
      %dma_wait3A_302 = tpu.memref_slice %arg4[%dma_wait3A_300, %dma_wait3A_301] : memref<10240x16xf32, #tpu.memory_space<hbm>> -> memref<10240x16xf32, #tpu.memory_space<hbm>>
      tpu.wait_indirect_dma semaphore(%arg40 : memref<!tpu.dma_semaphore, #tpu.memory_space<semaphore_mem>>) src(%dma_wait3A_302 : memref<10240x16xf32, #tpu.memory_space<hbm>>) dst(%arg24 : memref<64x16xf32, #tpu.memory_space<vmem>>)
      %dma_wait3A_303 = arith.constant 0 : i32
      %dma_wait3A_304 = arith.constant 0 : i32
      %dma_wait3A_305 = tpu.memref_slice %arg4[%dma_wait3A_303, %dma_wait3A_304] : memref<10240x16xf32, #tpu.memory_space<hbm>> -> memref<10240x16xf32, #tpu.memory_space<hbm>>
      tpu.wait_indirect_dma semaphore(%arg40 : memref<!tpu.dma_semaphore, #tpu.memory_space<semaphore_mem>>) src(%dma_wait3A_305 : memref<10240x16xf32, #tpu.memory_space<hbm>>) dst(%arg25 : memref<64x16xf32, #tpu.memory_space<vmem>>)
      %ge3A_306 = arith.constant 1 : i32
      %ge3A_307 = arith.cmpi sge, %while3A_195, %ge3A_306 : i32
      %convert_element_type3A_308 = arith.extui %ge3A_307 : i1 to i32
      %cond3A_309 = arith.constant 0 : i32
      %cond3A_310 = arith.cmpi ne, %convert_element_type3A_308, %cond3A_309 : i32
      scf.if %cond3A_310 {
        %dma_wait3A_349 = arith.constant 0 : i32
        %dma_wait3A_350 = arith.constant 0 : i32
        %dma_wait3A_351 = tpu.memref_slice %arg43[%dma_wait3A_349, %dma_wait3A_350] : memref<10112x128xf32, #tpu.memory_space<vmem_shared>> -> memref<10112x128xf32, #tpu.memory_space<vmem_shared>>
        tpu.wait_indirect_dma semaphore(%arg42 : memref<!tpu.dma_semaphore, #tpu.memory_space<semaphore_mem>>) src(%arg27 : memref<64x128xf32, #tpu.memory_space<vmem>>) dst(%dma_wait3A_351 : memref<10112x128xf32, #tpu.memory_space<vmem_shared>>)
        %dma_wait3A_352 = arith.constant 0 : i32
        %dma_wait3A_353 = arith.constant 0 : i32
        %dma_wait3A_354 = tpu.memref_slice %arg44[%dma_wait3A_352, %dma_wait3A_353] : memref<10112x16xf32, #tpu.memory_space<vmem_shared>> -> memref<10112x16xf32, #tpu.memory_space<vmem_shared>>
        tpu.wait_indirect_dma semaphore(%arg42 : memref<!tpu.dma_semaphore, #tpu.memory_space<semaphore_mem>>) src(%arg29 : memref<64x16xf32, #tpu.memory_space<vmem>>) dst(%dma_wait3A_354 : memref<10112x16xf32, #tpu.memory_space<vmem_shared>>)
      } else {
      }
      %parallel_loop3A_311 = arith.constant 0 : i32
      %parallel_loop3A_312 = arith.constant 64 : i32
      %parallel_loop3A_313 = arith.constant 1 : i32
      scf.for %parallel_loop3A_349 = %parallel_loop3A_311 to %parallel_loop3A_312 step %parallel_loop3A_313  : i32 {
        %parallel_loop3A_350 = vector.broadcast %parallel_loop3A_349 : i32 to vector<16xi32>
        %parallel_loop3A_351 = arith.index_cast %parallel_loop3A_349 : i32 to index
        %parallel_loop3A_352 = arith.constant 0 : index
        %parallel_loop3A_353 = tpu.vector_load %arg24[%parallel_loop3A_351, %parallel_loop3A_352] {strides = array<i32>} : memref<64x16xf32, #tpu.memory_space<vmem>>, vector<16xf32>,
        %parallel_loop3A_354 = arith.index_cast %parallel_loop3A_349 : i32 to index
        %parallel_loop3A_355 = arith.constant 0 : index
        %parallel_loop3A_356 = tpu.vector_load %arg25[%parallel_loop3A_354, %parallel_loop3A_355] {strides = array<i32>} : memref<64x16xf32, #tpu.memory_space<vmem>>, vector<16xf32>,
        %parallel_loop3A_357 = arith.subf %parallel_loop3A_353, %parallel_loop3A_356 : vector<16xf32>
        %parallel_loop3A_358 = arith.mulf %parallel_loop3A_357, %parallel_loop3A_357 : vector<16xf32>
        %parallel_loop3A_359 = arith.constant true
        %parallel_loop3A_360 = vector.broadcast %parallel_loop3A_359 : i1 to vector<16xi1>
        %parallel_loop3A_361 = tpu.scan <sum>, %parallel_loop3A_358 masked %parallel_loop3A_360 : vector<16xf32>, vector<16xi1> -> vector<16xf32>
        tpu.vector_store_idx %arg32[%parallel_loop3A_350], %parallel_loop3A_361 masked %eq3A_68 : memref<64xf32, #tpu.memory_space<vmem>>[vector<16xi32>], vector<16xf32>, vector<16xi1>
        %parallel_loop3A_362 = tpu.vector_load_idx %arg32[%parallel_loop3A_350] : memref<64xf32, #tpu.memory_space<vmem>>[vector<16xi32>], vector<16xf32>,
        %parallel_loop3A_363 = arith.constant 0.000000e+00 : f32
        %parallel_loop3A_364 = vector.broadcast %parallel_loop3A_363 : f32 to vector<16xf32>
        %parallel_loop3A_365 = arith.index_cast %parallel_loop3A_349 : i32 to index
        %parallel_loop3A_366 = arith.constant 0 : index
        %parallel_loop3A_367 = tpu.vector_load %arg22[%parallel_loop3A_365, %parallel_loop3A_366] {strides = array<i32>} : memref<64x128xbf16, #tpu.memory_space<vmem>>, vector<32xbf16>,
        %parallel_loop3A_368 = arith.index_cast %parallel_loop3A_349 : i32 to index
        %parallel_loop3A_369 = arith.constant 0 : index
        %parallel_loop3A_370 = tpu.vector_load %arg23[%parallel_loop3A_368, %parallel_loop3A_369] {strides = array<i32>} : memref<64x128xbf16, #tpu.memory_space<vmem>>, vector<32xbf16>,
        %parallel_loop3A_371 = tpu.unpack_subelements %parallel_loop3A_367, 0 {pack_format = #tpu.pack_format<interleaved>} : vector<32xbf16> -> vector<16xf32>
        %parallel_loop3A_372 = tpu.unpack_subelements %parallel_loop3A_367, 1 {pack_format = #tpu.pack_format<interleaved>} : vector<32xbf16> -> vector<16xf32>
        %parallel_loop3A_373 = tpu.unpack_subelements %parallel_loop3A_370, 0 {pack_format = #tpu.pack_format<interleaved>} : vector<32xbf16> -> vector<16xf32>
        %parallel_loop3A_374 = tpu.unpack_subelements %parallel_loop3A_370, 1 {pack_format = #tpu.pack_format<interleaved>} : vector<32xbf16> -> vector<16xf32>
        %parallel_loop3A_375 = arith.addf %parallel_loop3A_371, %parallel_loop3A_373 : vector<16xf32>
        %parallel_loop3A_376 = arith.mulf %parallel_loop3A_362, %get3A_33 : vector<16xf32>
        %parallel_loop3A_377 = arith.addf %parallel_loop3A_375, %parallel_loop3A_376 : vector<16xf32>
        %parallel_loop3A_378 = arith.constant 0.000000e+00 : f32
        %parallel_loop3A_379 = vector.broadcast %parallel_loop3A_378 : f32 to vector<16xf32>
        %parallel_loop3A_380 = arith.maximumf %parallel_loop3A_377, %parallel_loop3A_379 : vector<16xf32>
        %parallel_loop3A_381 = arith.mulf %parallel_loop3A_380, %get3A_49 : vector<16xf32>
        %parallel_loop3A_382 = arith.addf %parallel_loop3A_364, %parallel_loop3A_381 : vector<16xf32>
        %parallel_loop3A_383 = arith.index_cast %parallel_loop3A_349 : i32 to index
        %parallel_loop3A_384 = arith.constant 0 : index
        %parallel_loop3A_385 = tpu.vector_load %arg27[%parallel_loop3A_383, %parallel_loop3A_384] {strides = array<i32>} : memref<64x128xf32, #tpu.memory_space<vmem>>, vector<16xf32>,
        tpu.vector_store %arg27[%parallel_loop3A_383, %parallel_loop3A_384], %parallel_loop3A_380 {strides = array<i32>} : memref<64x128xf32, #tpu.memory_space<vmem>>, vector<16xf32>,
        %parallel_loop3A_386 = arith.addf %parallel_loop3A_372, %parallel_loop3A_374 : vector<16xf32>
        %parallel_loop3A_387 = arith.mulf %parallel_loop3A_362, %get3A_35 : vector<16xf32>
        %parallel_loop3A_388 = arith.addf %parallel_loop3A_386, %parallel_loop3A_387 : vector<16xf32>
        %parallel_loop3A_389 = arith.constant 0.000000e+00 : f32
        %parallel_loop3A_390 = vector.broadcast %parallel_loop3A_389 : f32 to vector<16xf32>
        %parallel_loop3A_391 = arith.maximumf %parallel_loop3A_388, %parallel_loop3A_390 : vector<16xf32>
        %parallel_loop3A_392 = arith.mulf %parallel_loop3A_391, %get3A_51 : vector<16xf32>
        %parallel_loop3A_393 = arith.addf %parallel_loop3A_382, %parallel_loop3A_392 : vector<16xf32>
        %parallel_loop3A_394 = arith.index_cast %parallel_loop3A_349 : i32 to index
        %parallel_loop3A_395 = arith.constant 16 : index
        %parallel_loop3A_396 = tpu.vector_load %arg27[%parallel_loop3A_394, %parallel_loop3A_395] {strides = array<i32>} : memref<64x128xf32, #tpu.memory_space<vmem>>, vector<16xf32>,
        tpu.vector_store %arg27[%parallel_loop3A_394, %parallel_loop3A_395], %parallel_loop3A_391 {strides = array<i32>} : memref<64x128xf32, #tpu.memory_space<vmem>>, vector<16xf32>,
        %parallel_loop3A_397 = arith.index_cast %parallel_loop3A_349 : i32 to index
        %parallel_loop3A_398 = arith.constant 32 : index
        %parallel_loop3A_399 = tpu.vector_load %arg22[%parallel_loop3A_397, %parallel_loop3A_398] {strides = array<i32>} : memref<64x128xbf16, #tpu.memory_space<vmem>>, vector<32xbf16>,
        %parallel_loop3A_400 = arith.index_cast %parallel_loop3A_349 : i32 to index
        %parallel_loop3A_401 = arith.constant 32 : index
        %parallel_loop3A_402 = tpu.vector_load %arg23[%parallel_loop3A_400, %parallel_loop3A_401] {strides = array<i32>} : memref<64x128xbf16, #tpu.memory_space<vmem>>, vector<32xbf16>,
        %parallel_loop3A_403 = tpu.unpack_subelements %parallel_loop3A_399, 0 {pack_format = #tpu.pack_format<interleaved>} : vector<32xbf16> -> vector<16xf32>
        %parallel_loop3A_404 = tpu.unpack_subelements %parallel_loop3A_399, 1 {pack_format = #tpu.pack_format<interleaved>} : vector<32xbf16> -> vector<16xf32>
        %parallel_loop3A_405 = tpu.unpack_subelements %parallel_loop3A_402, 0 {pack_format = #tpu.pack_format<interleaved>} : vector<32xbf16> -> vector<16xf32>
        %parallel_loop3A_406 = tpu.unpack_subelements %parallel_loop3A_402, 1 {pack_format = #tpu.pack_format<interleaved>} : vector<32xbf16> -> vector<16xf32>
        %parallel_loop3A_407 = arith.addf %parallel_loop3A_403, %parallel_loop3A_405 : vector<16xf32>
        %parallel_loop3A_408 = arith.mulf %parallel_loop3A_362, %get3A_37 : vector<16xf32>
        %parallel_loop3A_409 = arith.addf %parallel_loop3A_407, %parallel_loop3A_408 : vector<16xf32>
        %parallel_loop3A_410 = arith.constant 0.000000e+00 : f32
        %parallel_loop3A_411 = vector.broadcast %parallel_loop3A_410 : f32 to vector<16xf32>
        %parallel_loop3A_412 = arith.maximumf %parallel_loop3A_409, %parallel_loop3A_411 : vector<16xf32>
        %parallel_loop3A_413 = arith.mulf %parallel_loop3A_412, %get3A_53 : vector<16xf32>
        %parallel_loop3A_414 = arith.addf %parallel_loop3A_393, %parallel_loop3A_413 : vector<16xf32>
        %parallel_loop3A_415 = arith.index_cast %parallel_loop3A_349 : i32 to index
        %parallel_loop3A_416 = arith.constant 32 : index
        %parallel_loop3A_417 = tpu.vector_load %arg27[%parallel_loop3A_415, %parallel_loop3A_416] {strides = array<i32>} : memref<64x128xf32, #tpu.memory_space<vmem>>, vector<16xf32>,
        tpu.vector_store %arg27[%parallel_loop3A_415, %parallel_loop3A_416], %parallel_loop3A_412 {strides = array<i32>} : memref<64x128xf32, #tpu.memory_space<vmem>>, vector<16xf32>,
        %parallel_loop3A_418 = arith.addf %parallel_loop3A_404, %parallel_loop3A_406 : vector<16xf32>
        %parallel_loop3A_419 = arith.mulf %parallel_loop3A_362, %get3A_39 : vector<16xf32>
        %parallel_loop3A_420 = arith.addf %parallel_loop3A_418, %parallel_loop3A_419 : vector<16xf32>
        %parallel_loop3A_421 = arith.constant 0.000000e+00 : f32
        %parallel_loop3A_422 = vector.broadcast %parallel_loop3A_421 : f32 to vector<16xf32>
        %parallel_loop3A_423 = arith.maximumf %parallel_loop3A_420, %parallel_loop3A_422 : vector<16xf32>
        %parallel_loop3A_424 = arith.mulf %parallel_loop3A_423, %get3A_55 : vector<16xf32>
        %parallel_loop3A_425 = arith.addf %parallel_loop3A_414, %parallel_loop3A_424 : vector<16xf32>
        %parallel_loop3A_426 = arith.index_cast %parallel_loop3A_349 : i32 to index
        %parallel_loop3A_427 = arith.constant 48 : index
        %parallel_loop3A_428 = tpu.vector_load %arg27[%parallel_loop3A_426, %parallel_loop3A_427] {strides = array<i32>} : memref<64x128xf32, #tpu.memory_space<vmem>>, vector<16xf32>,
        tpu.vector_store %arg27[%parallel_loop3A_426, %parallel_loop3A_427], %parallel_loop3A_423 {strides = array<i32>} : memref<64x128xf32, #tpu.memory_space<vmem>>, vector<16xf32>,
        %parallel_loop3A_429 = arith.index_cast %parallel_loop3A_349 : i32 to index
        %parallel_loop3A_430 = arith.constant 64 : index
        %parallel_loop3A_431 = tpu.vector_load %arg22[%parallel_loop3A_429, %parallel_loop3A_430] {strides = array<i32>} : memref<64x128xbf16, #tpu.memory_space<vmem>>, vector<32xbf16>,
        %parallel_loop3A_432 = arith.index_cast %parallel_loop3A_349 : i32 to index
        %parallel_loop3A_433 = arith.constant 64 : index
        %parallel_loop3A_434 = tpu.vector_load %arg23[%parallel_loop3A_432, %parallel_loop3A_433] {strides = array<i32>} : memref<64x128xbf16, #tpu.memory_space<vmem>>, vector<32xbf16>,
        %parallel_loop3A_435 = tpu.unpack_subelements %parallel_loop3A_431, 0 {pack_format = #tpu.pack_format<interleaved>} : vector<32xbf16> -> vector<16xf32>
        %parallel_loop3A_436 = tpu.unpack_subelements %parallel_loop3A_431, 1 {pack_format = #tpu.pack_format<interleaved>} : vector<32xbf16> -> vector<16xf32>
        %parallel_loop3A_437 = tpu.unpack_subelements %parallel_loop3A_434, 0 {pack_format = #tpu.pack_format<interleaved>} : vector<32xbf16> -> vector<16xf32>
        %parallel_loop3A_438 = tpu.unpack_subelements %parallel_loop3A_434, 1 {pack_format = #tpu.pack_format<interleaved>} : vector<32xbf16> -> vector<16xf32>
        %parallel_loop3A_439 = arith.addf %parallel_loop3A_435, %parallel_loop3A_437 : vector<16xf32>
        %parallel_loop3A_440 = arith.mulf %parallel_loop3A_362, %get3A_41 : vector<16xf32>
        %parallel_loop3A_441 = arith.addf %parallel_loop3A_439, %parallel_loop3A_440 : vector<16xf32>
        %parallel_loop3A_442 = arith.constant 0.000000e+00 : f32
        %parallel_loop3A_443 = vector.broadcast %parallel_loop3A_442 : f32 to vector<16xf32>
        %parallel_loop3A_444 = arith.maximumf %parallel_loop3A_441, %parallel_loop3A_443 : vector<16xf32>
        %parallel_loop3A_445 = arith.mulf %parallel_loop3A_444, %get3A_57 : vector<16xf32>
        %parallel_loop3A_446 = arith.addf %parallel_loop3A_425, %parallel_loop3A_445 : vector<16xf32>
        %parallel_loop3A_447 = arith.index_cast %parallel_loop3A_349 : i32 to index
        %parallel_loop3A_448 = arith.constant 64 : index
        %parallel_loop3A_449 = tpu.vector_load %arg27[%parallel_loop3A_447, %parallel_loop3A_448] {strides = array<i32>} : memref<64x128xf32, #tpu.memory_space<vmem>>, vector<16xf32>,
        tpu.vector_store %arg27[%parallel_loop3A_447, %parallel_loop3A_448], %parallel_loop3A_444 {strides = array<i32>} : memref<64x128xf32, #tpu.memory_space<vmem>>, vector<16xf32>,
        %parallel_loop3A_450 = arith.addf %parallel_loop3A_436, %parallel_loop3A_438 : vector<16xf32>
        %parallel_loop3A_451 = arith.mulf %parallel_loop3A_362, %get3A_43 : vector<16xf32>
        %parallel_loop3A_452 = arith.addf %parallel_loop3A_450, %parallel_loop3A_451 : vector<16xf32>
        %parallel_loop3A_453 = arith.constant 0.000000e+00 : f32
        %parallel_loop3A_454 = vector.broadcast %parallel_loop3A_453 : f32 to vector<16xf32>
        %parallel_loop3A_455 = arith.maximumf %parallel_loop3A_452, %parallel_loop3A_454 : vector<16xf32>
        %parallel_loop3A_456 = arith.mulf %parallel_loop3A_455, %get3A_59 : vector<16xf32>
        %parallel_loop3A_457 = arith.addf %parallel_loop3A_446, %parallel_loop3A_456 : vector<16xf32>
        %parallel_loop3A_458 = arith.index_cast %parallel_loop3A_349 : i32 to index
        %parallel_loop3A_459 = arith.constant 80 : index
        %parallel_loop3A_460 = tpu.vector_load %arg27[%parallel_loop3A_458, %parallel_loop3A_459] {strides = array<i32>} : memref<64x128xf32, #tpu.memory_space<vmem>>, vector<16xf32>,
        tpu.vector_store %arg27[%parallel_loop3A_458, %parallel_loop3A_459], %parallel_loop3A_455 {strides = array<i32>} : memref<64x128xf32, #tpu.memory_space<vmem>>, vector<16xf32>,
        %parallel_loop3A_461 = arith.index_cast %parallel_loop3A_349 : i32 to index
        %parallel_loop3A_462 = arith.constant 96 : index
        %parallel_loop3A_463 = tpu.vector_load %arg22[%parallel_loop3A_461, %parallel_loop3A_462] {strides = array<i32>} : memref<64x128xbf16, #tpu.memory_space<vmem>>, vector<32xbf16>,
        %parallel_loop3A_464 = arith.index_cast %parallel_loop3A_349 : i32 to index
        %parallel_loop3A_465 = arith.constant 96 : index
        %parallel_loop3A_466 = tpu.vector_load %arg23[%parallel_loop3A_464, %parallel_loop3A_465] {strides = array<i32>} : memref<64x128xbf16, #tpu.memory_space<vmem>>, vector<32xbf16>,
        %parallel_loop3A_467 = tpu.unpack_subelements %parallel_loop3A_463, 0 {pack_format = #tpu.pack_format<interleaved>} : vector<32xbf16> -> vector<16xf32>
        %parallel_loop3A_468 = tpu.unpack_subelements %parallel_loop3A_463, 1 {pack_format = #tpu.pack_format<interleaved>} : vector<32xbf16> -> vector<16xf32>
        %parallel_loop3A_469 = tpu.unpack_subelements %parallel_loop3A_466, 0 {pack_format = #tpu.pack_format<interleaved>} : vector<32xbf16> -> vector<16xf32>
        %parallel_loop3A_470 = tpu.unpack_subelements %parallel_loop3A_466, 1 {pack_format = #tpu.pack_format<interleaved>} : vector<32xbf16> -> vector<16xf32>
        %parallel_loop3A_471 = arith.addf %parallel_loop3A_467, %parallel_loop3A_469 : vector<16xf32>
        %parallel_loop3A_472 = arith.mulf %parallel_loop3A_362, %get3A_45 : vector<16xf32>
        %parallel_loop3A_473 = arith.addf %parallel_loop3A_471, %parallel_loop3A_472 : vector<16xf32>
        %parallel_loop3A_474 = arith.constant 0.000000e+00 : f32
        %parallel_loop3A_475 = vector.broadcast %parallel_loop3A_474 : f32 to vector<16xf32>
        %parallel_loop3A_476 = arith.maximumf %parallel_loop3A_473, %parallel_loop3A_475 : vector<16xf32>
        %parallel_loop3A_477 = arith.mulf %parallel_loop3A_476, %get3A_61 : vector<16xf32>
        %parallel_loop3A_478 = arith.addf %parallel_loop3A_457, %parallel_loop3A_477 : vector<16xf32>
        %parallel_loop3A_479 = arith.index_cast %parallel_loop3A_349 : i32 to index
        %parallel_loop3A_480 = arith.constant 96 : index
        %parallel_loop3A_481 = tpu.vector_load %arg27[%parallel_loop3A_479, %parallel_loop3A_480] {strides = array<i32>} : memref<64x128xf32, #tpu.memory_space<vmem>>, vector<16xf32>,
        tpu.vector_store %arg27[%parallel_loop3A_479, %parallel_loop3A_480], %parallel_loop3A_476 {strides = array<i32>} : memref<64x128xf32, #tpu.memory_space<vmem>>, vector<16xf32>,
        %parallel_loop3A_482 = arith.addf %parallel_loop3A_468, %parallel_loop3A_470 : vector<16xf32>
        %parallel_loop3A_483 = arith.mulf %parallel_loop3A_362, %get3A_47 : vector<16xf32>
        %parallel_loop3A_484 = arith.addf %parallel_loop3A_482, %parallel_loop3A_483 : vector<16xf32>
        %parallel_loop3A_485 = arith.constant 0.000000e+00 : f32
        %parallel_loop3A_486 = vector.broadcast %parallel_loop3A_485 : f32 to vector<16xf32>
        %parallel_loop3A_487 = arith.maximumf %parallel_loop3A_484, %parallel_loop3A_486 : vector<16xf32>
        %parallel_loop3A_488 = arith.mulf %parallel_loop3A_487, %get3A_63 : vector<16xf32>
        %parallel_loop3A_489 = arith.addf %parallel_loop3A_478, %parallel_loop3A_488 : vector<16xf32>
        %parallel_loop3A_490 = arith.index_cast %parallel_loop3A_349 : i32 to index
        %parallel_loop3A_491 = arith.constant 112 : index
        %parallel_loop3A_492 = tpu.vector_load %arg27[%parallel_loop3A_490, %parallel_loop3A_491] {strides = array<i32>} : memref<64x128xf32, #tpu.memory_space<vmem>>, vector<16xf32>,
        tpu.vector_store %arg27[%parallel_loop3A_490, %parallel_loop3A_491], %parallel_loop3A_487 {strides = array<i32>} : memref<64x128xf32, #tpu.memory_space<vmem>>, vector<16xf32>,
        %parallel_loop3A_493 = arith.constant true
        %parallel_loop3A_494 = vector.broadcast %parallel_loop3A_493 : i1 to vector<16xi1>
        %parallel_loop3A_495 = tpu.scan <sum>, %parallel_loop3A_489 masked %parallel_loop3A_494 : vector<16xf32>, vector<16xi1> -> vector<16xf32>
        %parallel_loop3A_496 = arith.addf %parallel_loop3A_495, %get3A_65 : vector<16xf32>
        %parallel_loop3A_497 = arith.constant 0.000000e+00 : f32
        %parallel_loop3A_498 = vector.broadcast %parallel_loop3A_497 : f32 to vector<16xf32>
        %parallel_loop3A_499 = arith.maximumf %parallel_loop3A_496, %parallel_loop3A_498 : vector<16xf32>
        %parallel_loop3A_500 = arith.addf %parallel_loop3A_499, %parallel_loop3A_499 : vector<16xf32>
        %parallel_loop3A_501 = math.exp %parallel_loop3A_500 : vector<16xf32>
        %parallel_loop3A_502 = arith.constant 1.000000e+00 : f32
        %parallel_loop3A_503 = vector.broadcast %parallel_loop3A_502 : f32 to vector<16xf32>
        %parallel_loop3A_504 = arith.addf %parallel_loop3A_501, %parallel_loop3A_503 : vector<16xf32>
        %parallel_loop3A_505 = arith.constant 2.000000e+00 : f32
        %parallel_loop3A_506 = vector.broadcast %parallel_loop3A_505 : f32 to vector<16xf32>
        %parallel_loop3A_507 = arith.divf %parallel_loop3A_506, %parallel_loop3A_504 : vector<16xf32>
        %parallel_loop3A_508 = arith.constant 1.000000e+00 : f32
        %parallel_loop3A_509 = vector.broadcast %parallel_loop3A_508 : f32 to vector<16xf32>
        %parallel_loop3A_510 = arith.subf %parallel_loop3A_509, %parallel_loop3A_507 : vector<16xf32>
        tpu.vector_store_idx %arg33[%parallel_loop3A_350], %parallel_loop3A_510 masked %eq3A_68 : memref<64xf32, #tpu.memory_space<vmem>>[vector<16xi32>], vector<16xf32>, vector<16xi1>
        %parallel_loop3A_511 = tpu.vector_load_idx %arg33[%parallel_loop3A_350] : memref<64xf32, #tpu.memory_space<vmem>>[vector<16xi32>], vector<16xf32>,
        %parallel_loop3A_512 = arith.constant 3 : i32
        %parallel_loop3A_513 = vector.broadcast %parallel_loop3A_512 : i32 to vector<16xi32>
        %parallel_loop3A_514 = arith.cmpi slt, %iota3A, %parallel_loop3A_513 : vector<16xi32>
        %parallel_loop3A_515 = arith.mulf %parallel_loop3A_357, %parallel_loop3A_511 : vector<16xf32>
        %parallel_loop3A_516 = arith.constant 3 : i32
        %parallel_loop3A_517 = vector.broadcast %parallel_loop3A_516 : i32 to vector<16xi32>
        %parallel_loop3A_518 = arith.cmpi eq, %iota3A, %parallel_loop3A_517 : vector<16xi32>
        %parallel_loop3A_519 = arith.constant 1.000000e+00 : f32
        %parallel_loop3A_520 = arith.constant 0.000000e+00 : f32
        %parallel_loop3A_521 = vector.broadcast %parallel_loop3A_519 : f32 to vector<16xf32>
        %parallel_loop3A_522 = vector.broadcast %parallel_loop3A_520 : f32 to vector<16xf32>
        %parallel_loop3A_523 = arith.select %parallel_loop3A_518, %parallel_loop3A_521, %parallel_loop3A_522 : vector<16xi1>, vector<16xf32>
        %parallel_loop3A_524 = arith.select %parallel_loop3A_514, %parallel_loop3A_515, %parallel_loop3A_523 : vector<16xi1>, vector<16xf32>
        %parallel_loop3A_525 = arith.index_cast %parallel_loop3A_349 : i32 to index
        %parallel_loop3A_526 = arith.constant 0 : index
        %parallel_loop3A_527 = tpu.vector_load %arg29[%parallel_loop3A_525, %parallel_loop3A_526] {strides = array<i32>} : memref<64x16xf32, #tpu.memory_space<vmem>>, vector<16xf32>,
        tpu.vector_store %arg29[%parallel_loop3A_525, %parallel_loop3A_526], %parallel_loop3A_524 {strides = array<i32>} : memref<64x16xf32, #tpu.memory_space<vmem>>, vector<16xf32>,
      } {sc.loop_unroll_factor = 2 : i64, sc.parallel_access}
      %get3A_314 = arith.constant 0 : index
      %get3A_315 = tpu.vector_load %arg20[%get3A_314] {strides = array<i32>} : memref<64xi32, #tpu.memory_space<vmem>>, vector<16xi32>,
      %swap3A_316 = arith.constant 0 : index
      %swap3A_317 = tpu.vector_load %arg31[%swap3A_316] {strides = array<i32>} : memref<64xi32, #tpu.memory_space<vmem>>, vector<16xi32>,
      tpu.vector_store %arg31[%swap3A_316], %get3A_315 {strides = array<i32>} : memref<64xi32, #tpu.memory_space<vmem>>, vector<16xi32>,
      %get3A_318 = arith.constant 16 : index
      %get3A_319 = tpu.vector_load %arg20[%get3A_318] {strides = array<i32>} : memref<64xi32, #tpu.memory_space<vmem>>, vector<16xi32>,
      %swap3A_320 = arith.constant 16 : index
      %swap3A_321 = tpu.vector_load %arg31[%swap3A_320] {strides = array<i32>} : memref<64xi32, #tpu.memory_space<vmem>>, vector<16xi32>,
      tpu.vector_store %arg31[%swap3A_320], %get3A_319 {strides = array<i32>} : memref<64xi32, #tpu.memory_space<vmem>>, vector<16xi32>,
      %get3A_322 = arith.constant 32 : index
      %get3A_323 = tpu.vector_load %arg20[%get3A_322] {strides = array<i32>} : memref<64xi32, #tpu.memory_space<vmem>>, vector<16xi32>,
      %swap3A_324 = arith.constant 32 : index
      %swap3A_325 = tpu.vector_load %arg31[%swap3A_324] {strides = array<i32>} : memref<64xi32, #tpu.memory_space<vmem>>, vector<16xi32>,
      tpu.vector_store %arg31[%swap3A_324], %get3A_323 {strides = array<i32>} : memref<64xi32, #tpu.memory_space<vmem>>, vector<16xi32>,
      %get3A_326 = arith.constant 48 : index
      %get3A_327 = tpu.vector_load %arg20[%get3A_326] {strides = array<i32>} : memref<64xi32, #tpu.memory_space<vmem>>, vector<16xi32>,
      %swap3A_328 = arith.constant 48 : index
      %swap3A_329 = tpu.vector_load %arg31[%swap3A_328] {strides = array<i32>} : memref<64xi32, #tpu.memory_space<vmem>>, vector<16xi32>,
      tpu.vector_store %arg31[%swap3A_328], %get3A_327 {strides = array<i32>} : memref<64xi32, #tpu.memory_space<vmem>>, vector<16xi32>,
      %dma_start3A_330 = arith.constant 0 : i32
      %dma_start3A_331 = arith.constant 0 : i32
      %dma_start3A_332 = tpu.memref_slice %arg43[%dma_start3A_330, %dma_start3A_331] : memref<10112x128xf32, #tpu.memory_space<vmem_shared>> -> memref<10112x128xf32, #tpu.memory_space<vmem_shared>>
      tpu.enqueue_indirect_dma source(%arg27 : memref<64x128xf32, #tpu.memory_space<vmem>>) target(%dma_start3A_332 : memref<10112x128xf32, #tpu.memory_space<vmem_shared>>) offsets(%arg31 : memref<64xi32, #tpu.memory_space<vmem>>) semaphore(%arg42 : memref<!tpu.dma_semaphore, #tpu.memory_space<semaphore_mem>>) {add = true}
      %dma_start3A_333 = arith.constant 0 : i32
      %dma_start3A_334 = arith.constant 0 : i32
      %dma_start3A_335 = tpu.memref_slice %arg44[%dma_start3A_333, %dma_start3A_334] : memref<10112x16xf32, #tpu.memory_space<vmem_shared>> -> memref<10112x16xf32, #tpu.memory_space<vmem_shared>>
      tpu.enqueue_indirect_dma source(%arg29 : memref<64x16xf32, #tpu.memory_space<vmem>>) target(%dma_start3A_335 : memref<10112x16xf32, #tpu.memory_space<vmem_shared>>) offsets(%arg31 : memref<64xi32, #tpu.memory_space<vmem>>) semaphore(%arg42 : memref<!tpu.dma_semaphore, #tpu.memory_space<semaphore_mem>>) {add = true}
      %add3A_336 = arith.constant 2 : i32
      %add3A_337 = arith.addi %add3A_273, %add3A_336 : i32
      %mul3A_338 = arith.constant 64 : i32
      %mul3A_339 = arith.muli %add3A_337, %mul3A_338 : i32
      %add3A_340 = arith.addi %add3A, %mul3A_339 : i32
      %dma_start3A_341 = tpu.memref_slice %arg5[%add3A_340] : memref<327808xi32, #tpu.memory_space<hbm>> -> memref<64xi32, #tpu.memory_space<hbm>>
      %dma_start3A_342 = tpu.memref_slice %arg5[%add3A_340] : memref<327808xi32, #tpu.memory_space<hbm>> -> memref<64xi32, #tpu.memory_space<hbm>>
      tpu.enqueue_dma source(%dma_start3A_342 : memref<64xi32, #tpu.memory_space<hbm>>) target(%arg20 : memref<64xi32, #tpu.memory_space<vmem>>) target_semaphore(%arg38 : memref<!tpu.dma_semaphore, #tpu.memory_space<semaphore_mem>>)
      %mul3A_343 = arith.constant 64 : i32
      %mul3A_344 = arith.muli %add3A_337, %mul3A_343 : i32
      %add3A_345 = arith.addi %add3A, %mul3A_344 : i32
      %dma_start3A_346 = tpu.memref_slice %arg6[%add3A_345] : memref<327808xi32, #tpu.memory_space<hbm>> -> memref<64xi32, #tpu.memory_space<hbm>>
      %dma_start3A_347 = tpu.memref_slice %arg6[%add3A_345] : memref<327808xi32, #tpu.memory_space<hbm>> -> memref<64xi32, #tpu.memory_space<hbm>>
      tpu.enqueue_dma source(%dma_start3A_347 : memref<64xi32, #tpu.memory_space<hbm>>) target(%arg21 : memref<64xi32, #tpu.memory_space<vmem>>) target_semaphore(%arg38 : memref<!tpu.dma_semaphore, #tpu.memory_space<semaphore_mem>>)
      %while3A_348 = arith.constant 0 : i32
      scf.yield %while3A_348 : i32
    }
    %while3A_138 = arith.constant 1 : i32
    %while3A_139 = scf.for %while3A_195 = %while3A_135 to %while3A_131 step %while3A_138 iter_args(%while3A_196 = %while3A_137) -> (i32)  : i32 {
      %mul3A_197 = arith.constant 2 : i32
      %mul3A_198 = arith.muli %mul3A_197, %while3A_195 : i32
      %add3A_199 = arith.constant 0 : i32
      %add3A_200 = arith.addi %mul3A_198, %add3A_199 : i32
      %dma_wait3A_201 = arith.constant 0 : i32
      %dma_wait3A_202 = tpu.memref_slice %arg5[%dma_wait3A_201] : memref<327808xi32, #tpu.memory_space<hbm>> -> memref<64xi32, #tpu.memory_space<hbm>>
      %dma_wait3A_203 = arith.constant 0 : i32
      %dma_wait3A_204 = tpu.memref_slice %arg5[%dma_wait3A_203] : memref<327808xi32, #tpu.memory_space<hbm>> -> memref<64xi32, #tpu.memory_space<hbm>>
      tpu.wait_dma2 semaphore(%arg38 : memref<!tpu.dma_semaphore, #tpu.memory_space<semaphore_mem>>) src(%dma_wait3A_204 : memref<64xi32, #tpu.memory_space<hbm>>) dst(%arg20 : memref<64xi32, #tpu.memory_space<vmem>>)
      %dma_wait3A_205 = arith.constant 0 : i32
      %dma_wait3A_206 = tpu.memref_slice %arg6[%dma_wait3A_205] : memref<327808xi32, #tpu.memory_space<hbm>> -> memref<64xi32, #tpu.memory_space<hbm>>
      %dma_wait3A_207 = arith.constant 0 : i32
      %dma_wait3A_208 = tpu.memref_slice %arg6[%dma_wait3A_207] : memref<327808xi32, #tpu.memory_space<hbm>> -> memref<64xi32, #tpu.memory_space<hbm>>
      tpu.wait_dma2 semaphore(%arg38 : memref<!tpu.dma_semaphore, #tpu.memory_space<semaphore_mem>>) src(%dma_wait3A_208 : memref<64xi32, #tpu.memory_space<hbm>>) dst(%arg21 : memref<64xi32, #tpu.memory_space<vmem>>)
      %dma_start3A_209 = arith.constant 0 : i32
      %dma_start3A_210 = arith.constant 0 : i32
      %dma_start3A_211 = tpu.memref_slice %arg2[%dma_start3A_209, %dma_start3A_210] : memref<10240x128xbf16, #tpu.memory_space<hbm>> -> memref<10240x128xbf16, #tpu.memory_space<hbm>>
      tpu.enqueue_indirect_dma source(%dma_start3A_211 : memref<10240x128xbf16, #tpu.memory_space<hbm>>) target(%arg22 : memref<64x128xbf16, #tpu.memory_space<vmem>>) offsets(%arg20 : memref<64xi32, #tpu.memory_space<vmem>>) semaphore(%arg40 : memref<!tpu.dma_semaphore, #tpu.memory_space<semaphore_mem>>)
      %dma_start3A_212 = arith.constant 0 : i32
      %dma_start3A_213 = arith.constant 0 : i32
      %dma_start3A_214 = tpu.memref_slice %arg3[%dma_start3A_212, %dma_start3A_213] : memref<10240x128xbf16, #tpu.memory_space<hbm>> -> memref<10240x128xbf16, #tpu.memory_space<hbm>>
      tpu.enqueue_indirect_dma source(%dma_start3A_214 : memref<10240x128xbf16, #tpu.memory_space<hbm>>) target(%arg23 : memref<64x128xbf16, #tpu.memory_space<vmem>>) offsets(%arg21 : memref<64xi32, #tpu.memory_space<vmem>>) semaphore(%arg40 : memref<!tpu.dma_semaphore, #tpu.memory_space<semaphore_mem>>)
      %dma_start3A_215 = arith.constant 0 : i32
      %dma_start3A_216 = arith.constant 0 : i32
      %dma_start3A_217 = tpu.memref_slice %arg4[%dma_start3A_215, %dma_start3A_216] : memref<10240x16xf32, #tpu.memory_space<hbm>> -> memref<10240x16xf32, #tpu.memory_space<hbm>>
      tpu.enqueue_indirect_dma source(%dma_start3A_217 : memref<10240x16xf32, #tpu.memory_space<hbm>>) target(%arg24 : memref<64x16xf32, #tpu.memory_space<vmem>>) offsets(%arg20 : memref<64xi32, #tpu.memory_space<vmem>>) semaphore(%arg40 : memref<!tpu.dma_semaphore, #tpu.memory_space<semaphore_mem>>)
      %dma_start3A_218 = arith.constant 0 : i32
      %dma_start3A_219 = arith.constant 0 : i32
      %dma_start3A_220 = tpu.memref_slice %arg4[%dma_start3A_218, %dma_start3A_219] : memref<10240x16xf32, #tpu.memory_space<hbm>> -> memref<10240x16xf32, #tpu.memory_space<hbm>>
      tpu.enqueue_indirect_dma source(%dma_start3A_220 : memref<10240x16xf32, #tpu.memory_space<hbm>>) target(%arg25 : memref<64x16xf32, #tpu.memory_space<vmem>>) offsets(%arg21 : memref<64xi32, #tpu.memory_space<vmem>>) semaphore(%arg40 : memref<!tpu.dma_semaphore, #tpu.memory_space<semaphore_mem>>)
      %dma_wait3A_221 = arith.constant 0 : i32
      %dma_wait3A_222 = arith.constant 0 : i32
      %dma_wait3A_223 = tpu.memref_slice %arg2[%dma_wait3A_221, %dma_wait3A_222] : memref<10240x128xbf16, #tpu.memory_space<hbm>> -> memref<10240x128xbf16, #tpu.memory_space<hbm>>
      tpu.wait_indirect_dma semaphore(%arg39 : memref<!tpu.dma_semaphore, #tpu.memory_space<semaphore_mem>>) src(%dma_wait3A_223 : memref<10240x128xbf16, #tpu.memory_space<hbm>>) dst(%arg16 : memref<64x128xbf16, #tpu.memory_space<vmem>>)
      %dma_wait3A_224 = arith.constant 0 : i32
      %dma_wait3A_225 = arith.constant 0 : i32
      %dma_wait3A_226 = tpu.memref_slice %arg3[%dma_wait3A_224, %dma_wait3A_225] : memref<10240x128xbf16, #tpu.memory_space<hbm>> -> memref<10240x128xbf16, #tpu.memory_space<hbm>>
      tpu.wait_indirect_dma semaphore(%arg39 : memref<!tpu.dma_semaphore, #tpu.memory_space<semaphore_mem>>) src(%dma_wait3A_226 : memref<10240x128xbf16, #tpu.memory_space<hbm>>) dst(%arg17 : memref<64x128xbf16, #tpu.memory_space<vmem>>)
      %dma_wait3A_227 = arith.constant 0 : i32
      %dma_wait3A_228 = arith.constant 0 : i32
      %dma_wait3A_229 = tpu.memref_slice %arg4[%dma_wait3A_227, %dma_wait3A_228] : memref<10240x16xf32, #tpu.memory_space<hbm>> -> memref<10240x16xf32, #tpu.memory_space<hbm>>
      tpu.wait_indirect_dma semaphore(%arg39 : memref<!tpu.dma_semaphore, #tpu.memory_space<semaphore_mem>>) src(%dma_wait3A_229 : memref<10240x16xf32, #tpu.memory_space<hbm>>) dst(%arg18 : memref<64x16xf32, #tpu.memory_space<vmem>>)
      %dma_wait3A_230 = arith.constant 0 : i32
      %dma_wait3A_231 = arith.constant 0 : i32
      %dma_wait3A_232 = tpu.memref_slice %arg4[%dma_wait3A_230, %dma_wait3A_231] : memref<10240x16xf32, #tpu.memory_space<hbm>> -> memref<10240x16xf32, #tpu.memory_space<hbm>>
      tpu.wait_indirect_dma semaphore(%arg39 : memref<!tpu.dma_semaphore, #tpu.memory_space<semaphore_mem>>) src(%dma_wait3A_232 : memref<10240x16xf32, #tpu.memory_space<hbm>>) dst(%arg19 : memref<64x16xf32, #tpu.memory_space<vmem>>)
      %ge3A = arith.constant 1 : i32
      %ge3A_233 = arith.cmpi sge, %while3A_195, %ge3A : i32
      %convert_element_type3A = arith.extui %ge3A_233 : i1 to i32
      %cond3A = arith.constant 0 : i32
      %cond3A_234 = arith.cmpi ne, %convert_element_type3A, %cond3A : i32
      scf.if %cond3A_234 {
        %dma_wait3A_349 = arith.constant 0 : i32
        %dma_wait3A_350 = arith.constant 0 : i32
        %dma_wait3A_351 = tpu.memref_slice %arg43[%dma_wait3A_349, %dma_wait3A_350] : memref<10112x128xf32, #tpu.memory_space<vmem_shared>> -> memref<10112x128xf32, #tpu.memory_space<vmem_shared>>
        tpu.wait_indirect_dma semaphore(%arg41 : memref<!tpu.dma_semaphore, #tpu.memory_space<semaphore_mem>>) src(%arg26 : memref<64x128xf32, #tpu.memory_space<vmem>>) dst(%dma_wait3A_351 : memref<10112x128xf32, #tpu.memory_space<vmem_shared>>)
        %dma_wait3A_352 = arith.constant 0 : i32
        %dma_wait3A_353 = arith.constant 0 : i32
        %dma_wait3A_354 = tpu.memref_slice %arg44[%dma_wait3A_352, %dma_wait3A_353] : memref<10112x16xf32, #tpu.memory_space<vmem_shared>> -> memref<10112x16xf32, #tpu.memory_space<vmem_shared>>
        tpu.wait_indirect_dma semaphore(%arg41 : memref<!tpu.dma_semaphore, #tpu.memory_space<semaphore_mem>>) src(%arg28 : memref<64x16xf32, #tpu.memory_space<vmem>>) dst(%dma_wait3A_354 : memref<10112x16xf32, #tpu.memory_space<vmem_shared>>)
      } else {
      }
      %parallel_loop3A = arith.constant 0 : i32
      %parallel_loop3A_235 = arith.constant 64 : i32
      %parallel_loop3A_236 = arith.constant 1 : i32
      scf.for %parallel_loop3A_349 = %parallel_loop3A to %parallel_loop3A_235 step %parallel_loop3A_236  : i32 {
        %parallel_loop3A_350 = vector.broadcast %parallel_loop3A_349 : i32 to vector<16xi32>
        %parallel_loop3A_351 = arith.index_cast %parallel_loop3A_349 : i32 to index
        %parallel_loop3A_352 = arith.constant 0 : index
        %parallel_loop3A_353 = tpu.vector_load %arg18[%parallel_loop3A_351, %parallel_loop3A_352] {strides = array<i32>} : memref<64x16xf32, #tpu.memory_space<vmem>>, vector<16xf32>,
        %parallel_loop3A_354 = arith.index_cast %parallel_loop3A_349 : i32 to index
        %parallel_loop3A_355 = arith.constant 0 : index
        %parallel_loop3A_356 = tpu.vector_load %arg19[%parallel_loop3A_354, %parallel_loop3A_355] {strides = array<i32>} : memref<64x16xf32, #tpu.memory_space<vmem>>, vector<16xf32>,
        %parallel_loop3A_357 = arith.subf %parallel_loop3A_353, %parallel_loop3A_356 : vector<16xf32>
        %parallel_loop3A_358 = arith.mulf %parallel_loop3A_357, %parallel_loop3A_357 : vector<16xf32>
        %parallel_loop3A_359 = arith.constant true
        %parallel_loop3A_360 = vector.broadcast %parallel_loop3A_359 : i1 to vector<16xi1>
        %parallel_loop3A_361 = tpu.scan <sum>, %parallel_loop3A_358 masked %parallel_loop3A_360 : vector<16xf32>, vector<16xi1> -> vector<16xf32>
        tpu.vector_store_idx %arg32[%parallel_loop3A_350], %parallel_loop3A_361 masked %eq3A_68 : memref<64xf32, #tpu.memory_space<vmem>>[vector<16xi32>], vector<16xf32>, vector<16xi1>
        %parallel_loop3A_362 = tpu.vector_load_idx %arg32[%parallel_loop3A_350] : memref<64xf32, #tpu.memory_space<vmem>>[vector<16xi32>], vector<16xf32>,
        %parallel_loop3A_363 = arith.constant 0.000000e+00 : f32
        %parallel_loop3A_364 = vector.broadcast %parallel_loop3A_363 : f32 to vector<16xf32>
        %parallel_loop3A_365 = arith.index_cast %parallel_loop3A_349 : i32 to index
        %parallel_loop3A_366 = arith.constant 0 : index
        %parallel_loop3A_367 = tpu.vector_load %arg16[%parallel_loop3A_365, %parallel_loop3A_366] {strides = array<i32>} : memref<64x128xbf16, #tpu.memory_space<vmem>>, vector<32xbf16>,
        %parallel_loop3A_368 = arith.index_cast %parallel_loop3A_349 : i32 to index
        %parallel_loop3A_369 = arith.constant 0 : index
        %parallel_loop3A_370 = tpu.vector_load %arg17[%parallel_loop3A_368, %parallel_loop3A_369] {strides = array<i32>} : memref<64x128xbf16, #tpu.memory_space<vmem>>, vector<32xbf16>,
        %parallel_loop3A_371 = tpu.unpack_subelements %parallel_loop3A_367, 0 {pack_format = #tpu.pack_format<interleaved>} : vector<32xbf16> -> vector<16xf32>
        %parallel_loop3A_372 = tpu.unpack_subelements %parallel_loop3A_367, 1 {pack_format = #tpu.pack_format<interleaved>} : vector<32xbf16> -> vector<16xf32>
        %parallel_loop3A_373 = tpu.unpack_subelements %parallel_loop3A_370, 0 {pack_format = #tpu.pack_format<interleaved>} : vector<32xbf16> -> vector<16xf32>
        %parallel_loop3A_374 = tpu.unpack_subelements %parallel_loop3A_370, 1 {pack_format = #tpu.pack_format<interleaved>} : vector<32xbf16> -> vector<16xf32>
        %parallel_loop3A_375 = arith.addf %parallel_loop3A_371, %parallel_loop3A_373 : vector<16xf32>
        %parallel_loop3A_376 = arith.mulf %parallel_loop3A_362, %get3A_33 : vector<16xf32>
        %parallel_loop3A_377 = arith.addf %parallel_loop3A_375, %parallel_loop3A_376 : vector<16xf32>
        %parallel_loop3A_378 = arith.constant 0.000000e+00 : f32
        %parallel_loop3A_379 = vector.broadcast %parallel_loop3A_378 : f32 to vector<16xf32>
        %parallel_loop3A_380 = arith.maximumf %parallel_loop3A_377, %parallel_loop3A_379 : vector<16xf32>
        %parallel_loop3A_381 = arith.mulf %parallel_loop3A_380, %get3A_49 : vector<16xf32>
        %parallel_loop3A_382 = arith.addf %parallel_loop3A_364, %parallel_loop3A_381 : vector<16xf32>
        %parallel_loop3A_383 = arith.index_cast %parallel_loop3A_349 : i32 to index
        %parallel_loop3A_384 = arith.constant 0 : index
        %parallel_loop3A_385 = tpu.vector_load %arg26[%parallel_loop3A_383, %parallel_loop3A_384] {strides = array<i32>} : memref<64x128xf32, #tpu.memory_space<vmem>>, vector<16xf32>,
        tpu.vector_store %arg26[%parallel_loop3A_383, %parallel_loop3A_384], %parallel_loop3A_380 {strides = array<i32>} : memref<64x128xf32, #tpu.memory_space<vmem>>, vector<16xf32>,
        %parallel_loop3A_386 = arith.addf %parallel_loop3A_372, %parallel_loop3A_374 : vector<16xf32>
        %parallel_loop3A_387 = arith.mulf %parallel_loop3A_362, %get3A_35 : vector<16xf32>
        %parallel_loop3A_388 = arith.addf %parallel_loop3A_386, %parallel_loop3A_387 : vector<16xf32>
        %parallel_loop3A_389 = arith.constant 0.000000e+00 : f32
        %parallel_loop3A_390 = vector.broadcast %parallel_loop3A_389 : f32 to vector<16xf32>
        %parallel_loop3A_391 = arith.maximumf %parallel_loop3A_388, %parallel_loop3A_390 : vector<16xf32>
        %parallel_loop3A_392 = arith.mulf %parallel_loop3A_391, %get3A_51 : vector<16xf32>
        %parallel_loop3A_393 = arith.addf %parallel_loop3A_382, %parallel_loop3A_392 : vector<16xf32>
        %parallel_loop3A_394 = arith.index_cast %parallel_loop3A_349 : i32 to index
        %parallel_loop3A_395 = arith.constant 16 : index
        %parallel_loop3A_396 = tpu.vector_load %arg26[%parallel_loop3A_394, %parallel_loop3A_395] {strides = array<i32>} : memref<64x128xf32, #tpu.memory_space<vmem>>, vector<16xf32>,
        tpu.vector_store %arg26[%parallel_loop3A_394, %parallel_loop3A_395], %parallel_loop3A_391 {strides = array<i32>} : memref<64x128xf32, #tpu.memory_space<vmem>>, vector<16xf32>,
        %parallel_loop3A_397 = arith.index_cast %parallel_loop3A_349 : i32 to index
        %parallel_loop3A_398 = arith.constant 32 : index
        %parallel_loop3A_399 = tpu.vector_load %arg16[%parallel_loop3A_397, %parallel_loop3A_398] {strides = array<i32>} : memref<64x128xbf16, #tpu.memory_space<vmem>>, vector<32xbf16>,
        %parallel_loop3A_400 = arith.index_cast %parallel_loop3A_349 : i32 to index
        %parallel_loop3A_401 = arith.constant 32 : index
        %parallel_loop3A_402 = tpu.vector_load %arg17[%parallel_loop3A_400, %parallel_loop3A_401] {strides = array<i32>} : memref<64x128xbf16, #tpu.memory_space<vmem>>, vector<32xbf16>,
        %parallel_loop3A_403 = tpu.unpack_subelements %parallel_loop3A_399, 0 {pack_format = #tpu.pack_format<interleaved>} : vector<32xbf16> -> vector<16xf32>
        %parallel_loop3A_404 = tpu.unpack_subelements %parallel_loop3A_399, 1 {pack_format = #tpu.pack_format<interleaved>} : vector<32xbf16> -> vector<16xf32>
        %parallel_loop3A_405 = tpu.unpack_subelements %parallel_loop3A_402, 0 {pack_format = #tpu.pack_format<interleaved>} : vector<32xbf16> -> vector<16xf32>
        %parallel_loop3A_406 = tpu.unpack_subelements %parallel_loop3A_402, 1 {pack_format = #tpu.pack_format<interleaved>} : vector<32xbf16> -> vector<16xf32>
        %parallel_loop3A_407 = arith.addf %parallel_loop3A_403, %parallel_loop3A_405 : vector<16xf32>
        %parallel_loop3A_408 = arith.mulf %parallel_loop3A_362, %get3A_37 : vector<16xf32>
        %parallel_loop3A_409 = arith.addf %parallel_loop3A_407, %parallel_loop3A_408 : vector<16xf32>
        %parallel_loop3A_410 = arith.constant 0.000000e+00 : f32
        %parallel_loop3A_411 = vector.broadcast %parallel_loop3A_410 : f32 to vector<16xf32>
        %parallel_loop3A_412 = arith.maximumf %parallel_loop3A_409, %parallel_loop3A_411 : vector<16xf32>
        %parallel_loop3A_413 = arith.mulf %parallel_loop3A_412, %get3A_53 : vector<16xf32>
        %parallel_loop3A_414 = arith.addf %parallel_loop3A_393, %parallel_loop3A_413 : vector<16xf32>
        %parallel_loop3A_415 = arith.index_cast %parallel_loop3A_349 : i32 to index
        %parallel_loop3A_416 = arith.constant 32 : index
        %parallel_loop3A_417 = tpu.vector_load %arg26[%parallel_loop3A_415, %parallel_loop3A_416] {strides = array<i32>} : memref<64x128xf32, #tpu.memory_space<vmem>>, vector<16xf32>,
        tpu.vector_store %arg26[%parallel_loop3A_415, %parallel_loop3A_416], %parallel_loop3A_412 {strides = array<i32>} : memref<64x128xf32, #tpu.memory_space<vmem>>, vector<16xf32>,
        %parallel_loop3A_418 = arith.addf %parallel_loop3A_404, %parallel_loop3A_406 : vector<16xf32>
        %parallel_loop3A_419 = arith.mulf %parallel_loop3A_362, %get3A_39 : vector<16xf32>
        %parallel_loop3A_420 = arith.addf %parallel_loop3A_418, %parallel_loop3A_419 : vector<16xf32>
        %parallel_loop3A_421 = arith.constant 0.000000e+00 : f32
        %parallel_loop3A_422 = vector.broadcast %parallel_loop3A_421 : f32 to vector<16xf32>
        %parallel_loop3A_423 = arith.maximumf %parallel_loop3A_420, %parallel_loop3A_422 : vector<16xf32>
        %parallel_loop3A_424 = arith.mulf %parallel_loop3A_423, %get3A_55 : vector<16xf32>
        %parallel_loop3A_425 = arith.addf %parallel_loop3A_414, %parallel_loop3A_424 : vector<16xf32>
        %parallel_loop3A_426 = arith.index_cast %parallel_loop3A_349 : i32 to index
        %parallel_loop3A_427 = arith.constant 48 : index
        %parallel_loop3A_428 = tpu.vector_load %arg26[%parallel_loop3A_426, %parallel_loop3A_427] {strides = array<i32>} : memref<64x128xf32, #tpu.memory_space<vmem>>, vector<16xf32>,
        tpu.vector_store %arg26[%parallel_loop3A_426, %parallel_loop3A_427], %parallel_loop3A_423 {strides = array<i32>} : memref<64x128xf32, #tpu.memory_space<vmem>>, vector<16xf32>,
        %parallel_loop3A_429 = arith.index_cast %parallel_loop3A_349 : i32 to index
        %parallel_loop3A_430 = arith.constant 64 : index
        %parallel_loop3A_431 = tpu.vector_load %arg16[%parallel_loop3A_429, %parallel_loop3A_430] {strides = array<i32>} : memref<64x128xbf16, #tpu.memory_space<vmem>>, vector<32xbf16>,
        %parallel_loop3A_432 = arith.index_cast %parallel_loop3A_349 : i32 to index
        %parallel_loop3A_433 = arith.constant 64 : index
        %parallel_loop3A_434 = tpu.vector_load %arg17[%parallel_loop3A_432, %parallel_loop3A_433] {strides = array<i32>} : memref<64x128xbf16, #tpu.memory_space<vmem>>, vector<32xbf16>,
        %parallel_loop3A_435 = tpu.unpack_subelements %parallel_loop3A_431, 0 {pack_format = #tpu.pack_format<interleaved>} : vector<32xbf16> -> vector<16xf32>
        %parallel_loop3A_436 = tpu.unpack_subelements %parallel_loop3A_431, 1 {pack_format = #tpu.pack_format<interleaved>} : vector<32xbf16> -> vector<16xf32>
        %parallel_loop3A_437 = tpu.unpack_subelements %parallel_loop3A_434, 0 {pack_format = #tpu.pack_format<interleaved>} : vector<32xbf16> -> vector<16xf32>
        %parallel_loop3A_438 = tpu.unpack_subelements %parallel_loop3A_434, 1 {pack_format = #tpu.pack_format<interleaved>} : vector<32xbf16> -> vector<16xf32>
        %parallel_loop3A_439 = arith.addf %parallel_loop3A_435, %parallel_loop3A_437 : vector<16xf32>
        %parallel_loop3A_440 = arith.mulf %parallel_loop3A_362, %get3A_41 : vector<16xf32>
        %parallel_loop3A_441 = arith.addf %parallel_loop3A_439, %parallel_loop3A_440 : vector<16xf32>
        %parallel_loop3A_442 = arith.constant 0.000000e+00 : f32
        %parallel_loop3A_443 = vector.broadcast %parallel_loop3A_442 : f32 to vector<16xf32>
        %parallel_loop3A_444 = arith.maximumf %parallel_loop3A_441, %parallel_loop3A_443 : vector<16xf32>
        %parallel_loop3A_445 = arith.mulf %parallel_loop3A_444, %get3A_57 : vector<16xf32>
        %parallel_loop3A_446 = arith.addf %parallel_loop3A_425, %parallel_loop3A_445 : vector<16xf32>
        %parallel_loop3A_447 = arith.index_cast %parallel_loop3A_349 : i32 to index
        %parallel_loop3A_448 = arith.constant 64 : index
        %parallel_loop3A_449 = tpu.vector_load %arg26[%parallel_loop3A_447, %parallel_loop3A_448] {strides = array<i32>} : memref<64x128xf32, #tpu.memory_space<vmem>>, vector<16xf32>,
        tpu.vector_store %arg26[%parallel_loop3A_447, %parallel_loop3A_448], %parallel_loop3A_444 {strides = array<i32>} : memref<64x128xf32, #tpu.memory_space<vmem>>, vector<16xf32>,
        %parallel_loop3A_450 = arith.addf %parallel_loop3A_436, %parallel_loop3A_438 : vector<16xf32>
        %parallel_loop3A_451 = arith.mulf %parallel_loop3A_362, %get3A_43 : vector<16xf32>
        %parallel_loop3A_452 = arith.addf %parallel_loop3A_450, %parallel_loop3A_451 : vector<16xf32>
        %parallel_loop3A_453 = arith.constant 0.000000e+00 : f32
        %parallel_loop3A_454 = vector.broadcast %parallel_loop3A_453 : f32 to vector<16xf32>
        %parallel_loop3A_455 = arith.maximumf %parallel_loop3A_452, %parallel_loop3A_454 : vector<16xf32>
        %parallel_loop3A_456 = arith.mulf %parallel_loop3A_455, %get3A_59 : vector<16xf32>
        %parallel_loop3A_457 = arith.addf %parallel_loop3A_446, %parallel_loop3A_456 : vector<16xf32>
        %parallel_loop3A_458 = arith.index_cast %parallel_loop3A_349 : i32 to index
        %parallel_loop3A_459 = arith.constant 80 : index
        %parallel_loop3A_460 = tpu.vector_load %arg26[%parallel_loop3A_458, %parallel_loop3A_459] {strides = array<i32>} : memref<64x128xf32, #tpu.memory_space<vmem>>, vector<16xf32>,
        tpu.vector_store %arg26[%parallel_loop3A_458, %parallel_loop3A_459], %parallel_loop3A_455 {strides = array<i32>} : memref<64x128xf32, #tpu.memory_space<vmem>>, vector<16xf32>,
        %parallel_loop3A_461 = arith.index_cast %parallel_loop3A_349 : i32 to index
        %parallel_loop3A_462 = arith.constant 96 : index
        %parallel_loop3A_463 = tpu.vector_load %arg16[%parallel_loop3A_461, %parallel_loop3A_462] {strides = array<i32>} : memref<64x128xbf16, #tpu.memory_space<vmem>>, vector<32xbf16>,
        %parallel_loop3A_464 = arith.index_cast %parallel_loop3A_349 : i32 to index
        %parallel_loop3A_465 = arith.constant 96 : index
        %parallel_loop3A_466 = tpu.vector_load %arg17[%parallel_loop3A_464, %parallel_loop3A_465] {strides = array<i32>} : memref<64x128xbf16, #tpu.memory_space<vmem>>, vector<32xbf16>,
        %parallel_loop3A_467 = tpu.unpack_subelements %parallel_loop3A_463, 0 {pack_format = #tpu.pack_format<interleaved>} : vector<32xbf16> -> vector<16xf32>
        %parallel_loop3A_468 = tpu.unpack_subelements %parallel_loop3A_463, 1 {pack_format = #tpu.pack_format<interleaved>} : vector<32xbf16> -> vector<16xf32>
        %parallel_loop3A_469 = tpu.unpack_subelements %parallel_loop3A_466, 0 {pack_format = #tpu.pack_format<interleaved>} : vector<32xbf16> -> vector<16xf32>
        %parallel_loop3A_470 = tpu.unpack_subelements %parallel_loop3A_466, 1 {pack_format = #tpu.pack_format<interleaved>} : vector<32xbf16> -> vector<16xf32>
        %parallel_loop3A_471 = arith.addf %parallel_loop3A_467, %parallel_loop3A_469 : vector<16xf32>
        %parallel_loop3A_472 = arith.mulf %parallel_loop3A_362, %get3A_45 : vector<16xf32>
        %parallel_loop3A_473 = arith.addf %parallel_loop3A_471, %parallel_loop3A_472 : vector<16xf32>
        %parallel_loop3A_474 = arith.constant 0.000000e+00 : f32
        %parallel_loop3A_475 = vector.broadcast %parallel_loop3A_474 : f32 to vector<16xf32>
        %parallel_loop3A_476 = arith.maximumf %parallel_loop3A_473, %parallel_loop3A_475 : vector<16xf32>
        %parallel_loop3A_477 = arith.mulf %parallel_loop3A_476, %get3A_61 : vector<16xf32>
        %parallel_loop3A_478 = arith.addf %parallel_loop3A_457, %parallel_loop3A_477 : vector<16xf32>
        %parallel_loop3A_479 = arith.index_cast %parallel_loop3A_349 : i32 to index
        %parallel_loop3A_480 = arith.constant 96 : index
        %parallel_loop3A_481 = tpu.vector_load %arg26[%parallel_loop3A_479, %parallel_loop3A_480] {strides = array<i32>} : memref<64x128xf32, #tpu.memory_space<vmem>>, vector<16xf32>,
        tpu.vector_store %arg26[%parallel_loop3A_479, %parallel_loop3A_480], %parallel_loop3A_476 {strides = array<i32>} : memref<64x128xf32, #tpu.memory_space<vmem>>, vector<16xf32>,
        %parallel_loop3A_482 = arith.addf %parallel_loop3A_468, %parallel_loop3A_470 : vector<16xf32>
        %parallel_loop3A_483 = arith.mulf %parallel_loop3A_362, %get3A_47 : vector<16xf32>
        %parallel_loop3A_484 = arith.addf %parallel_loop3A_482, %parallel_loop3A_483 : vector<16xf32>
        %parallel_loop3A_485 = arith.constant 0.000000e+00 : f32
        %parallel_loop3A_486 = vector.broadcast %parallel_loop3A_485 : f32 to vector<16xf32>
        %parallel_loop3A_487 = arith.maximumf %parallel_loop3A_484, %parallel_loop3A_486 : vector<16xf32>
        %parallel_loop3A_488 = arith.mulf %parallel_loop3A_487, %get3A_63 : vector<16xf32>
        %parallel_loop3A_489 = arith.addf %parallel_loop3A_478, %parallel_loop3A_488 : vector<16xf32>
        %parallel_loop3A_490 = arith.index_cast %parallel_loop3A_349 : i32 to index
        %parallel_loop3A_491 = arith.constant 112 : index
        %parallel_loop3A_492 = tpu.vector_load %arg26[%parallel_loop3A_490, %parallel_loop3A_491] {strides = array<i32>} : memref<64x128xf32, #tpu.memory_space<vmem>>, vector<16xf32>,
        tpu.vector_store %arg26[%parallel_loop3A_490, %parallel_loop3A_491], %parallel_loop3A_487 {strides = array<i32>} : memref<64x128xf32, #tpu.memory_space<vmem>>, vector<16xf32>,
        %parallel_loop3A_493 = arith.constant true
        %parallel_loop3A_494 = vector.broadcast %parallel_loop3A_493 : i1 to vector<16xi1>
        %parallel_loop3A_495 = tpu.scan <sum>, %parallel_loop3A_489 masked %parallel_loop3A_494 : vector<16xf32>, vector<16xi1> -> vector<16xf32>
        %parallel_loop3A_496 = arith.addf %parallel_loop3A_495, %get3A_65 : vector<16xf32>
        %parallel_loop3A_497 = arith.constant 0.000000e+00 : f32
        %parallel_loop3A_498 = vector.broadcast %parallel_loop3A_497 : f32 to vector<16xf32>
        %parallel_loop3A_499 = arith.maximumf %parallel_loop3A_496, %parallel_loop3A_498 : vector<16xf32>
        %parallel_loop3A_500 = arith.addf %parallel_loop3A_499, %parallel_loop3A_499 : vector<16xf32>
        %parallel_loop3A_501 = math.exp %parallel_loop3A_500 : vector<16xf32>
        %parallel_loop3A_502 = arith.constant 1.000000e+00 : f32
        %parallel_loop3A_503 = vector.broadcast %parallel_loop3A_502 : f32 to vector<16xf32>
        %parallel_loop3A_504 = arith.addf %parallel_loop3A_501, %parallel_loop3A_503 : vector<16xf32>
        %parallel_loop3A_505 = arith.constant 2.000000e+00 : f32
        %parallel_loop3A_506 = vector.broadcast %parallel_loop3A_505 : f32 to vector<16xf32>
        %parallel_loop3A_507 = arith.divf %parallel_loop3A_506, %parallel_loop3A_504 : vector<16xf32>
        %parallel_loop3A_508 = arith.constant 1.000000e+00 : f32
        %parallel_loop3A_509 = vector.broadcast %parallel_loop3A_508 : f32 to vector<16xf32>
        %parallel_loop3A_510 = arith.subf %parallel_loop3A_509, %parallel_loop3A_507 : vector<16xf32>
        tpu.vector_store_idx %arg33[%parallel_loop3A_350], %parallel_loop3A_510 masked %eq3A_68 : memref<64xf32, #tpu.memory_space<vmem>>[vector<16xi32>], vector<16xf32>, vector<16xi1>
        %parallel_loop3A_511 = tpu.vector_load_idx %arg33[%parallel_loop3A_350] : memref<64xf32, #tpu.memory_space<vmem>>[vector<16xi32>], vector<16xf32>,
        %parallel_loop3A_512 = arith.constant 3 : i32
        %parallel_loop3A_513 = vector.broadcast %parallel_loop3A_512 : i32 to vector<16xi32>
        %parallel_loop3A_514 = arith.cmpi slt, %iota3A, %parallel_loop3A_513 : vector<16xi32>
        %parallel_loop3A_515 = arith.mulf %parallel_loop3A_357, %parallel_loop3A_511 : vector<16xf32>
        %parallel_loop3A_516 = arith.constant 3 : i32
        %parallel_loop3A_517 = vector.broadcast %parallel_loop3A_516 : i32 to vector<16xi32>
        %parallel_loop3A_518 = arith.cmpi eq, %iota3A, %parallel_loop3A_517 : vector<16xi32>
        %parallel_loop3A_519 = arith.constant 1.000000e+00 : f32
        %parallel_loop3A_520 = arith.constant 0.000000e+00 : f32
        %parallel_loop3A_521 = vector.broadcast %parallel_loop3A_519 : f32 to vector<16xf32>
        %parallel_loop3A_522 = vector.broadcast %parallel_loop3A_520 : f32 to vector<16xf32>
        %parallel_loop3A_523 = arith.select %parallel_loop3A_518, %parallel_loop3A_521, %parallel_loop3A_522 : vector<16xi1>, vector<16xf32>
        %parallel_loop3A_524 = arith.select %parallel_loop3A_514, %parallel_loop3A_515, %parallel_loop3A_523 : vector<16xi1>, vector<16xf32>
        %parallel_loop3A_525 = arith.index_cast %parallel_loop3A_349 : i32 to index
        %parallel_loop3A_526 = arith.constant 0 : index
        %parallel_loop3A_527 = tpu.vector_load %arg28[%parallel_loop3A_525, %parallel_loop3A_526] {strides = array<i32>} : memref<64x16xf32, #tpu.memory_space<vmem>>, vector<16xf32>,
        tpu.vector_store %arg28[%parallel_loop3A_525, %parallel_loop3A_526], %parallel_loop3A_524 {strides = array<i32>} : memref<64x16xf32, #tpu.memory_space<vmem>>, vector<16xf32>,
      } {sc.loop_unroll_factor = 2 : i64, sc.parallel_access}
      %get3A_237 = arith.constant 0 : index
      %get3A_238 = tpu.vector_load %arg14[%get3A_237] {strides = array<i32>} : memref<64xi32, #tpu.memory_space<vmem>>, vector<16xi32>,
      %swap3A = arith.constant 0 : index
      %swap3A_239 = tpu.vector_load %arg30[%swap3A] {strides = array<i32>} : memref<64xi32, #tpu.memory_space<vmem>>, vector<16xi32>,
      tpu.vector_store %arg30[%swap3A], %get3A_238 {strides = array<i32>} : memref<64xi32, #tpu.memory_space<vmem>>, vector<16xi32>,
      %get3A_240 = arith.constant 16 : index
      %get3A_241 = tpu.vector_load %arg14[%get3A_240] {strides = array<i32>} : memref<64xi32, #tpu.memory_space<vmem>>, vector<16xi32>,
      %swap3A_242 = arith.constant 16 : index
      %swap3A_243 = tpu.vector_load %arg30[%swap3A_242] {strides = array<i32>} : memref<64xi32, #tpu.memory_space<vmem>>, vector<16xi32>,
      tpu.vector_store %arg30[%swap3A_242], %get3A_241 {strides = array<i32>} : memref<64xi32, #tpu.memory_space<vmem>>, vector<16xi32>,
      %get3A_244 = arith.constant 32 : index
      %get3A_245 = tpu.vector_load %arg14[%get3A_244] {strides = array<i32>} : memref<64xi32, #tpu.memory_space<vmem>>, vector<16xi32>,
      %swap3A_246 = arith.constant 32 : index
      %swap3A_247 = tpu.vector_load %arg30[%swap3A_246] {strides = array<i32>} : memref<64xi32, #tpu.memory_space<vmem>>, vector<16xi32>,
      tpu.vector_store %arg30[%swap3A_246], %get3A_245 {strides = array<i32>} : memref<64xi32, #tpu.memory_space<vmem>>, vector<16xi32>,
      %get3A_248 = arith.constant 48 : index
      %get3A_249 = tpu.vector_load %arg14[%get3A_248] {strides = array<i32>} : memref<64xi32, #tpu.memory_space<vmem>>, vector<16xi32>,
      %swap3A_250 = arith.constant 48 : index
      %swap3A_251 = tpu.vector_load %arg30[%swap3A_250] {strides = array<i32>} : memref<64xi32, #tpu.memory_space<vmem>>, vector<16xi32>,
      tpu.vector_store %arg30[%swap3A_250], %get3A_249 {strides = array<i32>} : memref<64xi32, #tpu.memory_space<vmem>>, vector<16xi32>,
      %dma_start3A_252 = arith.constant 0 : i32
      %dma_start3A_253 = arith.constant 0 : i32
      %dma_start3A_254 = tpu.memref_slice %arg43[%dma_start3A_252, %dma_start3A_253] : memref<10112x128xf32, #tpu.memory_space<vmem_shared>> -> memref<10112x128xf32, #tpu.memory_space<vmem_shared>>
      tpu.enqueue_indirect_dma source(%arg26 : memref<64x128xf32, #tpu.memory_space<vmem>>) target(%dma_start3A_254 : memref<10112x128xf32, #tpu.memory_space<vmem_shared>>) offsets(%arg30 : memref<64xi32, #tpu.memory_space<vmem>>) semaphore(%arg41 : memref<!tpu.dma_semaphore, #tpu.memory_space<semaphore_mem>>) {add = true}
      %dma_start3A_255 = arith.constant 0 : i32
      %dma_start3A_256 = arith.constant 0 : i32
      %dma_start3A_257 = tpu.memref_slice %arg44[%dma_start3A_255, %dma_start3A_256] : memref<10112x16xf32, #tpu.memory_space<vmem_shared>> -> memref<10112x16xf32, #tpu.memory_space<vmem_shared>>
      tpu.enqueue_indirect_dma source(%arg28 : memref<64x16xf32, #tpu.memory_space<vmem>>) target(%dma_start3A_257 : memref<10112x16xf32, #tpu.memory_space<vmem_shared>>) offsets(%arg30 : memref<64xi32, #tpu.memory_space<vmem>>) semaphore(%arg41 : memref<!tpu.dma_semaphore, #tpu.memory_space<semaphore_mem>>) {add = true}
      %add3A_258 = arith.constant 2 : i32
      %add3A_259 = arith.addi %add3A_200, %add3A_258 : i32
      %mul3A_260 = arith.constant 64 : i32
      %mul3A_261 = arith.muli %add3A_259, %mul3A_260 : i32
      %add3A_262 = arith.addi %add3A, %mul3A_261 : i32
      %dma_start3A_263 = tpu.memref_slice %arg5[%add3A_262] : memref<327808xi32, #tpu.memory_space<hbm>> -> memref<64xi32, #tpu.memory_space<hbm>>
      %dma_start3A_264 = tpu.memref_slice %arg5[%add3A_262] : memref<327808xi32, #tpu.memory_space<hbm>> -> memref<64xi32, #tpu.memory_space<hbm>>
      tpu.enqueue_dma source(%dma_start3A_264 : memref<64xi32, #tpu.memory_space<hbm>>) target(%arg14 : memref<64xi32, #tpu.memory_space<vmem>>) target_semaphore(%arg37 : memref<!tpu.dma_semaphore, #tpu.memory_space<semaphore_mem>>)
      %mul3A_265 = arith.constant 64 : i32
      %mul3A_266 = arith.muli %add3A_259, %mul3A_265 : i32
      %add3A_267 = arith.addi %add3A, %mul3A_266 : i32
      %dma_start3A_268 = tpu.memref_slice %arg6[%add3A_267] : memref<327808xi32, #tpu.memory_space<hbm>> -> memref<64xi32, #tpu.memory_space<hbm>>
      %dma_start3A_269 = tpu.memref_slice %arg6[%add3A_267] : memref<327808xi32, #tpu.memory_space<hbm>> -> memref<64xi32, #tpu.memory_space<hbm>>
      tpu.enqueue_dma source(%dma_start3A_269 : memref<64xi32, #tpu.memory_space<hbm>>) target(%arg15 : memref<64xi32, #tpu.memory_space<vmem>>) target_semaphore(%arg37 : memref<!tpu.dma_semaphore, #tpu.memory_space<semaphore_mem>>)
      %mul3A_270 = arith.constant 2 : i32
      %mul3A_271 = arith.muli %mul3A_270, %while3A_195 : i32
      %add3A_272 = arith.constant 1 : i32
      %add3A_273 = arith.addi %mul3A_271, %add3A_272 : i32
      %dma_wait3A_274 = arith.constant 0 : i32
      %dma_wait3A_275 = tpu.memref_slice %arg5[%dma_wait3A_274] : memref<327808xi32, #tpu.memory_space<hbm>> -> memref<64xi32, #tpu.memory_space<hbm>>
      %dma_wait3A_276 = arith.constant 0 : i32
      %dma_wait3A_277 = tpu.memref_slice %arg5[%dma_wait3A_276] : memref<327808xi32, #tpu.memory_space<hbm>> -> memref<64xi32, #tpu.memory_space<hbm>>
      tpu.wait_dma2 semaphore(%arg37 : memref<!tpu.dma_semaphore, #tpu.memory_space<semaphore_mem>>) src(%dma_wait3A_277 : memref<64xi32, #tpu.memory_space<hbm>>) dst(%arg14 : memref<64xi32, #tpu.memory_space<vmem>>)
      %dma_wait3A_278 = arith.constant 0 : i32
      %dma_wait3A_279 = tpu.memref_slice %arg6[%dma_wait3A_278] : memref<327808xi32, #tpu.memory_space<hbm>> -> memref<64xi32, #tpu.memory_space<hbm>>
      %dma_wait3A_280 = arith.constant 0 : i32
      %dma_wait3A_281 = tpu.memref_slice %arg6[%dma_wait3A_280] : memref<327808xi32, #tpu.memory_space<hbm>> -> memref<64xi32, #tpu.memory_space<hbm>>
      tpu.wait_dma2 semaphore(%arg37 : memref<!tpu.dma_semaphore, #tpu.memory_space<semaphore_mem>>) src(%dma_wait3A_281 : memref<64xi32, #tpu.memory_space<hbm>>) dst(%arg15 : memref<64xi32, #tpu.memory_space<vmem>>)
      %dma_start3A_282 = arith.constant 0 : i32
      %dma_start3A_283 = arith.constant 0 : i32
      %dma_start3A_284 = tpu.memref_slice %arg2[%dma_start3A_282, %dma_start3A_283] : memref<10240x128xbf16, #tpu.memory_space<hbm>> -> memref<10240x128xbf16, #tpu.memory_space<hbm>>
      tpu.enqueue_indirect_dma source(%dma_start3A_284 : memref<10240x128xbf16, #tpu.memory_space<hbm>>) target(%arg16 : memref<64x128xbf16, #tpu.memory_space<vmem>>) offsets(%arg14 : memref<64xi32, #tpu.memory_space<vmem>>) semaphore(%arg39 : memref<!tpu.dma_semaphore, #tpu.memory_space<semaphore_mem>>)
      %dma_start3A_285 = arith.constant 0 : i32
      %dma_start3A_286 = arith.constant 0 : i32
      %dma_start3A_287 = tpu.memref_slice %arg3[%dma_start3A_285, %dma_start3A_286] : memref<10240x128xbf16, #tpu.memory_space<hbm>> -> memref<10240x128xbf16, #tpu.memory_space<hbm>>
      tpu.enqueue_indirect_dma source(%dma_start3A_287 : memref<10240x128xbf16, #tpu.memory_space<hbm>>) target(%arg17 : memref<64x128xbf16, #tpu.memory_space<vmem>>) offsets(%arg15 : memref<64xi32, #tpu.memory_space<vmem>>) semaphore(%arg39 : memref<!tpu.dma_semaphore, #tpu.memory_space<semaphore_mem>>)
      %dma_start3A_288 = arith.constant 0 : i32
      %dma_start3A_289 = arith.constant 0 : i32
      %dma_start3A_290 = tpu.memref_slice %arg4[%dma_start3A_288, %dma_start3A_289] : memref<10240x16xf32, #tpu.memory_space<hbm>> -> memref<10240x16xf32, #tpu.memory_space<hbm>>
      tpu.enqueue_indirect_dma source(%dma_start3A_290 : memref<10240x16xf32, #tpu.memory_space<hbm>>) target(%arg18 : memref<64x16xf32, #tpu.memory_space<vmem>>) offsets(%arg14 : memref<64xi32, #tpu.memory_space<vmem>>) semaphore(%arg39 : memref<!tpu.dma_semaphore, #tpu.memory_space<semaphore_mem>>)
      %dma_start3A_291 = arith.constant 0 : i32
      %dma_start3A_292 = arith.constant 0 : i32
      %dma_start3A_293 = tpu.memref_slice %arg4[%dma_start3A_291, %dma_start3A_292] : memref<10240x16xf32, #tpu.memory_space<hbm>> -> memref<10240x16xf32, #tpu.memory_space<hbm>>
      tpu.enqueue_indirect_dma source(%dma_start3A_293 : memref<10240x16xf32, #tpu.memory_space<hbm>>) target(%arg19 : memref<64x16xf32, #tpu.memory_space<vmem>>) offsets(%arg15 : memref<64xi32, #tpu.memory_space<vmem>>) semaphore(%arg39 : memref<!tpu.dma_semaphore, #tpu.memory_space<semaphore_mem>>)
      %dma_wait3A_294 = arith.constant 0 : i32
      %dma_wait3A_295 = arith.constant 0 : i32
      %dma_wait3A_296 = tpu.memref_slice %arg2[%dma_wait3A_294, %dma_wait3A_295] : memref<10240x128xbf16, #tpu.memory_space<hbm>> -> memref<10240x128xbf16, #tpu.memory_space<hbm>>
      tpu.wait_indirect_dma semaphore(%arg40 : memref<!tpu.dma_semaphore, #tpu.memory_space<semaphore_mem>>) src(%dma_wait3A_296 : memref<10240x128xbf16, #tpu.memory_space<hbm>>) dst(%arg22 : memref<64x128xbf16, #tpu.memory_space<vmem>>)
      %dma_wait3A_297 = arith.constant 0 : i32
      %dma_wait3A_298 = arith.constant 0 : i32
      %dma_wait3A_299 = tpu.memref_slice %arg3[%dma_wait3A_297, %dma_wait3A_298] : memref<10240x128xbf16, #tpu.memory_space<hbm>> -> memref<10240x128xbf16, #tpu.memory_space<hbm>>
      tpu.wait_indirect_dma semaphore(%arg40 : memref<!tpu.dma_semaphore, #tpu.memory_space<semaphore_mem>>) src(%dma_wait3A_299 : memref<10240x128xbf16, #tpu.memory_space<hbm>>) dst(%arg23 : memref<64x128xbf16, #tpu.memory_space<vmem>>)
      %dma_wait3A_300 = arith.constant 0 : i32
      %dma_wait3A_301 = arith.constant 0 : i32
      %dma_wait3A_302 = tpu.memref_slice %arg4[%dma_wait3A_300, %dma_wait3A_301] : memref<10240x16xf32, #tpu.memory_space<hbm>> -> memref<10240x16xf32, #tpu.memory_space<hbm>>
      tpu.wait_indirect_dma semaphore(%arg40 : memref<!tpu.dma_semaphore, #tpu.memory_space<semaphore_mem>>) src(%dma_wait3A_302 : memref<10240x16xf32, #tpu.memory_space<hbm>>) dst(%arg24 : memref<64x16xf32, #tpu.memory_space<vmem>>)
      %dma_wait3A_303 = arith.constant 0 : i32
      %dma_wait3A_304 = arith.constant 0 : i32
      %dma_wait3A_305 = tpu.memref_slice %arg4[%dma_wait3A_303, %dma_wait3A_304] : memref<10240x16xf32, #tpu.memory_space<hbm>> -> memref<10240x16xf32, #tpu.memory_space<hbm>>
      tpu.wait_indirect_dma semaphore(%arg40 : memref<!tpu.dma_semaphore, #tpu.memory_space<semaphore_mem>>) src(%dma_wait3A_305 : memref<10240x16xf32, #tpu.memory_space<hbm>>) dst(%arg25 : memref<64x16xf32, #tpu.memory_space<vmem>>)
      %ge3A_306 = arith.constant 1 : i32
      %ge3A_307 = arith.cmpi sge, %while3A_195, %ge3A_306 : i32
      %convert_element_type3A_308 = arith.extui %ge3A_307 : i1 to i32
      %cond3A_309 = arith.constant 0 : i32
      %cond3A_310 = arith.cmpi ne, %convert_element_type3A_308, %cond3A_309 : i32
      scf.if %cond3A_310 {
        %dma_wait3A_349 = arith.constant 0 : i32
        %dma_wait3A_350 = arith.constant 0 : i32
        %dma_wait3A_351 = tpu.memref_slice %arg43[%dma_wait3A_349, %dma_wait3A_350] : memref<10112x128xf32, #tpu.memory_space<vmem_shared>> -> memref<10112x128xf32, #tpu.memory_space<vmem_shared>>
        tpu.wait_indirect_dma semaphore(%arg42 : memref<!tpu.dma_semaphore, #tpu.memory_space<semaphore_mem>>) src(%arg27 : memref<64x128xf32, #tpu.memory_space<vmem>>) dst(%dma_wait3A_351 : memref<10112x128xf32, #tpu.memory_space<vmem_shared>>)
        %dma_wait3A_352 = arith.constant 0 : i32
        %dma_wait3A_353 = arith.constant 0 : i32
        %dma_wait3A_354 = tpu.memref_slice %arg44[%dma_wait3A_352, %dma_wait3A_353] : memref<10112x16xf32, #tpu.memory_space<vmem_shared>> -> memref<10112x16xf32, #tpu.memory_space<vmem_shared>>
        tpu.wait_indirect_dma semaphore(%arg42 : memref<!tpu.dma_semaphore, #tpu.memory_space<semaphore_mem>>) src(%arg29 : memref<64x16xf32, #tpu.memory_space<vmem>>) dst(%dma_wait3A_354 : memref<10112x16xf32, #tpu.memory_space<vmem_shared>>)
      } else {
      }
      %parallel_loop3A_311 = arith.constant 0 : i32
      %parallel_loop3A_312 = arith.constant 64 : i32
      %parallel_loop3A_313 = arith.constant 1 : i32
      scf.for %parallel_loop3A_349 = %parallel_loop3A_311 to %parallel_loop3A_312 step %parallel_loop3A_313  : i32 {
        %parallel_loop3A_350 = vector.broadcast %parallel_loop3A_349 : i32 to vector<16xi32>
        %parallel_loop3A_351 = arith.index_cast %parallel_loop3A_349 : i32 to index
        %parallel_loop3A_352 = arith.constant 0 : index
        %parallel_loop3A_353 = tpu.vector_load %arg24[%parallel_loop3A_351, %parallel_loop3A_352] {strides = array<i32>} : memref<64x16xf32, #tpu.memory_space<vmem>>, vector<16xf32>,
        %parallel_loop3A_354 = arith.index_cast %parallel_loop3A_349 : i32 to index
        %parallel_loop3A_355 = arith.constant 0 : index
        %parallel_loop3A_356 = tpu.vector_load %arg25[%parallel_loop3A_354, %parallel_loop3A_355] {strides = array<i32>} : memref<64x16xf32, #tpu.memory_space<vmem>>, vector<16xf32>,
        %parallel_loop3A_357 = arith.subf %parallel_loop3A_353, %parallel_loop3A_356 : vector<16xf32>
        %parallel_loop3A_358 = arith.mulf %parallel_loop3A_357, %parallel_loop3A_357 : vector<16xf32>
        %parallel_loop3A_359 = arith.constant true
        %parallel_loop3A_360 = vector.broadcast %parallel_loop3A_359 : i1 to vector<16xi1>
        %parallel_loop3A_361 = tpu.scan <sum>, %parallel_loop3A_358 masked %parallel_loop3A_360 : vector<16xf32>, vector<16xi1> -> vector<16xf32>
        tpu.vector_store_idx %arg32[%parallel_loop3A_350], %parallel_loop3A_361 masked %eq3A_68 : memref<64xf32, #tpu.memory_space<vmem>>[vector<16xi32>], vector<16xf32>, vector<16xi1>
        %parallel_loop3A_362 = tpu.vector_load_idx %arg32[%parallel_loop3A_350] : memref<64xf32, #tpu.memory_space<vmem>>[vector<16xi32>], vector<16xf32>,
        %parallel_loop3A_363 = arith.constant 0.000000e+00 : f32
        %parallel_loop3A_364 = vector.broadcast %parallel_loop3A_363 : f32 to vector<16xf32>
        %parallel_loop3A_365 = arith.index_cast %parallel_loop3A_349 : i32 to index
        %parallel_loop3A_366 = arith.constant 0 : index
        %parallel_loop3A_367 = tpu.vector_load %arg22[%parallel_loop3A_365, %parallel_loop3A_366] {strides = array<i32>} : memref<64x128xbf16, #tpu.memory_space<vmem>>, vector<32xbf16>,
        %parallel_loop3A_368 = arith.index_cast %parallel_loop3A_349 : i32 to index
        %parallel_loop3A_369 = arith.constant 0 : index
        %parallel_loop3A_370 = tpu.vector_load %arg23[%parallel_loop3A_368, %parallel_loop3A_369] {strides = array<i32>} : memref<64x128xbf16, #tpu.memory_space<vmem>>, vector<32xbf16>,
        %parallel_loop3A_371 = tpu.unpack_subelements %parallel_loop3A_367, 0 {pack_format = #tpu.pack_format<interleaved>} : vector<32xbf16> -> vector<16xf32>
        %parallel_loop3A_372 = tpu.unpack_subelements %parallel_loop3A_367, 1 {pack_format = #tpu.pack_format<interleaved>} : vector<32xbf16> -> vector<16xf32>
        %parallel_loop3A_373 = tpu.unpack_subelements %parallel_loop3A_370, 0 {pack_format = #tpu.pack_format<interleaved>} : vector<32xbf16> -> vector<16xf32>
        %parallel_loop3A_374 = tpu.unpack_subelements %parallel_loop3A_370, 1 {pack_format = #tpu.pack_format<interleaved>} : vector<32xbf16> -> vector<16xf32>
        %parallel_loop3A_375 = arith.addf %parallel_loop3A_371, %parallel_loop3A_373 : vector<16xf32>
        %parallel_loop3A_376 = arith.mulf %parallel_loop3A_362, %get3A_33 : vector<16xf32>
        %parallel_loop3A_377 = arith.addf %parallel_loop3A_375, %parallel_loop3A_376 : vector<16xf32>
        %parallel_loop3A_378 = arith.constant 0.000000e+00 : f32
        %parallel_loop3A_379 = vector.broadcast %parallel_loop3A_378 : f32 to vector<16xf32>
        %parallel_loop3A_380 = arith.maximumf %parallel_loop3A_377, %parallel_loop3A_379 : vector<16xf32>
        %parallel_loop3A_381 = arith.mulf %parallel_loop3A_380, %get3A_49 : vector<16xf32>
        %parallel_loop3A_382 = arith.addf %parallel_loop3A_364, %parallel_loop3A_381 : vector<16xf32>
        %parallel_loop3A_383 = arith.index_cast %parallel_loop3A_349 : i32 to index
        %parallel_loop3A_384 = arith.constant 0 : index
        %parallel_loop3A_385 = tpu.vector_load %arg27[%parallel_loop3A_383, %parallel_loop3A_384] {strides = array<i32>} : memref<64x128xf32, #tpu.memory_space<vmem>>, vector<16xf32>,
        tpu.vector_store %arg27[%parallel_loop3A_383, %parallel_loop3A_384], %parallel_loop3A_380 {strides = array<i32>} : memref<64x128xf32, #tpu.memory_space<vmem>>, vector<16xf32>,
        %parallel_loop3A_386 = arith.addf %parallel_loop3A_372, %parallel_loop3A_374 : vector<16xf32>
        %parallel_loop3A_387 = arith.mulf %parallel_loop3A_362, %get3A_35 : vector<16xf32>
        %parallel_loop3A_388 = arith.addf %parallel_loop3A_386, %parallel_loop3A_387 : vector<16xf32>
        %parallel_loop3A_389 = arith.constant 0.000000e+00 : f32
        %parallel_loop3A_390 = vector.broadcast %parallel_loop3A_389 : f32 to vector<16xf32>
        %parallel_loop3A_391 = arith.maximumf %parallel_loop3A_388, %parallel_loop3A_390 : vector<16xf32>
        %parallel_loop3A_392 = arith.mulf %parallel_loop3A_391, %get3A_51 : vector<16xf32>
        %parallel_loop3A_393 = arith.addf %parallel_loop3A_382, %parallel_loop3A_392 : vector<16xf32>
        %parallel_loop3A_394 = arith.index_cast %parallel_loop3A_349 : i32 to index
        %parallel_loop3A_395 = arith.constant 16 : index
        %parallel_loop3A_396 = tpu.vector_load %arg27[%parallel_loop3A_394, %parallel_loop3A_395] {strides = array<i32>} : memref<64x128xf32, #tpu.memory_space<vmem>>, vector<16xf32>,
        tpu.vector_store %arg27[%parallel_loop3A_394, %parallel_loop3A_395], %parallel_loop3A_391 {strides = array<i32>} : memref<64x128xf32, #tpu.memory_space<vmem>>, vector<16xf32>,
        %parallel_loop3A_397 = arith.index_cast %parallel_loop3A_349 : i32 to index
        %parallel_loop3A_398 = arith.constant 32 : index
        %parallel_loop3A_399 = tpu.vector_load %arg22[%parallel_loop3A_397, %parallel_loop3A_398] {strides = array<i32>} : memref<64x128xbf16, #tpu.memory_space<vmem>>, vector<32xbf16>,
        %parallel_loop3A_400 = arith.index_cast %parallel_loop3A_349 : i32 to index
        %parallel_loop3A_401 = arith.constant 32 : index
        %parallel_loop3A_402 = tpu.vector_load %arg23[%parallel_loop3A_400, %parallel_loop3A_401] {strides = array<i32>} : memref<64x128xbf16, #tpu.memory_space<vmem>>, vector<32xbf16>,
        %parallel_loop3A_403 = tpu.unpack_subelements %parallel_loop3A_399, 0 {pack_format = #tpu.pack_format<interleaved>} : vector<32xbf16> -> vector<16xf32>
        %parallel_loop3A_404 = tpu.unpack_subelements %parallel_loop3A_399, 1 {pack_format = #tpu.pack_format<interleaved>} : vector<32xbf16> -> vector<16xf32>
        %parallel_loop3A_405 = tpu.unpack_subelements %parallel_loop3A_402, 0 {pack_format = #tpu.pack_format<interleaved>} : vector<32xbf16> -> vector<16xf32>
        %parallel_loop3A_406 = tpu.unpack_subelements %parallel_loop3A_402, 1 {pack_format = #tpu.pack_format<interleaved>} : vector<32xbf16> -> vector<16xf32>
        %parallel_loop3A_407 = arith.addf %parallel_loop3A_403, %parallel_loop3A_405 : vector<16xf32>
        %parallel_loop3A_408 = arith.mulf %parallel_loop3A_362, %get3A_37 : vector<16xf32>
        %parallel_loop3A_409 = arith.addf %parallel_loop3A_407, %parallel_loop3A_408 : vector<16xf32>
        %parallel_loop3A_410 = arith.constant 0.000000e+00 : f32
        %parallel_loop3A_411 = vector.broadcast %parallel_loop3A_410 : f32 to vector<16xf32>
        %parallel_loop3A_412 = arith.maximumf %parallel_loop3A_409, %parallel_loop3A_411 : vector<16xf32>
        %parallel_loop3A_413 = arith.mulf %parallel_loop3A_412, %get3A_53 : vector<16xf32>
        %parallel_loop3A_414 = arith.addf %parallel_loop3A_393, %parallel_loop3A_413 : vector<16xf32>
        %parallel_loop3A_415 = arith.index_cast %parallel_loop3A_349 : i32 to index
        %parallel_loop3A_416 = arith.constant 32 : index
        %parallel_loop3A_417 = tpu.vector_load %arg27[%parallel_loop3A_415, %parallel_loop3A_416] {strides = array<i32>} : memref<64x128xf32, #tpu.memory_space<vmem>>, vector<16xf32>,
        tpu.vector_store %arg27[%parallel_loop3A_415, %parallel_loop3A_416], %parallel_loop3A_412 {strides = array<i32>} : memref<64x128xf32, #tpu.memory_space<vmem>>, vector<16xf32>,
        %parallel_loop3A_418 = arith.addf %parallel_loop3A_404, %parallel_loop3A_406 : vector<16xf32>
        %parallel_loop3A_419 = arith.mulf %parallel_loop3A_362, %get3A_39 : vector<16xf32>
        %parallel_loop3A_420 = arith.addf %parallel_loop3A_418, %parallel_loop3A_419 : vector<16xf32>
        %parallel_loop3A_421 = arith.constant 0.000000e+00 : f32
        %parallel_loop3A_422 = vector.broadcast %parallel_loop3A_421 : f32 to vector<16xf32>
        %parallel_loop3A_423 = arith.maximumf %parallel_loop3A_420, %parallel_loop3A_422 : vector<16xf32>
        %parallel_loop3A_424 = arith.mulf %parallel_loop3A_423, %get3A_55 : vector<16xf32>
        %parallel_loop3A_425 = arith.addf %parallel_loop3A_414, %parallel_loop3A_424 : vector<16xf32>
        %parallel_loop3A_426 = arith.index_cast %parallel_loop3A_349 : i32 to index
        %parallel_loop3A_427 = arith.constant 48 : index
        %parallel_loop3A_428 = tpu.vector_load %arg27[%parallel_loop3A_426, %parallel_loop3A_427] {strides = array<i32>} : memref<64x128xf32, #tpu.memory_space<vmem>>, vector<16xf32>,
        tpu.vector_store %arg27[%parallel_loop3A_426, %parallel_loop3A_427], %parallel_loop3A_423 {strides = array<i32>} : memref<64x128xf32, #tpu.memory_space<vmem>>, vector<16xf32>,
        %parallel_loop3A_429 = arith.index_cast %parallel_loop3A_349 : i32 to index
        %parallel_loop3A_430 = arith.constant 64 : index
        %parallel_loop3A_431 = tpu.vector_load %arg22[%parallel_loop3A_429, %parallel_loop3A_430] {strides = array<i32>} : memref<64x128xbf16, #tpu.memory_space<vmem>>, vector<32xbf16>,
        %parallel_loop3A_432 = arith.index_cast %parallel_loop3A_349 : i32 to index
        %parallel_loop3A_433 = arith.constant 64 : index
        %parallel_loop3A_434 = tpu.vector_load %arg23[%parallel_loop3A_432, %parallel_loop3A_433] {strides = array<i32>} : memref<64x128xbf16, #tpu.memory_space<vmem>>, vector<32xbf16>,
        %parallel_loop3A_435 = tpu.unpack_subelements %parallel_loop3A_431, 0 {pack_format = #tpu.pack_format<interleaved>} : vector<32xbf16> -> vector<16xf32>
        %parallel_loop3A_436 = tpu.unpack_subelements %parallel_loop3A_431, 1 {pack_format = #tpu.pack_format<interleaved>} : vector<32xbf16> -> vector<16xf32>
        %parallel_loop3A_437 = tpu.unpack_subelements %parallel_loop3A_434, 0 {pack_format = #tpu.pack_format<interleaved>} : vector<32xbf16> -> vector<16xf32>
        %parallel_loop3A_438 = tpu.unpack_subelements %parallel_loop3A_434, 1 {pack_format = #tpu.pack_format<interleaved>} : vector<32xbf16> -> vector<16xf32>
        %parallel_loop3A_439 = arith.addf %parallel_loop3A_435, %parallel_loop3A_437 : vector<16xf32>
        %parallel_loop3A_440 = arith.mulf %parallel_loop3A_362, %get3A_41 : vector<16xf32>
        %parallel_loop3A_441 = arith.addf %parallel_loop3A_439, %parallel_loop3A_440 : vector<16xf32>
        %parallel_loop3A_442 = arith.constant 0.000000e+00 : f32
        %parallel_loop3A_443 = vector.broadcast %parallel_loop3A_442 : f32 to vector<16xf32>
        %parallel_loop3A_444 = arith.maximumf %parallel_loop3A_441, %parallel_loop3A_443 : vector<16xf32>
        %parallel_loop3A_445 = arith.mulf %parallel_loop3A_444, %get3A_57 : vector<16xf32>
        %parallel_loop3A_446 = arith.addf %parallel_loop3A_425, %parallel_loop3A_445 : vector<16xf32>
        %parallel_loop3A_447 = arith.index_cast %parallel_loop3A_349 : i32 to index
        %parallel_loop3A_448 = arith.constant 64 : index
        %parallel_loop3A_449 = tpu.vector_load %arg27[%parallel_loop3A_447, %parallel_loop3A_448] {strides = array<i32>} : memref<64x128xf32, #tpu.memory_space<vmem>>, vector<16xf32>,
        tpu.vector_store %arg27[%parallel_loop3A_447, %parallel_loop3A_448], %parallel_loop3A_444 {strides = array<i32>} : memref<64x128xf32, #tpu.memory_space<vmem>>, vector<16xf32>,
        %parallel_loop3A_450 = arith.addf %parallel_loop3A_436, %parallel_loop3A_438 : vector<16xf32>
        %parallel_loop3A_451 = arith.mulf %parallel_loop3A_362, %get3A_43 : vector<16xf32>
        %parallel_loop3A_452 = arith.addf %parallel_loop3A_450, %parallel_loop3A_451 : vector<16xf32>
        %parallel_loop3A_453 = arith.constant 0.000000e+00 : f32
        %parallel_loop3A_454 = vector.broadcast %parallel_loop3A_453 : f32 to vector<16xf32>
        %parallel_loop3A_455 = arith.maximumf %parallel_loop3A_452, %parallel_loop3A_454 : vector<16xf32>
        %parallel_loop3A_456 = arith.mulf %parallel_loop3A_455, %get3A_59 : vector<16xf32>
        %parallel_loop3A_457 = arith.addf %parallel_loop3A_446, %parallel_loop3A_456 : vector<16xf32>
        %parallel_loop3A_458 = arith.index_cast %parallel_loop3A_349 : i32 to index
        %parallel_loop3A_459 = arith.constant 80 : index
        %parallel_loop3A_460 = tpu.vector_load %arg27[%parallel_loop3A_458, %parallel_loop3A_459] {strides = array<i32>} : memref<64x128xf32, #tpu.memory_space<vmem>>, vector<16xf32>,
        tpu.vector_store %arg27[%parallel_loop3A_458, %parallel_loop3A_459], %parallel_loop3A_455 {strides = array<i32>} : memref<64x128xf32, #tpu.memory_space<vmem>>, vector<16xf32>,
        %parallel_loop3A_461 = arith.index_cast %parallel_loop3A_349 : i32 to index
        %parallel_loop3A_462 = arith.constant 96 : index
        %parallel_loop3A_463 = tpu.vector_load %arg22[%parallel_loop3A_461, %parallel_loop3A_462] {strides = array<i32>} : memref<64x128xbf16, #tpu.memory_space<vmem>>, vector<32xbf16>,
        %parallel_loop3A_464 = arith.index_cast %parallel_loop3A_349 : i32 to index
        %parallel_loop3A_465 = arith.constant 96 : index
        %parallel_loop3A_466 = tpu.vector_load %arg23[%parallel_loop3A_464, %parallel_loop3A_465] {strides = array<i32>} : memref<64x128xbf16, #tpu.memory_space<vmem>>, vector<32xbf16>,
        %parallel_loop3A_467 = tpu.unpack_subelements %parallel_loop3A_463, 0 {pack_format = #tpu.pack_format<interleaved>} : vector<32xbf16> -> vector<16xf32>
        %parallel_loop3A_468 = tpu.unpack_subelements %parallel_loop3A_463, 1 {pack_format = #tpu.pack_format<interleaved>} : vector<32xbf16> -> vector<16xf32>
        %parallel_loop3A_469 = tpu.unpack_subelements %parallel_loop3A_466, 0 {pack_format = #tpu.pack_format<interleaved>} : vector<32xbf16> -> vector<16xf32>
        %parallel_loop3A_470 = tpu.unpack_subelements %parallel_loop3A_466, 1 {pack_format = #tpu.pack_format<interleaved>} : vector<32xbf16> -> vector<16xf32>
        %parallel_loop3A_471 = arith.addf %parallel_loop3A_467, %parallel_loop3A_469 : vector<16xf32>
        %parallel_loop3A_472 = arith.mulf %parallel_loop3A_362, %get3A_45 : vector<16xf32>
        %parallel_loop3A_473 = arith.addf %parallel_loop3A_471, %parallel_loop3A_472 : vector<16xf32>
        %parallel_loop3A_474 = arith.constant 0.000000e+00 : f32
        %parallel_loop3A_475 = vector.broadcast %parallel_loop3A_474 : f32 to vector<16xf32>
        %parallel_loop3A_476 = arith.maximumf %parallel_loop3A_473, %parallel_loop3A_475 : vector<16xf32>
        %parallel_loop3A_477 = arith.mulf %parallel_loop3A_476, %get3A_61 : vector<16xf32>
        %parallel_loop3A_478 = arith.addf %parallel_loop3A_457, %parallel_loop3A_477 : vector<16xf32>
        %parallel_loop3A_479 = arith.index_cast %parallel_loop3A_349 : i32 to index
        %parallel_loop3A_480 = arith.constant 96 : index
        %parallel_loop3A_481 = tpu.vector_load %arg27[%parallel_loop3A_479, %parallel_loop3A_480] {strides = array<i32>} : memref<64x128xf32, #tpu.memory_space<vmem>>, vector<16xf32>,
        tpu.vector_store %arg27[%parallel_loop3A_479, %parallel_loop3A_480], %parallel_loop3A_476 {strides = array<i32>} : memref<64x128xf32, #tpu.memory_space<vmem>>, vector<16xf32>,
        %parallel_loop3A_482 = arith.addf %parallel_loop3A_468, %parallel_loop3A_470 : vector<16xf32>
        %parallel_loop3A_483 = arith.mulf %parallel_loop3A_362, %get3A_47 : vector<16xf32>
        %parallel_loop3A_484 = arith.addf %parallel_loop3A_482, %parallel_loop3A_483 : vector<16xf32>
        %parallel_loop3A_485 = arith.constant 0.000000e+00 : f32
        %parallel_loop3A_486 = vector.broadcast %parallel_loop3A_485 : f32 to vector<16xf32>
        %parallel_loop3A_487 = arith.maximumf %parallel_loop3A_484, %parallel_loop3A_486 : vector<16xf32>
        %parallel_loop3A_488 = arith.mulf %parallel_loop3A_487, %get3A_63 : vector<16xf32>
        %parallel_loop3A_489 = arith.addf %parallel_loop3A_478, %parallel_loop3A_488 : vector<16xf32>
        %parallel_loop3A_490 = arith.index_cast %parallel_loop3A_349 : i32 to index
        %parallel_loop3A_491 = arith.constant 112 : index
        %parallel_loop3A_492 = tpu.vector_load %arg27[%parallel_loop3A_490, %parallel_loop3A_491] {strides = array<i32>} : memref<64x128xf32, #tpu.memory_space<vmem>>, vector<16xf32>,
        tpu.vector_store %arg27[%parallel_loop3A_490, %parallel_loop3A_491], %parallel_loop3A_487 {strides = array<i32>} : memref<64x128xf32, #tpu.memory_space<vmem>>, vector<16xf32>,
        %parallel_loop3A_493 = arith.constant true
        %parallel_loop3A_494 = vector.broadcast %parallel_loop3A_493 : i1 to vector<16xi1>
        %parallel_loop3A_495 = tpu.scan <sum>, %parallel_loop3A_489 masked %parallel_loop3A_494 : vector<16xf32>, vector<16xi1> -> vector<16xf32>
        %parallel_loop3A_496 = arith.addf %parallel_loop3A_495, %get3A_65 : vector<16xf32>
        %parallel_loop3A_497 = arith.constant 0.000000e+00 : f32
        %parallel_loop3A_498 = vector.broadcast %parallel_loop3A_497 : f32 to vector<16xf32>
        %parallel_loop3A_499 = arith.maximumf %parallel_loop3A_496, %parallel_loop3A_498 : vector<16xf32>
        %parallel_loop3A_500 = arith.addf %parallel_loop3A_499, %parallel_loop3A_499 : vector<16xf32>
        %parallel_loop3A_501 = math.exp %parallel_loop3A_500 : vector<16xf32>
        %parallel_loop3A_502 = arith.constant 1.000000e+00 : f32
        %parallel_loop3A_503 = vector.broadcast %parallel_loop3A_502 : f32 to vector<16xf32>
        %parallel_loop3A_504 = arith.addf %parallel_loop3A_501, %parallel_loop3A_503 : vector<16xf32>
        %parallel_loop3A_505 = arith.constant 2.000000e+00 : f32
        %parallel_loop3A_506 = vector.broadcast %parallel_loop3A_505 : f32 to vector<16xf32>
        %parallel_loop3A_507 = arith.divf %parallel_loop3A_506, %parallel_loop3A_504 : vector<16xf32>
        %parallel_loop3A_508 = arith.constant 1.000000e+00 : f32
        %parallel_loop3A_509 = vector.broadcast %parallel_loop3A_508 : f32 to vector<16xf32>
        %parallel_loop3A_510 = arith.subf %parallel_loop3A_509, %parallel_loop3A_507 : vector<16xf32>
        tpu.vector_store_idx %arg33[%parallel_loop3A_350], %parallel_loop3A_510 masked %eq3A_68 : memref<64xf32, #tpu.memory_space<vmem>>[vector<16xi32>], vector<16xf32>, vector<16xi1>
        %parallel_loop3A_511 = tpu.vector_load_idx %arg33[%parallel_loop3A_350] : memref<64xf32, #tpu.memory_space<vmem>>[vector<16xi32>], vector<16xf32>,
        %parallel_loop3A_512 = arith.constant 3 : i32
        %parallel_loop3A_513 = vector.broadcast %parallel_loop3A_512 : i32 to vector<16xi32>
        %parallel_loop3A_514 = arith.cmpi slt, %iota3A, %parallel_loop3A_513 : vector<16xi32>
        %parallel_loop3A_515 = arith.mulf %parallel_loop3A_357, %parallel_loop3A_511 : vector<16xf32>
        %parallel_loop3A_516 = arith.constant 3 : i32
        %parallel_loop3A_517 = vector.broadcast %parallel_loop3A_516 : i32 to vector<16xi32>
        %parallel_loop3A_518 = arith.cmpi eq, %iota3A, %parallel_loop3A_517 : vector<16xi32>
        %parallel_loop3A_519 = arith.constant 1.000000e+00 : f32
        %parallel_loop3A_520 = arith.constant 0.000000e+00 : f32
        %parallel_loop3A_521 = vector.broadcast %parallel_loop3A_519 : f32 to vector<16xf32>
        %parallel_loop3A_522 = vector.broadcast %parallel_loop3A_520 : f32 to vector<16xf32>
        %parallel_loop3A_523 = arith.select %parallel_loop3A_518, %parallel_loop3A_521, %parallel_loop3A_522 : vector<16xi1>, vector<16xf32>
        %parallel_loop3A_524 = arith.select %parallel_loop3A_514, %parallel_loop3A_515, %parallel_loop3A_523 : vector<16xi1>, vector<16xf32>
        %parallel_loop3A_525 = arith.index_cast %parallel_loop3A_349 : i32 to index
        %parallel_loop3A_526 = arith.constant 0 : index
        %parallel_loop3A_527 = tpu.vector_load %arg29[%parallel_loop3A_525, %parallel_loop3A_526] {strides = array<i32>} : memref<64x16xf32, #tpu.memory_space<vmem>>, vector<16xf32>,
        tpu.vector_store %arg29[%parallel_loop3A_525, %parallel_loop3A_526], %parallel_loop3A_524 {strides = array<i32>} : memref<64x16xf32, #tpu.memory_space<vmem>>, vector<16xf32>,
      } {sc.loop_unroll_factor = 2 : i64, sc.parallel_access}
      %get3A_314 = arith.constant 0 : index
      %get3A_315 = tpu.vector_load %arg20[%get3A_314] {strides = array<i32>} : memref<64xi32, #tpu.memory_space<vmem>>, vector<16xi32>,
      %swap3A_316 = arith.constant 0 : index
      %swap3A_317 = tpu.vector_load %arg31[%swap3A_316] {strides = array<i32>} : memref<64xi32, #tpu.memory_space<vmem>>, vector<16xi32>,
      tpu.vector_store %arg31[%swap3A_316], %get3A_315 {strides = array<i32>} : memref<64xi32, #tpu.memory_space<vmem>>, vector<16xi32>,
      %get3A_318 = arith.constant 16 : index
      %get3A_319 = tpu.vector_load %arg20[%get3A_318] {strides = array<i32>} : memref<64xi32, #tpu.memory_space<vmem>>, vector<16xi32>,
      %swap3A_320 = arith.constant 16 : index
      %swap3A_321 = tpu.vector_load %arg31[%swap3A_320] {strides = array<i32>} : memref<64xi32, #tpu.memory_space<vmem>>, vector<16xi32>,
      tpu.vector_store %arg31[%swap3A_320], %get3A_319 {strides = array<i32>} : memref<64xi32, #tpu.memory_space<vmem>>, vector<16xi32>,
      %get3A_322 = arith.constant 32 : index
      %get3A_323 = tpu.vector_load %arg20[%get3A_322] {strides = array<i32>} : memref<64xi32, #tpu.memory_space<vmem>>, vector<16xi32>,
      %swap3A_324 = arith.constant 32 : index
      %swap3A_325 = tpu.vector_load %arg31[%swap3A_324] {strides = array<i32>} : memref<64xi32, #tpu.memory_space<vmem>>, vector<16xi32>,
      tpu.vector_store %arg31[%swap3A_324], %get3A_323 {strides = array<i32>} : memref<64xi32, #tpu.memory_space<vmem>>, vector<16xi32>,
      %get3A_326 = arith.constant 48 : index
      %get3A_327 = tpu.vector_load %arg20[%get3A_326] {strides = array<i32>} : memref<64xi32, #tpu.memory_space<vmem>>, vector<16xi32>,
      %swap3A_328 = arith.constant 48 : index
      %swap3A_329 = tpu.vector_load %arg31[%swap3A_328] {strides = array<i32>} : memref<64xi32, #tpu.memory_space<vmem>>, vector<16xi32>,
      tpu.vector_store %arg31[%swap3A_328], %get3A_327 {strides = array<i32>} : memref<64xi32, #tpu.memory_space<vmem>>, vector<16xi32>,
      %dma_start3A_330 = arith.constant 0 : i32
      %dma_start3A_331 = arith.constant 0 : i32
      %dma_start3A_332 = tpu.memref_slice %arg43[%dma_start3A_330, %dma_start3A_331] : memref<10112x128xf32, #tpu.memory_space<vmem_shared>> -> memref<10112x128xf32, #tpu.memory_space<vmem_shared>>
      tpu.enqueue_indirect_dma source(%arg27 : memref<64x128xf32, #tpu.memory_space<vmem>>) target(%dma_start3A_332 : memref<10112x128xf32, #tpu.memory_space<vmem_shared>>) offsets(%arg31 : memref<64xi32, #tpu.memory_space<vmem>>) semaphore(%arg42 : memref<!tpu.dma_semaphore, #tpu.memory_space<semaphore_mem>>) {add = true}
      %dma_start3A_333 = arith.constant 0 : i32
      %dma_start3A_334 = arith.constant 0 : i32
      %dma_start3A_335 = tpu.memref_slice %arg44[%dma_start3A_333, %dma_start3A_334] : memref<10112x16xf32, #tpu.memory_space<vmem_shared>> -> memref<10112x16xf32, #tpu.memory_space<vmem_shared>>
      tpu.enqueue_indirect_dma source(%arg29 : memref<64x16xf32, #tpu.memory_space<vmem>>) target(%dma_start3A_335 : memref<10112x16xf32, #tpu.memory_space<vmem_shared>>) offsets(%arg31 : memref<64xi32, #tpu.memory_space<vmem>>) semaphore(%arg42 : memref<!tpu.dma_semaphore, #tpu.memory_space<semaphore_mem>>) {add = true}
      %add3A_336 = arith.constant 2 : i32
      %add3A_337 = arith.addi %add3A_273, %add3A_336 : i32
      %mul3A_338 = arith.constant 64 : i32
      %mul3A_339 = arith.muli %add3A_337, %mul3A_338 : i32
      %add3A_340 = arith.addi %add3A, %mul3A_339 : i32
      %dma_start3A_341 = tpu.memref_slice %arg5[%add3A_340] : memref<327808xi32, #tpu.memory_space<hbm>> -> memref<64xi32, #tpu.memory_space<hbm>>
      %dma_start3A_342 = tpu.memref_slice %arg5[%add3A_340] : memref<327808xi32, #tpu.memory_space<hbm>> -> memref<64xi32, #tpu.memory_space<hbm>>
      tpu.enqueue_dma source(%dma_start3A_342 : memref<64xi32, #tpu.memory_space<hbm>>) target(%arg20 : memref<64xi32, #tpu.memory_space<vmem>>) target_semaphore(%arg38 : memref<!tpu.dma_semaphore, #tpu.memory_space<semaphore_mem>>)
      %mul3A_343 = arith.constant 64 : i32
      %mul3A_344 = arith.muli %add3A_337, %mul3A_343 : i32
      %add3A_345 = arith.addi %add3A, %mul3A_344 : i32
      %dma_start3A_346 = tpu.memref_slice %arg6[%add3A_345] : memref<327808xi32, #tpu.memory_space<hbm>> -> memref<64xi32, #tpu.memory_space<hbm>>
      %dma_start3A_347 = tpu.memref_slice %arg6[%add3A_345] : memref<327808xi32, #tpu.memory_space<hbm>> -> memref<64xi32, #tpu.memory_space<hbm>>
      tpu.enqueue_dma source(%dma_start3A_347 : memref<64xi32, #tpu.memory_space<hbm>>) target(%arg21 : memref<64xi32, #tpu.memory_space<vmem>>) target_semaphore(%arg38 : memref<!tpu.dma_semaphore, #tpu.memory_space<semaphore_mem>>)
      %while3A_348 = arith.constant 0 : i32
      scf.yield %while3A_348 : i32
    }
    %dma_wait3A_140 = arith.constant 0 : i32
    %dma_wait3A_141 = arith.constant 0 : i32
    %dma_wait3A_142 = tpu.memref_slice %arg2[%dma_wait3A_140, %dma_wait3A_141] : memref<10240x128xbf16, #tpu.memory_space<hbm>> -> memref<10240x128xbf16, #tpu.memory_space<hbm>>
    tpu.wait_indirect_dma semaphore(%arg39 : memref<!tpu.dma_semaphore, #tpu.memory_space<semaphore_mem>>) src(%dma_wait3A_142 : memref<10240x128xbf16, #tpu.memory_space<hbm>>) dst(%arg16 : memref<64x128xbf16, #tpu.memory_space<vmem>>)
    %dma_wait3A_143 = arith.constant 0 : i32
    %dma_wait3A_144 = arith.constant 0 : i32
    %dma_wait3A_145 = tpu.memref_slice %arg3[%dma_wait3A_143, %dma_wait3A_144] : memref<10240x128xbf16, #tpu.memory_space<hbm>> -> memref<10240x128xbf16, #tpu.memory_space<hbm>>
    tpu.wait_indirect_dma semaphore(%arg39 : memref<!tpu.dma_semaphore, #tpu.memory_space<semaphore_mem>>) src(%dma_wait3A_145 : memref<10240x128xbf16, #tpu.memory_space<hbm>>) dst(%arg17 : memref<64x128xbf16, #tpu.memory_space<vmem>>)
    %dma_wait3A_146 = arith.constant 0 : i32
    %dma_wait3A_147 = arith.constant 0 : i32
    %dma_wait3A_148 = tpu.memref_slice %arg4[%dma_wait3A_146, %dma_wait3A_147] : memref<10240x16xf32, #tpu.memory_space<hbm>> -> memref<10240x16xf32, #tpu.memory_space<hbm>>
    tpu.wait_indirect_dma semaphore(%arg39 : memref<!tpu.dma_semaphore, #tpu.memory_space<semaphore_mem>>) src(%dma_wait3A_148 : memref<10240x16xf32, #tpu.memory_space<hbm>>) dst(%arg18 : memref<64x16xf32, #tpu.memory_space<vmem>>)
    %dma_wait3A_149 = arith.constant 0 : i32
    %dma_wait3A_150 = arith.constant 0 : i32
    %dma_wait3A_151 = tpu.memref_slice %arg4[%dma_wait3A_149, %dma_wait3A_150] : memref<10240x16xf32, #tpu.memory_space<hbm>> -> memref<10240x16xf32, #tpu.memory_space<hbm>>
    tpu.wait_indirect_dma semaphore(%arg39 : memref<!tpu.dma_semaphore, #tpu.memory_space<semaphore_mem>>) src(%dma_wait3A_151 : memref<10240x16xf32, #tpu.memory_space<hbm>>) dst(%arg19 : memref<64x16xf32, #tpu.memory_space<vmem>>)
    %dma_wait3A_152 = arith.constant 0 : i32
    %dma_wait3A_153 = tpu.memref_slice %arg5[%dma_wait3A_152] : memref<327808xi32, #tpu.memory_space<hbm>> -> memref<64xi32, #tpu.memory_space<hbm>>
    %dma_wait3A_154 = arith.constant 0 : i32
    %dma_wait3A_155 = tpu.memref_slice %arg5[%dma_wait3A_154] : memref<327808xi32, #tpu.memory_space<hbm>> -> memref<64xi32, #tpu.memory_space<hbm>>
    tpu.wait_dma2 semaphore(%arg38 : memref<!tpu.dma_semaphore, #tpu.memory_space<semaphore_mem>>) src(%dma_wait3A_155 : memref<64xi32, #tpu.memory_space<hbm>>) dst(%arg20 : memref<64xi32, #tpu.memory_space<vmem>>)
    %dma_wait3A_156 = arith.constant 0 : i32
    %dma_wait3A_157 = tpu.memref_slice %arg6[%dma_wait3A_156] : memref<327808xi32, #tpu.memory_space<hbm>> -> memref<64xi32, #tpu.memory_space<hbm>>
    %dma_wait3A_158 = arith.constant 0 : i32
    %dma_wait3A_159 = tpu.memref_slice %arg6[%dma_wait3A_158] : memref<327808xi32, #tpu.memory_space<hbm>> -> memref<64xi32, #tpu.memory_space<hbm>>
    tpu.wait_dma2 semaphore(%arg38 : memref<!tpu.dma_semaphore, #tpu.memory_space<semaphore_mem>>) src(%dma_wait3A_159 : memref<64xi32, #tpu.memory_space<hbm>>) dst(%arg21 : memref<64xi32, #tpu.memory_space<vmem>>)
    %dma_wait3A_160 = arith.constant 0 : i32
    %dma_wait3A_161 = arith.constant 0 : i32
    %dma_wait3A_162 = tpu.memref_slice %arg43[%dma_wait3A_160, %dma_wait3A_161] : memref<10112x128xf32, #tpu.memory_space<vmem_shared>> -> memref<10112x128xf32, #tpu.memory_space<vmem_shared>>
    tpu.wait_indirect_dma semaphore(%arg41 : memref<!tpu.dma_semaphore, #tpu.memory_space<semaphore_mem>>) src(%arg26 : memref<64x128xf32, #tpu.memory_space<vmem>>) dst(%dma_wait3A_162 : memref<10112x128xf32, #tpu.memory_space<vmem_shared>>)
    %dma_wait3A_163 = arith.constant 0 : i32
    %dma_wait3A_164 = arith.constant 0 : i32
    %dma_wait3A_165 = tpu.memref_slice %arg44[%dma_wait3A_163, %dma_wait3A_164] : memref<10112x16xf32, #tpu.memory_space<vmem_shared>> -> memref<10112x16xf32, #tpu.memory_space<vmem_shared>>
    tpu.wait_indirect_dma semaphore(%arg41 : memref<!tpu.dma_semaphore, #tpu.memory_space<semaphore_mem>>) src(%arg28 : memref<64x16xf32, #tpu.memory_space<vmem>>) dst(%dma_wait3A_165 : memref<10112x16xf32, #tpu.memory_space<vmem_shared>>)
    %dma_wait3A_166 = arith.constant 0 : i32
    %dma_wait3A_167 = arith.constant 0 : i32
    %dma_wait3A_168 = tpu.memref_slice %arg43[%dma_wait3A_166, %dma_wait3A_167] : memref<10112x128xf32, #tpu.memory_space<vmem_shared>> -> memref<10112x128xf32, #tpu.memory_space<vmem_shared>>
    tpu.wait_indirect_dma semaphore(%arg42 : memref<!tpu.dma_semaphore, #tpu.memory_space<semaphore_mem>>) src(%arg27 : memref<64x128xf32, #tpu.memory_space<vmem>>) dst(%dma_wait3A_168 : memref<10112x128xf32, #tpu.memory_space<vmem_shared>>)
    %dma_wait3A_169 = arith.constant 0 : i32
    %dma_wait3A_170 = arith.constant 0 : i32
    %dma_wait3A_171 = tpu.memref_slice %arg44[%dma_wait3A_169, %dma_wait3A_170] : memref<10112x16xf32, #tpu.memory_space<vmem_shared>> -> memref<10112x16xf32, #tpu.memory_space<vmem_shared>>
    tpu.wait_indirect_dma semaphore(%arg42 : memref<!tpu.dma_semaphore, #tpu.memory_space<semaphore_mem>>) src(%arg29 : memref<64x16xf32, #tpu.memory_space<vmem>>) dst(%dma_wait3A_171 : memref<10112x16xf32, #tpu.memory_space<vmem_shared>>)
    %barrier3A_172 = arith.constant 0 : index
    tpu.barrier barrier_id(%barrier3A_172)
    %mul3A_173 = arith.constant 632 : i32
    %mul3A_174 = arith.muli %arg1, %mul3A_173 : i32
    %dma_start3A_175 = arith.constant 0 : i32
    %dma_start3A_176 = tpu.memref_slice %arg12[%arg0, %mul3A_174, %dma_start3A_175] : memref<2x10240x128xf32, #tpu.memory_space<hbm>> -> memref<1x632x128xf32, #tpu.memory_space<hbm>>
    %dma_start3A_177 = tpu.memref_squeeze %dma_start3A_176 : memref<1x632x128xf32, #tpu.memory_space<hbm>> -> memref<632x128xf32, #tpu.memory_space<hbm>>
    %dma_start3A_178 = arith.constant 0 : i32
    %dma_start3A_179 = tpu.memref_slice %arg43[%mul3A_174, %dma_start3A_178] : memref<10112x128xf32, #tpu.memory_space<vmem_shared>> -> memref<632x128xf32, #tpu.memory_space<vmem_shared>>
    tpu.enqueue_dma source(%dma_start3A_179 : memref<632x128xf32, #tpu.memory_space<vmem_shared>>) target(%dma_start3A_177 : memref<632x128xf32, #tpu.memory_space<hbm>>) target_semaphore(%arg41 : memref<!tpu.dma_semaphore, #tpu.memory_space<semaphore_mem>>)
    %dma_start3A_180 = arith.constant 0 : i32
    %dma_start3A_181 = tpu.memref_slice %arg13[%arg0, %mul3A_174, %dma_start3A_180] : memref<2x10240x16xf32, #tpu.memory_space<hbm>> -> memref<1x632x16xf32, #tpu.memory_space<hbm>>
    %dma_start3A_182 = tpu.memref_squeeze %dma_start3A_181 : memref<1x632x16xf32, #tpu.memory_space<hbm>> -> memref<632x16xf32, #tpu.memory_space<hbm>>
    %dma_start3A_183 = arith.constant 0 : i32
    %dma_start3A_184 = tpu.memref_slice %arg44[%mul3A_174, %dma_start3A_183] : memref<10112x16xf32, #tpu.memory_space<vmem_shared>> -> memref<632x16xf32, #tpu.memory_space<vmem_shared>>
    tpu.enqueue_dma source(%dma_start3A_184 : memref<632x16xf32, #tpu.memory_space<vmem_shared>>) target(%dma_start3A_182 : memref<632x16xf32, #tpu.memory_space<hbm>>) target_semaphore(%arg42 : memref<!tpu.dma_semaphore, #tpu.memory_space<semaphore_mem>>)
    %dma_wait3A_185 = arith.constant 0 : i32
    %dma_wait3A_186 = tpu.memref_slice %arg12[%arg0, %mul3A_174, %dma_wait3A_185] : memref<2x10240x128xf32, #tpu.memory_space<hbm>> -> memref<1x632x128xf32, #tpu.memory_space<hbm>>
    %dma_wait3A_187 = tpu.memref_squeeze %dma_wait3A_186 : memref<1x632x128xf32, #tpu.memory_space<hbm>> -> memref<632x128xf32, #tpu.memory_space<hbm>>
    %dma_wait3A_188 = arith.constant 0 : i32
    %dma_wait3A_189 = tpu.memref_slice %arg43[%mul3A_174, %dma_wait3A_188] : memref<10112x128xf32, #tpu.memory_space<vmem_shared>> -> memref<632x128xf32, #tpu.memory_space<vmem_shared>>
    tpu.wait_dma2 semaphore(%arg41 : memref<!tpu.dma_semaphore, #tpu.memory_space<semaphore_mem>>) src(%dma_wait3A_189 : memref<632x128xf32, #tpu.memory_space<vmem_shared>>) dst(%dma_wait3A_187 : memref<632x128xf32, #tpu.memory_space<hbm>>)
    %dma_wait3A_190 = arith.constant 0 : i32
    %dma_wait3A_191 = tpu.memref_slice %arg13[%arg0, %mul3A_174, %dma_wait3A_190] : memref<2x10240x16xf32, #tpu.memory_space<hbm>> -> memref<1x632x16xf32, #tpu.memory_space<hbm>>
    %dma_wait3A_192 = tpu.memref_squeeze %dma_wait3A_191 : memref<1x632x16xf32, #tpu.memory_space<hbm>> -> memref<632x16xf32, #tpu.memory_space<hbm>>
    %dma_wait3A_193 = arith.constant 0 : i32
    %dma_wait3A_194 = tpu.memref_slice %arg44[%mul3A_174, %dma_wait3A_193] : memref<10112x16xf32, #tpu.memory_space<vmem_shared>> -> memref<632x16xf32, #tpu.memory_space<vmem_shared>>
    tpu.wait_dma2 semaphore(%arg42 : memref<!tpu.dma_semaphore, #tpu.memory_space<semaphore_mem>>) src(%dma_wait3A_194 : memref<632x16xf32, #tpu.memory_space<vmem_shared>>) dst(%dma_wait3A_192 : memref<632x16xf32, #tpu.memory_space<hbm>>)
    return
  }
}

module attributes {stable_mosaic.version = 14 : i64} {
  func.func @_pre_body(%arg0: i32, %arg1: memref<256x128xf32, #tpu.memory_space<vmem>>, %arg2: memref<128x128xf32, #tpu.memory_space<vmem>>, %arg3: memref<128x128xf32, #tpu.memory_space<vmem>>, %arg4: memref<1x128xf32, #tpu.memory_space<vmem>>, %arg5: memref<128x128xf32, #tpu.memory_space<vmem>>, %arg6: memref<1x128xf32, #tpu.memory_space<vmem>>, %arg7: memref<1x128xf32, #tpu.memory_space<vmem>>, %arg8: memref<1x1xf32, #tpu.memory_space<vmem>>, %arg9: memref<1x1xf32, #tpu.memory_space<vmem>>, %arg10: memref<256x128xbf16, #tpu.memory_space<vmem>>, %arg11: memref<256x128xbf16, #tpu.memory_space<vmem>>, %arg12: memref<1x128xf32, #tpu.memory_space<vmem>>, %arg13: memref<1x128xf32, #tpu.memory_space<vmem>>, %arg14: memref<1x128xf32, #tpu.memory_space<vmem>>) attributes {dimension_semantics = [#tpu.dimension_semantics<arbitrary>], iteration_bounds = array<i64: 40>, scalar_prefetch = 0 : i64, scratch_operands = 0 : i64, tpu.core_type = #tpu.core_type<tc>, window_params = [{transform_indices = @transform_0, window_bounds = array<i64: 256, 128>}, {pipeline_mode = #tpu.pipeline_mode<synchronous>, transform_indices = @transform_1, window_bounds = array<i64: 128, 128>}, {pipeline_mode = #tpu.pipeline_mode<synchronous>, transform_indices = @transform_2, window_bounds = array<i64: 128, 128>}, {pipeline_mode = #tpu.pipeline_mode<synchronous>, transform_indices = @transform_3, window_bounds = array<i64: 1, 128>}, {pipeline_mode = #tpu.pipeline_mode<synchronous>, transform_indices = @transform_4, window_bounds = array<i64: 128, 128>}, {pipeline_mode = #tpu.pipeline_mode<synchronous>, transform_indices = @transform_5, window_bounds = array<i64: 1, 128>}, {pipeline_mode = #tpu.pipeline_mode<synchronous>, transform_indices = @transform_6, window_bounds = array<i64: 1, 128>}, {pipeline_mode = #tpu.pipeline_mode<synchronous>, transform_indices = @transform_7, window_bounds = array<i64: 1, 1>}, {pipeline_mode = #tpu.pipeline_mode<synchronous>, transform_indices = @transform_8, window_bounds = array<i64: 1, 1>}, {transform_indices = @transform_9, window_bounds = array<i64: 256, 128>}, {transform_indices = @transform_10, window_bounds = array<i64: 256, 128>}, {pipeline_mode = #tpu.pipeline_mode<synchronous>, transform_indices = @transform_11, window_bounds = array<i64: 1, 128>}, {pipeline_mode = #tpu.pipeline_mode<synchronous>, transform_indices = @transform_12, window_bounds = array<i64: 1, 128>}, {pipeline_mode = #tpu.pipeline_mode<synchronous>, transform_indices = @transform_13, window_bounds = array<i64: 1, 128>}]} {
    %get3A = arith.constant 0 : index
    %get3A_0 = arith.constant 0 : index
    %get3A_1 = vector.load %arg1[%get3A, %get3A_0] : memref<256x128xf32, #tpu.memory_space<vmem>>, vector<256x128xf32>
    %get3A_2 = arith.constant 0 : index
    %get3A_3 = arith.constant 0 : index
    %get3A_4 = vector.load %arg2[%get3A_2, %get3A_3] : memref<128x128xf32, #tpu.memory_space<vmem>>, vector<128x128xf32>
    %dot_general3A = arith.constant dense<0.000000e+00> : vector<256x128xf32>
    %dot_general3A_5 = tpu.matmul %get3A_1, %get3A_4, %dot_general3A {dimension_numbers = #tpu.dot_dimension_numbers<[1], [0], [0], [1], [0, 0, 1, 1], [], []>, transpose_lhs_hint = false} : vector<256x128xf32>, vector<128x128xf32>, vector<256x128xf32> -> vector<256x128xf32>
    %get3A_6 = arith.constant 0 : index
    %get3A_7 = arith.constant 0 : index
    %get3A_8 = vector.load %arg4[%get3A_6, %get3A_7] : memref<1x128xf32, #tpu.memory_space<vmem>>, vector<1x128xf32>
    %add3A = vector.broadcast %get3A_8 : vector<1x128xf32> to vector<256x128xf32>
    %add3A_9 = arith.addf %dot_general3A_5, %add3A : vector<256x128xf32>
    %convert_element_type3A = arith.truncf %add3A_9 : vector<256x128xf32> to vector<256x128xbf16>
    %swap3A = arith.constant 0 : index
    %swap3A_10 = arith.constant 0 : index
    %swap3A_11 = vector.load %arg10[%swap3A, %swap3A_10] : memref<256x128xbf16, #tpu.memory_space<vmem>>, vector<256x128xbf16>
    tpu.vector_store %arg10[%swap3A, %swap3A_10], %convert_element_type3A {strides = array<i32>} : memref<256x128xbf16, #tpu.memory_space<vmem>>, vector<256x128xbf16>,
    %get3A_12 = arith.constant 0 : index
    %get3A_13 = arith.constant 0 : index
    %get3A_14 = vector.load %arg3[%get3A_12, %get3A_13] : memref<128x128xf32, #tpu.memory_space<vmem>>, vector<128x128xf32>
    %dot_general3A_15 = arith.constant dense<0.000000e+00> : vector<256x128xf32>
    %dot_general3A_16 = tpu.matmul %get3A_1, %get3A_14, %dot_general3A_15 {dimension_numbers = #tpu.dot_dimension_numbers<[1], [0], [0], [1], [0, 0, 1, 1], [], []>, transpose_lhs_hint = false} : vector<256x128xf32>, vector<128x128xf32>, vector<256x128xf32> -> vector<256x128xf32>
    %convert_element_type3A_17 = arith.truncf %dot_general3A_16 : vector<256x128xf32> to vector<256x128xbf16>
    %swap3A_18 = arith.constant 0 : index
    %swap3A_19 = arith.constant 0 : index
    %swap3A_20 = vector.load %arg11[%swap3A_18, %swap3A_19] : memref<256x128xbf16, #tpu.memory_space<vmem>>, vector<256x128xbf16>
    tpu.vector_store %arg11[%swap3A_18, %swap3A_19], %convert_element_type3A_17 {strides = array<i32>} : memref<256x128xbf16, #tpu.memory_space<vmem>>, vector<256x128xbf16>,
    %get3A_21 = arith.constant 0 : index
    %get3A_22 = arith.constant 0 : index
    %get3A_23 = vector.load %arg6[%get3A_21, %get3A_22] : memref<1x128xf32, #tpu.memory_space<vmem>>, vector<1x128xf32>
    %get3A_24 = arith.constant 0 : index
    %get3A_25 = arith.constant 0 : index
    %get3A_26 = vector.load %arg5[%get3A_24, %get3A_25] : memref<128x128xf32, #tpu.memory_space<vmem>>, vector<128x128xf32>
    %dot_general3A_27 = arith.constant dense<0.000000e+00> : vector<1x128xf32>
    %dot_general3A_28 = tpu.matmul %get3A_23, %get3A_26, %dot_general3A_27 {dimension_numbers = #tpu.dot_dimension_numbers<[1], [1], [0], [0], [0, 0, 1, 0], [], []>, transpose_lhs_hint = false} : vector<1x128xf32>, vector<128x128xf32>, vector<1x128xf32> -> vector<1x128xf32>
    %swap3A_29 = arith.constant 0 : index
    %swap3A_30 = arith.constant 0 : index
    %swap3A_31 = vector.load %arg12[%swap3A_29, %swap3A_30] : memref<1x128xf32, #tpu.memory_space<vmem>>, vector<1x128xf32>
    tpu.vector_store %arg12[%swap3A_29, %swap3A_30], %dot_general3A_28 {strides = array<i32>} : memref<1x128xf32, #tpu.memory_space<vmem>>, vector<1x128xf32>,
    %get3A_32 = arith.constant 0 : index
    %get3A_33 = arith.constant 0 : index
    %get3A_34 = vector.load %arg7[%get3A_32, %get3A_33] : memref<1x128xf32, #tpu.memory_space<vmem>>, vector<1x128xf32>
    %dot_general3A_35 = arith.constant dense<0.000000e+00> : vector<1x1xf32>
    %dot_general3A_36 = tpu.matmul %get3A_34, %get3A_23, %dot_general3A_35 {dimension_numbers = #tpu.dot_dimension_numbers<[1], [1], [0], [0], [0, 0, 1, 0], [], []>, transpose_lhs_hint = false} : vector<1x128xf32>, vector<1x128xf32>, vector<1x1xf32> -> vector<1x1xf32>
    %broadcast_in_dim3A = arith.constant 0.000000e+00 : f32
    %broadcast_in_dim3A_37 = vector.broadcast %broadcast_in_dim3A : f32 to vector<1x128xf32>
    %squeeze3A = vector.extract %dot_general3A_36[0, 0] : f32 from vector<1x1xf32>
    %get3A_38 = arith.constant 0 : index
    %get3A_39 = arith.constant 0 : index
    %get3A_40 = vector.load %arg8[%get3A_38, %get3A_39] : memref<1x1xf32, #tpu.memory_space<vmem>>, vector<1x1xf32>
    %get3A_41 = vector.extract %get3A_40[0, 0] : f32 from vector<1x1xf32>
    %add3A_42 = arith.addf %squeeze3A, %get3A_41 : f32
    %add3A_43 = vector.broadcast %add3A_42 : f32 to vector<1x128xf32>
    %add3A_44 = arith.addf %broadcast_in_dim3A_37, %add3A_43 : vector<1x128xf32>
    %swap3A_45 = arith.constant 0 : index
    %swap3A_46 = arith.constant 0 : index
    %swap3A_47 = vector.load %arg13[%swap3A_45, %swap3A_46] : memref<1x128xf32, #tpu.memory_space<vmem>>, vector<1x128xf32>
    tpu.vector_store %arg13[%swap3A_45, %swap3A_46], %add3A_44 {strides = array<i32>} : memref<1x128xf32, #tpu.memory_space<vmem>>, vector<1x128xf32>,
    %get3A_48 = arith.constant 0 : index
    %get3A_49 = arith.constant 0 : index
    %get3A_50 = vector.load %arg9[%get3A_48, %get3A_49] : memref<1x1xf32, #tpu.memory_space<vmem>>, vector<1x1xf32>
    %get3A_51 = vector.extract %get3A_50[0, 0] : f32 from vector<1x1xf32>
    %add3A_52 = vector.broadcast %get3A_51 : f32 to vector<1x128xf32>
    %add3A_53 = arith.addf %broadcast_in_dim3A_37, %add3A_52 : vector<1x128xf32>
    %swap3A_54 = arith.constant 0 : index
    %swap3A_55 = arith.constant 0 : index
    %swap3A_56 = vector.load %arg14[%swap3A_54, %swap3A_55] : memref<1x128xf32, #tpu.memory_space<vmem>>, vector<1x128xf32>
    tpu.vector_store %arg14[%swap3A_54, %swap3A_55], %add3A_53 {strides = array<i32>} : memref<1x128xf32, #tpu.memory_space<vmem>>, vector<1x128xf32>,
    return
  }
  func.func @transform_0(%arg0: i32) -> (i32, i32) {
    %c0_i32 = arith.constant 0 : i32
    %c0_i32_0 = arith.constant 0 : i32
    return %arg0, %c0_i32 : i32, i32
  }
  func.func @transform_1(%arg0: i32) -> (i32, i32) {
    %c0_i32 = arith.constant 0 : i32
    %c0_i32_0 = arith.constant 0 : i32
    %c0_i32_1 = arith.constant 0 : i32
    return %c0_i32, %c0_i32_0 : i32, i32
  }
  func.func @transform_2(%arg0: i32) -> (i32, i32) {
    %c0_i32 = arith.constant 0 : i32
    %c0_i32_0 = arith.constant 0 : i32
    %c0_i32_1 = arith.constant 0 : i32
    return %c0_i32, %c0_i32_0 : i32, i32
  }
  func.func @transform_3(%arg0: i32) -> (i32, i32) {
    %c0_i32 = arith.constant 0 : i32
    %c0_i32_0 = arith.constant 0 : i32
    %c0_i32_1 = arith.constant 0 : i32
    return %c0_i32, %c0_i32_0 : i32, i32
  }
  func.func @transform_4(%arg0: i32) -> (i32, i32) {
    %c0_i32 = arith.constant 0 : i32
    %c0_i32_0 = arith.constant 0 : i32
    %c0_i32_1 = arith.constant 0 : i32
    return %c0_i32, %c0_i32_0 : i32, i32
  }
  func.func @transform_5(%arg0: i32) -> (i32, i32) {
    %c0_i32 = arith.constant 0 : i32
    %c0_i32_0 = arith.constant 0 : i32
    %c0_i32_1 = arith.constant 0 : i32
    return %c0_i32, %c0_i32_0 : i32, i32
  }
  func.func @transform_6(%arg0: i32) -> (i32, i32) {
    %c0_i32 = arith.constant 0 : i32
    %c0_i32_0 = arith.constant 0 : i32
    %c0_i32_1 = arith.constant 0 : i32
    return %c0_i32, %c0_i32_0 : i32, i32
  }
  func.func @transform_7(%arg0: i32) -> (i32, i32) {
    %c0_i32 = arith.constant 0 : i32
    %c0_i32_0 = arith.constant 0 : i32
    %c0_i32_1 = arith.constant 0 : i32
    return %c0_i32, %c0_i32_0 : i32, i32
  }
  func.func @transform_8(%arg0: i32) -> (i32, i32) {
    %c0_i32 = arith.constant 0 : i32
    %c0_i32_0 = arith.constant 0 : i32
    %c0_i32_1 = arith.constant 0 : i32
    return %c0_i32, %c0_i32_0 : i32, i32
  }
  func.func @transform_9(%arg0: i32) -> (i32, i32) {
    %c0_i32 = arith.constant 0 : i32
    %c0_i32_0 = arith.constant 0 : i32
    return %arg0, %c0_i32 : i32, i32
  }
  func.func @transform_10(%arg0: i32) -> (i32, i32) {
    %c0_i32 = arith.constant 0 : i32
    %c0_i32_0 = arith.constant 0 : i32
    return %arg0, %c0_i32 : i32, i32
  }
  func.func @transform_11(%arg0: i32) -> (i32, i32) {
    %c0_i32 = arith.constant 0 : i32
    %c0_i32_0 = arith.constant 0 : i32
    %c0_i32_1 = arith.constant 0 : i32
    return %c0_i32, %c0_i32_0 : i32, i32
  }
  func.func @transform_12(%arg0: i32) -> (i32, i32) {
    %c0_i32 = arith.constant 0 : i32
    %c0_i32_0 = arith.constant 0 : i32
    %c0_i32_1 = arith.constant 0 : i32
    return %c0_i32, %c0_i32_0 : i32, i32
  }
  func.func @transform_13(%arg0: i32) -> (i32, i32) {
    %c0_i32 = arith.constant 0 : i32
    %c0_i32_0 = arith.constant 0 : i32
    %c0_i32_1 = arith.constant 0 : i32
    return %c0_i32, %c0_i32_0 : i32, i32
  }
}

module attributes {stable_mosaic.version = 14 : i64} {
  func.func @_post_body(%arg0: i32, %arg1: memref<256x128xf32, #tpu.memory_space<vmem>>, %arg2: memref<256x128xf32, #tpu.memory_space<vmem>>, %arg3: memref<256x128xf32, #tpu.memory_space<vmem>>, %arg4: memref<256x16xf32, #tpu.memory_space<vmem>>, %arg5: memref<256x16xf32, #tpu.memory_space<vmem>>, %arg6: memref<256x16xf32, #tpu.memory_space<vmem>>, %arg7: memref<128x128xf32, #tpu.memory_space<vmem>>, %arg8: memref<1x128xf32, #tpu.memory_space<vmem>>, %arg9: memref<128x128xf32, #tpu.memory_space<vmem>>, %arg10: memref<128x128xf32, #tpu.memory_space<vmem>>, %arg11: memref<1x128xf32, #tpu.memory_space<vmem>>, %arg12: memref<1x128xf32, #tpu.memory_space<vmem>>, %arg13: memref<1x128xf32, #tpu.memory_space<vmem>>, %arg14: memref<1x128xf32, #tpu.memory_space<vmem>>, %arg15: memref<256x128xf32, #tpu.memory_space<vmem>>, %arg16: memref<256x16xf32, #tpu.memory_space<vmem>>) attributes {dimension_semantics = [#tpu.dimension_semantics<arbitrary>], iteration_bounds = array<i64: 40>, scalar_prefetch = 0 : i64, scratch_operands = 0 : i64, tpu.core_type = #tpu.core_type<tc>, window_params = [{transform_indices = @transform_0, window_bounds = array<i64: 256, 128>}, {transform_indices = @transform_1, window_bounds = array<i64: 256, 128>}, {transform_indices = @transform_2, window_bounds = array<i64: 256, 128>}, {transform_indices = @transform_3, window_bounds = array<i64: 256, 16>}, {transform_indices = @transform_4, window_bounds = array<i64: 256, 16>}, {transform_indices = @transform_5, window_bounds = array<i64: 256, 16>}, {pipeline_mode = #tpu.pipeline_mode<synchronous>, transform_indices = @transform_6, window_bounds = array<i64: 128, 128>}, {pipeline_mode = #tpu.pipeline_mode<synchronous>, transform_indices = @transform_7, window_bounds = array<i64: 1, 128>}, {pipeline_mode = #tpu.pipeline_mode<synchronous>, transform_indices = @transform_8, window_bounds = array<i64: 128, 128>}, {pipeline_mode = #tpu.pipeline_mode<synchronous>, transform_indices = @transform_9, window_bounds = array<i64: 128, 128>}, {pipeline_mode = #tpu.pipeline_mode<synchronous>, transform_indices = @transform_10, window_bounds = array<i64: 1, 128>}, {pipeline_mode = #tpu.pipeline_mode<synchronous>, transform_indices = @transform_11, window_bounds = array<i64: 1, 128>}, {pipeline_mode = #tpu.pipeline_mode<synchronous>, transform_indices = @transform_12, window_bounds = array<i64: 1, 128>}, {pipeline_mode = #tpu.pipeline_mode<synchronous>, transform_indices = @transform_13, window_bounds = array<i64: 1, 128>}, {transform_indices = @transform_14, window_bounds = array<i64: 256, 128>}, {transform_indices = @transform_15, window_bounds = array<i64: 256, 16>}]} {
    %get3A = arith.constant 0 : index
    %get3A_0 = arith.constant 0 : index
    %get3A_1 = vector.load %arg2[%get3A, %get3A_0] : memref<256x128xf32, #tpu.memory_space<vmem>>, vector<256x128xf32>
    %get3A_2 = arith.constant 0 : index
    %get3A_3 = arith.constant 0 : index
    %get3A_4 = vector.load %arg3[%get3A_2, %get3A_3] : memref<256x128xf32, #tpu.memory_space<vmem>>, vector<256x128xf32>
    %add3A = arith.addf %get3A_1, %get3A_4 : vector<256x128xf32>
    %get3A_5 = arith.constant 0 : index
    %get3A_6 = arith.constant 0 : index
    %get3A_7 = vector.load %arg4[%get3A_5, %get3A_6] : memref<256x16xf32, #tpu.memory_space<vmem>>, vector<256x16xf32>
    %get3A_8 = arith.constant 0 : index
    %get3A_9 = arith.constant 0 : index
    %get3A_10 = vector.load %arg5[%get3A_8, %get3A_9] : memref<256x16xf32, #tpu.memory_space<vmem>>, vector<256x16xf32>
    %add3A_11 = arith.addf %get3A_7, %get3A_10 : vector<256x16xf32>
    %slice3A = vector.extract_strided_slice %add3A_11 {offsets = [0, 3], sizes = [256, 1], strides = [1, 1]} : vector<256x16xf32> to vector<256x1xf32>
    %get3A_12 = arith.constant 0 : index
    %get3A_13 = arith.constant 0 : index
    %get3A_14 = vector.load %arg7[%get3A_12, %get3A_13] : memref<128x128xf32, #tpu.memory_space<vmem>>, vector<128x128xf32>
    %dot_general3A = arith.constant dense<0.000000e+00> : vector<256x128xf32>
    %dot_general3A_15 = tpu.matmul %add3A, %get3A_14, %dot_general3A {dimension_numbers = #tpu.dot_dimension_numbers<[1], [0], [0], [1], [0, 0, 1, 1], [], []>, transpose_lhs_hint = false} : vector<256x128xf32>, vector<128x128xf32>, vector<256x128xf32> -> vector<256x128xf32>
    %get3A_16 = arith.constant 0 : index
    %get3A_17 = arith.constant 0 : index
    %get3A_18 = vector.load %arg8[%get3A_16, %get3A_17] : memref<1x128xf32, #tpu.memory_space<vmem>>, vector<1x128xf32>
    %mul3A = vector.broadcast %slice3A : vector<256x1xf32> to vector<256x128xf32>
    %mul3A_19 = vector.broadcast %get3A_18 : vector<1x128xf32> to vector<256x128xf32>
    %mul3A_20 = arith.mulf %mul3A, %mul3A_19 : vector<256x128xf32>
    %add3A_21 = arith.addf %dot_general3A_15, %mul3A_20 : vector<256x128xf32>
    %get3A_22 = arith.constant 0 : index
    %get3A_23 = arith.constant 0 : index
    %get3A_24 = vector.load %arg1[%get3A_22, %get3A_23] : memref<256x128xf32, #tpu.memory_space<vmem>>, vector<256x128xf32>
    %get3A_25 = arith.constant 0 : index
    %get3A_26 = arith.constant 0 : index
    %get3A_27 = vector.load %arg9[%get3A_25, %get3A_26] : memref<128x128xf32, #tpu.memory_space<vmem>>, vector<128x128xf32>
    %dot_general3A_28 = arith.constant dense<0.000000e+00> : vector<256x128xf32>
    %dot_general3A_29 = tpu.matmul %get3A_24, %get3A_27, %dot_general3A_28 {dimension_numbers = #tpu.dot_dimension_numbers<[1], [0], [0], [1], [0, 0, 1, 1], [], []>, transpose_lhs_hint = false} : vector<256x128xf32>, vector<128x128xf32>, vector<256x128xf32> -> vector<256x128xf32>
    %get3A_30 = arith.constant 0 : index
    %get3A_31 = arith.constant 0 : index
    %get3A_32 = vector.load %arg10[%get3A_30, %get3A_31] : memref<128x128xf32, #tpu.memory_space<vmem>>, vector<128x128xf32>
    %dot_general3A_33 = arith.constant dense<0.000000e+00> : vector<256x128xf32>
    %dot_general3A_34 = tpu.matmul %add3A_21, %get3A_32, %dot_general3A_33 {dimension_numbers = #tpu.dot_dimension_numbers<[1], [0], [0], [1], [0, 0, 1, 1], [], []>, transpose_lhs_hint = false} : vector<256x128xf32>, vector<128x128xf32>, vector<256x128xf32> -> vector<256x128xf32>
    %add3A_35 = arith.addf %dot_general3A_29, %dot_general3A_34 : vector<256x128xf32>
    %get3A_36 = arith.constant 0 : index
    %get3A_37 = arith.constant 0 : index
    %get3A_38 = vector.load %arg11[%get3A_36, %get3A_37] : memref<1x128xf32, #tpu.memory_space<vmem>>, vector<1x128xf32>
    %add3A_39 = vector.broadcast %get3A_38 : vector<1x128xf32> to vector<256x128xf32>
    %add3A_40 = arith.addf %add3A_35, %add3A_39 : vector<256x128xf32>
    %max3A = arith.constant 0.000000e+00 : f32
    %max3A_41 = vector.broadcast %max3A : f32 to vector<256x128xf32>
    %max3A_42 = arith.maximumf %add3A_40, %max3A_41 : vector<256x128xf32>
    %add3A_43 = arith.addf %get3A_24, %max3A_42 : vector<256x128xf32>
    %reduce_sum3A = arith.constant dense<0.000000e+00> : vector<256xf32>
    %reduce_sum3A_44 = vector.multi_reduction <add>, %add3A_43, %reduce_sum3A [1] : vector<256x128xf32> to vector<256xf32>
    %broadcast_in_dim3A = vector.shape_cast %reduce_sum3A_44 : vector<256xf32> to vector<256x1xf32>
    %div3A = arith.constant 1.280000e+02 : f32
    %div3A_45 = vector.broadcast %div3A : f32 to vector<256x1xf32>
    %div3A_46 = arith.divf %broadcast_in_dim3A, %div3A_45 : vector<256x1xf32>
    %sub3A = vector.broadcast %div3A_46 : vector<256x1xf32> to vector<256x128xf32>
    %sub3A_47 = arith.subf %add3A_43, %sub3A : vector<256x128xf32>
    %integer_pow3A = arith.mulf %sub3A_47, %sub3A_47 : vector<256x128xf32>
    %reduce_sum3A_48 = arith.constant dense<0.000000e+00> : vector<256xf32>
    %reduce_sum3A_49 = vector.multi_reduction <add>, %integer_pow3A, %reduce_sum3A_48 [1] : vector<256x128xf32> to vector<256xf32>
    %broadcast_in_dim3A_50 = vector.shape_cast %reduce_sum3A_49 : vector<256xf32> to vector<256x1xf32>
    %div3A_51 = arith.constant 1.280000e+02 : f32
    %div3A_52 = vector.broadcast %div3A_51 : f32 to vector<256x1xf32>
    %div3A_53 = arith.divf %broadcast_in_dim3A_50, %div3A_52 : vector<256x1xf32>
    %sub3A_54 = vector.broadcast %div3A_46 : vector<256x1xf32> to vector<256x128xf32>
    %sub3A_55 = arith.subf %add3A_43, %sub3A_54 : vector<256x128xf32>
    %add3A_56 = arith.constant 9.99999974E-6 : f32
    %add3A_57 = vector.broadcast %add3A_56 : f32 to vector<256x1xf32>
    %add3A_58 = arith.addf %div3A_53, %add3A_57 : vector<256x1xf32>
    %rsqrt3A = math.rsqrt %add3A_58 : vector<256x1xf32>
    %mul3A_59 = vector.broadcast %rsqrt3A : vector<256x1xf32> to vector<256x128xf32>
    %mul3A_60 = arith.mulf %sub3A_55, %mul3A_59 : vector<256x128xf32>
    %get3A_61 = arith.constant 0 : index
    %get3A_62 = arith.constant 0 : index
    %get3A_63 = vector.load %arg12[%get3A_61, %get3A_62] : memref<1x128xf32, #tpu.memory_space<vmem>>, vector<1x128xf32>
    %mul3A_64 = vector.broadcast %get3A_63 : vector<1x128xf32> to vector<256x128xf32>
    %mul3A_65 = arith.mulf %mul3A_60, %mul3A_64 : vector<256x128xf32>
    %get3A_66 = arith.constant 0 : index
    %get3A_67 = arith.constant 0 : index
    %get3A_68 = vector.load %arg13[%get3A_66, %get3A_67] : memref<1x128xf32, #tpu.memory_space<vmem>>, vector<1x128xf32>
    %add3A_69 = vector.broadcast %get3A_68 : vector<1x128xf32> to vector<256x128xf32>
    %add3A_70 = arith.addf %mul3A_65, %add3A_69 : vector<256x128xf32>
    %swap3A = arith.constant 0 : index
    %swap3A_71 = arith.constant 0 : index
    %swap3A_72 = vector.load %arg15[%swap3A, %swap3A_71] : memref<256x128xf32, #tpu.memory_space<vmem>>, vector<256x128xf32>
    tpu.vector_store %arg15[%swap3A, %swap3A_71], %add3A_70 {strides = array<i32>} : memref<256x128xf32, #tpu.memory_space<vmem>>, vector<256x128xf32>,
    %get3A_73 = arith.constant 0 : index
    %get3A_74 = arith.constant 0 : index
    %get3A_75 = vector.load %arg6[%get3A_73, %get3A_74] : memref<256x16xf32, #tpu.memory_space<vmem>>, vector<256x16xf32>
    %get3A_76 = arith.constant 0 : index
    %get3A_77 = arith.constant 0 : index
    %get3A_78 = vector.load %arg14[%get3A_76, %get3A_77] : memref<1x128xf32, #tpu.memory_space<vmem>>, vector<1x1xf32>
    %get3A_79 = vector.extract %get3A_78[0, 0] : f32 from vector<1x1xf32>
    %mul3A_80 = vector.broadcast %get3A_79 : f32 to vector<256x16xf32>
    %mul3A_81 = arith.mulf %mul3A_80, %add3A_11 : vector<256x16xf32>
    %add3A_82 = arith.addf %get3A_75, %mul3A_81 : vector<256x16xf32>
    %swap3A_83 = arith.constant 0 : index
    %swap3A_84 = arith.constant 0 : index
    %swap3A_85 = vector.load %arg16[%swap3A_83, %swap3A_84] : memref<256x16xf32, #tpu.memory_space<vmem>>, vector<256x16xf32>
    tpu.vector_store %arg16[%swap3A_83, %swap3A_84], %add3A_82 {strides = array<i32>} : memref<256x16xf32, #tpu.memory_space<vmem>>, vector<256x16xf32>,
    return
  }
  func.func @transform_0(%arg0: i32) -> (i32, i32) {
    %c0_i32 = arith.constant 0 : i32
    %c0_i32_0 = arith.constant 0 : i32
    return %arg0, %c0_i32 : i32, i32
  }
  func.func @transform_1(%arg0: i32) -> (i32, i32) {
    %c0_i32 = arith.constant 0 : i32
    %c0_i32_0 = arith.constant 0 : i32
    return %arg0, %c0_i32 : i32, i32
  }
  func.func @transform_2(%arg0: i32) -> (i32, i32) {
    %c0_i32 = arith.constant 0 : i32
    %c0_i32_0 = arith.constant 0 : i32
    return %arg0, %c0_i32 : i32, i32
  }
  func.func @transform_3(%arg0: i32) -> (i32, i32) {
    %c0_i32 = arith.constant 0 : i32
    %c0_i32_0 = arith.constant 0 : i32
    return %arg0, %c0_i32 : i32, i32
  }
  func.func @transform_4(%arg0: i32) -> (i32, i32) {
    %c0_i32 = arith.constant 0 : i32
    %c0_i32_0 = arith.constant 0 : i32
    return %arg0, %c0_i32 : i32, i32
  }
  func.func @transform_5(%arg0: i32) -> (i32, i32) {
    %c0_i32 = arith.constant 0 : i32
    %c0_i32_0 = arith.constant 0 : i32
    return %arg0, %c0_i32 : i32, i32
  }
  func.func @transform_6(%arg0: i32) -> (i32, i32) {
    %c0_i32 = arith.constant 0 : i32
    %c0_i32_0 = arith.constant 0 : i32
    %c0_i32_1 = arith.constant 0 : i32
    return %c0_i32, %c0_i32_0 : i32, i32
  }
  func.func @transform_7(%arg0: i32) -> (i32, i32) {
    %c0_i32 = arith.constant 0 : i32
    %c0_i32_0 = arith.constant 0 : i32
    %c0_i32_1 = arith.constant 0 : i32
    return %c0_i32, %c0_i32_0 : i32, i32
  }
  func.func @transform_8(%arg0: i32) -> (i32, i32) {
    %c0_i32 = arith.constant 0 : i32
    %c0_i32_0 = arith.constant 0 : i32
    %c0_i32_1 = arith.constant 0 : i32
    return %c0_i32, %c0_i32_0 : i32, i32
  }
  func.func @transform_9(%arg0: i32) -> (i32, i32) {
    %c0_i32 = arith.constant 0 : i32
    %c0_i32_0 = arith.constant 0 : i32
    %c0_i32_1 = arith.constant 0 : i32
    return %c0_i32, %c0_i32_0 : i32, i32
  }
  func.func @transform_10(%arg0: i32) -> (i32, i32) {
    %c0_i32 = arith.constant 0 : i32
    %c0_i32_0 = arith.constant 0 : i32
    %c0_i32_1 = arith.constant 0 : i32
    return %c0_i32, %c0_i32_0 : i32, i32
  }
  func.func @transform_11(%arg0: i32) -> (i32, i32) {
    %c0_i32 = arith.constant 0 : i32
    %c0_i32_0 = arith.constant 0 : i32
    %c0_i32_1 = arith.constant 0 : i32
    return %c0_i32, %c0_i32_0 : i32, i32
  }
  func.func @transform_12(%arg0: i32) -> (i32, i32) {
    %c0_i32 = arith.constant 0 : i32
    %c0_i32_0 = arith.constant 0 : i32
    %c0_i32_1 = arith.constant 0 : i32
    return %c0_i32, %c0_i32_0 : i32, i32
  }
  func.func @transform_13(%arg0: i32) -> (i32, i32) {
    %c0_i32 = arith.constant 0 : i32
    %c0_i32_0 = arith.constant 0 : i32
    %c0_i32_1 = arith.constant 0 : i32
    return %c0_i32, %c0_i32_0 : i32, i32
  }
  func.func @transform_14(%arg0: i32) -> (i32, i32) {
    %c0_i32 = arith.constant 0 : i32
    %c0_i32_0 = arith.constant 0 : i32
    return %arg0, %c0_i32 : i32, i32
  }
  func.func @transform_15(%arg0: i32) -> (i32, i32) {
    %c0_i32 = arith.constant 0 : i32
    %c0_i32_0 = arith.constant 0 : i32
    return %arg0, %c0_i32 : i32, i32
  }
}

</mosaic_0001>

<sc_bundles>
// kernel: kernel.5.cloned.1.call-start
scs
__scs_entry_jumppad:
0x0: {  	(pc) =	sbr.rel $0x88, $3  }
0x1: {  	(tag) =	ssettag $0x0;
	lr =	simm.s32 $0x1  }
0x2: {  	[smem:$0x3F93] =	sst lr;
	_ =	strace $0xD0000000  }
0x3: {  	_ = 	snop  }
0x4: {  	_ = 	snop  }
0x5: {  	_ = 	snop  }
0x6: {  	_ = 	snop  }
0x7: {  	_ = 	snop  }
__scs_overlays_trampoline_lowered:
0x8: {  	[smem:$0x3FA2] =	sst s0  }
0x9: {  	[smem:$0x3FA3] =	sst s1  }
0xa: {  	[smem:$0x3FA4] =	sst s2  }
0xb: {  	[smem:$0x3FA5] =	sst s3  }
0xc: {  	[smem:$0x3FA6] =	sst s4  }
0xd: {  	[smem:$0x3FA7] =	sst s5  }
0xe: {  	[smem:$0x3FA8] =	sst s6  }
0xf: {  	[smem:$0x3FA9] =	sst s7  }
0x10: {  	[smem:$0x3FAA] =	sst s8  }
0x11: {  	[smem:$0x3FAB] =	sst s9;
	s0 =	simm.s32 @!p0 $0x0  }
0x12: {  	s1 =	sld [smem:$0x3F91];
	s0 =	simm.s32 @p0 $0x1  }
0x13: {  	[smem:$0x3FAC] =	sst s0;
	s0 =	simm.s32 @!p1 $0x0  }
0x14: {  	s2 =	sld [smem:$0x3F90];
	s0 =	simm.s32 @p1 $0x1  }
0x15: {  	[smem:$0x3FAD] =	sst s0;
	s0 =	simm.s32 @!p2 $0x0  }
0x16: {  	s3 =	sld [smem:$0x3FDB];
	s0 =	simm.s32 @p2 $0x1  }
0x17: {  	s4 =	simm.s32 $0x1BF5;
	[smem:$0x3FAF] =	sst s0  }
0x18: {  	s0 =	sld [smem:$0x3F92];
	_ =	swait.ge [sflag:s4], $0x0  }
0x19: {  	s7 =	sld [smem:$0x3F93]  }
0x1a: {  	s8 =	sadd.s32 $0xFFFFE003, lr  }
0x1b: {  	s9 =	sadd.s32 $0xFFFFFEF7, lr;
	s5 =	simm.s32 $0xFFFFFFFF;
	p2 =	slt.u32 s8, $0xFFFFF086  }
0x1c: {  	p1 =	slt.u32 s9, $0xF7A;
	s5 =	simm.s32 @!p2 $0x0  }
0x1d: {  	s5 =	simm.s32 @p1 $0x1;
	p0 =	seq.s32 s7, s2  }
0x1e: {  	s7 =	smul.u32 @!p0 $0xF7A, s2;
	p2 =	seq.s32 @!p0 s5, $0x0  }
0x1f: {  	s9 =	smul.u32 $0xF7A, s1;
	s8 =	simm.s32 @!p0 $0x1BF5;
	p2 =	por !p2, p0  }
0x20: {  	[sflag:s8] =	ssyncset.s32 @!p0 $0xFFFFF086;
	s6 =	sadd.s32 @!p0 s3, s7;
	s7 =	simm.s32 @!p0 $0x108  }
0x21: {  	s3 =	sadd.s32 s3, s9;
	s6 =	sadd.s32 @!p0 $0x88, s6;
	s7 =	simm.s32 @p2 $0x1082  }
0x22: {  	[simem:s7], [sflag:s8] =	dma.local @!p0 [hbm:s6], $0xF7A  }
0x23: {  	s9 =	sor.u32 $0xD0000000, s2;
	s6 =	simm.s32 $0x108;
	_ =	swait.ge @!p0 [sflag:s8], $0x0  }
0x24: {  	s3 =	sadd.s32 $0x88, s3;
	s6 =	simm.s32 @!p1 $0x1082;
	[sflag:s4] =	ssyncset.s32 $0xFFFFF086  }
0x25: {  	[simem:s6], [sflag:s4] =	dma.local [hbm:s3], $0xF7A  }
0x26: {  	[smem:$0x3F93] =	sst s1;
	(tag) =	ssettag s2;
	_ =	strace s9  }
0x27: {  	s1 =	sld [smem:$0x3FA3]  }
0x28: {  	s2 =	sld [smem:$0x3FA4]  }
0x29: {  	s4 =	sld [smem:$0x3FA6]  }
0x2a: {  	p0 =	seq.s32 s5, $0x0;
	s5 =	sld [smem:$0x3FA7]  }
0x2b: {  	s6 =	sld [smem:$0x3FA8]  }
0x2c: {  	s7 =	sld [smem:$0x3FA9]  }
0x2d: {  	s3 =	simm.s32 $0x108;
	s8 =	sld [smem:$0x3FAA]  }
0x2e: {  	s3 =	simm.s32 @!p0 $0x1082;
	s9 =	sld [smem:$0x3FAB]  }
0x2f: {  	lr =	sadd.s32 s0, s3;
	s0 =	sld [smem:$0x3FA2]  }
0x30: {  	s3 =	sld [smem:$0x3FA5]  }
0x31: {  	[smem:$0x3FAE] =	sst s10  }
0x32: {  	s10 =	sld [smem:$0x3FAC];
	_ =	sdelay $0x3  }
0x33: {  	p0 =	seq.s32 s10, $0x1;
	s10 =	sld [smem:$0x3FAE];
	_ =	sdelay $0x3  }
0x34: {  	[smem:$0x3FAE] =	sst s10  }
0x35: {  	s10 =	sld [smem:$0x3FAD];
	_ =	sdelay $0x3  }
0x36: {  	p1 =	seq.s32 s10, $0x1;
	s10 =	sld [smem:$0x3FAE];
	_ =	sdelay $0x3  }
0x37: {  	[smem:$0x3FAE] =	sst s10  }
0x38: {  	s10 =	sld [smem:$0x3FAF]  }
0x39: {  	_ = 	snop;
	(pc) =	sbr.ind lr, $3  }
0x3a: {  	_ = 	snop  }
0x3b: {  	_ = 	snop  }
0x3c: {  	p2 =	seq.s32 s10, $0x1;
	s10 =	sld [smem:$0x3FAE]  }
0x3d: {  	_ =	shalt  }
0x3e: {  	_ =	shalt  }
0x3f: {  	_ =	shalt  }
0x40: {  	_ =	shalt  }
0x41: {  	_ =	shalt  }
0x42: {  	_ =	shalt  }
0x43: {  	_ =	shalt  }
0x44: {  	_ =	shalt  }
0x45: {  	_ =	shalt  }
0x46: {  	_ =	shalt  }
0x47: {  	_ =	shalt  }
0x48: {  	_ =	shalt  }
0x49: {  	_ =	shalt  }
0x4a: {  	_ =	shalt  }
0x4b: {  	_ =	shalt  }
0x4c: {  	_ =	shalt  }
0x4d: {  	_ =	shalt  }
0x4e: {  	_ =	shalt  }
0x4f: {  	_ =	shalt  }
0x50: {  	_ =	shalt  }
0x51: {  	_ =	shalt  }
0x52: {  	_ =	shalt  }
0x53: {  	_ =	shalt  }
0x54: {  	_ =	shalt  }
0x55: {  	_ =	shalt  }
0x56: {  	_ =	shalt  }
0x57: {  	_ =	shalt  }
0x58: {  	_ =	shalt  }
0x59: {  	_ =	shalt  }
0x5a: {  	_ =	shalt  }
0x5b: {  	_ =	shalt  }
0x5c: {  	_ =	shalt  }
0x5d: {  	_ =	shalt  }
0x5e: {  	_ =	shalt  }
0x5f: {  	_ =	shalt  }
0x60: {  	_ =	shalt  }
0x61: {  	_ =	shalt  }
0x62: {  	_ =	shalt  }
0x63: {  	_ =	shalt  }
0x64: {  	_ =	shalt  }
0x65: {  	_ =	shalt  }
0x66: {  	_ =	shalt  }
0x67: {  	_ =	shalt  }
0x68: {  	_ =	shalt  }
0x69: {  	_ =	shalt  }
0x6a: {  	_ =	shalt  }
0x6b: {  	_ =	shalt  }
0x6c: {  	_ =	shalt  }
0x6d: {  	_ =	shalt  }
0x6e: {  	_ =	shalt  }
0x6f: {  	_ =	shalt  }
0x70: {  	_ =	shalt  }
0x71: {  	_ =	shalt  }
0x72: {  	_ =	shalt  }
0x73: {  	_ =	shalt  }
0x74: {  	_ =	shalt  }
0x75: {  	_ =	shalt  }
0x76: {  	_ =	shalt  }
0x77: {  	_ =	shalt  }
0x78: {  	_ =	shalt  }
0x79: {  	_ =	shalt  }
0x7a: {  	_ =	shalt  }
0x7b: {  	_ =	shalt  }
0x7c: {  	_ =	shalt  }
0x7d: {  	_ =	shalt  }
0x7e: {  	_ =	shalt  }
0x7f: {  	_ =	shalt  }
0x80: {  	_ =	shalt  }
0x81: {  	_ =	shalt  }
0x82: {  	_ =	shalt  }
0x83: {  	_ =	shalt  }
0x84: {  	_ =	shalt  }
0x85: {  	_ =	shalt  }
0x86: {  	_ =	shalt  }
0x87: {  	_ =	shalt  }
.Lfunc_end0:
.L_simem_size_0:
called_computation_lowered:
.L_overlay_start_0:
0x88: {  	s2 =	sld [smem:$0x3FD9]  }
0x89: {  	s3 =	sld [smem:$0x3FFE];
	_ =	sdelay $0x1  }
0x8a: {  	s1 =	srdreg.scid  }
0x8b: {  	s0 =	sand.u32 $0x1, s1  }
0x8c: {  	s14 =	sshll.u32 s0, $0xA;
	s2 =	sadd.s32 s3, s2  }
0x8d: {  	s2 =	sadd.s32 s2, s14  }
0x8e: {  	[smem:$0x3FBA] =	sst s2  }
0x8f: {  	_ = 	snop  }
0x90: {  	s2 =	sld [smem:$0x3FD0];
	_ =	sdelay $0x2  }
0x91: {  	s15 =	simm.s32 $0xA;
	s4 =	simm.s32 $0x10  }
0x92: {  	[smem:s4], [sflag:s15] =	dma.local [hbm:s2], $0x1  }
0x93: {  	_ =	swait.eq [sflag:s15], $0x1  }
0x94: {  	[sflag:s15] =	ssyncset.done $0x0  }
0x95: {  	s16 =	sld [smem:$0x10];
	[sflag:s15] =	ssyncadd.s32 $0xFFFFFFFF  }
0x96: {  	s17 =	sld [smem:$0x11];
	(tm) =	ssettm $0x1  }
0x97: {  	s18 =	sld [smem:$0x3FFB];
	_ =	sdelay $0x3  }
0x98: {  	_ =	strace s18  }
0x99: {  	s4 =	sld [smem:$0x3FFC];
	_ =	sdelay $0x3  }
0x9a: {  	_ =	strace s4  }
0x9b: {  	s4 =	sld [smem:$0x3FFD];
	_ =	sdelay $0x3  }
0x9c: {  	_ =	strace s4  }
0x9d: {  	_ =	strace $0x8FFFFFFF  }
0x9e: {  	s19 =	sld [smem:$0x3FDB];
	_ =	sdelay $0x1  }
0x9f: {  	s5 =	simm.s32 $_scs_section_size  }
0xa0: {  	s6 =	simm.s32 $_size__tile_overlayer_lowered;
	s7 =	simm.s32 $_tile_overlayer_lowered  }
0xa1: {  	s22 =	simm.s32 $0x1BFF;
	s21 =	sshll.u32 s7, $0x1;
	s4 =	sadd.s32 s5, s19  }
0xa2: {  	s8 =	simm.s32 $0x0;
	s20 =	sshll.u32 s6, $0x1;
	s6 =	sadd.s32 s21, s4  }
0xa3: {  	[timem:s8], [sflag:s22] =	dma.local [hbm:s6], s20  }
0xa4: {  	_ =	swait.ge [sflag:s22], s20  }
0xa5: {  	s5 =	ssub.s32 $0x0, s20;
	[sflag:s22] =	ssyncset.done $0x0  }
0xa6: {  	[sflag:s22] =	ssyncadd.s32 s5;
	_ =	sdelay $0x1  }
0xa7: {  	s23 =	simm.s32 $0x1B8B  }
0xa8: {  	_ =	swait.ge [sflag:s23], $0x1  }
0xa9: {  	[sflag:s23] =	ssyncset.done $0x0  }
0xaa: {  	s25 =	simm.s32 $0x1B8E;
	s24 =	sld [smem:$0x3FFE];
	[sflag:s23] =	ssyncadd.s32 $0xFFFFFFFF  }
0xab: {  	s26 =	simm.s32 $execute0_lowered;
	[smem:$0x3FD2] =	sst s25  }
0xac: {  	s6 =	sshll.u32 s26, $0x1;
	_ =	strace $0x80000046;
	[dreg:$0x1] =	wrdreg $0xFFFFFFFF  }
0xad: {  	s28 =	simm.s32 $_size_execute0_lowered;
	s4 =	sadd.s32 s4, s6;
	[dreg:$0x0] =	wrdreg $0x0  }
0xae: {  	s6 =	sshll.u32 s28, $0x1;
	[dreg:$0x2] =	wrdreg s4  }
0xaf: {  	[dreg:$0x3] =	wrdreg s6  }
0xb0: {  	[dreg:$0x4] =	wrdreg $0xC0  }
0xb1: {  	_ =	task [dreg:s8], $0x5FFFF  }
0xb2: {  	[dreg:$0x1] =	wrdreg $0xFFFFFFFF  }
0xb3: {  	[dreg:$0x0] =	wrdreg $0x60  }
0xb4: {  	[dreg:$0x2] =	wrdreg s16  }
0xb5: {  	[dreg:$0x3] =	wrdreg s24  }
0xb6: {  	[dreg:$0x4] =	wrdreg s17  }
0xb7: {  	[dreg:$0x5] =	wrdreg $0x9B100  }
0xb8: {  	[dreg:$0x6] =	wrdreg $0x1D7100  }
0xb9: {  	[dreg:$0x7] =	wrdreg $0x9  }
0xba: {  	_ =	task.clear_ibuf [dreg:s8], $0x8FFFF;
	_ =	strace $0x90000046  }
0xbb: {  	s29 =	simm.s32 $0x9;
	_ =	strace $0x80000048  }
0xbc: {  	_ =	swait.ge [sflag:s29], $0x1  }
0xbd: {  	[sflag:s29] =	ssyncadd.s32 $0xFFFFFFFF  }
0xbe: {  	_ =	strace $0x90000048  }
0xbf: {  	_ =	sfence  }
0xc0: {  	s30 =	sld [smem:$0x0];
	_ =	sdelay $0x2  }
0xc1: {  	s31 =	sshll.u32 s1, $0xD;
	s1 =	sshrl.u32 s1, $0x2  }
0xc2: {  	s3 =	sand.u32 $0x4000, s31;
	s1 =	sadd.s32 s1, s30  }
0xc3: {  	s0 =	sor.u32 s3, s0;
	s1 =	sshll.u32 s1, $0x11  }
0xc4: {  	s0 =	sor.u32 s1, s0  }
0xc5: {  	s0 =	sadd.s32 $0x8F2B, s0  }
0xc6: {  	[sflag:s0] =	ssyncadd.remote.s32 $0x1  }
0xc7: {  	_ =	sfence.sel $0xFFFF  }
0xc8: {  	[dreg:$0x0] =	wrdreg $0xFFFFFFFF;
	(pc) =	sbr.abs _section_cstart, $3  }
0xc9: {  	[dreg:$0x1] =	wrdreg $0xFFFFFFFF  }
0xca: {  	_ =	task.clear_ibuf [dreg:s8], $0x2FFFF;
	_ =	strace $0x9FFFFFFF  }
0xcb: {  	(tm) =	ssettm $0x7FFFFFFF  }
tec
execute0_lowered:
.L_overlay_start_1:
0x0: {  	(tag) =	ssettag $0x1  }
0x1: {  	s0 =	rddreg [dreg:$0x1]  }
0x2: {  	s15 =	rddreg [dreg:$0x3]  }
0x3: {  	s16 =	rddreg [dreg:$0x4]  }
0x4: {  	s5 =	simm.s32 $0x0;
	s1 =	srdreg.scid;
	s17 =	stileid.u32  }
0x5: {  	s11 =	simm.s32 $0x3380;
	s28 =	simm.s32 $0x9980;
	s29 =	simm.s32 $0x9900  }
0x6: {  	s30 =	simm.s32 $0x4;
	[smem:$0x7FF] =	sst s5;
	s7 =	sadd.s32 $0x3A00, s0  }
0x7: {  	s8 =	sadd.s32 $0x3FA00, s0;
	s9 =	sadd.s32 $0x44A00, s0;
	s1 =	sand.u32 $0x1, s1  }
0x8: {  	s2 =	smul.u32 $0x13C00, s17;
	s10 =	sadd.s32 $0x4EC00, s0;
	s3 =	sadd.s32 $0x58E00, s0  }
0x9: {  	s4 =	sadd.s32 $0x3600, s0;
	s25 =	sadd.s32 $0x3800, s0;
	s26 =	smul.u32 $0x2780, s17  }
0xa: {  	_ =	strace $0x80000047;
	[dreg:$0x6] =	wrdreg s3;
	s24 =	smul.u32 $0x140000, s1  }
0xb: {  	s13 =	sadd.s32 $0x59000, s0;
	[dreg:$0x7] =	wrdreg s4;
	s6 =	smul.u32 $0x28000, s1  }
0xc: {  	[dreg:$0x8] =	wrdreg s25;
	p0 =	seq.s32 s1, $0x0;
	s12 =	smul.u32 $0x33800, s1  }
0xd: {  	[dreg:$0x9] =	wrdreg s13;
	s1 =	ssub.s32 $0x2, s1;
	s4 =	simm.s32 $0x5  }
0xe: {  	s11 =	simm.s32 @!p0 $0x1C80;
	s14 =	sshrl.u32 s1, $0x1;
	s16 =	sadd.s32 s26, s16  }
0xf: {  	s3 =	sadd.s32 s2, s24;
	s31 =	smul.u32 s17, s11;
	s6 =	sadd.s32 s26, s6  }
0x10: {  	s1 =	ssub.s32 s1, s14;
	s2 =	sadd.s32 s2, s15;
	[dreg:$0xb] =	wrdreg s16  }
0x11: {  	s22 =	sshrl.u32 s11, $0x7;
	s26 =	sshll.u32 s17, $0x6;
	s11 =	simm.s32 $0x6  }
0x12: {  	s15 =	simm.s32 $0x2880;
	s16 =	simm.s32 $0x28C0;
	[dreg:$0xa] =	wrdreg s2  }
0x13: {  	s17 =	simm.s32 $0x2;
	s3 =	sshrl.u32 s3, $0x3;
	[dreg:$0x10] =	wrdreg s22  }
0x14: {  	[dreg:$0x14] =	wrdreg s26;
	s12 =	sadd.s32 s12, s31;
	s31 =	smax.u32 s1, $0x1  }
0x15: {  	s6 =	sshrl.u32 s6, $0x3;
	s23 =	sadd.s32 $0x80, s12;
	[dreg:$0x16] =	wrdreg s31  }
0x16: {  	s3 =	sadd.s32 s3, s0;
	s24 =	sadd.s32 $0xC0, s12;
	[dreg:$0x11] =	wrdreg s23  }
0x17: {  	s0 =	sadd.s32 s6, s0;
	s25 =	sadd.s32 $0x5B800, s3;
	[dreg:$0x12] =	wrdreg s24  }
0x18: {  	s14 =	sshrl.u32 s12, $0x3;
	s0 =	sadd.s32 $0xAB800, s0;
	[dreg:$0x13] =	wrdreg s25  }
0x19: {  	s6 =	simm.s32 $0x1;
	s19 =	sadd.s32 s9, s14;
	[dreg:$0x15] =	wrdreg s0  }
0x1a: {  	s18 =	sor.u32 $0x8, s14;
	s20 =	sadd.s32 s10, s14;
	[dreg:$0xc] =	wrdreg s19  }
0x1b: {  	s3 =	simm.s32 $0x0;
	[dreg:$0xd] =	wrdreg s20;
	s21 =	sadd.s32 s9, s18  }
0x1c: {  	s0 =	simm.s32 $0x40;
	s2 =	sadd.s32 s10, s18;
	[dreg:$0xe] =	wrdreg s21  }
0x1d: {  	v0 =	vimm.f32 $0.0e+00;
	vm1 =	vcmask $0xF0C;
	s25 =	simm.s32 $0x99C0;
	[dreg:$0xf] =	wrdreg s2;
	s2 =	sor.u32 $0x1C05, s26  }
0x1e: {  	vm0 =	vcmask $0x3F3C;
	v0 =	vsel vm1, $0x3F800000, v0;
	vm1 =	vmmov $0x7;
	s18 =	simm.s32 $0x9940;
	s26 =	simm.s32 $0x3;
	[dreg:$0x17] =	wrdreg s2  }
.LBB2_1:
0x1f: {  	[dreg:$0x18] =	wrdreg s3  }
0x20: {  	s1 =	rddreg [dreg:$0xa]  }
0x21: {  	s13 =	rddreg [dreg:$0x9];
	s12 =	sshrl.u32 s1, $0x3  }
0x22: {  	[dreg:$0x19] =	wrdreg s12  }
0x23: {  	[spmem:s12], [sflag:s2] =	dma.local [hbm:s13], $0x2780  }
0x24: {  	s1 =	rddreg [dreg:$0x14]  }
0x25: {  	s19 =	rddreg [dreg:$0xb]  }
0x26: {  	s21 =	rddreg [dreg:$0x2];
	s14 =	sor.u32 $0x1C06, s1  }
0x27: {  	s20 =	sshrl.u32 s19, $0x3;
	[dreg:$0x1a] =	wrdreg s14  }
0x28: {  	[dreg:$0x1b] =	wrdreg s20  }
0x29: {  	[spmem:s20], [sflag:s14] =	dma.local [hbm:s21], $0x4F0  }
0x2a: {  	s22 =	simm.s32 $0x9A00;
	s23 =	simm.s32 $0x7;
	s1 =	rddreg [dreg:$0x6]  }
0x2b: {  	[tilespmem:s22], [sflag:$0x7] =	stream.linear.gather [hbm4b:s1+s5], $0x80, $0x38;
	[tilespmem:$0x1FE90] =	vst v63  }
0x2c: {  	_ =	swait.ge [sflag:s23], $0x80  }
0x2d: {  	[sflag:s23] =	ssyncset.done $0x0  }
0x2e: {  	s31 =	simm.s32 $0x9A80;
	s24 =	rddreg [dreg:$0x7];
	[sflag:s23] =	ssyncadd.s32 $0xFFFFFF80  }
0x2f: {  	[tilespmem:s31], [sflag:$0x7] =	stream.linear.gather [hbm4b:s24+s5], $0x80, $0x38;
	[tilespmem:$0x1FE90] =	vst v63  }
0x30: {  	_ =	swait.ge [sflag:s23], $0x80  }
0x31: {  	[sflag:s23] =	ssyncset.done $0x0  }
0x32: {  	s12 =	simm.s32 $0x9B00;
	s3 =	rddreg [dreg:$0x8];
	[sflag:s23] =	ssyncadd.s32 $0xFFFFFF80  }
0x33: {  	[tilespmem:s12], [sflag:$0x7] =	stream.linear.gather [hbm4b:s3+s5], $0x10, $0x38;
	[tilespmem:$0x1FE90] =	vst v63  }
0x34: {  	_ =	swait.ge [sflag:s23], $0x10  }
0x35: {  	[sflag:s23] =	ssyncset.done $0x0  }
0x36: {  	[sflag:s23] =	ssyncadd.s32 $0xFFFFFFF0  }
0x37: {  	_ =	swait.ge [sflag:s4], $0x2780  }
0x38: {  	[sflag:s4] =	ssyncset.done $0x0  }
0x39: {  	[sflag:s4] =	ssyncadd.s32 $0xFFFFD880  }
0x3a: {  	_ =	swait.ge [sflag:s11], $0x4F0  }
0x3b: {  	[sflag:s11] =	ssyncset.done $0x0  }
0x3c: {  	[sflag:s11] =	ssyncadd.s32 $0xFFFFFB10  }
0x3d: {  	[bflag:$0x0] =	sbarrier.arrive $0xFFFF  }
0x3e: {  	v1 =	vld [tilespmem:$0x9A00]  }
0x3f: {  	v2 =	vld [tilespmem:$0x9A10]  }
0x40: {  	v3 =	vld [tilespmem:$0x9A20]  }
0x41: {  	v4 =	vld [tilespmem:$0x9A30]  }
0x42: {  	v5 =	vld [tilespmem:$0x9A40]  }
0x43: {  	v6 =	vld [tilespmem:$0x9A50]  }
0x44: {  	v7 =	vld [tilespmem:$0x9A60]  }
0x45: {  	v8 =	vld [tilespmem:$0x9A70]  }
0x46: {  	v9 =	vld [tilespmem:$0x9A80]  }
0x47: {  	v10 =	vld [tilespmem:$0x9A90]  }
0x48: {  	v11 =	vld [tilespmem:$0x9AA0]  }
0x49: {  	v12 =	vld [tilespmem:$0x9AB0]  }
0x4a: {  	v13 =	vld [tilespmem:$0x9AC0]  }
0x4b: {  	v14 =	vld [tilespmem:$0x9AD0]  }
0x4c: {  	v15 =	vld [tilespmem:$0x9AE0]  }
0x4d: {  	v16 =	vld [tilespmem:$0x9AF0];
	s13 =	rddreg [dreg:$0xc]  }
0x4e: {  	v17 =	vld [tilespmem:$0x9B00];
	[tilespmem:s5], [sflag:$0x1] =	stream.linear.gather [hbm4b:s13+s5], $0x40, $0x38  }
0x4f: {  	s14 =	rddreg [dreg:$0xd]  }
0x50: {  	[tilespmem:s0], [sflag:$0x1] =	stream.linear.gather [hbm4b:s14+s5], $0x40, $0x38;
	[tilespmem:$0x1FE90] =	vst v63  }
0x51: {  	_ =	swait.ge [sflag:s6], $0x40  }
0x52: {  	[sflag:s6] =	ssyncset.done $0x0  }
0x53: {  	[sflag:s6] =	ssyncadd.s32 $0xFFFFFFC0  }
0x54: {  	_ =	swait.ge [sflag:s6], $0x40  }
0x55: {  	[sflag:s6] =	ssyncset.done $0x0  }
0x56: {  	[sflag:s6] =	ssyncadd.s32 $0xFFFFFFC0  }
0x57: {  	s20 =	simm.s32 $0x80;
	s19 =	rddreg [dreg:$0x0]  }
0x58: {  	[tilespmem:s20], [sflag:$0x3] =	stream.indirect.gather [hbm4b:s19+s0], $0x40, s5, s0, $0xb8;
	[tilespmem:$0x1FE90] =	vst v63  }
0x59: {  	s21 =	simm.s32 $0x1080  }
0x5a: {  	[tilespmem:s21], [sflag:$0x3] =	stream.indirect.gather [hbm4b:s7+s0], $0x40, s0, s0, $0xb8;
	[tilespmem:$0x1FE90] =	vst v63  }
0x5b: {  	s22 =	simm.s32 $0x2080  }
0x5c: {  	[tilespmem:s22], [sflag:$0x3] =	stream.indirect.gather [hbm4b:s8+s0], $0x10, s5, s0, $0xb8;
	[tilespmem:$0x1FE90] =	vst v63  }
0x5d: {  	s23 =	simm.s32 $0x2480  }
0x5e: {  	[tilespmem:s23], [sflag:$0x3] =	stream.indirect.gather [hbm4b:s8+s0], $0x10, s0, s0, $0xb8;
	[tilespmem:$0x1FE90] =	vst v63  }
0x5f: {  	s24 =	rddreg [dreg:$0xe]  }
0x60: {  	[tilespmem:s15], [sflag:$0x2] =	stream.linear.gather [hbm4b:s24+s5], $0x40, $0x38;
	[tilespmem:$0x1FE90] =	vst v63  }
0x61: {  	s31 =	rddreg [dreg:$0xf];
	s24 =	simm.s32 $0x0  }
0x62: {  	[tilespmem:s16], [sflag:$0x2] =	stream.linear.gather [hbm4b:s31+s5], $0x40, $0x38;
	[tilespmem:$0x1FE90] =	vst v63  }
.LBB2_2:
0x63: {  	_ =	swait.ge [sflag:s17], $0x40  }
0x64: {  	[sflag:s17] =	ssyncset.done $0x0  }
0x65: {  	[sflag:s17] =	ssyncadd.s32 $0xFFFFFFC0  }
0x66: {  	_ =	swait.ge [sflag:s17], $0x40  }
0x67: {  	[sflag:s17] =	ssyncset.done $0x0  }
0x68: {  	[sflag:s17] =	ssyncadd.s32 $0xFFFFFFC0  }
0x69: {  	s2 =	simm.s32 $0x2900;
	s1 =	rddreg [dreg:$0x0]  }
0x6a: {  	[tilespmem:s2], [sflag:$0x4] =	stream.indirect.gather [hbm4b:s1+s0], $0x40, s15, s0, $0xb8;
	[tilespmem:$0x1FE90] =	vst v63  }
0x6b: {  	s19 =	simm.s32 $0x3900  }
0x6c: {  	[tilespmem:s19], [sflag:$0x4] =	stream.indirect.gather [hbm4b:s7+s0], $0x40, s16, s0, $0xb8;
	[tilespmem:$0x1FE90] =	vst v63  }
0x6d: {  	s20 =	simm.s32 $0x4900  }
0x6e: {  	[tilespmem:s20], [sflag:$0x4] =	stream.indirect.gather [hbm4b:s8+s0], $0x10, s15, s0, $0xb8;
	[tilespmem:$0x1FE90] =	vst v63  }
0x6f: {  	s21 =	simm.s32 $0x4D00  }
0x70: {  	[tilespmem:s21], [sflag:$0x4] =	stream.indirect.gather [hbm4b:s8+s0], $0x10, s16, s0, $0xb8;
	[tilespmem:$0x1FE90] =	vst v63  }
0x71: {  	_ =	swait.ge [sflag:s26], $0x1000  }
0x72: {  	[sflag:s26] =	ssyncset.done $0x0  }
0x73: {  	[sflag:s26] =	ssyncadd.s32 $0xFFFFF000  }
0x74: {  	_ =	swait.ge [sflag:s26], $0x1000  }
0x75: {  	[sflag:s26] =	ssyncset.done $0x0  }
0x76: {  	[sflag:s26] =	ssyncadd.s32 $0xFFFFF000  }
0x77: {  	_ =	swait.ge [sflag:s26], $0x400  }
0x78: {  	[sflag:s26] =	ssyncset.done $0x0  }
0x79: {  	[sflag:s26] =	ssyncadd.s32 $0xFFFFFC00  }
0x7a: {  	_ =	swait.ge [sflag:s26], $0x400  }
0x7b: {  	p0 =	seq.s32 s24, $0x0;
	[sflag:s26] =	ssyncset.done $0x0  }
0x7c: {  	s1 =	simm.s32 @!p0 $0x5;
	[sflag:s26] =	ssyncadd.s32 $0xFFFFFC00  }
0x7d: {  	_ =	swait.ge @!p0 [sflag:s1], $0x2000  }
0x7e: {  	[sflag:s1] =	ssyncset.done @!p0 $0x0  }
0x7f: {  	[sflag:s1] =	ssyncadd.s32 @!p0 $0xFFFFE000  }
0x80: {  	_ =	swait.ge @!p0 [sflag:s1], $0x400  }
0x81: {  	[sflag:s1] =	ssyncset.done @!p0 $0x0  }
0x82: {  	s22 =	simm.s32 $0x2090;
	[sflag:s1] =	ssyncadd.s32 @!p0 $0xFFFFFC00  }
0x83: {  	s23 =	simm.s32 $0x2490;
	v18 =	vld [tilespmem:s22+$0x0]  }
0x84: {  	v19 =	vld [tilespmem:s23+$0x0];
	_ =	sdelay $0x4  }
0x85: {  	v25 =	vsub.f32 v18, v19;
	_ =	sdelay $0x1  }
0x86: {  	v18 =	vmul.f32 v25, v25;
	_ =	sdelay $0x1  }
0x87: {  	(xrf2) =	vadd.scan.msk.f32 $0xffff, v18;
	_ =	sdelay $0x4  }
0x88: {  	s3 =	simm.s32 $0x1  }
0x89: {  	v26 =	vmov s3;
	_ =	sdelay $0x2  }
0x8a: {  	v19 =	vld [tilespmem:s23+$0xFFFFFFF0]  }
0x8b: {  	v18 =	vld [tilespmem:s22+$0xFFFFFFF0];
	v20, _, _ =	vpop (xrf2)  }
0x8c: {  	s2 =	simm.s32 $0xC0;
	[tilespmem:v26+s28+$0x0] =	vst.idx.msk vm0, v20  }
0x8d: {  	s12 =	simm.s32 $0x10C0;
	v21 =	vld [tilespmem:s2+$0x0]  }
0x8e: {  	v22 =	vld [tilespmem:s12+$0x0]  }
0x8f: {  	v20 =	vld.idx.msk [tilespmem:v26+s28+$0x0], $0xffff  }
0x90: {  	v18 =	vsub.f32 v18, v19;
	_ =	sdelay $0x1  }
0x91: {  	v19 =	vmul.f32 v18, v18  }
0x92: {  	v23 =	vunpack.i.u.bf16.f32 v21;
	v21 =	vunpack.i.l.bf16.f32 v21;
	v24 =	vunpack.i.l.bf16.f32 v22  }
0x93: {  	(xrf2) =	vadd.scan.msk.f32 $0xffff, v19;
	v19 =	vunpack.i.u.bf16.f32 v22;
	v22 =	vmul.f32 v20, v1;
	v21 =	vadd.f32 v24, v21  }
0x94: {  	v19 =	vadd.f32 v19, v23;
	v23 =	vmul.f32 v20, v2  }
0x95: {  	s14 =	simm.s32 $0x0;
	v21 =	vadd.f32 v21, v22  }
0x96: {  	v22 =	vmov s14;
	v19 =	vadd.f32 v19, v23  }
0x97: {  	s11 =	simm.s32 $0x5180;
	v22 =	vand.u32 $0xFFFFFFFE, v22;
	v23 =	vmax.f32 v21, $0.0e+00  }
0x98: {  	v31 =	vbroadcast v22, $0x0;
	v19 =	vmax.f32 v19, $0.0e+00;
	[tilespmem:s11+$0x0] =	vst v23  }
0x99: {  	[tilespmem:s11+$0x10] =	vst v19  }
0x9a: {  	v22 =	vld [tilespmem:s2+$0x10]  }
0x9b: {  	v24 =	vld [tilespmem:s12+$0x10];
	_ =	sdelay $0x1  }
0x9c: {  	v21, _, _ =	vpop (xrf2)  }
0x9d: {  	[tilespmem:v31+s28+$0x0] =	vst.idx.msk vm0, v21  }
0x9e: {  	v27 =	vld [tilespmem:s2+$0xFFFFFFC0]  }
0x9f: {  	v29 =	vmul.f32 v20, v3;
	v28 =	vld [tilespmem:s12+$0xFFFFFFC0];
	v30 =	vunpack.i.l.bf16.f32 v22;
	v32 =	vunpack.i.l.bf16.f32 v24  }
0xa0: {  	v21 =	vld.idx.msk [tilespmem:v31+s28+$0x0], $0xffff;
	v22 =	vunpack.i.u.bf16.f32 v22;
	v24 =	vunpack.i.u.bf16.f32 v24;
	v30 =	vadd.f32 v32, v30  }
0xa1: {  	v22 =	vadd.f32 v24, v22;
	v24 =	vmul.f32 v20, v4  }
0xa2: {  	s19 =	simm.s32 $0x20B0;
	v29 =	vadd.f32 v30, v29  }
0xa3: {  	s4 =	simm.s32 $0x24B0;
	v43 =	vld [tilespmem:s19+$0x0];
	v22 =	vadd.f32 v22, v24;
	v30 =	vunpack.i.u.bf16.f32 v27  }
0xa4: {  	v33 =	vld [tilespmem:s4+$0x0];
	v27 =	vunpack.i.l.bf16.f32 v27;
	v24 =	vunpack.i.u.bf16.f32 v28;
	v29 =	vmax.f32 v29, $0.0e+00  }
0xa5: {  	v47 =	vld [tilespmem:s19+$0xFFFFFFF0];
	v28 =	vunpack.i.l.bf16.f32 v28;
	v42 =	vmul.f32 v21, v1;
	v22 =	vmax.f32 v22, $0.0e+00;
	[tilespmem:s11+$0x20] =	vst v29  }
0xa6: {  	v48 =	vld [tilespmem:s4+$0xFFFFFFF0];
	v27 =	vadd.f32 v28, v27;
	v24 =	vadd.f32 v24, v30;
	v28 =	vmul.f32 v21, v2;
	[tilespmem:s11+$0x30] =	vst v22  }
0xa7: {  	v30 =	vld [tilespmem:s2+$0x20]  }
0xa8: {  	v27 =	vadd.f32 v27, v42;
	v24 =	vadd.f32 v24, v28;
	v28 =	vld [tilespmem:s12+$0x20];
	_ =	sdelay $0x1  }
0xa9: {  	v23 =	vmul.f32 v23, v9;
	v27 =	vmax.f32 v27, $0.0e+00  }
0xaa: {  	v35 =	vmul.f32 v20, v5;
	v57 =	vmul.f32 v20, v7;
	v24 =	vmax.f32 v24, $0.0e+00;
	[tilespmem:s11+$0xFFFFFF80] =	vst v27  }
0xab: {  	v51 =	vmul.f32 v19, v10;
	v19 =	vsub.f32 v47, v48;
	v23 =	vadd.f32 $0.0e+00, v23;
	[tilespmem:s11+$0xFFFFFF90] =	vst v24  }
0xac: {  	v32 =	vsub.f32 v43, v33;
	v34 =	vld [tilespmem:s2+$0xFFFFFFD0];
	v36 =	vunpack.i.l.bf16.f32 v30;
	v37 =	vunpack.i.l.bf16.f32 v28  }
0xad: {  	v38 =	vld [tilespmem:s12+$0xFFFFFFD0];
	v30 =	vunpack.i.u.bf16.f32 v30;
	v28 =	vunpack.i.u.bf16.f32 v28;
	v36 =	vadd.f32 v37, v36  }
0xae: {  	v54 =	vmul.f32 v19, v19;
	v28 =	vadd.f32 v28, v30;
	v30 =	vmul.f32 v20, v6  }
0xaf: {  	v23 =	vadd.f32 v23, v51;
	v40 =	vmul.f32 v32, v32;
	v45 =	vadd.f32 v36, v35  }
0xb0: {  	v44 =	vmul.f32 v21, v3;
	v39 =	vmul.f32 v21, v4;
	v28 =	vadd.f32 v28, v30  }
0xb1: {  	(xrf2) =	vadd.scan.msk.f32 $0xffff, v40;
	v29 =	vmul.f32 v29, v11;
	v27 =	vmul.f32 v27, v9;
	v33 =	vmax.f32 v45, $0.0e+00  }
0xb2: {  	v46 =	vunpack.i.u.bf16.f32 v34;
	v41 =	vunpack.i.u.bf16.f32 v38;
	v28 =	vmax.f32 v28, $0.0e+00;
	[tilespmem:s11+$0x40] =	vst v33  }
0xb3: {  	v30 =	vunpack.i.l.bf16.f32 v34;
	v38 =	vunpack.i.l.bf16.f32 v38;
	v35 =	vadd.f32 v41, v46;
	[tilespmem:s11+$0x50] =	vst v28  }
0xb4: {  	v22 =	vmul.f32 v22, v12;
	v50 =	vadd.f32 $0.0e+00, v27;
	v27 =	vadd.f32 v38, v30;
	v30 =	vld [tilespmem:s2+$0x30]  }
0xb5: {  	v23 =	vadd.f32 v29, v23;
	v24 =	vmul.f32 v24, v10;
	v35 =	vadd.f32 v35, v39;
	v52 =	vld [tilespmem:s12+$0x30]  }
0xb6: {  	v59 =	vmul.f32 v20, v8;
	v49 =	vmul.f32 v21, v5;
	(xrf2) =	vadd.scan.msk.f32 $0xffff, v54;
	v27 =	vadd.f32 v27, v44  }
0xb7: {  	s21 =	simm.s32 $0x3;
	v22 =	vadd.f32 v23, v22;
	v24 =	vadd.f32 v50, v24;
	v35 =	vmax.f32 v35, $0.0e+00  }
0xb8: {  	s20 =	simm.s32 $0x2;
	v34 =	vmov s21;
	v33 =	vmul.f32 v33, v13;
	v53 =	vmax.f32 v27, $0.0e+00;
	[tilespmem:s11+$0xFFFFFFB0] =	vst v35  }
0xb9: {  	v28 =	vmul.f32 v28, v14;
	v44 =	vmul.f32 v21, v6;
	v27 =	vmov s20;
	[tilespmem:s11+$0xFFFFFFA0] =	vst v53  }
0xba: {  	v27 =	vand.u32 $0xFFFFFFFE, v27;
	v29 =	vld [tilespmem:s2+$0xFFFFFFE0];
	v55 =	vunpack.i.l.bf16.f32 v30;
	v56 =	vunpack.i.l.bf16.f32 v52  }
0xbb: {  	v22 =	vadd.f32 v33, v22;
	v58 =	vld [tilespmem:s12+$0xFFFFFFE0];
	v20 =	vbroadcast v27, $0x0;
	v23 =	vadd.f32 v56, v55  }
0xbc: {  	v42, _, _ =	vpop (xrf2);
	v36 =	vmul.f32 v53, v11;
	v30 =	vunpack.i.u.bf16.f32 v30;
	v39 =	vunpack.i.u.bf16.f32 v52  }
0xbd: {  	[tilespmem:v34+s28+$0x0] =	vst.idx.msk vm0, v42;
	v30 =	vadd.f32 v39, v30;
	v23 =	vadd.f32 v23, v57  }
0xbe: {  	s23 =	simm.s32 $0x1140;
	v22 =	vadd.f32 v22, v28;
	v35 =	vmul.f32 v35, v12;
	v24 =	vadd.f32 v36, v24  }
0xbf: {  	s22 =	simm.s32 $0x140;
	v42 =	vld [tilespmem:s23+$0x0];
	v60 =	vunpack.i.u.bf16.f32 v29;
	v27 =	vmax.f32 v23, $0.0e+00;
	v23 =	vadd.f32 v30, v59  }
0xc0: {  	v46, _, _ =	vpop (xrf2);
	v61 =	vunpack.i.l.bf16.f32 v29;
	v43 =	vunpack.i.u.bf16.f32 v58;
	v30 =	vld [tilespmem:s22+$0x0];
	v62 =	vmul.f32 v27, v15  }
0xc1: {  	v38 =	vunpack.i.l.bf16.f32 v58;
	v29 =	vld.idx.msk [tilespmem:v34+s28+$0x0], $0xffff;
	v45 =	vadd.f32 v43, v60;
	[tilespmem:v20+s28+$0x0] =	vst.idx.msk vm0, v46;
	v28 =	vmax.f32 v23, $0.0e+00  }
0xc2: {  	v23 =	vadd.f32 v38, v61;
	v22 =	vadd.f32 v62, v22;
	v63 =	vmul.f32 v28, v16  }
0xc3: {  	v24 =	vadd.f32 v24, v35;
	v51 =	vld [tilespmem:s22+$0xFFFFFFC0];
	v38 =	vadd.f32 v45, v44  }
0xc4: {  	v48 =	vunpack.i.l.bf16.f32 v42;
	v53 =	vld [tilespmem:s23+$0xFFFFFFC0];
	v23 =	vadd.f32 v23, v49;
	v22 =	vadd.f32 v22, v63  }
0xc5: {  	v33 =	vld.idx.msk [tilespmem:v20+s28+$0x0], $0xffff;
	v49 =	vunpack.i.u.bf16.f32 v42;
	v47 =	vunpack.i.u.bf16.f32 v30;
	v30 =	vunpack.i.l.bf16.f32 v30  }
0xc6: {  	v50 =	vmul.f32 v29, v1;
	v52 =	vmul.f32 v29, v2;
	v30 =	vadd.f32 v48, v30;
	(xrf2) =	vadd.scan.msk.f32 $0xffff, v22  }
0xc7: {  	v54 =	vmax.f32 v38, $0.0e+00;
	v23 =	vmax.f32 v23, $0.0e+00;
	v22 =	vadd.f32 v49, v47  }
0xc8: {  	v55 =	vunpack.i.u.bf16.f32 v51;
	v56 =	vunpack.i.l.bf16.f32 v51;
	v30 =	vadd.f32 v30, v50  }
0xc9: {  	[tilespmem:s11+$0xFFFFFFD0] =	vst v54;
	v57 =	vunpack.i.u.bf16.f32 v53;
	v58 =	vunpack.i.l.bf16.f32 v53;
	v22 =	vadd.f32 v22, v52  }
0xca: {  	s13 =	simm.s32 $0x5280;
	v59 =	vmul.f32 v33, v1;
	[tilespmem:s11+$0xFFFFFFC0] =	vst v23;
	v38 =	vadd.f32 v58, v56;
	v30 =	vmax.f32 v30, $0.0e+00  }
0xcb: {  	v61 =	vmul.f32 v33, v2;
	v37 =	vadd.f32 v57, v55;
	[tilespmem:s13+$0x0] =	vst v30;
	v35 =	vmax.f32 v22, $0.0e+00  }
0xcc: {  	v63 =	vld [tilespmem:s12+$0xFFFFFFF0];
	v38 =	vadd.f32 v38, v59;
	[tilespmem:s13+$0x10] =	vst v35  }
0xcd: {  	v36 =	vmul.f32 v54, v14;
	v37 =	vadd.f32 v37, v61;
	v60 =	vld [tilespmem:s22+$0x10]  }
0xce: {  	v51 =	vmul.f32 v29, v3;
	v53 =	vmul.f32 v29, v4;
	v38 =	vmax.f32 v38, $0.0e+00;
	v62 =	vld [tilespmem:s23+$0x10]  }
0xcf: {  	v54 =	vmul.f32 v33, v4;
	v22 =	vmul.f32 v23, v13;
	v43 =	vmax.f32 v37, $0.0e+00;
	[tilespmem:s13+$0xFFFFFF80] =	vst v38  }
0xd0: {  	[tilespmem:s13+$0xFFFFFF90] =	vst v43;
	v38 =	vmul.f32 v38, v9;
	v43 =	vmul.f32 v43, v10;
	v49, _, _ =	vpop (xrf2)  }
0xd1: {  	v23 =	vld [tilespmem:s2+$0xFFFFFFF0];
	v22 =	vadd.f32 v22, v24;
	v24 =	vmul.f32 v21, v7;
	v50 =	vadd.f32 v49, v17  }
0xd2: {  	v21 =	vmul.f32 v21, v8;
	v46 =	vunpack.i.l.bf16.f32 v63;
	v44 =	vunpack.i.l.bf16.f32 v60  }
0xd3: {  	v45 =	vunpack.i.l.bf16.f32 v62;
	v42 =	vunpack.i.u.bf16.f32 v60;
	v37 =	vmax.f32 v50, $0.0e+00  }
0xd4: {  	v52 =	vld [tilespmem:s22+$0xFFFFFFD0];
	v40 =	vunpack.i.u.bf16.f32 v62;
	v44 =	vadd.f32 v45, v44;
	v37 =	vadd.f32 v37, v37  }
0xd5: {  	v47 =	vld [tilespmem:s23+$0xFFFFFFD0];
	v22 =	vadd.f32 v22, v36;
	v36 =	vunpack.i.u.bf16.f32 v63;
	v40 =	vadd.f32 v40, v42  }
0xd6: {  	v48 =	vunpack.i.l.bf16.f32 v23;
	v41 =	vadd.f32 v44, v51;
	v37 =	vmul.f32 $1.442695020e+00, v37  }
0xd7: {  	v23 =	vunpack.i.u.bf16.f32 v23;
	v39 =	vadd.f32 v46, v48;
	v40 =	vadd.f32 v40, v53  }
0xd8: {  	v23 =	vadd.f32 v36, v23;
	v41 =	vmax.f32 v41, $0.0e+00;
	(erf) = vpow2.f32 v37  }
0xd9: {  	v38 =	vadd.f32 $0.0e+00, v38;
	v24 =	vadd.f32 v39, v24;
	v39 =	vmax.f32 v40, $0.0e+00;
	[tilespmem:s13+$0x20] =	vst v41  }
0xda: {  	v56 =	vunpack.i.l.bf16.f32 v52;
	v58 =	vunpack.i.l.bf16.f32 v47;
	v21 =	vadd.f32 v23, v21;
	[tilespmem:s13+$0x30] =	vst v39  }
0xdb: {  	v42 =	vadd.f32 v58, v56;
	v36 =	vmax.f32 v24, $0.0e+00;
	v24 =	vmul.f32 v33, v3;
	v59 =	vld [tilespmem:s22+$0x20]  }
0xdc: {  	s3 =	simm.s32 $0x20D0;
	v38 =	vadd.f32 v38, v43;
	v55 =	vunpack.i.u.bf16.f32 v52;
	v60 =	vmul.f32 v36, v15;
	v23 =	vld [tilespmem:s23+$0x20]  }
0xdd: {  	s12 =	simm.s32 $0x24D0;
	v61 =	vld [tilespmem:s3+$0x0];
	v57 =	vunpack.i.u.bf16.f32 v47;
	v24 =	vadd.f32 v42, v24;
	v37 =	vmax.f32 v21, $0.0e+00  }
0xde: {  	v40 =	vadd.f32 v57, v55;
	v22 =	vadd.f32 v60, v22;
	v21 =	vld [tilespmem:s12+$0x0];
	v62 =	vmul.f32 v37, v16  }
0xdf: {  	v53 =	vmul.f32 v29, v5;
	v57 =	vmul.f32 v29, v6;
	v24 =	vmax.f32 v24, $0.0e+00  }
0xe0: {  	v40 =	vadd.f32 v40, v54;
	[tilespmem:s13+$0xFFFFFFA0] =	vst v24;
	v24 =	vmul.f32 v24, v11;
	v22 =	vadd.f32 v22, v62  }
0xe1: {  	v54 =	vunpack.i.l.bf16.f32 v59;
	v48 =	vunpack.i.l.bf16.f32 v23;
	v45 =	vunpack.i.u.bf16.f32 v59;
	v49 =	vpop (erf)  }
0xe2: {  	v23 =	vunpack.i.u.bf16.f32 v23;
	v42 =	vadd.f32 v48, v54;
	v56 =	vadd.f32 $1.000000000e+00, v49  }
0xe3: {  	v58 =	vld [tilespmem:s12+$0xFFFFFFF0];
	v63 =	vmax.f32 v40, $0.0e+00;
	v21 =	vsub.f32 v61, v21;
	v23 =	vadd.f32 v23, v45  }
0xe4: {  	v30 =	vmul.f32 v30, v9;
	v55 =	vld [tilespmem:s3+$0xFFFFFFF0];
	[tilespmem:s13+$0xFFFFFFB0] =	vst v63;
	v42 =	vadd.f32 v42, v53;
	(erf) = vrcp.f32 v56  }
0xe5: {  	v38 =	vadd.f32 v24, v38;
	(xrf2) =	vadd.scan.msk.f32 $0xffff, v22;
	v50 =	vmul.f32 v21, v21;
	v22 =	vadd.f32 v23, v57;
	v23 =	vld [tilespmem:s23+$0xFFFFFFE0]  }
0xe6: {  	v24 =	vadd.f32 $0.0e+00, v30;
	v30 =	vmul.f32 v35, v10;
	v51 =	vld [tilespmem:s22+$0xFFFFFFE0];
	v42 =	vmax.f32 v42, $0.0e+00  }
0xe7: {  	(xrf2) =	vadd.scan.msk.f32 $0xffff, v50;
	v43 =	vmax.f32 v22, $0.0e+00;
	[tilespmem:s13+$0x40] =	vst v42  }
0xe8: {  	s14 =	simm.s32 $0x4;
	v41 =	vmul.f32 v41, v11;
	v30 =	vadd.f32 v24, v30;
	[tilespmem:s13+$0x50] =	vst v43  }
0xe9: {  	v39 =	vmul.f32 v39, v12;
	v46 =	vmul.f32 v63, v12;
	v59 =	vmov s14;
	v60 =	vld [tilespmem:s22+$0x30]  }
0xea: {  	s19 =	simm.s32 $0x5;
	v30 =	vadd.f32 v41, v30;
	v52 =	vunpack.i.l.bf16.f32 v23;
	v23 =	vunpack.i.u.bf16.f32 v23  }
0xeb: {  	v24 =	vmov s19;
	v62 =	vunpack.i.l.bf16.f32 v51;
	v22 =	vsub.f32 v55, v58;
	v61 =	vld [tilespmem:s23+$0x30]  }
0xec: {  	v51 =	vunpack.i.u.bf16.f32 v51;
	v30 =	vadd.f32 v30, v39;
	v42 =	vmul.f32 v42, v13  }
0xed: {  	v43 =	vmul.f32 v43, v14;
	v63 =	vmul.f32 v22, v22;
	v50 =	vadd.f32 v23, v51;
	v23 =	vpop (erf)  }
0xee: {  	v42 =	vadd.f32 v42, v30;
	v56 =	vadd.f32 v23, v23;
	v23 =	vunpack.i.l.bf16.f32 v60  }
0xef: {  	v44 =	vmul.f32 v33, v5;
	v45 =	vmul.f32 v33, v6;
	v48 =	vand.u32 $0xFFFFFFFE, v59;
	(xrf2) =	vadd.scan.msk.f32 $0xffff, v63  }
0xf0: {  	v49 =	vadd.f32 v52, v62;
	v51, _, _ =	vpop (xrf2);
	v63 =	vadd.f32 v42, v43;
	v57 =	vunpack.i.l.bf16.f32 v61  }
0xf1: {  	v59 =	vmul.f32 v29, v7;
	v42 =	vadd.f32 v38, v46;
	v58 =	vadd.f32 v57, v23;
	v23, _, _ =	vpop (xrf2)  }
0xf2: {  	s3 =	simm.s32 $0x1C0;
	v44 =	vadd.f32 v49, v44;
	v47 =	vunpack.i.u.bf16.f32 v60;
	v35 =	vunpack.i.u.bf16.f32 v61;
	[tilespmem:v24+s28+$0x0] =	vst.idx.msk vm0, v23  }
0xf3: {  	s19 =	simm.s32 $0x11C0;
	v61 =	vmul.f32 v29, v8;
	v35 =	vadd.f32 v35, v47;
	v39 =	vadd.f32 v58, v59;
	v60 =	vld [tilespmem:s3+$0x0]  }
0xf4: {  	[tilespmem:s11+$0x70] =	vst v28;
	v43 =	vadd.f32 v50, v45;
	v28 =	vmax.f32 v44, $0.0e+00;
	v23 =	vbroadcast v48, $0x0;
	v62 =	vld [tilespmem:s19+$0x0]  }
0xf5: {  	[tilespmem:s11+$0x60] =	vst v27;
	v27 =	vadd.f32 v35, v61;
	v61 =	vmul.f32 v28, v13;
	v29 =	vld.idx.msk [tilespmem:v24+s28+$0x0], $0xffff;
	v30 =	vmax.f32 v39, $0.0e+00  }
0xf6: {  	v41 =	vsub.f32 $1.000000000e+00, v56;
	v39 =	vmul.f32 v30, v15  }
0xf7: {  	v40 =	vmul.f32 v33, v7;
	[tilespmem:s13+$0xFFFFFFC0] =	vst v28;
	v28 =	vmax.f32 v43, $0.0e+00;
	v52 =	vadd.f32 v61, v42  }
0xf8: {  	v48 =	vmul.f32 v33, v8;
	[tilespmem:v26+s25+$0x0] =	vst.idx.msk vm0, v41;
	v33 =	vmax.f32 v27, $0.0e+00;
	v27 =	vadd.f32 v39, v63  }
0xf9: {  	v50, _, _ =	vpop (xrf2);
	v26 =	vld.idx.msk [tilespmem:v26+s25+$0x0], $0xffff;
	v53 =	vunpack.i.u.bf16.f32 v60;
	v54 =	vunpack.i.l.bf16.f32 v60;
	v55 =	vunpack.i.l.bf16.f32 v62  }
0xfa: {  	[tilespmem:v23+s28+$0x0] =	vst.idx.msk vm0, v50;
	v56 =	vunpack.i.u.bf16.f32 v62;
	v57 =	vmul.f32 v29, v1;
	v39 =	vadd.f32 v55, v54  }
0xfb: {  	v58 =	vmul.f32 v33, v16;
	v60 =	vmul.f32 v29, v2;
	v59 =	vld [tilespmem:s3+$0xFFFFFFC0];
	v35 =	vadd.f32 v56, v53  }
0xfc: {  	[tilespmem:s13+$0xFFFFFFD0] =	vst v28;
	v28 =	vmul.f32 v28, v14;
	v62 =	vadd.f32 v51, v17;
	v63 =	vld [tilespmem:s19+$0xFFFFFFC0];
	v39 =	vadd.f32 v39, v57  }
0xfd: {  	v27 =	vadd.f32 v27, v58;
	v38 =	vld.idx.msk [tilespmem:v23+s28+$0x0], $0xffff;
	v35 =	vadd.f32 v35, v60  }
0xfe: {  	s2 =	simm.s32 $0x5380;
	v28 =	vadd.f32 v52, v28;
	v25 =	vmul.f32 v26, v25;
	v26 =	vld [tilespmem:s22+$0xFFFFFFF0];
	v44 =	vmax.f32 v39, $0.0e+00  }
0xff: {  	v53 =	vmax.f32 v62, $0.0e+00;
	(xrf2) =	vadd.scan.msk.f32 $0xffff, v27;
	v27 =	vmax.f32 v35, $0.0e+00;
	[tilespmem:s2+$0x0] =	vst v44  }
0x100: {  	v49 =	vadd.f32 v53, v53;
	v53 =	vmul.f32 v29, v3;
	v39 =	vsel vm1, v25, v0;
	[tilespmem:s2+$0x10] =	vst v27  }
0x101: {  	v54 =	vunpack.i.u.bf16.f32 v59;
	v55 =	vunpack.i.l.bf16.f32 v59;
	v57 =	vunpack.i.l.bf16.f32 v63;
	v59 =	vld [tilespmem:s3+$0x10]  }
0x102: {  	v56 =	vunpack.i.u.bf16.f32 v63;
	v58 =	vmul.f32 v38, v1;
	v42 =	vadd.f32 v57, v55;
	v61 =	vld [tilespmem:s19+$0x10]  }
0x103: {  	v62 =	vunpack.i.l.bf16.f32 v26;
	v60 =	vmul.f32 v38, v2;
	v35 =	vadd.f32 v56, v54  }
0x104: {  	v25 =	vld [tilespmem:s23+$0xFFFFFFF0];
	v26 =	vunpack.i.u.bf16.f32 v26;
	v49 =	vmul.f32 $1.442695020e+00, v49;
	v46 =	vadd.f32 v42, v58  }
0x105: {  	v50 =	vmul.f32 v38, v3;
	v51 =	vmul.f32 v38, v4;
	v35 =	vadd.f32 v35, v60  }
0x106: {  	v41 =	vmul.f32 v38, v5;
	v42 =	vmul.f32 v38, v6;
	v46 =	vmax.f32 v46, $0.0e+00  }
0x107: {  	v63 =	vmax.f32 v35, $0.0e+00;
	[tilespmem:s2+$0xFFFFFF80] =	vst v46;
	v60 =	vunpack.i.l.bf16.f32 v59;
	v54 =	vunpack.i.l.bf16.f32 v61  }
0x108: {  	[tilespmem:s2+$0xFFFFFF90] =	vst v63;
	v47 =	vunpack.i.u.bf16.f32 v59;
	v45 =	vunpack.i.u.bf16.f32 v61;
	v54 =	vadd.f32 v54, v60  }
0x109: {  	v57 =	vunpack.i.l.bf16.f32 v25;
	v55, _, _ =	vpop (xrf2);
	v61 =	vmul.f32 v29, v4;
	v56 =	vld [tilespmem:s3+$0xFFFFFFD0];
	v45 =	vadd.f32 v45, v47  }
0x10a: {  	v25 =	vunpack.i.u.bf16.f32 v25;
	v55 =	vadd.f32 v55, v17;
	v58 =	vld [tilespmem:s19+$0xFFFFFFD0];
	v53 =	vadd.f32 v54, v53  }
0x10b: {  	v35 =	vmul.f32 v38, v7;
	v43 =	vadd.f32 v57, v62;
	v45 =	vadd.f32 v45, v61  }
0x10c: {  	v25 =	vadd.f32 v25, v26;
	v62 =	vmax.f32 v55, $0.0e+00;
	v53 =	vmax.f32 v53, $0.0e+00  }
0x10d: {  	v46 =	vmul.f32 v46, v9;
	v47 =	vadd.f32 v62, v62;
	v45 =	vmax.f32 v45, $0.0e+00;
	[tilespmem:s2+$0x20] =	vst v53  }
0x10e: {  	v52 =	vmul.f32 v63, v10;
	v40 =	vadd.f32 v43, v40;
	v25 =	vadd.f32 v25, v48;
	[tilespmem:s2+$0x30] =	vst v45  }
0x10f: {  	v26 =	vmul.f32 $1.442695020e+00, v47;
	v63 =	vunpack.i.u.bf16.f32 v56;
	v60 =	vunpack.i.u.bf16.f32 v58;
	v54 =	vld [tilespmem:s3+$0x20]  }
0x110: {  	v46 =	vadd.f32 $0.0e+00, v46;
	v61 =	vunpack.i.l.bf16.f32 v56;
	v43 =	vadd.f32 v60, v63;
	v63 =	vld [tilespmem:s19+$0x20]  }
0x111: {  	v62 =	vunpack.i.l.bf16.f32 v58;
	v45 =	vmul.f32 v45, v12;
	(erf) = vpow2.f32 v26  }
0x112: {  	s21 =	simm.s32 $0x24F0;
	v26 =	vadd.f32 v62, v61;
	v51 =	vadd.f32 v43, v51;
	v43 =	vmax.f32 v40, $0.0e+00  }
0x113: {  	s20 =	simm.s32 $0x20F0;
	v40 =	vadd.f32 v46, v52;
	v46 =	vmax.f32 v25, $0.0e+00;
	v25 =	vld [tilespmem:s21+$0x0];
	v52 =	vmul.f32 v29, v5  }
0x114: {  	(erf) = vpow2.f32 v49;
	v26 =	vadd.f32 v26, v50;
	v60 =	vmul.f32 v43, v15;
	v50 =	vld [tilespmem:s20+$0x0]  }
0x115: {  	v48 =	vld [tilespmem:s20+$0xFFFFFFF0];
	v51 =	vmax.f32 v51, $0.0e+00;
	v61 =	vunpack.i.l.bf16.f32 v54;
	v62 =	vunpack.i.l.bf16.f32 v63  }
0x116: {  	v49 =	vld [tilespmem:s21+$0xFFFFFFF0];
	v54 =	vunpack.i.u.bf16.f32 v54;
	v28 =	vadd.f32 v60, v28;
	v60 =	vmul.f32 v46, v16  }
0x117: {  	v47 =	vunpack.i.u.bf16.f32 v63;
	v26 =	vmax.f32 v26, $0.0e+00;
	[tilespmem:s2+$0xFFFFFFB0] =	vst v51;
	v55 =	vadd.f32 v62, v61  }
0x118: {  	s22 =	simm.s32 $0x6;
	v63 =	vmul.f32 v29, v6;
	v47 =	vadd.f32 v47, v54;
	[tilespmem:s2+$0xFFFFFFA0] =	vst v26;
	v28 =	vadd.f32 v28, v60  }
0x119: {  	v54 =	vld [tilespmem:s3+$0xFFFFFFE0];
	v60 =	vmov s22;
	v52 =	vadd.f32 v55, v52;
	v25 =	vsub.f32 v50, v25  }
0x11a: {  	v57 =	vld [tilespmem:s19+$0xFFFFFFE0];
	v47 =	vadd.f32 v47, v63;
	v50 =	vmul.f32 v51, v12;
	v63 =	vmul.f32 v26, v11  }
0x11b: {  	v26 =	vsub.f32 v48, v49;
	(xrf2) =	vadd.scan.msk.f32 $0xffff, v28;
	v28 =	vmul.f32 v44, v9;
	v52 =	vmax.f32 v52, $0.0e+00  }
0x11c: {  	v44 =	vand.u32 $0xFFFFFFFE, v60;
	v61 =	vpop (erf);
	v62 =	vmul.f32 v25, v25;
	v47 =	vmax.f32 v47, $0.0e+00;
	[tilespmem:s2+$0x40] =	vst v52  }
0x11d: {  	v40 =	vadd.f32 v63, v40;
	v63 =	vmul.f32 v53, v11;
	v51 =	vadd.f32 $1.000000000e+00, v61;
	[tilespmem:s2+$0x50] =	vst v47  }
0x11e: {  	v28 =	vadd.f32 $0.0e+00, v28;
	v61 =	vmul.f32 v27, v10;
	v27 =	vbroadcast v44, $0x0;
	(xrf2) =	vadd.scan.msk.f32 $0xffff, v62  }
0x11f: {  	v48 =	vld [tilespmem:s3+$0x30];
	v62 =	vmul.f32 v26, v26;
	v53 =	vunpack.i.l.bf16.f32 v54;
	v56 =	vunpack.i.u.bf16.f32 v57  }
0x120: {  	v57 =	vunpack.i.l.bf16.f32 v57;
	(erf) = vrcp.f32 v51;
	v51 =	vld [tilespmem:s19+$0x30];
	v28 =	vadd.f32 v28, v61  }
0x121: {  	v60 =	vpop (erf);
	v52 =	vmul.f32 v52, v13;
	v55 =	vunpack.i.u.bf16.f32 v54;
	v53 =	vadd.f32 v57, v53;
	(xrf2) =	vadd.scan.msk.f32 $0xffff, v62  }
0x122: {  	s23 =	simm.s32 $0x7;
	v44 =	vadd.f32 $1.000000000e+00, v60;
	v60 =	vmul.f32 v29, v7;
	v49 =	vadd.f32 v63, v28  }
0x123: {  	v28 =	vmov s23;
	v41 =	vadd.f32 v53, v41;
	v53 =	vmul.f32 v38, v8  }
0x124: {  	v38 =	vadd.f32 v40, v50;
	v61 =	vunpack.i.l.bf16.f32 v48;
	v45 =	vadd.f32 v49, v45  }
0x125: {  	v48 =	vunpack.i.u.bf16.f32 v48;
	v62 =	vunpack.i.l.bf16.f32 v51;
	v51 =	vunpack.i.u.bf16.f32 v51  }
0x126: {  	v63 =	vadd.f32 v62, v61;
	v48 =	vadd.f32 v51, v48;
	v61 =	vmul.f32 v29, v8  }
0x127: {  	v47 =	vmul.f32 v47, v14;
	v58, _, _ =	vpop (xrf2);
	v45 =	vadd.f32 v52, v45;
	v62 =	vadd.f32 v56, v55  }
0x128: {  	v49 =	vadd.f32 v63, v60;
	v48 =	vadd.f32 v48, v61;
	v29, _, _ =	vpop (xrf2)  }
0x129: {  	s14 =	simm.s32 $0x240;
	(erf) = vrcp.f32 v44;
	v45 =	vadd.f32 v45, v47;
	v42 =	vadd.f32 v62, v42;
	[tilespmem:v28+s28+$0x0] =	vst.idx.msk vm0, v29  }
0x12a: {  	s12 =	simm.s32 $0x1240;
	[tilespmem:s13+$0x60] =	vst v30;
	v63 =	vpop (erf);
	v29 =	vmax.f32 v49, $0.0e+00;
	v30 =	vmax.f32 v48, $0.0e+00;
	v48 =	vadd.f32 v58, v17;
	v51 =	vld [tilespmem:s14+$0x0]  }
0x12b: {  	[tilespmem:s13+$0x70] =	vst v33;
	v57 =	vadd.f32 v63, v63;
	v59 =	vmul.f32 v29, v15;
	v52 =	vld [tilespmem:s12+$0x0];
	v61, _, _ =	vpop (xrf2);
	v62 =	vmul.f32 v30, v16  }
0x12c: {  	v33 =	vld.idx.msk [tilespmem:v28+s28+$0x0], $0xffff;
	v63 =	vmax.f32 v41, $0.0e+00;
	v41 =	vmax.f32 v42, $0.0e+00;
	[tilespmem:v27+s28+$0x0] =	vst.idx.msk vm0, v61;
	v48 =	vmax.f32 v48, $0.0e+00  }
0x12d: {  	v45 =	vadd.f32 v59, v45;
	v59 =	vmul.f32 v63, v13;
	v48 =	vadd.f32 v48, v48  }
0x12e: {  	v47 =	vmul.f32 v41, v14;
	[tilespmem:s2+$0xFFFFFFC0] =	vst v63;
	v60 =	vsub.f32 $1.000000000e+00, v57;
	v42 =	vld [tilespmem:s14+$0xFFFFFFC0]  }
0x12f: {  	[tilespmem:s2+$0xFFFFFFD0] =	vst v41;
	v49 =	vld [tilespmem:s12+$0xFFFFFFC0];
	v57 =	vadd.f32 v45, v62;
	v41 =	vadd.f32 v59, v38;
	v48 =	vmul.f32 $1.442695020e+00, v48  }
0x130: {  	v50 =	vld.idx.msk [tilespmem:v27+s28+$0x0], $0xffff;
	[tilespmem:v34+s25+$0x0] =	vst.idx.msk vm0, v60;
	v60 =	vunpack.i.u.bf16.f32 v51;
	v51 =	vunpack.i.l.bf16.f32 v51;
	v61 =	vunpack.i.l.bf16.f32 v52  }
0x131: {  	v62 =	vunpack.i.u.bf16.f32 v52;
	v56 =	vmul.f32 v33, v1;
	(xrf2) =	vadd.scan.msk.f32 $0xffff, v57;
	v63 =	vadd.f32 v61, v51  }
0x132: {  	v45 =	vld [tilespmem:s3+$0xFFFFFFF0];
	v58 =	vmul.f32 v33, v2;
	v57 =	vadd.f32 v62, v60;
	v47 =	vadd.f32 v41, v47  }
0x133: {  	v34 =	vld.idx.msk [tilespmem:v34+s25+$0x0], $0xffff;
	v59 =	vunpack.i.u.bf16.f32 v42;
	v42 =	vunpack.i.l.bf16.f32 v42;
	v44 =	vadd.f32 v63, v56  }
0x134: {  	v51 =	vld [tilespmem:s19+$0xFFFFFFF0];
	v60 =	vunpack.i.u.bf16.f32 v49;
	v49 =	vunpack.i.l.bf16.f32 v49;
	v38 =	vadd.f32 v57, v58  }
0x135: {  	s19 =	simm.s32 $0x5480;
	v61 =	vmul.f32 v50, v1;
	v42 =	vadd.f32 v49, v42;
	v40 =	vmax.f32 v44, $0.0e+00  }
0x136: {  	v62 =	vpop (erf);
	v63 =	vadd.f32 v60, v59;
	v57 =	vmul.f32 v50, v2;
	v38 =	vmax.f32 v38, $0.0e+00;
	[tilespmem:s19+$0x0] =	vst v40  }
0x137: {  	v55 =	vmul.f32 v50, v3;
	v54 =	vadd.f32 v62, v62;
	v42 =	vadd.f32 v42, v61;
	[tilespmem:s19+$0x10] =	vst v38  }
0x138: {  	s20 =	simm.s32 $0x9110;
	v59 =	vunpack.i.l.bf16.f32 v45;
	v45 =	vunpack.i.u.bf16.f32 v45;
	v58 =	vadd.f32 v63, v57;
	v41 =	vld [tilespmem:s14+$0x10]  }
0x139: {  	[tilespmem:s20+$0x0] =	vst v39;
	v32 =	vmul.f32 v34, v32;
	v60 =	vunpack.i.l.bf16.f32 v51;
	v42 =	vmax.f32 v42, $0.0e+00;
	v49 =	vld [tilespmem:s12+$0x10]  }
0x13a: {  	v51 =	vunpack.i.u.bf16.f32 v51;
	v39 =	vsub.f32 $1.000000000e+00, v54;
	v34 =	vmax.f32 v58, $0.0e+00;
	[tilespmem:s19+$0xFFFFFF80] =	vst v42  }
0x13b: {  	v44 =	vadd.f32 v60, v59;
	v32 =	vsel vm1, v32, v0;
	v51 =	vadd.f32 v51, v45;
	[tilespmem:s19+$0xFFFFFF90] =	vst v34;
	v61, _, _ =	vpop (xrf2)  }
0x13c: {  	v58 =	vmul.f32 v50, v4;
	v59 =	vmul.f32 v42, v9;
	v56 =	vld [tilespmem:s14+$0xFFFFFFD0];
	v52 =	vadd.f32 v61, v17  }
0x13d: {  	v57 =	vadd.f32 v44, v35;
	v35 =	vld [tilespmem:s12+$0xFFFFFFD0];
	v44 =	vmul.f32 v33, v3;
	v63 =	vunpack.i.l.bf16.f32 v41  }
0x13e: {  	v60 =	vunpack.i.l.bf16.f32 v49;
	v41 =	vunpack.i.u.bf16.f32 v41;
	v62 =	vmax.f32 v52, $0.0e+00  }
0x13f: {  	v49 =	vunpack.i.u.bf16.f32 v49;
	v52 =	vadd.f32 v60, v63;
	v45 =	vadd.f32 v62, v62  }
0x140: {  	v59 =	vadd.f32 $0.0e+00, v59;
	v61 =	vmul.f32 v33, v4;
	v41 =	vadd.f32 v49, v41  }
0x141: {  	v63 =	vunpack.i.u.bf16.f32 v56;
	v44 =	vadd.f32 v52, v44;
	v62 =	vmul.f32 $1.442695020e+00, v45  }
0x142: {  	v56 =	vunpack.i.l.bf16.f32 v56;
	v49 =	vadd.f32 v41, v61;
	v52 =	vunpack.i.u.bf16.f32 v35  }
0x143: {  	v35 =	vunpack.i.l.bf16.f32 v35;
	v45 =	vmax.f32 v44, $0.0e+00;
	(erf) = vpow2.f32 v62  }
0x144: {  	v60 =	vmul.f32 v34, v10;
	v56 =	vadd.f32 v35, v56;
	v44 =	vmax.f32 v49, $0.0e+00;
	[tilespmem:s19+$0x20] =	vst v45  }
0x145: {  	v42 =	vmul.f32 v50, v5;
	v51 =	vadd.f32 v51, v53;
	v52 =	vadd.f32 v52, v63;
	[tilespmem:s19+$0x30] =	vst v44  }
0x146: {  	[tilespmem:s11+$0xFFFFFFE0] =	vst v36;
	v36 =	vmax.f32 v57, $0.0e+00;
	v49 =	vadd.f32 v59, v60;
	v60 =	vadd.f32 v56, v55;
	v55 =	vld [tilespmem:s14+$0x20]  }
0x147: {  	v51 =	vmax.f32 v51, $0.0e+00;
	v34 =	vmul.f32 v50, v7;
	v61 =	vmul.f32 v36, v15;
	v53 =	vld [tilespmem:s12+$0x20]  }
0x148: {  	s4 =	simm.s32 $0x2110;
	[tilespmem:s11+$0xFFFFFFF0] =	vst v37;
	v41 =	vmul.f32 v50, v6;
	v35 =	vmul.f32 v50, v8;
	v52 =	vadd.f32 v52, v58  }
0x149: {  	s1 =	simm.s32 $0x2510;
	[tilespmem:s13+$0xFFFFFFE0] =	vst v43;
	v43 =	vld [tilespmem:s4+$0x0];
	v37 =	vadd.f32 v61, v47;
	v63 =	vmul.f32 v51, v16;
	v50 =	vmax.f32 v60, $0.0e+00  }
0x14a: {  	[tilespmem:s13+$0xFFFFFFF0] =	vst v46;
	v57 =	vld [tilespmem:s1+$0x0];
	(erf) = vpow2.f32 v48;
	v52 =	vmax.f32 v52, $0.0e+00;
	v62 =	vmul.f32 v50, v11  }
0x14b: {  	v54 =	vld [tilespmem:s1+$0xFFFFFFF0];
	v37 =	vadd.f32 v37, v63;
	v46 =	vmul.f32 v52, v12;
	[tilespmem:s19+$0xFFFFFFB0] =	vst v52;
	v52 =	vmul.f32 v33, v5  }
0x14c: {  	v48 =	vld [tilespmem:s4+$0xFFFFFFF0];
	v49 =	vadd.f32 v62, v49;
	v61 =	vunpack.i.l.bf16.f32 v55;
	v62 =	vunpack.i.l.bf16.f32 v53;
	v60 =	vpop (erf)  }
0x14d: {  	[tilespmem:s19+$0xFFFFFFA0] =	vst v50;
	v59 =	vunpack.i.u.bf16.f32 v55;
	v53 =	vunpack.i.u.bf16.f32 v53;
	v47 =	vadd.f32 $1.000000000e+00, v60  }
0x14e: {  	v58 =	vld [tilespmem:s14+$0xFFFFFFE0];
	v63 =	vadd.f32 v62, v61;
	v50 =	vadd.f32 v53, v59;
	v60 =	vmul.f32 v33, v6  }
0x14f: {  	s11 =	simm.s32 $0x9130;
	s21 =	simm.s32 $0x8;
	[tilespmem:s2+$0xFFFFFFE0] =	vst v36;
	v36 =	vsub.f32 v43, v57;
	(xrf2) =	vadd.scan.msk.f32 $0xffff, v37;
	(erf) = vrcp.f32 v47  }
0x150: {  	[tilespmem:s11+$0x0] =	vst v32;
	v56 =	vmov s21;
	v62 =	vadd.f32 v63, v52;
	v63 =	vadd.f32 v50, v60;
	v50 =	vld [tilespmem:s12+$0xFFFFFFE0]  }
0x151: {  	[tilespmem:v31+s25+$0x0] =	vst.idx.msk vm0, v39;
	v39 =	vmul.f32 v36, v36;
	v37 =	vsub.f32 v48, v54;
	v61 =	vand.u32 $0xFFFFFFFE, v56  }
0x152: {  	s31 =	sshll.u32 s24, $0x7;
	v31 =	vld.idx.msk [tilespmem:v31+s25+$0x0], $0xffff;
	[tilespmem:s2+$0xFFFFFFF0] =	vst v51;
	v43 =	vadd.f32 v49, v46;
	v32 =	vbroadcast v61, $0x0;
	v49 =	vmax.f32 v62, $0.0e+00  }
0x153: {  	s13 =	simm.s32 $0x1240;
	s22 =	simm.s32 $0xA;
	s3 =	simm.s32 $0x240;
	v51 =	vunpack.i.u.bf16.f32 v58;
	v52 =	vunpack.i.l.bf16.f32 v58;
	[tilespmem:s19+$0x40] =	vst v49;
	v47 =	vmax.f32 v63, $0.0e+00  }
.LBB2_3:
0x154: {  	p1 =	slt.u32 s22, $0x3E;
	v46 =	vmul.f32 v37, v37;
	(xrf2) =	vadd.scan.msk.f32 $0xffff, v39;
	v39 =	vmul.f32 v40, v9;
	[tilespmem:s19+$0x50] =	vst v47;
	v40 =	vpop (erf)  }
0x155: {  	v48 =	vunpack.i.u.bf16.f32 v50;
	v50 =	vunpack.i.l.bf16.f32 v50;
	v53 =	vld [tilespmem:s14+$0x30];
	v40 =	vadd.f32 $1.000000000e+00, v40  }
0x156: {  	v38 =	vmul.f32 v38, v10;
	v50 =	vadd.f32 v50, v52;
	v54 =	vadd.f32 $0.0e+00, v39;
	v52 =	vld [tilespmem:s12+$0x30]  }
0x157: {  	v31 =	vmul.f32 v31, v18;
	v18 =	vmovc v19;
	(xrf2) =	vadd.scan.msk.f32 $0xffff, v46;
	v46 =	vadd.f32 v48, v51;
	(erf) = vrcp.f32 v40  }
0x158: {  	v40 =	vadd.f32 v50, v42;
	v48 =	vadd.f32 v54, v38;
	v38 =	vmul.f32 v45, v11;
	v39 =	vpop (erf)  }
0x159: {  	s23 =	sadd.s32 $0x1, s21;
	s21 =	smov.u32 s22;
	v31 =	vsel vm1, v31, v0;
	v41 =	vadd.f32 v46, v41;
	v39 =	vadd.f32 v39, v39;
	v42, _, _ =	vpop (xrf2)  }
0x15a: {  	v44 =	vmul.f32 v44, v12;
	v19 =	vmovc v22;
	v22 =	vmovc v26;
	v45 =	vmov s23;
	v38 =	vadd.f32 v38, v48;
	[tilespmem:s20+$0xFFFFFFF0] =	vst v31;
	s20 =	smov.u32 s11  }
0x15b: {  	v26 =	vmovc v37;
	v31 =	vunpack.i.l.bf16.f32 v53;
	v46 =	vunpack.i.l.bf16.f32 v52;
	[tilespmem:s2+$0x60] =	vst v29;
	v48 =	vsub.f32 $1.000000000e+00, v39  }
0x15c: {  	v37 =	vadd.f32 v38, v44;
	v31 =	vadd.f32 v46, v31;
	v38 =	vmul.f32 v33, v7;
	[tilespmem:s2+$0x70] =	vst v30;
	s2 =	smov.u32 s19  }
0x15d: {  	v39 =	vunpack.i.u.bf16.f32 v53;
	v30 =	vmul.f32 v49, v13;
	v44 =	vunpack.i.u.bf16.f32 v52;
	[tilespmem:v24+s25+$0x0] =	vst.idx.msk vm0, v48  }
0x15e: {  	v46 =	vadd.f32 v44, v39;
	v39 =	vmul.f32 v33, v8;
	v29, _, _ =	vpop (xrf2);
	v31 =	vadd.f32 v31, v38;
	v24 =	vld.idx.msk [tilespmem:v24+s25+$0x0], $0xffff  }
0x15f: {  	v40 =	vmax.f32 v40, $0.0e+00;
	v30 =	vadd.f32 v30, v37;
	v37 =	vmul.f32 v47, v14;
	[tilespmem:v45+s28+$0x0] =	vst.idx.msk vm0, v29  }
0x160: {  	s14 =	sadd.s32 $0x80, s14;
	v41 =	vmax.f32 v41, $0.0e+00;
	v33 =	vld.idx.msk [tilespmem:v45+s28+$0x0], $0xffff;
	[tilespmem:s19+$0xFFFFFFC0] =	vst v40;
	v29 =	vmax.f32 v31, $0.0e+00;
	v31 =	vadd.f32 v46, v39;
	v38 =	vpop (erf)  }
0x161: {  	s12 =	sadd.s32 $0x80, s12;
	v40 =	vmul.f32 v40, v13;
	v37 =	vadd.f32 v30, v37;
	v39 =	vld [tilespmem:s14+$0x0];
	v44, _, _ =	vpop (xrf2);
	[tilespmem:s19+$0xFFFFFFD0] =	vst v41;
	v46 =	vmul.f32 v29, v15  }
0x162: {  	v41 =	vmul.f32 v41, v14;
	[tilespmem:v32+s28+$0x0] =	vst.idx.msk vm0, v44;
	v44 =	vld [tilespmem:s12+$0x0];
	v30 =	vmax.f32 v31, $0.0e+00;
	v31 =	vadd.f32 v42, v17  }
0x163: {  	v40 =	vadd.f32 v40, v43;
	v47 =	vld.idx.msk [tilespmem:v32+s28+$0x0], $0xffff;
	v42 =	vadd.f32 v46, v37;
	v43 =	vmul.f32 v30, v16  }
0x164: {  	v49 =	vmul.f32 v24, v21;
	v37 =	vadd.f32 v38, v38;
	v24 =	vmovc v28;
	v28 =	vmovc v45;
	v46 =	vld [tilespmem:s14+$0xFFFFFFC0];
	v48 =	vmax.f32 v31, $0.0e+00  }
0x165: {  	v21 =	vmovc v25;
	v25 =	vmov v36;
	v31 =	vadd.f32 v40, v41;
	v38 =	vld [tilespmem:s12+$0xFFFFFFC0];
	v40 =	vadd.f32 v42, v43  }
0x166: {  	s11 =	sadd.s32 $0x20, s11;
	v48 =	vadd.f32 v48, v48;
	v41 =	vsel vm1, v49, v0;
	v36 =	vunpack.i.u.bf16.f32 v39;
	v43 =	vld [tilespmem:s3+$0xFFFFFFF0];
	s3 =	smov.u32 s14  }
0x167: {  	v39 =	vunpack.i.l.bf16.f32 v39;
	v42 =	vunpack.i.l.bf16.f32 v44;
	v45 =	vld [tilespmem:s13+$0xFFFFFFF0];
	(xrf2) =	vadd.scan.msk.f32 $0xffff, v40;
	[tilespmem:s11+$0x0] =	vst v41;
	s13 =	smov.u32 s12  }
0x168: {  	v40 =	vunpack.i.u.bf16.f32 v44;
	v41 =	vmul.f32 v33, v1;
	v39 =	vadd.f32 v42, v39  }
0x169: {  	v36 =	vadd.f32 v40, v36;
	v40 =	vmul.f32 v33, v2;
	v42 =	vunpack.i.u.bf16.f32 v46  }
0x16a: {  	v44 =	vunpack.i.l.bf16.f32 v46;
	v46 =	vunpack.i.u.bf16.f32 v38;
	v39 =	vadd.f32 v39, v41  }
0x16b: {  	v38 =	vunpack.i.l.bf16.f32 v38;
	v41 =	vmul.f32 v47, v1;
	v36 =	vadd.f32 v36, v40  }
0x16c: {  	s19 =	sadd.s32 $0x100, s19;
	v44 =	vadd.f32 v38, v44;
	v46 =	vadd.f32 v46, v42;
	v40 =	vmax.f32 v39, $0.0e+00  }
0x16d: {  	v49 =	vmul.f32 v47, v3;
	v39 =	vmul.f32 v47, v2;
	v38 =	vmax.f32 v36, $0.0e+00;
	[tilespmem:s19+$0x0] =	vst v40  }
0x16e: {  	v50 =	vmul.f32 v47, v4;
	v42 =	vmul.f32 v47, v5;
	v36 =	vadd.f32 v44, v41;
	[tilespmem:s19+$0x10] =	vst v38  }
0x16f: {  	v55 =	vunpack.i.l.bf16.f32 v43;
	v41 =	vmul.f32 v47, v6;
	v39 =	vadd.f32 v46, v39;
	v44 =	vld [tilespmem:s14+$0x10]  }
0x170: {  	v51 =	vmul.f32 v47, v7;
	v53 =	vunpack.i.l.bf16.f32 v45;
	v36 =	vmax.f32 v36, $0.0e+00;
	v52 =	vld [tilespmem:s12+$0x10]  }
0x171: {  	v54 =	vmul.f32 v36, v9;
	[tilespmem:s19+$0xFFFFFF80] =	vst v36;
	v36 =	vmax.f32 v39, $0.0e+00;
	v39 =	vadd.f32 v53, v55;
	v46, _, _ =	vpop (xrf2)  }
0x172: {  	v53 =	vmul.f32 v36, v10;
	[tilespmem:s19+$0xFFFFFF90] =	vst v36;
	v36 =	vunpack.i.u.bf16.f32 v43;
	v43 =	vadd.f32 v46, v17  }
0x173: {  	v45 =	vunpack.i.u.bf16.f32 v45;
	v46 =	vadd.f32 $0.0e+00, v54;
	v54 =	vld [tilespmem:s14+$0xFFFFFFD0];
	v39 =	vadd.f32 v39, v34;
	v34 =	vmovc v51  }
0x174: {  	v55 =	vmul.f32 v33, v3;
	v36 =	vadd.f32 v45, v36;
	v51 =	vld [tilespmem:s12+$0xFFFFFFD0];
	v43 =	vmax.f32 v43, $0.0e+00  }
0x175: {  	v45 =	vunpack.i.l.bf16.f32 v44;
	v56 =	vunpack.i.l.bf16.f32 v52;
	v43 =	vadd.f32 v43, v43  }
0x176: {  	v44 =	vunpack.i.u.bf16.f32 v44;
	v52 =	vunpack.i.u.bf16.f32 v52;
	v45 =	vadd.f32 v56, v45  }
0x177: {  	v44 =	vadd.f32 v52, v44;
	v52 =	vmul.f32 v33, v4;
	v43 =	vmul.f32 $1.442695020e+00, v43  }
0x178: {  	v56 =	vunpack.i.u.bf16.f32 v54;
	v54 =	vunpack.i.l.bf16.f32 v54;
	v45 =	vadd.f32 v45, v55  }
0x179: {  	v44 =	vadd.f32 v44, v52;
	v55 =	vunpack.i.u.bf16.f32 v51;
	(erf) = vpow2.f32 v43  }
0x17a: {  	v43 =	vunpack.i.l.bf16.f32 v51;
	v51 =	vadd.f32 v55, v56;
	v45 =	vmax.f32 v45, $0.0e+00  }
0x17b: {  	v46 =	vadd.f32 v46, v53;
	v43 =	vadd.f32 v43, v54;
	v44 =	vmax.f32 v44, $0.0e+00;
	[tilespmem:s19+$0x20] =	vst v45  }
0x17c: {  	v47 =	vmul.f32 v47, v8;
	v39 =	vmax.f32 v39, $0.0e+00;
	v50 =	vadd.f32 v51, v50;
	[tilespmem:s19+$0x30] =	vst v44  }
0x17d: {  	v36 =	vadd.f32 v36, v35;
	v43 =	vadd.f32 v43, v49;
	v51 =	vmul.f32 v39, v15;
	v49 =	vld [tilespmem:s14+$0x20];
	[tilespmem:s2+$0xFFFFFFE0] =	vst v39  }
0x17e: {  	v37 =	vsub.f32 $1.000000000e+00, v37;
	v48 =	vmul.f32 $1.442695020e+00, v48;
	v35 =	vmovc v47;
	v39 =	vmax.f32 v50, $0.0e+00;
	v50 =	vld [tilespmem:s12+$0x20]  }
0x17f: {  	s4 =	sadd.s32 $0x20, s4;
	v36 =	vmax.f32 v36, $0.0e+00;
	v43 =	vmax.f32 v43, $0.0e+00;
	v47 =	vmul.f32 v39, v12;
	[tilespmem:s19+$0xFFFFFFB0] =	vst v39  }
0x180: {  	s1 =	sadd.s32 $0x20, s1;
	v31 =	vadd.f32 v51, v31;
	v52 =	vmul.f32 v43, v11;
	v39 =	vld [tilespmem:s4+$0x0];
	[tilespmem:s19+$0xFFFFFFA0] =	vst v43;
	v43 =	vmul.f32 v36, v16  }
0x181: {  	v51 =	vmov s22;
	v53 =	vld [tilespmem:s1+$0x0];
	[tilespmem:s2+$0xFFFFFFF0] =	vst v36;
	(erf) = vpow2.f32 v48  }
0x182: {  	v46 =	vadd.f32 v52, v46;
	v52 =	vmul.f32 v33, v5;
	v48 =	vld [tilespmem:s4+$0xFFFFFFF0];
	v31 =	vadd.f32 v31, v43;
	v36 =	vpop (erf)  }
0x183: {  	v43 =	vunpack.i.l.bf16.f32 v49;
	v54 =	vld [tilespmem:s1+$0xFFFFFFF0];
	v55 =	vunpack.i.l.bf16.f32 v50;
	v36 =	vadd.f32 $1.000000000e+00, v36;
	[tilespmem:v20+s25+$0x0] =	vst.idx.msk vm0, v37  }
0x184: {  	v37 =	vunpack.i.u.bf16.f32 v49;
	v49 =	vunpack.i.u.bf16.f32 v50;
	v56 =	vld [tilespmem:s14+$0xFFFFFFE0];
	v43 =	vadd.f32 v55, v43  }
.Ltmp0:
0x185: {  	v37 =	vadd.f32 v49, v37;
	v49 =	vmul.f32 v33, v6;
	v50 =	vld [tilespmem:s12+$0xFFFFFFE0];
	(xrf2) =	vadd.scan.msk.f32 $0xffff, v31;
	(erf) = vrcp.f32 v36;
	(pc) =	sbr.rel @p1 .LBB2_3-.Ltmp0, $4  }
0x186: {  	v51 =	vand.u32 $0xFFFFFFFE, v51;
	v36 =	vsub.f32 v39, v53;
	v52 =	vadd.f32 v43, v52;
	v31 =	vld.idx.msk [tilespmem:v20+s25+$0x0], $0xffff;
	v20 =	vmovc v23  }
0x187: {  	v43 =	vadd.f32 v46, v47;
	v46 =	vadd.f32 v37, v49;
	v23 =	vmovc v27;
	v27 =	vmovc v32;
	v32 =	vbroadcast v51, $0x0  }
0x188: {  	v37 =	vsub.f32 v48, v54;
	v39 =	vmul.f32 v36, v36;
	v49 =	vmax.f32 v52, $0.0e+00  }
0x189: {  	s22 =	sadd.s32 $0x2, s22;
	v47 =	vmax.f32 v46, $0.0e+00;
	v51 =	vunpack.i.u.bf16.f32 v56;
	v52 =	vunpack.i.l.bf16.f32 v56;
	[tilespmem:s19+$0x40] =	vst v49  }
0x18a: {  	(xrf2) =	vadd.scan.msk.f32 $0xffff, v39;
	_ =	sdelay $0x4  }
0x18b: {  	s1 =	sadd.s32 $0x1, s21  }
0x18c: {  	v46 =	vmul.f32 v37, v37;
	v39 =	vmov s1;
	_ =	sdelay $0x1  }
0x18d: {  	(xrf2) =	vadd.scan.msk.f32 $0xffff, v46  }
0x18e: {  	v48, _, _ =	vpop (xrf2)  }
0x18f: {  	v60, _, _ =	vpop (xrf2)  }
0x190: {  	s1 =	sadd.s32 $0x80, s14;
	[tilespmem:v39+s28+$0x0] =	vst.idx.msk vm0, v60  }
0x191: {  	s4 =	sadd.s32 $0x80, s12;
	v53 =	vld [tilespmem:s1+$0x0]  }
0x192: {  	v54 =	vld [tilespmem:s4+$0x0]  }
0x193: {  	v46 =	vld.idx.msk [tilespmem:v39+s28+$0x0], $0xffff;
	_ =	sdelay $0x2  }
0x194: {  	v55 =	vunpack.i.u.bf16.f32 v50;
	v61 =	vunpack.i.l.bf16.f32 v50  }
0x195: {  	v56, _, _ =	vpop (xrf2);
	v57 =	vunpack.i.u.bf16.f32 v53;
	v53 =	vunpack.i.l.bf16.f32 v53;
	v58 =	vunpack.i.l.bf16.f32 v54  }
0x196: {  	[tilespmem:v32+s28+$0x0] =	vst.idx.msk vm0, v56;
	v54 =	vunpack.i.u.bf16.f32 v54;
	v56 =	vmul.f32 v46, v1;
	v53 =	vadd.f32 v58, v53  }
0x197: {  	v50 =	vadd.f32 v61, v52;
	v52 =	vld [tilespmem:s1+$0xFFFFFFC0];
	v54 =	vadd.f32 v54, v57;
	v57 =	vmul.f32 v46, v2  }
0x198: {  	v40 =	vmul.f32 v40, v9;
	[tilespmem:s19+$0x50] =	vst v47;
	v60 =	vld [tilespmem:s4+$0xFFFFFFC0];
	v53 =	vadd.f32 v53, v56  }
0x199: {  	v45 =	vmul.f32 v45, v11;
	v59 =	vld [tilespmem:s14+$0x30];
	v51 =	vadd.f32 v55, v51;
	v54 =	vadd.f32 v54, v57  }
0x19a: {  	s14 =	sadd.s32 $0x100, s19;
	v40 =	vadd.f32 $0.0e+00, v40;
	v58 =	vmul.f32 v38, v10;
	v38 =	vld.idx.msk [tilespmem:v32+s28+$0x0], $0xffff;
	v53 =	vmax.f32 v53, $0.0e+00  }
0x19b: {  	v49 =	vmul.f32 v49, v13;
	v55 =	vld [tilespmem:s12+$0x30];
	v42 =	vadd.f32 v50, v42;
	v50 =	vmax.f32 v54, $0.0e+00;
	[tilespmem:s14+$0x0] =	vst v53  }
0x19c: {  	v51 =	vadd.f32 v51, v41;
	v41 =	vmul.f32 v44, v12;
	v40 =	vadd.f32 v40, v58;
	[tilespmem:s14+$0x10] =	vst v50  }
0x19d: {  	v42 =	vmax.f32 v42, $0.0e+00;
	v62 =	vunpack.i.l.bf16.f32 v52;
	v63 =	vunpack.i.l.bf16.f32 v60;
	v54 =	vld [tilespmem:s1+$0x10]  }
0x19e: {  	v52 =	vunpack.i.u.bf16.f32 v52;
	v60 =	vunpack.i.u.bf16.f32 v60;
	v40 =	vadd.f32 v45, v40;
	v45 =	vld [tilespmem:s4+$0x10]  }
0x19f: {  	v56 =	vunpack.i.l.bf16.f32 v59;
	v44 =	vadd.f32 v63, v62;
	v57 =	vmul.f32 v38, v1  }
0x1a0: {  	v58 =	vunpack.i.l.bf16.f32 v55;
	v52 =	vadd.f32 v60, v52;
	v60 =	vmul.f32 v38, v2  }
0x1a1: {  	[tilespmem:s19+$0xFFFFFFC0] =	vst v42;
	v42 =	vmul.f32 v42, v13;
	v56 =	vadd.f32 v58, v56;
	v44 =	vadd.f32 v44, v57  }
0x1a2: {  	v40 =	vadd.f32 v40, v41;
	v41 =	vadd.f32 v52, v60;
	v52 =	vmul.f32 v46, v3  }
0x1a3: {  	v44 =	vmax.f32 v44, $0.0e+00;
	v58 =	vunpack.i.l.bf16.f32 v54;
	v60 =	vunpack.i.l.bf16.f32 v45  }
0x1a4: {  	v54 =	vunpack.i.u.bf16.f32 v54;
	v45 =	vunpack.i.u.bf16.f32 v45;
	v58 =	vadd.f32 v60, v58  }
0x1a5: {  	v61 =	vmul.f32 v46, v4;
	v41 =	vmax.f32 v41, $0.0e+00;
	[tilespmem:s14+$0xFFFFFF80] =	vst v44;
	v45 =	vadd.f32 v45, v54  }
0x1a6: {  	v42 =	vadd.f32 v42, v43;
	v57 =	vmul.f32 v33, v7;
	[tilespmem:s14+$0xFFFFFF90] =	vst v41;
	v52 =	vadd.f32 v58, v52  }
0x1a7: {  	v59 =	vunpack.i.u.bf16.f32 v59;
	v55 =	vunpack.i.u.bf16.f32 v55;
	v62 =	vld [tilespmem:s1+$0xFFFFFFD0];
	v45 =	vadd.f32 v45, v61  }
0x1a8: {  	v63 =	vadd.f32 v55, v59;
	v56 =	vadd.f32 v56, v57;
	v58 =	vld [tilespmem:s4+$0xFFFFFFD0];
	v52 =	vmax.f32 v52, $0.0e+00  }
0x1a9: {  	v55 =	vmul.f32 v38, v3;
	v40 =	vadd.f32 v49, v40;
	v45 =	vmax.f32 v45, $0.0e+00;
	[tilespmem:s14+$0x20] =	vst v52  }
0x1aa: {  	v60 =	vmul.f32 v33, v8;
	v33 =	vmax.f32 v56, $0.0e+00;
	v61 =	vmul.f32 v47, v14;
	[tilespmem:s14+$0x30] =	vst v45  }
0x1ab: {  	v50 =	vmul.f32 v50, v10;
	v49 =	vmax.f32 v51, $0.0e+00;
	v54 =	vmul.f32 v33, v15;
	v47 =	vld [tilespmem:s1+$0x20]  }
0x1ac: {  	v51 =	vadd.f32 v63, v60;
	v40 =	vadd.f32 v40, v61;
	v56 =	vunpack.i.u.bf16.f32 v62;
	v59 =	vld [tilespmem:s4+$0x20]  }
0x1ad: {  	v57 =	vunpack.i.l.bf16.f32 v62;
	v60 =	vunpack.i.u.bf16.f32 v58;
	v58 =	vunpack.i.l.bf16.f32 v58  }
0x1ae: {  	v61 =	vmul.f32 v38, v4;
	v56 =	vadd.f32 v60, v56;
	v57 =	vadd.f32 v58, v57  }
0x1af: {  	[tilespmem:s19+$0xFFFFFFD0] =	vst v49;
	v49 =	vmul.f32 v49, v14;
	v54 =	vadd.f32 v54, v40;
	v40 =	vmax.f32 v51, $0.0e+00  }
0x1b0: {  	v56 =	vadd.f32 v56, v61;
	v55 =	vadd.f32 v57, v55;
	v57 =	vmul.f32 v40, v16  }
0x1b1: {  	v58 =	vld [tilespmem:s13+$0xFFFFFFF0];
	v60 =	vunpack.i.l.bf16.f32 v47;
	v61 =	vunpack.i.l.bf16.f32 v59;
	v47 =	vunpack.i.u.bf16.f32 v47  }
0x1b2: {  	v51 =	vld [tilespmem:s3+$0xFFFFFFF0];
	v59 =	vunpack.i.u.bf16.f32 v59;
	v60 =	vadd.f32 v61, v60;
	v61 =	vmul.f32 v46, v5  }
0x1b3: {  	v56 =	vmax.f32 v56, $0.0e+00;
	v43 =	vadd.f32 v59, v47;
	v47 =	vmul.f32 v46, v6  }
0x1b4: {  	v55 =	vmax.f32 v55, $0.0e+00;
	v54 =	vadd.f32 v54, v57;
	[tilespmem:s14+$0xFFFFFFB0] =	vst v56;
	v59 =	vadd.f32 v60, v61  }
0x1b5: {  	v44 =	vmul.f32 v44, v9;
	v41 =	vmul.f32 v41, v10;
	[tilespmem:s14+$0xFFFFFFA0] =	vst v55;
	v43 =	vadd.f32 v43, v47  }
0x1b6: {  	v62 =	vunpack.i.u.bf16.f32 v58;
	v57 =	vld [tilespmem:s1+$0xFFFFFFE0];
	v61 =	vunpack.i.l.bf16.f32 v58;
	(xrf2) =	vadd.scan.msk.f32 $0xffff, v54;
	v58 =	vmax.f32 v59, $0.0e+00  }
0x1b7: {  	v42 =	vadd.f32 v42, v49;
	v60 =	vunpack.i.l.bf16.f32 v51;
	v47 =	vld [tilespmem:s4+$0xFFFFFFE0];
	v43 =	vmax.f32 v43, $0.0e+00;
	[tilespmem:s14+$0x40] =	vst v58  }
0x1b8: {  	v51 =	vunpack.i.u.bf16.f32 v51;
	v63 =	vadd.f32 v61, v60;
	v60 =	vmul.f32 v53, v9;
	[tilespmem:s14+$0x50] =	vst v43  }
0x1b9: {  	v44 =	vadd.f32 $0.0e+00, v44;
	v52 =	vmul.f32 v52, v11;
	v51 =	vadd.f32 v62, v51;
	v53 =	vld [tilespmem:s1+$0x30]  }
0x1ba: {  	v45 =	vmul.f32 v45, v12;
	v34 =	vadd.f32 v63, v34;
	v49 =	vadd.f32 $0.0e+00, v60;
	v59 =	vld [tilespmem:s4+$0x30]  }
0x1bb: {  	v35 =	vadd.f32 v51, v35;
	v63 =	vmul.f32 v38, v5;
	v43 =	vmul.f32 v43, v14  }
0x1bc: {  	v61 =	vunpack.i.l.bf16.f32 v57;
	v62 =	vunpack.i.l.bf16.f32 v47;
	v49 =	vadd.f32 v49, v50  }
0x1bd: {  	v57 =	vunpack.i.u.bf16.f32 v57;
	v47 =	vunpack.i.u.bf16.f32 v47;
	v51 =	vadd.f32 v62, v61  }
0x1be: {  	v34 =	vmax.f32 v34, $0.0e+00;
	v47 =	vadd.f32 v47, v57;
	v49 =	vadd.f32 v52, v49  }
0x1bf: {  	v50 =	vadd.f32 v51, v63;
	v60 =	vunpack.i.l.bf16.f32 v53;
	v61 =	vunpack.i.l.bf16.f32 v59  }
0x1c0: {  	v57 =	vmul.f32 v46, v7;
	v45 =	vadd.f32 v49, v45;
	v62, _, _ =	vpop (xrf2);
	v63 =	vadd.f32 v61, v60  }
0x1c1: {  	v53 =	vunpack.i.u.bf16.f32 v53;
	v60 =	vmul.f32 v38, v6;
	v54 =	vadd.f32 v62, v17  }
0x1c2: {  	v62 =	vmul.f32 v58, v13;
	v49 =	vadd.f32 v63, v57;
	v63 =	vunpack.i.u.bf16.f32 v59  }
0x1c3: {  	v35 =	vmax.f32 v35, $0.0e+00;
	v46 =	vmul.f32 v46, v8;
	v53 =	vadd.f32 v63, v53  }
0x1c4: {  	v61 =	vmul.f32 v34, v15;
	v47 =	vadd.f32 v47, v60;
	v45 =	vadd.f32 v62, v45  }
0x1c5: {  	v50 =	vmax.f32 v50, $0.0e+00;
	v49 =	vmax.f32 v49, $0.0e+00;
	v46 =	vadd.f32 v53, v46  }
0x1c6: {  	[tilespmem:s14+$0xFFFFFFC0] =	vst v50;
	v47 =	vmax.f32 v47, $0.0e+00;
	v43 =	vadd.f32 v45, v43;
	v59 =	vmul.f32 v49, v15  }
0x1c7: {  	v42 =	vadd.f32 v61, v42;
	v60 =	vmul.f32 v35, v16;
	[tilespmem:s14+$0xFFFFFFD0] =	vst v47;
	v46 =	vmax.f32 v46, $0.0e+00  }
0x1c8: {  	v48 =	vadd.f32 v48, v17;
	v53 =	vld [tilespmem:s1+$0xFFFFFFF0];
	v43 =	vadd.f32 v59, v43;
	v62 =	vmul.f32 v46, v16  }
0x1c9: {  	v41 =	vadd.f32 v44, v41;
	v61 =	vmax.f32 v54, $0.0e+00;
	v42 =	vadd.f32 v42, v60;
	v51 =	vld [tilespmem:s4+$0xFFFFFFF0]  }
0x1ca: {  	v48 =	vmax.f32 v48, $0.0e+00;
	v52 =	vadd.f32 v61, v61;
	v43 =	vadd.f32 v43, v62  }
0x1cb: {  	v55 =	vmul.f32 v55, v11;
	v58 =	vmul.f32 v38, v7;
	v57 =	vadd.f32 v48, v48;
	v63 =	vpop (erf);
	(xrf2) =	vadd.scan.msk.f32 $0xffff, v42  }
0x1cc: {  	v38 =	vmul.f32 v38, v8;
	v54 =	vadd.f32 $1.000000000e+00, v63;
	v52 =	vmul.f32 $1.442695020e+00, v52;
	(xrf2) =	vadd.scan.msk.f32 $0xffff, v43  }
0x1cd: {  	v41 =	vadd.f32 v55, v41;
	v42 =	vmul.f32 $1.442695020e+00, v57;
	v59 =	vmul.f32 v56, v12  }
0x1ce: {  	(erf) = vrcp.f32 v54;
	v60 =	vunpack.i.l.bf16.f32 v53;
	v61 =	vunpack.i.l.bf16.f32 v51  }
0x1cf: {  	v63 =	vmul.f32 v50, v13;
	(erf) = vpow2.f32 v52;
	v62 =	vadd.f32 v61, v60  }
0x1d0: {  	v41 =	vadd.f32 v41, v59;
	v52 =	vunpack.i.u.bf16.f32 v53;
	v53 =	vunpack.i.u.bf16.f32 v51  }
0x1d1: {  	(erf) = vpow2.f32 v42;
	v55 =	vadd.f32 v53, v52;
	v54 =	vadd.f32 v62, v58  }
0x1d2: {  	v56 =	vmul.f32 v47, v14;
	v41 =	vadd.f32 v63, v41  }
0x1d3: {  	v38 =	vadd.f32 v55, v38;
	v42 =	vmax.f32 v54, $0.0e+00  }
0x1d4: {  	v41 =	vadd.f32 v41, v56;
	v57 =	vmul.f32 v42, v15  }
0x1d5: {  	v58, _, _ =	vpop (xrf2);
	v38 =	vmax.f32 v38, $0.0e+00  }
0x1d6: {  	v60 =	vmul.f32 v38, v16;
	v41 =	vadd.f32 v57, v41;
	v59, _, _ =	vpop (xrf2)  }
0x1d7: {  	v61 =	vpop (erf);
	v45 =	vadd.f32 v59, v17  }
0x1d8: {  	v48 =	vpop (erf);
	v44 =	vadd.f32 v58, v17;
	v41 =	vadd.f32 v41, v60  }
0x1d9: {  	v62 =	vpop (erf);
	v45 =	vmax.f32 v45, $0.0e+00  }
0x1da: {  	v43 =	vadd.f32 $1.000000000e+00, v62;
	v63 =	vpop (erf);
	v44 =	vmax.f32 v44, $0.0e+00;
	(xrf2) =	vadd.scan.msk.f32 $0xffff, v41;
	v45 =	vadd.f32 v45, v45  }
0x1db: {  	v51 =	vadd.f32 $1.000000000e+00, v63;
	v44 =	vadd.f32 v44, v44  }
0x1dc: {  	(erf) = vrcp.f32 v43;
	v52 =	vmul.f32 $1.442695020e+00, v45  }
0x1dd: {  	(erf) = vrcp.f32 v51;
	v53 =	vmul.f32 $1.442695020e+00, v44  }
0x1de: {  	(erf) = vpow2.f32 v52  }
0x1df: {  	(erf) = vpow2.f32 v53;
	_ =	sdelay $0x4  }
0x1e0: {  	v54, _, _ =	vpop (xrf2)  }
0x1e1: {  	v55 =	vpop (erf);
	v41 =	vadd.f32 v54, v17  }
0x1e2: {  	v56 =	vpop (erf)  }
0x1e3: {  	v41 =	vmax.f32 v41, $0.0e+00;
	v57 =	vpop (erf)  }
0x1e4: {  	v41 =	vadd.f32 v41, v41;
	v45 =	vadd.f32 $1.000000000e+00, v57;
	v58 =	vpop (erf)  }
0x1e5: {  	v50 =	vadd.f32 $1.000000000e+00, v58  }
0x1e6: {  	v41 =	vmul.f32 $1.442695020e+00, v41;
	(erf) = vrcp.f32 v45  }
0x1e7: {  	(erf) = vrcp.f32 v50  }
0x1e8: {  	(erf) = vpow2.f32 v41;
	_ =	sdelay $0x6  }
0x1e9: {  	v59 =	vpop (erf)  }
0x1ea: {  	v60 =	vadd.f32 v61, v61;
	v61 =	vpop (erf)  }
0x1eb: {  	v62 =	vpop (erf)  }
0x1ec: {  	[tilespmem:s2+$0x60] =	vst v29;
	v63 =	vadd.f32 $1.000000000e+00, v62  }
0x1ed: {  	[tilespmem:s2+$0x70] =	vst v30  }
0x1ee: {  	[tilespmem:s19+$0x60] =	vst v33;
	(erf) = vrcp.f32 v63  }
0x1ef: {  	[tilespmem:s19+$0x70] =	vst v40;
	v30 =	vadd.f32 v48, v48;
	v29 =	vsub.f32 $1.000000000e+00, v60  }
0x1f0: {  	[tilespmem:s19+$0xFFFFFFE0] =	vst v34  }
0x1f1: {  	[tilespmem:v24+s25+$0x0] =	vst.idx.msk vm0, v29;
	v29 =	vsub.f32 $1.000000000e+00, v30;
	v30 =	vadd.f32 v55, v55  }
0x1f2: {  	[tilespmem:s19+$0xFFFFFFF0] =	vst v35  }
0x1f3: {  	[tilespmem:v20+s25+$0x0] =	vst.idx.msk vm0, v29;
	v29 =	vsub.f32 $1.000000000e+00, v30;
	v30 =	vadd.f32 v56, v56  }
0x1f4: {  	[tilespmem:s14+$0x60] =	vst v49  }
0x1f5: {  	[tilespmem:v28+s25+$0x0] =	vst.idx.msk vm0, v29;
	v29 =	vsub.f32 $1.000000000e+00, v30  }
0x1f6: {  	[tilespmem:s14+$0x70] =	vst v46;
	v30 =	vadd.f32 v59, v59  }
0x1f7: {  	v24 =	vld.idx.msk [tilespmem:v24+s25+$0x0], $0xffff;
	[tilespmem:v23+s25+$0x0] =	vst.idx.msk vm0, v29;
	v29 =	vadd.f32 v61, v61;
	v41 =	vpop (erf)  }
0x1f8: {  	[tilespmem:s14+$0xFFFFFFE0] =	vst v42;
	v20 =	vld.idx.msk [tilespmem:v20+s25+$0x0], $0xffff;
	v30 =	vsub.f32 $1.000000000e+00, v30;
	v33 =	vadd.f32 v41, v41  }
0x1f9: {  	[tilespmem:s14+$0xFFFFFFF0] =	vst v38;
	v28 =	vld.idx.msk [tilespmem:v28+s25+$0x0], $0xffff;
	v29 =	vsub.f32 $1.000000000e+00, v29  }
0x1fa: {  	v23 =	vld.idx.msk [tilespmem:v23+s25+$0x0], $0xffff;
	[tilespmem:v39+s25+$0x0] =	vst.idx.msk vm0, v30;
	v30 =	vsub.f32 $1.000000000e+00, v33  }
0x1fb: {  	v18 =	vmul.f32 v31, v18;
	v31 =	vld.idx.msk [tilespmem:v39+s25+$0x0], $0xffff;
	[tilespmem:v27+s25+$0x0] =	vst.idx.msk vm0, v29  }
0x1fc: {  	v21 =	vmul.f32 v24, v21;
	v24 =	vld.idx.msk [tilespmem:v27+s25+$0x0], $0xffff;
	[tilespmem:v32+s25+$0x0] =	vst.idx.msk vm0, v30  }
0x1fd: {  	v18 =	vsel vm1, v18, v0;
	v19 =	vmul.f32 v20, v19;
	v20 =	vld.idx.msk [tilespmem:v32+s25+$0x0], $0xffff  }
0x1fe: {  	[tilespmem:s20+$0xFFFFFFF0] =	vst v18;
	s19 =	sadd.s32 $0x20, s11;
	v18 =	vsel vm1, v21, v0;
	v21 =	vmul.f32 v28, v25  }
0x1ff: {  	[tilespmem:s19+$0x0] =	vst v18;
	v18 =	vsel vm1, v19, v0;
	v19 =	vmul.f32 v23, v22  }
0x200: {  	s20 =	sadd.s32 $0x20, s19;
	[tilespmem:s11+$0xFFFFFFF0] =	vst v18;
	v18 =	vsel vm1, v21, v0;
	v21 =	vmul.f32 v31, v36  }
0x201: {  	[tilespmem:s20+$0x0] =	vst v18;
	v18 =	vsel vm1, v19, v0;
	v19 =	vmul.f32 v24, v26  }
0x202: {  	s21 =	sadd.s32 $0x20, s20;
	[tilespmem:s19+$0xFFFFFFF0] =	vst v18;
	v18 =	vsel vm1, v21, v0;
	v20 =	vmul.f32 v20, v37  }
0x203: {  	[tilespmem:s21+$0x0] =	vst v18;
	v18 =	vsel vm1, v19, v0  }
0x204: {  	[tilespmem:s20+$0xFFFFFFF0] =	vst v18;
	v18 =	vsel vm1, v20, v0  }
0x205: {  	[tilespmem:s21+$0xFFFFFFF0] =	vst v18  }
0x206: {  	v18 =	vld [tilespmem:$0x0]  }
0x207: {  	v19 =	vld [tilespmem:$0x10]  }
0x208: {  	v20 =	vld [tilespmem:$0x20]  }
0x209: {  	v21 =	vld [tilespmem:$0x30];
	_ =	sdelay $0x1  }
0x20a: {  	[tilespmem:$0x9900] =	vst v18  }
0x20b: {  	[tilespmem:$0x9910] =	vst v19  }
0x20c: {  	s4 =	rddreg [dreg:$0x11];
	[tilespmem:$0x9920] =	vst v20  }
0x20d: {  	s22 =	rddreg [dreg:$0x3];
	s23 =	simm.s32 $0x5100;
	s1 =	sadd.s32 s31, s4;
	[tilespmem:$0x9930] =	vst v21  }
0x20e: {  	[spmem:s22] =	stream.indirect.scatter.add.f32 [tilespmem:s23], [sflag:$0x5], $0x80, s29, s0, $0xb8;
	[tilespmem:$0x1FE90] =	vst v63  }
0x20f: {  	s2 =	rddreg [dreg:$0x4];
	s3 =	simm.s32 $0x9100;
	s1 =	sshrl.u32 s1, $0x3  }
0x210: {  	[spmem:s2] =	stream.indirect.scatter.add.f32 [tilespmem:s3], [sflag:$0x5], $0x10, s29, s0, $0xb8;
	[tilespmem:$0x1FE90] =	vst v63  }
0x211: {  	s11 =	sadd.s32 s9, s1  }
0x212: {  	[tilespmem:s5], [sflag:$0x1] =	stream.linear.gather [hbm4b:s11+s5], $0x40, $0x38;
	[tilespmem:$0x1FE90] =	vst v63  }
0x213: {  	s1 =	sadd.s32 s10, s1  }
0x214: {  	[tilespmem:s0], [sflag:$0x1] =	stream.linear.gather [hbm4b:s1+s5], $0x40, $0x38;
	[tilespmem:$0x1FE90] =	vst v63  }
0x215: {  	_ =	swait.ge [sflag:s6], $0x40  }
0x216: {  	[sflag:s6] =	ssyncset.done $0x0  }
0x217: {  	[sflag:s6] =	ssyncadd.s32 $0xFFFFFFC0  }
0x218: {  	_ =	swait.ge [sflag:s6], $0x40  }
0x219: {  	[sflag:s6] =	ssyncset.done $0x0  }
0x21a: {  	[sflag:s6] =	ssyncadd.s32 $0xFFFFFFC0  }
0x21b: {  	s13 =	simm.s32 $0x80;
	s12 =	rddreg [dreg:$0x0]  }
0x21c: {  	[tilespmem:s13], [sflag:$0x3] =	stream.indirect.gather [hbm4b:s12+s0], $0x40, s5, s0, $0xb8;
	[tilespmem:$0x1FE90] =	vst v63  }
0x21d: {  	s14 =	simm.s32 $0x1080  }
0x21e: {  	[tilespmem:s14], [sflag:$0x3] =	stream.indirect.gather [hbm4b:s7+s0], $0x40, s0, s0, $0xb8;
	[tilespmem:$0x1FE90] =	vst v63  }
0x21f: {  	s19 =	simm.s32 $0x2080  }
0x220: {  	[tilespmem:s19], [sflag:$0x3] =	stream.indirect.gather [hbm4b:s8+s0], $0x10, s5, s0, $0xb8;
	[tilespmem:$0x1FE90] =	vst v63  }
0x221: {  	s20 =	simm.s32 $0x2480  }
0x222: {  	[tilespmem:s20], [sflag:$0x3] =	stream.indirect.gather [hbm4b:s8+s0], $0x10, s0, s0, $0xb8;
	[tilespmem:$0x1FE90] =	vst v63  }
0x223: {  	_ =	swait.ge [sflag:s30], $0x1000  }
0x224: {  	[sflag:s30] =	ssyncset.done $0x0  }
0x225: {  	[sflag:s30] =	ssyncadd.s32 $0xFFFFF000  }
0x226: {  	_ =	swait.ge [sflag:s30], $0x1000  }
0x227: {  	[sflag:s30] =	ssyncset.done $0x0  }
0x228: {  	[sflag:s30] =	ssyncadd.s32 $0xFFFFF000  }
0x229: {  	_ =	swait.ge [sflag:s30], $0x400  }
0x22a: {  	[sflag:s30] =	ssyncset.done $0x0  }
0x22b: {  	[sflag:s30] =	ssyncadd.s32 $0xFFFFFC00  }
0x22c: {  	_ =	swait.ge [sflag:s30], $0x400  }
0x22d: {  	[sflag:s30] =	ssyncset.done $0x0  }
0x22e: {  	s1 =	simm.s32 @!p0 $0x6;
	[sflag:s30] =	ssyncadd.s32 $0xFFFFFC00  }
0x22f: {  	_ =	swait.ge @!p0 [sflag:s1], $0x2000  }
0x230: {  	[sflag:s1] =	ssyncset.done @!p0 $0x0  }
0x231: {  	[sflag:s1] =	ssyncadd.s32 @!p0 $0xFFFFE000  }
0x232: {  	_ =	swait.ge @!p0 [sflag:s1], $0x400  }
0x233: {  	[sflag:s1] =	ssyncset.done @!p0 $0x0  }
0x234: {  	s21 =	simm.s32 $0x4910;
	[sflag:s1] =	ssyncadd.s32 @!p0 $0xFFFFFC00  }
0x235: {  	s22 =	simm.s32 $0x4D10;
	v18 =	vld [tilespmem:s21+$0x0]  }
0x236: {  	v19 =	vld [tilespmem:s22+$0x0];
	_ =	sdelay $0x4  }
0x237: {  	v25 =	vsub.f32 v18, v19;
	_ =	sdelay $0x1  }
0x238: {  	v18 =	vmul.f32 v25, v25;
	_ =	sdelay $0x1  }
0x239: {  	(xrf2) =	vadd.scan.msk.f32 $0xffff, v18;
	_ =	sdelay $0x4  }
0x23a: {  	s23 =	simm.s32 $0x1  }
0x23b: {  	v26 =	vmov s23;
	_ =	sdelay $0x2  }
0x23c: {  	v19 =	vld [tilespmem:s22+$0xFFFFFFF0]  }
0x23d: {  	v18 =	vld [tilespmem:s21+$0xFFFFFFF0];
	v20, _, _ =	vpop (xrf2)  }
0x23e: {  	s2 =	simm.s32 $0x2940;
	[tilespmem:v26+s28+$0x0] =	vst.idx.msk vm0, v20  }
0x23f: {  	s12 =	simm.s32 $0x3940;
	v21 =	vld [tilespmem:s2+$0x0]  }
0x240: {  	v22 =	vld [tilespmem:s12+$0x0]  }
0x241: {  	v20 =	vld.idx.msk [tilespmem:v26+s28+$0x0], $0xffff  }
0x242: {  	v18 =	vsub.f32 v18, v19;
	_ =	sdelay $0x1  }
0x243: {  	v19 =	vmul.f32 v18, v18  }
0x244: {  	v23 =	vunpack.i.u.bf16.f32 v21;
	v21 =	vunpack.i.l.bf16.f32 v21;
	v24 =	vunpack.i.l.bf16.f32 v22  }
0x245: {  	(xrf2) =	vadd.scan.msk.f32 $0xffff, v19;
	v19 =	vunpack.i.u.bf16.f32 v22;
	v22 =	vmul.f32 v20, v1;
	v21 =	vadd.f32 v24, v21  }
0x246: {  	v19 =	vadd.f32 v19, v23;
	v23 =	vmul.f32 v20, v2  }
0x247: {  	s13 =	simm.s32 $0x0;
	v21 =	vadd.f32 v21, v22  }
0x248: {  	v22 =	vmov s13;
	v19 =	vadd.f32 v19, v23  }
0x249: {  	s11 =	simm.s32 $0x7180;
	v22 =	vand.u32 $0xFFFFFFFE, v22;
	v23 =	vmax.f32 v21, $0.0e+00  }
0x24a: {  	v31 =	vbroadcast v22, $0x0;
	v19 =	vmax.f32 v19, $0.0e+00;
	[tilespmem:s11+$0x0] =	vst v23  }
0x24b: {  	[tilespmem:s11+$0x10] =	vst v19  }
0x24c: {  	v22 =	vld [tilespmem:s2+$0x10]  }
0x24d: {  	v24 =	vld [tilespmem:s12+$0x10];
	_ =	sdelay $0x1  }
0x24e: {  	v21, _, _ =	vpop (xrf2)  }
0x24f: {  	[tilespmem:v31+s28+$0x0] =	vst.idx.msk vm0, v21  }
0x250: {  	v27 =	vld [tilespmem:s2+$0xFFFFFFC0]  }
0x251: {  	v29 =	vmul.f32 v20, v3;
	v28 =	vld [tilespmem:s12+$0xFFFFFFC0];
	v30 =	vunpack.i.l.bf16.f32 v22;
	v42 =	vunpack.i.l.bf16.f32 v24  }
0x252: {  	v21 =	vld.idx.msk [tilespmem:v31+s28+$0x0], $0xffff;
	v22 =	vunpack.i.u.bf16.f32 v22;
	v24 =	vunpack.i.u.bf16.f32 v24;
	v30 =	vadd.f32 v42, v30  }
0x253: {  	v22 =	vadd.f32 v24, v22;
	v24 =	vmul.f32 v20, v4  }
0x254: {  	s14 =	simm.s32 $0x4930;
	v29 =	vadd.f32 v30, v29  }
0x255: {  	s19 =	simm.s32 $0x4D30;
	v44 =	vld [tilespmem:s14+$0x0];
	v22 =	vadd.f32 v22, v24;
	v30 =	vunpack.i.u.bf16.f32 v27  }
0x256: {  	v45 =	vld [tilespmem:s19+$0x0];
	v27 =	vunpack.i.l.bf16.f32 v27;
	v24 =	vunpack.i.u.bf16.f32 v28;
	v29 =	vmax.f32 v29, $0.0e+00  }
0x257: {  	v28 =	vunpack.i.l.bf16.f32 v28;
	v43 =	vmul.f32 v21, v1;
	v22 =	vmax.f32 v22, $0.0e+00;
	[tilespmem:s11+$0x20] =	vst v29  }
0x258: {  	v27 =	vadd.f32 v28, v27;
	v24 =	vadd.f32 v24, v30;
	v28 =	vmul.f32 v21, v2;
	[tilespmem:s11+$0x30] =	vst v22  }
0x259: {  	v30 =	vld [tilespmem:s2+$0x20]  }
0x25a: {  	v27 =	vadd.f32 v27, v43;
	v24 =	vadd.f32 v24, v28;
	v28 =	vld [tilespmem:s12+$0x20]  }
0x25b: {  	v55 =	vld [tilespmem:s14+$0xFFFFFFF0];
	v32 =	vsub.f32 v44, v45  }
0x25c: {  	v56 =	vld [tilespmem:s19+$0xFFFFFFF0];
	v27 =	vmax.f32 v27, $0.0e+00  }
0x25d: {  	v57 =	vmul.f32 v32, v32;
	s21 =	simm.s32 $0x3;
	v23 =	vmul.f32 v23, v9;
	v24 =	vmax.f32 v24, $0.0e+00;
	[tilespmem:s11+$0xFFFFFF80] =	vst v27  }
0x25e: {  	v34 =	vmov s21;
	v47 =	vmul.f32 v20, v5;
	v61 =	vmul.f32 v19, v10;
	[tilespmem:s11+$0xFFFFFF90] =	vst v24  }
0x25f: {  	v23 =	vadd.f32 $0.0e+00, v23;
	v46 =	vld [tilespmem:s2+$0xFFFFFFD0];
	v48 =	vunpack.i.l.bf16.f32 v30;
	v49 =	vunpack.i.l.bf16.f32 v28  }
0x260: {  	v50 =	vld [tilespmem:s12+$0xFFFFFFD0];
	v30 =	vunpack.i.u.bf16.f32 v30;
	v28 =	vunpack.i.u.bf16.f32 v28;
	v36 =	vadd.f32 v49, v48  }
0x261: {  	v19 =	vsub.f32 v55, v56;
	v28 =	vadd.f32 v28, v30;
	v30 =	vmul.f32 v20, v6  }
0x262: {  	v23 =	vadd.f32 v23, v61;
	v51 =	vmul.f32 v21, v3;
	v53 =	vadd.f32 v36, v47  }
0x263: {  	v52 =	vmul.f32 v21, v4;
	v59 =	vmul.f32 v21, v5;
	v28 =	vadd.f32 v28, v30  }
0x264: {  	(xrf2) =	vadd.scan.msk.f32 $0xffff, v57;
	v29 =	vmul.f32 v29, v11;
	v27 =	vmul.f32 v27, v9;
	v33 =	vmax.f32 v53, $0.0e+00  }
0x265: {  	v54 =	vunpack.i.u.bf16.f32 v46;
	v58 =	vunpack.i.u.bf16.f32 v50;
	v28 =	vmax.f32 v28, $0.0e+00;
	[tilespmem:s11+$0x40] =	vst v33  }
0x266: {  	v30 =	vunpack.i.l.bf16.f32 v46;
	v38 =	vunpack.i.l.bf16.f32 v50;
	v35 =	vadd.f32 v58, v54;
	[tilespmem:s11+$0x50] =	vst v28  }
0x267: {  	v43 =	vmul.f32 v19, v19;
	v60 =	vadd.f32 $0.0e+00, v27;
	v27 =	vadd.f32 v38, v30;
	v30 =	vld [tilespmem:s2+$0x30]  }
0x268: {  	v22 =	vmul.f32 v22, v12;
	v23 =	vadd.f32 v29, v23;
	v35 =	vadd.f32 v35, v52;
	v62 =	vld [tilespmem:s12+$0x30]  }
0x269: {  	v55 =	vmul.f32 v21, v6;
	(xrf2) =	vadd.scan.msk.f32 $0xffff, v43;
	v24 =	vmul.f32 v24, v10;
	v27 =	vadd.f32 v27, v51  }
0x26a: {  	v22 =	vadd.f32 v23, v22;
	v49 =	vmul.f32 v20, v8;
	v35 =	vmax.f32 v35, $0.0e+00  }
0x26b: {  	s20 =	simm.s32 $0x2;
	v24 =	vadd.f32 v60, v24;
	v46 =	vmul.f32 v20, v7;
	v63 =	vmax.f32 v27, $0.0e+00;
	[tilespmem:s11+$0xFFFFFFB0] =	vst v35  }
0x26c: {  	v33 =	vmul.f32 v33, v13;
	v28 =	vmul.f32 v28, v14;
	v27 =	vmov s20;
	[tilespmem:s11+$0xFFFFFFA0] =	vst v63  }
0x26d: {  	v27 =	vand.u32 $0xFFFFFFFE, v27;
	v29 =	vld [tilespmem:s2+$0xFFFFFFE0];
	v44 =	vunpack.i.l.bf16.f32 v30;
	v45 =	vunpack.i.l.bf16.f32 v62  }
0x26e: {  	v22 =	vadd.f32 v33, v22;
	v47 =	vld [tilespmem:s12+$0xFFFFFFE0];
	v20 =	vbroadcast v27, $0x0;
	v23 =	vadd.f32 v45, v44  }
0x26f: {  	v48, _, _ =	vpop (xrf2);
	v36 =	vmul.f32 v63, v11;
	v30 =	vunpack.i.u.bf16.f32 v30;
	v39 =	vunpack.i.u.bf16.f32 v62  }
0x270: {  	[tilespmem:v34+s28+$0x0] =	vst.idx.msk vm0, v48;
	v30 =	vadd.f32 v39, v30;
	v23 =	vadd.f32 v23, v46  }
0x271: {  	s23 =	simm.s32 $0x39C0;
	v22 =	vadd.f32 v22, v28;
	v35 =	vmul.f32 v35, v12;
	v24 =	vadd.f32 v36, v24  }
0x272: {  	s22 =	simm.s32 $0x29C0;
	v42 =	vld [tilespmem:s23+$0x0];
	v50 =	vunpack.i.u.bf16.f32 v29;
	v27 =	vmax.f32 v23, $0.0e+00;
	v23 =	vadd.f32 v30, v49  }
0x273: {  	v57, _, _ =	vpop (xrf2);
	v51 =	vunpack.i.l.bf16.f32 v29;
	v53 =	vunpack.i.u.bf16.f32 v47;
	v30 =	vld [tilespmem:s22+$0x0];
	v52 =	vmul.f32 v27, v15  }
0x274: {  	v38 =	vunpack.i.l.bf16.f32 v47;
	v29 =	vld.idx.msk [tilespmem:v34+s28+$0x0], $0xffff;
	v56 =	vadd.f32 v53, v50;
	[tilespmem:v20+s28+$0x0] =	vst.idx.msk vm0, v57;
	v28 =	vmax.f32 v23, $0.0e+00  }
0x275: {  	v23 =	vadd.f32 v38, v51;
	v22 =	vadd.f32 v52, v22;
	v54 =	vmul.f32 v28, v16  }
0x276: {  	v24 =	vadd.f32 v24, v35;
	v62 =	vld [tilespmem:s22+$0xFFFFFFC0];
	v38 =	vadd.f32 v56, v55  }
0x277: {  	v60 =	vunpack.i.u.bf16.f32 v42;
	v44 =	vld [tilespmem:s23+$0xFFFFFFC0];
	v23 =	vadd.f32 v23, v59;
	v22 =	vadd.f32 v22, v54  }
0x278: {  	v33 =	vld.idx.msk [tilespmem:v20+s28+$0x0], $0xffff;
	v59 =	vunpack.i.l.bf16.f32 v42;
	v58 =	vunpack.i.u.bf16.f32 v30;
	v30 =	vunpack.i.l.bf16.f32 v30  }
0x279: {  	v61 =	vmul.f32 v29, v1;
	v63 =	vmul.f32 v29, v2;
	v30 =	vadd.f32 v59, v30;
	(xrf2) =	vadd.scan.msk.f32 $0xffff, v22  }
0x27a: {  	v45 =	vmax.f32 v38, $0.0e+00;
	v23 =	vmax.f32 v23, $0.0e+00;
	v22 =	vadd.f32 v60, v58  }
0x27b: {  	v46 =	vunpack.i.u.bf16.f32 v62;
	v47 =	vunpack.i.l.bf16.f32 v62;
	v30 =	vadd.f32 v30, v61  }
0x27c: {  	[tilespmem:s11+$0xFFFFFFD0] =	vst v45;
	v48 =	vunpack.i.u.bf16.f32 v44;
	v49 =	vunpack.i.l.bf16.f32 v44;
	v22 =	vadd.f32 v22, v63  }
0x27d: {  	s14 =	simm.s32 $0x7280;
	v50 =	vmul.f32 v33, v1;
	[tilespmem:s11+$0xFFFFFFC0] =	vst v23;
	v38 =	vadd.f32 v49, v47;
	v30 =	vmax.f32 v30, $0.0e+00  }
0x27e: {  	v52 =	vmul.f32 v33, v2;
	v37 =	vadd.f32 v48, v46;
	[tilespmem:s14+$0x0] =	vst v30;
	v35 =	vmax.f32 v22, $0.0e+00  }
0x27f: {  	v54 =	vld [tilespmem:s12+$0xFFFFFFF0];
	v38 =	vadd.f32 v38, v50;
	[tilespmem:s14+$0x10] =	vst v35  }
0x280: {  	v36 =	vmul.f32 v45, v14;
	v37 =	vadd.f32 v37, v52;
	v51 =	vld [tilespmem:s22+$0x10]  }
0x281: {  	v62 =	vmul.f32 v29, v4;
	v58 =	vmul.f32 v29, v3;
	v38 =	vmax.f32 v38, $0.0e+00;
	v53 =	vld [tilespmem:s23+$0x10]  }
0x282: {  	v49 =	vmul.f32 v33, v4;
	v22 =	vmul.f32 v23, v13;
	v43 =	vmax.f32 v37, $0.0e+00;
	[tilespmem:s14+$0xFFFFFF80] =	vst v38  }
0x283: {  	[tilespmem:s14+$0xFFFFFF90] =	vst v43;
	v38 =	vmul.f32 v38, v9;
	v43 =	vmul.f32 v43, v10;
	v56, _, _ =	vpop (xrf2)  }
0x284: {  	v23 =	vld [tilespmem:s2+$0xFFFFFFF0];
	v22 =	vadd.f32 v22, v24;
	v24 =	vmul.f32 v21, v7;
	v57 =	vadd.f32 v56, v17  }
0x285: {  	v21 =	vmul.f32 v21, v8;
	v63 =	vunpack.i.l.bf16.f32 v54;
	v59 =	vunpack.i.l.bf16.f32 v51  }
0x286: {  	v60 =	vunpack.i.l.bf16.f32 v53;
	v42 =	vunpack.i.u.bf16.f32 v51;
	v37 =	vmax.f32 v57, $0.0e+00  }
0x287: {  	v61 =	vld [tilespmem:s22+$0xFFFFFFD0];
	v40 =	vunpack.i.u.bf16.f32 v53;
	v44 =	vadd.f32 v60, v59;
	v37 =	vadd.f32 v37, v37  }
0x288: {  	v48 =	vld [tilespmem:s23+$0xFFFFFFD0];
	v22 =	vadd.f32 v22, v36;
	v36 =	vunpack.i.u.bf16.f32 v54;
	v40 =	vadd.f32 v40, v42  }
0x289: {  	v55 =	vunpack.i.l.bf16.f32 v23;
	v41 =	vadd.f32 v44, v58;
	v37 =	vmul.f32 $1.442695020e+00, v37  }
0x28a: {  	v23 =	vunpack.i.u.bf16.f32 v23;
	v39 =	vadd.f32 v63, v55;
	v40 =	vadd.f32 v40, v62  }
0x28b: {  	v23 =	vadd.f32 v36, v23;
	v41 =	vmax.f32 v41, $0.0e+00;
	(erf) = vpow2.f32 v37  }
0x28c: {  	v50 =	vunpack.i.u.bf16.f32 v61;
	v24 =	vadd.f32 v39, v24;
	v40 =	vmax.f32 v40, $0.0e+00;
	[tilespmem:s14+$0x20] =	vst v41  }
0x28d: {  	v51 =	vunpack.i.l.bf16.f32 v61;
	v52 =	vunpack.i.u.bf16.f32 v48;
	v53 =	vunpack.i.l.bf16.f32 v48;
	[tilespmem:s14+$0x30] =	vst v40  }
0x28e: {  	v39 =	vadd.f32 v52, v50;
	v21 =	vadd.f32 v23, v21;
	v36 =	vmax.f32 v24, $0.0e+00;
	v54 =	vld [tilespmem:s22+$0x20]  }
0x28f: {  	s3 =	simm.s32 $0x4950;
	v42 =	vadd.f32 v53, v51;
	v24 =	vmul.f32 v33, v3;
	v55 =	vmul.f32 v36, v15;
	v23 =	vld [tilespmem:s23+$0x20]  }
0x290: {  	s12 =	simm.s32 $0x4D50;
	v38 =	vadd.f32 $0.0e+00, v38;
	v56 =	vld [tilespmem:s3+$0x0];
	v39 =	vadd.f32 v39, v49;
	v37 =	vmax.f32 v21, $0.0e+00  }
0x291: {  	v24 =	vadd.f32 v42, v24;
	v22 =	vadd.f32 v55, v22;
	v21 =	vld [tilespmem:s12+$0x0];
	v57 =	vmul.f32 v37, v16  }
0x292: {  	v30 =	vmul.f32 v30, v9;
	v38 =	vadd.f32 v38, v43;
	v58 =	vmul.f32 v29, v5  }
0x293: {  	v46 =	vmax.f32 v39, $0.0e+00;
	v24 =	vmax.f32 v24, $0.0e+00;
	v22 =	vadd.f32 v22, v57  }
0x294: {  	v59 =	vunpack.i.l.bf16.f32 v54;
	v60 =	vunpack.i.l.bf16.f32 v23;
	v45 =	vunpack.i.u.bf16.f32 v54;
	v61 =	vpop (erf)  }
0x295: {  	v23 =	vunpack.i.u.bf16.f32 v23;
	v42 =	vadd.f32 v60, v59;
	v63 =	vadd.f32 $1.000000000e+00, v61  }
0x296: {  	v62 =	vld [tilespmem:s3+$0xFFFFFFF0];
	[tilespmem:s14+$0xFFFFFFB0] =	vst v46;
	v21 =	vsub.f32 v56, v21;
	v54 =	vmul.f32 v29, v6;
	v23 =	vadd.f32 v23, v45  }
0x297: {  	v55 =	vld [tilespmem:s12+$0xFFFFFFF0];
	[tilespmem:s14+$0xFFFFFFA0] =	vst v24;
	v24 =	vmul.f32 v24, v11;
	v42 =	vadd.f32 v42, v58;
	(erf) = vrcp.f32 v63  }
0x298: {  	v44 =	vmul.f32 v33, v5;
	(xrf2) =	vadd.scan.msk.f32 $0xffff, v22;
	v56 =	vmul.f32 v21, v21;
	v22 =	vadd.f32 v23, v54;
	v23 =	vld [tilespmem:s23+$0xFFFFFFE0]  }
0x299: {  	v38 =	vadd.f32 v24, v38;
	v24 =	vadd.f32 $0.0e+00, v30;
	v42 =	vmax.f32 v42, $0.0e+00  }
0x29a: {  	v57 =	vld [tilespmem:s22+$0xFFFFFFE0];
	v30 =	vmul.f32 v35, v10;
	(xrf2) =	vadd.scan.msk.f32 $0xffff, v56;
	v43 =	vmax.f32 v22, $0.0e+00;
	[tilespmem:s14+$0x40] =	vst v42  }
0x29b: {  	v39 =	vmul.f32 v33, v7;
	v46 =	vmul.f32 v46, v12;
	[tilespmem:s14+$0x50] =	vst v43  }
0x29c: {  	v41 =	vmul.f32 v41, v11;
	v40 =	vmul.f32 v40, v12;
	v30 =	vadd.f32 v24, v30;
	v47 =	vld [tilespmem:s22+$0x30]  }
0x29d: {  	s19 =	simm.s32 $0x5;
	v22 =	vsub.f32 v62, v55;
	v62 =	vunpack.i.l.bf16.f32 v23;
	v23 =	vunpack.i.u.bf16.f32 v23  }
0x29e: {  	s13 =	simm.s32 $0x4;
	v24 =	vmov s19;
	v45 =	vmul.f32 v33, v6;
	v30 =	vadd.f32 v41, v30;
	v59 =	vld [tilespmem:s23+$0x30]  }
0x29f: {  	v58 =	vmov s13;
	v51 =	vunpack.i.u.bf16.f32 v57;
	v61 =	vmul.f32 v22, v22  }
0x2a0: {  	v30 =	vadd.f32 v30, v40;
	v42 =	vmul.f32 v42, v13;
	v50 =	vadd.f32 v23, v51;
	v23 =	vpop (erf)  }
0x2a1: {  	v60 =	vunpack.i.l.bf16.f32 v57;
	(xrf2) =	vadd.scan.msk.f32 $0xffff, v61;
	v63 =	vadd.f32 v23, v23;
	v23 =	vunpack.i.l.bf16.f32 v47  }
0x2a2: {  	v48 =	vand.u32 $0xFFFFFFFE, v58;
	v43 =	vmul.f32 v43, v14;
	v42 =	vadd.f32 v42, v30  }
0x2a3: {  	v58 =	vmul.f32 v29, v7;
	v49 =	vadd.f32 v62, v60;
	v51, _, _ =	vpop (xrf2);
	v56 =	vunpack.i.l.bf16.f32 v59  }
0x2a4: {  	v60 =	vmul.f32 v29, v8;
	v62 =	vadd.f32 v42, v43;
	v57 =	vadd.f32 v56, v23;
	v23, _, _ =	vpop (xrf2)  }
0x2a5: {  	s3 =	simm.s32 $0x2A40;
	v44 =	vadd.f32 v49, v44;
	v35 =	vunpack.i.u.bf16.f32 v59;
	v47 =	vunpack.i.u.bf16.f32 v47;
	[tilespmem:v24+s28+$0x0] =	vst.idx.msk vm0, v23  }
0x2a6: {  	[tilespmem:s11+$0x60] =	vst v27;
	s19 =	simm.s32 $0x3A40;
	v35 =	vadd.f32 v35, v47;
	v40 =	vadd.f32 v57, v58;
	v23 =	vbroadcast v48, $0x0;
	v59 =	vld [tilespmem:s3+$0x0]  }
0x2a7: {  	[tilespmem:s11+$0x70] =	vst v28;
	v28 =	vmax.f32 v44, $0.0e+00;
	v41 =	vsub.f32 $1.000000000e+00, v63;
	v63 =	vadd.f32 v50, v45;
	v61 =	vld [tilespmem:s19+$0x0]  }
0x2a8: {  	v42 =	vadd.f32 v38, v46;
	[tilespmem:s14+$0xFFFFFFC0] =	vst v28;
	v27 =	vadd.f32 v35, v60;
	v29 =	vld.idx.msk [tilespmem:v24+s28+$0x0], $0xffff;
	v30 =	vmax.f32 v40, $0.0e+00  }
0x2a9: {  	v60 =	vmul.f32 v28, v13;
	[tilespmem:v26+s25+$0x0] =	vst.idx.msk vm0, v41;
	v28 =	vmax.f32 v63, $0.0e+00;
	v40 =	vmul.f32 v30, v15  }
0x2aa: {  	v48 =	vmul.f32 v33, v8;
	v33 =	vmax.f32 v27, $0.0e+00;
	[tilespmem:s14+$0xFFFFFFD0] =	vst v28;
	v28 =	vmul.f32 v28, v14  }
0x2ab: {  	v49, _, _ =	vpop (xrf2);
	v26 =	vld.idx.msk [tilespmem:v26+s25+$0x0], $0xffff;
	v63 =	vadd.f32 v60, v42;
	v57 =	vmul.f32 v33, v16;
	v27 =	vadd.f32 v40, v62  }
0x2ac: {  	[tilespmem:v23+s28+$0x0] =	vst.idx.msk vm0, v49;
	v50 =	vunpack.i.u.bf16.f32 v59;
	v53 =	vunpack.i.l.bf16.f32 v59;
	v54 =	vunpack.i.l.bf16.f32 v61  }
0x2ad: {  	v55 =	vunpack.i.u.bf16.f32 v61;
	v56 =	vmul.f32 v29, v1;
	v40 =	vadd.f32 v54, v53;
	v58 =	vld [tilespmem:s3+$0xFFFFFFC0]  }
0x2ae: {  	v59 =	vmul.f32 v29, v2;
	v61 =	vadd.f32 v51, v17;
	v35 =	vadd.f32 v55, v50;
	v62 =	vld [tilespmem:s19+$0xFFFFFFC0]  }
0x2af: {  	v27 =	vadd.f32 v27, v57;
	v38 =	vld.idx.msk [tilespmem:v23+s28+$0x0], $0xffff;
	v40 =	vadd.f32 v40, v56  }
0x2b0: {  	v28 =	vadd.f32 v63, v28;
	v25 =	vmul.f32 v26, v25;
	v26 =	vld [tilespmem:s22+$0xFFFFFFF0];
	v35 =	vadd.f32 v35, v59  }
0x2b1: {  	s2 =	simm.s32 $0x7380;
	v63 =	vmul.f32 v29, v4;
	v51 =	vmax.f32 v61, $0.0e+00;
	(xrf2) =	vadd.scan.msk.f32 $0xffff, v27;
	v44 =	vmax.f32 v40, $0.0e+00  }
0x2b2: {  	v49 =	vadd.f32 v51, v51;
	v27 =	vmax.f32 v35, $0.0e+00;
	v40 =	vsel vm1, v25, v0;
	[tilespmem:s2+$0x0] =	vst v44  }
0x2b3: {  	v52 =	vunpack.i.u.bf16.f32 v58;
	v53 =	vunpack.i.l.bf16.f32 v58;
	[tilespmem:s2+$0x10] =	vst v27;
	v55 =	vunpack.i.l.bf16.f32 v62  }
0x2b4: {  	v54 =	vunpack.i.u.bf16.f32 v62;
	v56 =	vmul.f32 v38, v1;
	v57 =	vld [tilespmem:s3+$0x10];
	v42 =	vadd.f32 v55, v53  }
0x2b5: {  	v43 =	vunpack.i.l.bf16.f32 v26;
	v58 =	vmul.f32 v38, v2;
	v35 =	vadd.f32 v54, v52;
	v59 =	vld [tilespmem:s19+$0x10]  }
0x2b6: {  	v26 =	vunpack.i.u.bf16.f32 v26;
	v49 =	vmul.f32 $1.442695020e+00, v49;
	v46 =	vadd.f32 v42, v56  }
0x2b7: {  	v50 =	vmul.f32 v38, v3;
	v51 =	vmul.f32 v38, v4;
	v35 =	vadd.f32 v35, v58  }
0x2b8: {  	v25 =	vld [tilespmem:s23+$0xFFFFFFF0];
	v41 =	vmul.f32 v38, v5;
	v53 =	vmul.f32 v29, v3;
	v46 =	vmax.f32 v46, $0.0e+00  }
0x2b9: {  	v42 =	vmul.f32 v38, v6;
	v52 =	vmax.f32 v35, $0.0e+00;
	v35 =	vmul.f32 v38, v7;
	[tilespmem:s2+$0xFFFFFF80] =	vst v46  }
0x2ba: {  	v60 =	vunpack.i.l.bf16.f32 v57;
	v61 =	vunpack.i.l.bf16.f32 v59;
	[tilespmem:s2+$0xFFFFFF90] =	vst v52;
	v47 =	vunpack.i.u.bf16.f32 v57  }
0x2bb: {  	v45 =	vunpack.i.u.bf16.f32 v59;
	v46 =	vmul.f32 v46, v9;
	v54 =	vadd.f32 v61, v60;
	v56 =	vld [tilespmem:s3+$0xFFFFFFD0]  }
0x2bc: {  	v62, _, _ =	vpop (xrf2);
	v52 =	vmul.f32 v52, v10;
	v59 =	vmul.f32 v27, v10;
	v45 =	vadd.f32 v45, v47;
	v58 =	vld [tilespmem:s19+$0xFFFFFFD0]  }
0x2bd: {  	v60 =	vunpack.i.l.bf16.f32 v25;
	v55 =	vadd.f32 v62, v17;
	v53 =	vadd.f32 v54, v53  }
0x2be: {  	v25 =	vunpack.i.u.bf16.f32 v25;
	v43 =	vadd.f32 v60, v43;
	v45 =	vadd.f32 v45, v63  }
0x2bf: {  	v25 =	vadd.f32 v25, v26;
	v61 =	vmax.f32 v55, $0.0e+00;
	v53 =	vmax.f32 v53, $0.0e+00  }
0x2c0: {  	v46 =	vadd.f32 $0.0e+00, v46;
	v47 =	vadd.f32 v61, v61;
	v45 =	vmax.f32 v45, $0.0e+00;
	[tilespmem:s2+$0x20] =	vst v53  }
0x2c1: {  	v39 =	vadd.f32 v43, v39;
	[tilespmem:s2+$0x30] =	vst v45;
	v62 =	vunpack.i.u.bf16.f32 v56;
	v63 =	vunpack.i.u.bf16.f32 v58  }
0x2c2: {  	s22 =	simm.s32 $0x6;
	v25 =	vadd.f32 v25, v48;
	v26 =	vmul.f32 $1.442695020e+00, v47;
	v54 =	vld [tilespmem:s3+$0x20];
	v43 =	vadd.f32 v63, v62  }
0x2c3: {  	v60 =	vunpack.i.l.bf16.f32 v56;
	v61 =	vunpack.i.l.bf16.f32 v58;
	v58 =	vmov s22;
	v62 =	vld [tilespmem:s19+$0x20]  }
0x2c4: {  	s20 =	simm.s32 $0x4970;
	(erf) = vpow2.f32 v26;
	v26 =	vadd.f32 v61, v60;
	v51 =	vadd.f32 v43, v51  }
0x2c5: {  	s21 =	simm.s32 $0x4D70;
	v48 =	vld [tilespmem:s20+$0xFFFFFFF0];
	v43 =	vmax.f32 v39, $0.0e+00;
	v39 =	vadd.f32 v46, v52;
	v46 =	vmax.f32 v25, $0.0e+00  }
0x2c6: {  	v25 =	vld [tilespmem:s21+$0x0];
	v52 =	vmul.f32 v29, v5;
	(erf) = vpow2.f32 v49;
	v26 =	vadd.f32 v26, v50  }
0x2c7: {  	v63 =	vmul.f32 v43, v15;
	v50 =	vld [tilespmem:s20+$0x0];
	v51 =	vmax.f32 v51, $0.0e+00;
	v60 =	vunpack.i.l.bf16.f32 v54  }
0x2c8: {  	v49 =	vld [tilespmem:s21+$0xFFFFFFF0];
	v61 =	vunpack.i.l.bf16.f32 v62;
	v54 =	vunpack.i.u.bf16.f32 v54;
	v47 =	vunpack.i.u.bf16.f32 v62  }
0x2c9: {  	v28 =	vadd.f32 v63, v28;
	v63 =	vmul.f32 v46, v16;
	v55 =	vadd.f32 v61, v60  }
0x2ca: {  	v62 =	vmul.f32 v29, v6;
	v26 =	vmax.f32 v26, $0.0e+00;
	[tilespmem:s2+$0xFFFFFFB0] =	vst v51;
	v47 =	vadd.f32 v47, v54  }
0x2cb: {  	v45 =	vmul.f32 v45, v12;
	[tilespmem:s2+$0xFFFFFFA0] =	vst v26;
	v28 =	vadd.f32 v28, v63;
	v52 =	vadd.f32 v55, v52  }
0x2cc: {  	v54 =	vld [tilespmem:s3+$0xFFFFFFE0];
	v25 =	vsub.f32 v50, v25;
	v47 =	vadd.f32 v47, v62;
	v50 =	vmul.f32 v51, v12  }
0x2cd: {  	v63 =	vld [tilespmem:s19+$0xFFFFFFE0];
	v62 =	vmul.f32 v26, v11;
	v26 =	vsub.f32 v48, v49;
	(xrf2) =	vadd.scan.msk.f32 $0xffff, v28;
	v28 =	vmul.f32 v44, v9  }
0x2ce: {  	v44 =	vand.u32 $0xFFFFFFFE, v58;
	v52 =	vmax.f32 v52, $0.0e+00;
	v61 =	vmul.f32 v25, v25  }
0x2cf: {  	v60 =	vpop (erf);
	v47 =	vmax.f32 v47, $0.0e+00;
	v39 =	vadd.f32 v62, v39;
	v27 =	vbroadcast v44, $0x0;
	[tilespmem:s2+$0x40] =	vst v52  }
0x2d0: {  	v51 =	vadd.f32 $1.000000000e+00, v60;
	[tilespmem:s2+$0x50] =	vst v47;
	v28 =	vadd.f32 $0.0e+00, v28;
	(xrf2) =	vadd.scan.msk.f32 $0xffff, v61  }
0x2d1: {  	v60 =	vmul.f32 v26, v26;
	v48 =	vld [tilespmem:s3+$0x30];
	v55 =	vunpack.i.u.bf16.f32 v54;
	v61 =	vmul.f32 v53, v11  }
0x2d2: {  	v53 =	vunpack.i.l.bf16.f32 v54;
	v62 =	vpop (erf);
	v56 =	vunpack.i.u.bf16.f32 v63;
	(erf) = vrcp.f32 v51;
	v51 =	vld [tilespmem:s19+$0x30]  }
0x2d3: {  	v57 =	vunpack.i.l.bf16.f32 v63;
	v28 =	vadd.f32 v28, v59;
	(xrf2) =	vadd.scan.msk.f32 $0xffff, v60;
	v44 =	vadd.f32 $1.000000000e+00, v62  }
0x2d4: {  	s23 =	simm.s32 $0x7;
	v52 =	vmul.f32 v52, v13;
	v53 =	vadd.f32 v57, v53;
	v57 =	vadd.f32 v56, v55  }
0x2d5: {  	v62 =	vmul.f32 v29, v7;
	v49 =	vadd.f32 v61, v28;
	v28 =	vmov s23  }
0x2d6: {  	v41 =	vadd.f32 v53, v41;
	v42 =	vadd.f32 v57, v42;
	v63 =	vunpack.i.l.bf16.f32 v48  }
0x2d7: {  	v48 =	vunpack.i.u.bf16.f32 v48;
	v60 =	vunpack.i.l.bf16.f32 v51;
	v51 =	vunpack.i.u.bf16.f32 v51  }
0x2d8: {  	v61 =	vadd.f32 v60, v63;
	v48 =	vadd.f32 v51, v48;
	v63 =	vmul.f32 v29, v8  }
0x2d9: {  	v53 =	vmul.f32 v38, v8;
	v38 =	vadd.f32 v39, v50;
	v45 =	vadd.f32 v49, v45;
	v58, _, _ =	vpop (xrf2)  }
0x2da: {  	v47 =	vmul.f32 v47, v14;
	v49 =	vadd.f32 v61, v62;
	v48 =	vadd.f32 v48, v63;
	v29, _, _ =	vpop (xrf2)  }
0x2db: {  	s12 =	simm.s32 $0x2AC0;
	(erf) = vrcp.f32 v44;
	v57 =	vmax.f32 v41, $0.0e+00;
	v45 =	vadd.f32 v52, v45;
	[tilespmem:v28+s28+$0x0] =	vst.idx.msk vm0, v29  }
0x2dc: {  	s13 =	simm.s32 $0x3AC0;
	[tilespmem:s14+$0x60] =	vst v30;
	v59 =	vpop (erf);
	v29 =	vmax.f32 v49, $0.0e+00;
	v30 =	vmax.f32 v48, $0.0e+00;
	v48 =	vadd.f32 v58, v17;
	v51 =	vld [tilespmem:s12+$0x0]  }
0x2dd: {  	[tilespmem:s14+$0x70] =	vst v33;
	v45 =	vadd.f32 v45, v47;
	v60 =	vadd.f32 v59, v59;
	v63, _, _ =	vpop (xrf2);
	v61 =	vmul.f32 v29, v15;
	v52 =	vld [tilespmem:s13+$0x0]  }
0x2de: {  	v59 =	vmax.f32 v42, $0.0e+00;
	v33 =	vld.idx.msk [tilespmem:v28+s28+$0x0], $0xffff;
	v56 =	vmul.f32 v30, v16;
	[tilespmem:v27+s28+$0x0] =	vst.idx.msk vm0, v63;
	v48 =	vmax.f32 v48, $0.0e+00  }
0x2df: {  	v42 =	vld [tilespmem:s12+$0xFFFFFFC0];
	v45 =	vadd.f32 v61, v45;
	v61 =	vmul.f32 v57, v13;
	v48 =	vadd.f32 v48, v48  }
0x2e0: {  	v47 =	vmul.f32 v59, v14;
	v62 =	vsub.f32 $1.000000000e+00, v60;
	v49 =	vld [tilespmem:s13+$0xFFFFFFC0]  }
0x2e1: {  	[tilespmem:s2+$0xFFFFFFC0] =	vst v57;
	v50 =	vld.idx.msk [tilespmem:v27+s28+$0x0], $0xffff;
	v60 =	vadd.f32 v45, v56;
	v38 =	vadd.f32 v61, v38;
	v48 =	vmul.f32 $1.442695020e+00, v48  }
0x2e2: {  	[tilespmem:v34+s25+$0x0] =	vst.idx.msk vm0, v62;
	v62 =	vunpack.i.u.bf16.f32 v51;
	v51 =	vunpack.i.l.bf16.f32 v51;
	v63 =	vunpack.i.l.bf16.f32 v52  }
0x2e3: {  	v56 =	vunpack.i.u.bf16.f32 v52;
	v58 =	vmul.f32 v33, v1;
	(xrf2) =	vadd.scan.msk.f32 $0xffff, v60;
	v57 =	vadd.f32 v63, v51  }
0x2e4: {  	[tilespmem:s2+$0xFFFFFFD0] =	vst v59;
	v34 =	vld.idx.msk [tilespmem:v34+s25+$0x0], $0xffff;
	v59 =	vmul.f32 v33, v2;
	v39 =	vadd.f32 v56, v62;
	v60 =	vunpack.i.u.bf16.f32 v42  }
0x2e5: {  	v45 =	vld [tilespmem:s3+$0xFFFFFFF0];
	v42 =	vunpack.i.l.bf16.f32 v42;
	v61 =	vunpack.i.u.bf16.f32 v49;
	v44 =	vadd.f32 v57, v58  }
0x2e6: {  	v51 =	vld [tilespmem:s19+$0xFFFFFFF0];
	v49 =	vunpack.i.l.bf16.f32 v49;
	v62 =	vmul.f32 v50, v1;
	v39 =	vadd.f32 v39, v59  }
0x2e7: {  	s19 =	simm.s32 $0x7480;
	v47 =	vadd.f32 v38, v47;
	v49 =	vadd.f32 v49, v42;
	v42 =	vmax.f32 v44, $0.0e+00  }
0x2e8: {  	v52 =	vadd.f32 v61, v60;
	v63 =	vpop (erf);
	v57 =	vmul.f32 v50, v2;
	v39 =	vmax.f32 v39, $0.0e+00;
	[tilespmem:s19+$0x0] =	vst v42  }
0x2e9: {  	v54 =	vmul.f32 v50, v3;
	v55 =	vadd.f32 v63, v63;
	v41 =	vadd.f32 v49, v62;
	[tilespmem:s19+$0x10] =	vst v39  }
0x2ea: {  	s20 =	simm.s32 $0x9510;
	v32 =	vmul.f32 v34, v32;
	v59 =	vunpack.i.l.bf16.f32 v45;
	v58 =	vadd.f32 v52, v57;
	v38 =	vld [tilespmem:s12+$0x10]  }
0x2eb: {  	[tilespmem:s20+$0x0] =	vst v40;
	v45 =	vunpack.i.u.bf16.f32 v45;
	v41 =	vmax.f32 v41, $0.0e+00;
	v60 =	vunpack.i.l.bf16.f32 v51;
	v49 =	vld [tilespmem:s13+$0x10]  }
0x2ec: {  	v51 =	vunpack.i.u.bf16.f32 v51;
	v40 =	vsub.f32 $1.000000000e+00, v55;
	[tilespmem:s19+$0xFFFFFF80] =	vst v41;
	v34 =	vmax.f32 v58, $0.0e+00  }
0x2ed: {  	v32 =	vsel vm1, v32, v0;
	v44 =	vadd.f32 v60, v59;
	v51 =	vadd.f32 v51, v45;
	[tilespmem:s19+$0xFFFFFF90] =	vst v34;
	v61, _, _ =	vpop (xrf2)  }
0x2ee: {  	v58 =	vmul.f32 v50, v4;
	v59 =	vmul.f32 v41, v9;
	v56 =	vld [tilespmem:s12+$0xFFFFFFD0];
	v52 =	vadd.f32 v61, v17  }
0x2ef: {  	v57 =	vadd.f32 v44, v35;
	v35 =	vld [tilespmem:s13+$0xFFFFFFD0];
	v44 =	vmul.f32 v33, v3;
	v63 =	vunpack.i.l.bf16.f32 v38  }
0x2f0: {  	v60 =	vunpack.i.l.bf16.f32 v49;
	v38 =	vunpack.i.u.bf16.f32 v38;
	v62 =	vmax.f32 v52, $0.0e+00  }
0x2f1: {  	v49 =	vunpack.i.u.bf16.f32 v49;
	v52 =	vadd.f32 v60, v63;
	v45 =	vadd.f32 v62, v62  }
0x2f2: {  	v59 =	vadd.f32 $0.0e+00, v59;
	v61 =	vmul.f32 v33, v4;
	v38 =	vadd.f32 v49, v38  }
0x2f3: {  	v63 =	vunpack.i.u.bf16.f32 v56;
	v44 =	vadd.f32 v52, v44;
	v62 =	vmul.f32 $1.442695020e+00, v45  }
0x2f4: {  	v56 =	vunpack.i.l.bf16.f32 v56;
	v49 =	vadd.f32 v38, v61;
	v52 =	vunpack.i.u.bf16.f32 v35  }
0x2f5: {  	v35 =	vunpack.i.l.bf16.f32 v35;
	v45 =	vmax.f32 v44, $0.0e+00;
	(erf) = vpow2.f32 v62  }
0x2f6: {  	v60 =	vmul.f32 v34, v10;
	v56 =	vadd.f32 v35, v56;
	v44 =	vmax.f32 v49, $0.0e+00;
	[tilespmem:s19+$0x20] =	vst v45  }
0x2f7: {  	v41 =	vmul.f32 v50, v5;
	v51 =	vadd.f32 v51, v53;
	v52 =	vadd.f32 v52, v63;
	[tilespmem:s19+$0x30] =	vst v44  }
0x2f8: {  	[tilespmem:s11+$0xFFFFFFE0] =	vst v36;
	v36 =	vmax.f32 v57, $0.0e+00;
	v49 =	vadd.f32 v59, v60;
	v60 =	vadd.f32 v56, v54;
	v54 =	vld [tilespmem:s12+$0x20]  }
0x2f9: {  	v51 =	vmax.f32 v51, $0.0e+00;
	v34 =	vmul.f32 v50, v7;
	v61 =	vmul.f32 v36, v15;
	v53 =	vld [tilespmem:s13+$0x20]  }
0x2fa: {  	s4 =	simm.s32 $0x4990;
	[tilespmem:s11+$0xFFFFFFF0] =	vst v37;
	v38 =	vmul.f32 v50, v6;
	v35 =	vmul.f32 v50, v8;
	v52 =	vadd.f32 v52, v58  }
0x2fb: {  	s21 =	simm.s32 $0x4D90;
	[tilespmem:s14+$0xFFFFFFE0] =	vst v43;
	v43 =	vld [tilespmem:s4+$0x0];
	v37 =	vadd.f32 v61, v47;
	v63 =	vmul.f32 v51, v16;
	v50 =	vmax.f32 v60, $0.0e+00  }
0x2fc: {  	[tilespmem:s14+$0xFFFFFFF0] =	vst v46;
	v57 =	vld [tilespmem:s21+$0x0];
	(erf) = vpow2.f32 v48;
	v52 =	vmax.f32 v52, $0.0e+00;
	v62 =	vmul.f32 v50, v11  }
0x2fd: {  	v55 =	vld [tilespmem:s21+$0xFFFFFFF0];
	v37 =	vadd.f32 v37, v63;
	v46 =	vmul.f32 v52, v12;
	[tilespmem:s19+$0xFFFFFFB0] =	vst v52;
	v52 =	vmul.f32 v33, v5  }
0x2fe: {  	v48 =	vld [tilespmem:s4+$0xFFFFFFF0];
	v49 =	vadd.f32 v62, v49;
	v61 =	vunpack.i.l.bf16.f32 v54;
	v62 =	vunpack.i.l.bf16.f32 v53;
	v60 =	vpop (erf)  }
0x2ff: {  	[tilespmem:s19+$0xFFFFFFA0] =	vst v50;
	v59 =	vunpack.i.u.bf16.f32 v54;
	v53 =	vunpack.i.u.bf16.f32 v53;
	v47 =	vadd.f32 $1.000000000e+00, v60  }
0x300: {  	v58 =	vld [tilespmem:s12+$0xFFFFFFE0];
	v63 =	vadd.f32 v62, v61;
	v50 =	vadd.f32 v53, v59;
	v60 =	vmul.f32 v33, v6  }
0x301: {  	s1 =	simm.s32 $0x8;
	s11 =	simm.s32 $0x9530;
	[tilespmem:s2+$0xFFFFFFE0] =	vst v36;
	v36 =	vsub.f32 v43, v57;
	(xrf2) =	vadd.scan.msk.f32 $0xffff, v37;
	(erf) = vrcp.f32 v47  }
0x302: {  	[tilespmem:s11+$0x0] =	vst v32;
	v56 =	vmov s1;
	v62 =	vadd.f32 v63, v52;
	v63 =	vadd.f32 v50, v60;
	v50 =	vld [tilespmem:s13+$0xFFFFFFE0]  }
0x303: {  	[tilespmem:v31+s25+$0x0] =	vst.idx.msk vm0, v40;
	v40 =	vmul.f32 v36, v36;
	v37 =	vsub.f32 v48, v55;
	v61 =	vand.u32 $0xFFFFFFFE, v56  }
0x304: {  	v31 =	vld.idx.msk [tilespmem:v31+s25+$0x0], $0xffff;
	[tilespmem:s2+$0xFFFFFFF0] =	vst v51;
	v43 =	vadd.f32 v49, v46;
	v32 =	vbroadcast v61, $0x0;
	v49 =	vmax.f32 v62, $0.0e+00  }
0x305: {  	s22 =	simm.s32 $0xA;
	s14 =	simm.s32 $0x3AC0;
	s3 =	simm.s32 $0x2AC0;
	v51 =	vunpack.i.u.bf16.f32 v58;
	v52 =	vunpack.i.l.bf16.f32 v58;
	[tilespmem:s19+$0x40] =	vst v49;
	v48 =	vmax.f32 v63, $0.0e+00  }
.LBB2_5:
0x306: {  	p0 =	slt.u32 s22, $0x3E;
	v46 =	vmul.f32 v37, v37;
	(xrf2) =	vadd.scan.msk.f32 $0xffff, v40;
	v40 =	vmul.f32 v42, v9;
	[tilespmem:s19+$0x50] =	vst v48;
	v42 =	vpop (erf)  }
0x307: {  	v47 =	vunpack.i.u.bf16.f32 v50;
	v50 =	vunpack.i.l.bf16.f32 v50;
	v53 =	vld [tilespmem:s12+$0x30];
	v42 =	vadd.f32 $1.000000000e+00, v42  }
0x308: {  	v39 =	vmul.f32 v39, v10;
	v50 =	vadd.f32 v50, v52;
	v54 =	vadd.f32 $0.0e+00, v40;
	v52 =	vld [tilespmem:s13+$0x30]  }
0x309: {  	v31 =	vmul.f32 v31, v18;
	v18 =	vmovc v19;
	(xrf2) =	vadd.scan.msk.f32 $0xffff, v46;
	v46 =	vadd.f32 v47, v51;
	(erf) = vrcp.f32 v42  }
0x30a: {  	v41 =	vadd.f32 v50, v41;
	v47 =	vadd.f32 v54, v39;
	v39 =	vmul.f32 v45, v11;
	v40 =	vpop (erf)  }
0x30b: {  	s23 =	sadd.s32 $0x1, s1;
	s1 =	smov.u32 s22;
	v31 =	vsel vm1, v31, v0;
	v38 =	vadd.f32 v46, v38;
	v40 =	vadd.f32 v40, v40;
	v42, _, _ =	vpop (xrf2)  }
0x30c: {  	v44 =	vmul.f32 v44, v12;
	v19 =	vmovc v22;
	v22 =	vmovc v26;
	v45 =	vmov s23;
	v39 =	vadd.f32 v39, v47;
	[tilespmem:s20+$0xFFFFFFF0] =	vst v31;
	s20 =	smov.u32 s11  }
0x30d: {  	v26 =	vmovc v37;
	v31 =	vunpack.i.l.bf16.f32 v53;
	v46 =	vunpack.i.l.bf16.f32 v52;
	[tilespmem:s2+$0x60] =	vst v29;
	v47 =	vsub.f32 $1.000000000e+00, v40  }
0x30e: {  	v37 =	vadd.f32 v39, v44;
	v31 =	vadd.f32 v46, v31;
	v39 =	vmul.f32 v33, v7;
	[tilespmem:s2+$0x70] =	vst v30;
	s2 =	smov.u32 s19  }
0x30f: {  	v40 =	vunpack.i.u.bf16.f32 v53;
	v30 =	vmul.f32 v49, v13;
	v44 =	vunpack.i.u.bf16.f32 v52;
	[tilespmem:v24+s25+$0x0] =	vst.idx.msk vm0, v47  }
0x310: {  	v46 =	vadd.f32 v44, v40;
	v40 =	vmul.f32 v33, v8;
	v29, _, _ =	vpop (xrf2);
	v31 =	vadd.f32 v31, v39;
	v24 =	vld.idx.msk [tilespmem:v24+s25+$0x0], $0xffff  }
0x311: {  	v41 =	vmax.f32 v41, $0.0e+00;
	v30 =	vadd.f32 v30, v37;
	v37 =	vmul.f32 v48, v14;
	[tilespmem:v45+s28+$0x0] =	vst.idx.msk vm0, v29  }
0x312: {  	s12 =	sadd.s32 $0x80, s12;
	v38 =	vmax.f32 v38, $0.0e+00;
	v33 =	vld.idx.msk [tilespmem:v45+s28+$0x0], $0xffff;
	[tilespmem:s19+$0xFFFFFFC0] =	vst v41;
	v29 =	vmax.f32 v31, $0.0e+00;
	v31 =	vadd.f32 v46, v40;
	v39 =	vpop (erf)  }
0x313: {  	s13 =	sadd.s32 $0x80, s13;
	v41 =	vmul.f32 v41, v13;
	v37 =	vadd.f32 v30, v37;
	v40 =	vld [tilespmem:s12+$0x0];
	v44, _, _ =	vpop (xrf2);
	[tilespmem:s19+$0xFFFFFFD0] =	vst v38;
	v46 =	vmul.f32 v29, v15  }
0x314: {  	v38 =	vmul.f32 v38, v14;
	[tilespmem:v32+s28+$0x0] =	vst.idx.msk vm0, v44;
	v44 =	vld [tilespmem:s13+$0x0];
	v30 =	vmax.f32 v31, $0.0e+00;
	v31 =	vadd.f32 v42, v17  }
0x315: {  	v41 =	vadd.f32 v41, v43;
	v47 =	vld.idx.msk [tilespmem:v32+s28+$0x0], $0xffff;
	v42 =	vadd.f32 v46, v37;
	v43 =	vmul.f32 v30, v16  }
0x316: {  	v49 =	vmul.f32 v24, v21;
	v37 =	vadd.f32 v39, v39;
	v24 =	vmovc v28;
	v28 =	vmovc v45;
	v46 =	vld [tilespmem:s12+$0xFFFFFFC0];
	v48 =	vmax.f32 v31, $0.0e+00  }
0x317: {  	v21 =	vmovc v25;
	v25 =	vmov v36;
	v31 =	vadd.f32 v41, v38;
	v39 =	vld [tilespmem:s13+$0xFFFFFFC0];
	v38 =	vadd.f32 v42, v43  }
0x318: {  	s11 =	sadd.s32 $0x20, s11;
	v48 =	vadd.f32 v48, v48;
	v41 =	vsel vm1, v49, v0;
	v36 =	vunpack.i.u.bf16.f32 v40;
	v43 =	vld [tilespmem:s3+$0xFFFFFFF0];
	s3 =	smov.u32 s12  }
0x319: {  	v40 =	vunpack.i.l.bf16.f32 v40;
	v42 =	vunpack.i.l.bf16.f32 v44;
	v45 =	vld [tilespmem:s14+$0xFFFFFFF0];
	(xrf2) =	vadd.scan.msk.f32 $0xffff, v38;
	[tilespmem:s11+$0x0] =	vst v41;
	s14 =	smov.u32 s13  }
0x31a: {  	v38 =	vunpack.i.u.bf16.f32 v44;
	v41 =	vmul.f32 v33, v1;
	v40 =	vadd.f32 v42, v40  }
0x31b: {  	v36 =	vadd.f32 v38, v36;
	v38 =	vmul.f32 v33, v2;
	v42 =	vunpack.i.u.bf16.f32 v46  }
0x31c: {  	v44 =	vunpack.i.l.bf16.f32 v46;
	v46 =	vunpack.i.u.bf16.f32 v39;
	v40 =	vadd.f32 v40, v41  }
0x31d: {  	v39 =	vunpack.i.l.bf16.f32 v39;
	v41 =	vmul.f32 v47, v1;
	v36 =	vadd.f32 v36, v38  }
0x31e: {  	s19 =	sadd.s32 $0x100, s19;
	v38 =	vadd.f32 v39, v44;
	v44 =	vadd.f32 v46, v42;
	v42 =	vmax.f32 v40, $0.0e+00  }
0x31f: {  	v46 =	vmul.f32 v47, v3;
	v40 =	vmul.f32 v47, v2;
	v39 =	vmax.f32 v36, $0.0e+00;
	[tilespmem:s19+$0x0] =	vst v42  }
0x320: {  	v49 =	vmul.f32 v47, v4;
	v36 =	vadd.f32 v38, v41;
	v41 =	vmul.f32 v47, v5;
	[tilespmem:s19+$0x10] =	vst v39  }
0x321: {  	v55 =	vunpack.i.l.bf16.f32 v43;
	v38 =	vmul.f32 v47, v6;
	v40 =	vadd.f32 v44, v40;
	v44 =	vld [tilespmem:s12+$0x10]  }
0x322: {  	v51 =	vmul.f32 v47, v7;
	v53 =	vunpack.i.l.bf16.f32 v45;
	v36 =	vmax.f32 v36, $0.0e+00;
	v52 =	vld [tilespmem:s13+$0x10]  }
0x323: {  	v54 =	vmul.f32 v36, v9;
	[tilespmem:s19+$0xFFFFFF80] =	vst v36;
	v36 =	vmax.f32 v40, $0.0e+00;
	v40 =	vadd.f32 v53, v55;
	v50, _, _ =	vpop (xrf2)  }
0x324: {  	v53 =	vmul.f32 v36, v10;
	[tilespmem:s19+$0xFFFFFF90] =	vst v36;
	v36 =	vunpack.i.u.bf16.f32 v43;
	v43 =	vadd.f32 v50, v17  }
0x325: {  	v45 =	vunpack.i.u.bf16.f32 v45;
	v50 =	vadd.f32 $0.0e+00, v54;
	v54 =	vld [tilespmem:s12+$0xFFFFFFD0];
	v40 =	vadd.f32 v40, v34;
	v34 =	vmovc v51  }
0x326: {  	v55 =	vmul.f32 v33, v3;
	v36 =	vadd.f32 v45, v36;
	v51 =	vld [tilespmem:s13+$0xFFFFFFD0];
	v43 =	vmax.f32 v43, $0.0e+00  }
0x327: {  	v45 =	vunpack.i.l.bf16.f32 v44;
	v56 =	vunpack.i.l.bf16.f32 v52;
	v43 =	vadd.f32 v43, v43  }
0x328: {  	v44 =	vunpack.i.u.bf16.f32 v44;
	v52 =	vunpack.i.u.bf16.f32 v52;
	v45 =	vadd.f32 v56, v45  }
0x329: {  	v44 =	vadd.f32 v52, v44;
	v52 =	vmul.f32 v33, v4;
	v43 =	vmul.f32 $1.442695020e+00, v43  }
0x32a: {  	v56 =	vunpack.i.u.bf16.f32 v54;
	v54 =	vunpack.i.l.bf16.f32 v54;
	v45 =	vadd.f32 v45, v55  }
0x32b: {  	v44 =	vadd.f32 v44, v52;
	v55 =	vunpack.i.u.bf16.f32 v51;
	(erf) = vpow2.f32 v43  }
0x32c: {  	v43 =	vunpack.i.l.bf16.f32 v51;
	v51 =	vadd.f32 v55, v56;
	v45 =	vmax.f32 v45, $0.0e+00  }
0x32d: {  	v50 =	vadd.f32 v50, v53;
	v43 =	vadd.f32 v43, v54;
	v44 =	vmax.f32 v44, $0.0e+00;
	[tilespmem:s19+$0x20] =	vst v45  }
0x32e: {  	v47 =	vmul.f32 v47, v8;
	v40 =	vmax.f32 v40, $0.0e+00;
	v49 =	vadd.f32 v51, v49;
	[tilespmem:s19+$0x30] =	vst v44  }
0x32f: {  	v36 =	vadd.f32 v36, v35;
	v43 =	vadd.f32 v43, v46;
	v51 =	vmul.f32 v40, v15;
	v46 =	vld [tilespmem:s12+$0x20];
	[tilespmem:s2+$0xFFFFFFE0] =	vst v40  }
0x330: {  	v37 =	vsub.f32 $1.000000000e+00, v37;
	v48 =	vmul.f32 $1.442695020e+00, v48;
	v35 =	vmovc v47;
	v40 =	vmax.f32 v49, $0.0e+00;
	v49 =	vld [tilespmem:s13+$0x20]  }
0x331: {  	s4 =	sadd.s32 $0x20, s4;
	v36 =	vmax.f32 v36, $0.0e+00;
	v43 =	vmax.f32 v43, $0.0e+00;
	v47 =	vmul.f32 v40, v12;
	[tilespmem:s19+$0xFFFFFFB0] =	vst v40  }
0x332: {  	s21 =	sadd.s32 $0x20, s21;
	v31 =	vadd.f32 v51, v31;
	v52 =	vmul.f32 v43, v11;
	v40 =	vld [tilespmem:s4+$0x0];
	[tilespmem:s19+$0xFFFFFFA0] =	vst v43;
	v43 =	vmul.f32 v36, v16  }
0x333: {  	v51 =	vmov s22;
	v53 =	vld [tilespmem:s21+$0x0];
	[tilespmem:s2+$0xFFFFFFF0] =	vst v36;
	(erf) = vpow2.f32 v48  }
0x334: {  	v54 =	vmul.f32 v33, v5;
	v52 =	vadd.f32 v52, v50;
	v48 =	vld [tilespmem:s4+$0xFFFFFFF0];
	v31 =	vadd.f32 v31, v43;
	v36 =	vpop (erf)  }
0x335: {  	v43 =	vunpack.i.l.bf16.f32 v46;
	v55 =	vld [tilespmem:s21+$0xFFFFFFF0];
	v50 =	vunpack.i.l.bf16.f32 v49;
	v36 =	vadd.f32 $1.000000000e+00, v36;
	[tilespmem:v20+s25+$0x0] =	vst.idx.msk vm0, v37  }
0x336: {  	v37 =	vunpack.i.u.bf16.f32 v46;
	v46 =	vunpack.i.u.bf16.f32 v49;
	v56 =	vld [tilespmem:s12+$0xFFFFFFE0];
	v43 =	vadd.f32 v50, v43  }
.Ltmp1:
0x337: {  	v37 =	vadd.f32 v46, v37;
	v46 =	vmul.f32 v33, v6;
	v50 =	vld [tilespmem:s13+$0xFFFFFFE0];
	(xrf2) =	vadd.scan.msk.f32 $0xffff, v31;
	(erf) = vrcp.f32 v36;
	(pc) =	sbr.rel @p0 .LBB2_5-.Ltmp1, $4  }
0x338: {  	v49 =	vand.u32 $0xFFFFFFFE, v51;
	v36 =	vsub.f32 v40, v53;
	v51 =	vadd.f32 v43, v54;
	v31 =	vld.idx.msk [tilespmem:v20+s25+$0x0], $0xffff;
	v20 =	vmovc v23  }
0x339: {  	v43 =	vadd.f32 v52, v47;
	v46 =	vadd.f32 v37, v46;
	v23 =	vmovc v27;
	v27 =	vmovc v32;
	v32 =	vbroadcast v49, $0x0  }
0x33a: {  	v37 =	vsub.f32 v48, v55;
	v40 =	vmul.f32 v36, v36;
	v49 =	vmax.f32 v51, $0.0e+00  }
0x33b: {  	s22 =	sadd.s32 $0x2, s22;
	v48 =	vmax.f32 v46, $0.0e+00;
	v51 =	vunpack.i.u.bf16.f32 v56;
	v52 =	vunpack.i.l.bf16.f32 v56;
	[tilespmem:s19+$0x40] =	vst v49  }
0x33c: {  	(xrf2) =	vadd.scan.msk.f32 $0xffff, v40;
	_ =	sdelay $0x4  }
0x33d: {  	s1 =	sadd.s32 $0x1, s1  }
0x33e: {  	v46 =	vmul.f32 v37, v37;
	v40 =	vmov s1;
	_ =	sdelay $0x1  }
0x33f: {  	(xrf2) =	vadd.scan.msk.f32 $0xffff, v46  }
0x340: {  	v47, _, _ =	vpop (xrf2)  }
0x341: {  	v59, _, _ =	vpop (xrf2)  }
0x342: {  	s21 =	sadd.s32 $0x80, s12;
	[tilespmem:v40+s28+$0x0] =	vst.idx.msk vm0, v59  }
0x343: {  	s4 =	sadd.s32 $0x80, s13;
	v53 =	vld [tilespmem:s21+$0x0]  }
0x344: {  	v55 =	vmul.f32 v42, v9;
	v54 =	vld [tilespmem:s4+$0x0]  }
0x345: {  	v46 =	vld.idx.msk [tilespmem:v40+s28+$0x0], $0xffff  }
0x346: {  	v39 =	vmul.f32 v39, v10;
	v55 =	vadd.f32 $0.0e+00, v55;
	_ =	sdelay $0x1  }
0x347: {  	v39 =	vadd.f32 v55, v39  }
0x348: {  	[tilespmem:s19+$0x50] =	vst v48;
	v57, _, _ =	vpop (xrf2);
	v60 =	vunpack.i.u.bf16.f32 v53;
	v53 =	vunpack.i.l.bf16.f32 v53;
	v56 =	vunpack.i.l.bf16.f32 v54  }
0x349: {  	v55 =	vld [tilespmem:s13+$0x30];
	[tilespmem:v32+s28+$0x0] =	vst.idx.msk vm0, v57;
	v54 =	vunpack.i.u.bf16.f32 v54;
	v61 =	vmul.f32 v46, v1;
	v53 =	vadd.f32 v56, v53  }
0x34a: {  	v63 =	vld [tilespmem:s21+$0xFFFFFFC0];
	v62 =	vmul.f32 v46, v2;
	v54 =	vadd.f32 v54, v60  }
0x34b: {  	v45 =	vmul.f32 v45, v11;
	v58 =	vld [tilespmem:s4+$0xFFFFFFC0];
	v53 =	vadd.f32 v53, v61  }
0x34c: {  	v44 =	vmul.f32 v44, v12;
	v54 =	vadd.f32 v54, v62  }
0x34d: {  	s23 =	sadd.s32 $0x100, s19;
	v49 =	vmul.f32 v49, v13;
	v39 =	vadd.f32 v45, v39;
	v42 =	vld.idx.msk [tilespmem:v32+s28+$0x0], $0xffff;
	v53 =	vmax.f32 v53, $0.0e+00  }
0x34e: {  	v47 =	vadd.f32 v47, v17;
	v60 =	vunpack.i.l.bf16.f32 v50;
	v54 =	vmax.f32 v54, $0.0e+00;
	[tilespmem:s23+$0x0] =	vst v53  }
0x34f: {  	v44 =	vadd.f32 v39, v44;
	v39 =	vunpack.i.l.bf16.f32 v55;
	v59 =	vld [tilespmem:s12+$0x30];
	v52 =	vadd.f32 v60, v52;
	[tilespmem:s23+$0x10] =	vst v54  }
0x350: {  	v56 =	vunpack.i.l.bf16.f32 v63;
	v60 =	vunpack.i.u.bf16.f32 v58;
	v58 =	vunpack.i.l.bf16.f32 v58;
	v45 =	vld [tilespmem:s21+$0x10]  }
0x351: {  	v55 =	vunpack.i.u.bf16.f32 v55;
	v61 =	vunpack.i.u.bf16.f32 v50;
	v56 =	vadd.f32 v58, v56;
	v57 =	vld [tilespmem:s4+$0x10]  }
0x352: {  	v50 =	vadd.f32 v61, v51;
	v51 =	vunpack.i.u.bf16.f32 v63;
	v61 =	vmul.f32 v42, v1  }
0x353: {  	v44 =	vadd.f32 v49, v44;
	v62 =	vmul.f32 v42, v2;
	v51 =	vadd.f32 v60, v51  }
0x354: {  	v58 =	vmul.f32 v46, v3;
	v41 =	vadd.f32 v52, v41;
	v56 =	vadd.f32 v56, v61  }
0x355: {  	v52 =	vunpack.i.l.bf16.f32 v59;
	v63 =	vmul.f32 v46, v4;
	v51 =	vadd.f32 v51, v62  }
0x356: {  	v56 =	vmax.f32 v56, $0.0e+00;
	v60 =	vunpack.i.l.bf16.f32 v45;
	v61 =	vunpack.i.l.bf16.f32 v57  }
0x357: {  	v45 =	vunpack.i.u.bf16.f32 v45;
	v57 =	vunpack.i.u.bf16.f32 v57;
	v60 =	vadd.f32 v61, v60  }
0x358: {  	v52 =	vadd.f32 v39, v52;
	[tilespmem:s23+$0xFFFFFF80] =	vst v56;
	v39 =	vmax.f32 v51, $0.0e+00;
	v45 =	vadd.f32 v57, v45  }
0x359: {  	v49 =	vmul.f32 v42, v4;
	v38 =	vadd.f32 v50, v38;
	[tilespmem:s23+$0xFFFFFF90] =	vst v39;
	v60 =	vadd.f32 v60, v58  }
0x35a: {  	v41 =	vmax.f32 v41, $0.0e+00;
	v62 =	vunpack.i.u.bf16.f32 v59;
	v59 =	vld [tilespmem:s21+$0xFFFFFFD0];
	v45 =	vadd.f32 v45, v63  }
0x35b: {  	v50 =	vmul.f32 v41, v13;
	v61 =	vmul.f32 v33, v7;
	v51 =	vmax.f32 v60, $0.0e+00  }
0x35c: {  	v55 =	vadd.f32 v55, v62;
	v57 =	vld [tilespmem:s4+$0xFFFFFFD0];
	v63 =	vmul.f32 v33, v8;
	v45 =	vmax.f32 v45, $0.0e+00;
	[tilespmem:s23+$0x20] =	vst v51  }
0x35d: {  	v53 =	vmul.f32 v53, v9;
	v43 =	vadd.f32 v50, v43;
	v60 =	vadd.f32 v52, v61;
	[tilespmem:s23+$0x30] =	vst v45  }
0x35e: {  	v61 =	vmul.f32 v48, v14;
	v62 =	vadd.f32 v55, v63;
	v55 =	vmax.f32 v38, $0.0e+00;
	v52 =	vld [tilespmem:s21+$0x20]  }
0x35f: {  	v39 =	vmul.f32 v39, v10;
	v63 =	vunpack.i.l.bf16.f32 v59;
	[tilespmem:s19+$0xFFFFFFD0] =	vst v55;
	v55 =	vmul.f32 v55, v14;
	v58 =	vld [tilespmem:s4+$0x20]  }
0x360: {  	v33 =	vmax.f32 v60, $0.0e+00;
	v44 =	vadd.f32 v44, v61;
	v60 =	vunpack.i.u.bf16.f32 v59  }
0x361: {  	v61 =	vunpack.i.u.bf16.f32 v57;
	v57 =	vunpack.i.l.bf16.f32 v57;
	v48 =	vmul.f32 v33, v15  }
0x362: {  	[tilespmem:s19+$0xFFFFFFC0] =	vst v41;
	v38 =	vmax.f32 v62, $0.0e+00;
	v62 =	vadd.f32 v61, v60;
	v41 =	vadd.f32 v57, v63  }
0x363: {  	v61 =	vmul.f32 v38, v16;
	v44 =	vadd.f32 v48, v44;
	v48 =	vmul.f32 v42, v3  }
0x364: {  	v57 =	vld [tilespmem:s3+$0xFFFFFFF0];
	v49 =	vadd.f32 v62, v49;
	v59 =	vunpack.i.l.bf16.f32 v52;
	v60 =	vunpack.i.l.bf16.f32 v58  }
0x365: {  	v41 =	vadd.f32 v41, v48;
	v48 =	vld [tilespmem:s14+$0xFFFFFFF0];
	v52 =	vunpack.i.u.bf16.f32 v52;
	v58 =	vunpack.i.u.bf16.f32 v58  }
0x366: {  	v49 =	vmax.f32 v49, $0.0e+00;
	v59 =	vadd.f32 v60, v59;
	v60 =	vmul.f32 v46, v5  }
0x367: {  	v63 =	vmul.f32 v46, v6;
	v52 =	vadd.f32 v58, v52;
	[tilespmem:s23+$0xFFFFFFB0] =	vst v49;
	v41 =	vmax.f32 v41, $0.0e+00  }
0x368: {  	v51 =	vmul.f32 v51, v11;
	v44 =	vadd.f32 v44, v61;
	v59 =	vadd.f32 v59, v60;
	[tilespmem:s23+$0xFFFFFFA0] =	vst v41  }
0x369: {  	v45 =	vmul.f32 v45, v12;
	v62 =	vadd.f32 v52, v63;
	v63 =	vunpack.i.l.bf16.f32 v57;
	v58 =	vld [tilespmem:s21+$0xFFFFFFE0]  }
0x36a: {  	(xrf2) =	vadd.scan.msk.f32 $0xffff, v44;
	v57 =	vunpack.i.u.bf16.f32 v57;
	v52 =	vld [tilespmem:s4+$0xFFFFFFE0];
	v60 =	vunpack.i.l.bf16.f32 v48;
	v59 =	vmax.f32 v59, $0.0e+00  }
0x36b: {  	v50 =	vmax.f32 v62, $0.0e+00;
	v48 =	vunpack.i.u.bf16.f32 v48;
	v44 =	vadd.f32 v60, v63;
	[tilespmem:s23+$0x40] =	vst v59  }
0x36c: {  	v61 =	vadd.f32 $0.0e+00, v53;
	v62 =	vmul.f32 v54, v10;
	[tilespmem:s23+$0x50] =	vst v50;
	v48 =	vadd.f32 v48, v57  }
0x36d: {  	v43 =	vadd.f32 v43, v55;
	v57 =	vmul.f32 v42, v5;
	v55 =	vld [tilespmem:s21+$0x30];
	v34 =	vadd.f32 v44, v34  }
0x36e: {  	v50 =	vmul.f32 v50, v14;
	v54 =	vld [tilespmem:s4+$0x30];
	v35 =	vadd.f32 v48, v35;
	v44 =	vadd.f32 v61, v62  }
0x36f: {  	v61 =	vmul.f32 v42, v6;
	v63 =	vunpack.i.l.bf16.f32 v58;
	v60 =	vunpack.i.l.bf16.f32 v52  }
0x370: {  	v58 =	vunpack.i.u.bf16.f32 v58;
	v52 =	vunpack.i.u.bf16.f32 v52;
	v48 =	vadd.f32 v60, v63  }
0x371: {  	v52 =	vadd.f32 v52, v58;
	v44 =	vadd.f32 v51, v44;
	v60 =	vmul.f32 v46, v7  }
0x372: {  	v34 =	vmax.f32 v34, $0.0e+00;
	v46 =	vmul.f32 v46, v8;
	v62 =	vunpack.i.l.bf16.f32 v55  }
0x373: {  	v63 =	vunpack.i.l.bf16.f32 v54;
	v48 =	vadd.f32 v48, v57;
	v52 =	vadd.f32 v52, v61  }
0x374: {  	v44 =	vadd.f32 v44, v45;
	v61 =	vmul.f32 v56, v9;
	v51 =	vadd.f32 v63, v62  }
0x375: {  	v55 =	vunpack.i.u.bf16.f32 v55;
	v54 =	vunpack.i.u.bf16.f32 v54;
	v63 =	vmul.f32 v59, v13  }
0x376: {  	v35 =	vmax.f32 v35, $0.0e+00;
	v54 =	vadd.f32 v54, v55;
	v51 =	vadd.f32 v51, v60  }
0x377: {  	v59 =	vmul.f32 v34, v15;
	v45 =	vadd.f32 $0.0e+00, v61;
	v44 =	vadd.f32 v63, v44  }
0x378: {  	v48 =	vmax.f32 v48, $0.0e+00;
	v46 =	vadd.f32 v54, v46;
	v51 =	vmax.f32 v51, $0.0e+00  }
0x379: {  	v52 =	vmax.f32 v52, $0.0e+00;
	[tilespmem:s23+$0xFFFFFFC0] =	vst v48;
	v44 =	vadd.f32 v44, v50;
	v60 =	vmul.f32 v51, v15  }
0x37a: {  	v61 =	vmul.f32 v35, v16;
	v62, _, _ =	vpop (xrf2);
	v43 =	vadd.f32 v59, v43;
	[tilespmem:s23+$0xFFFFFFD0] =	vst v52;
	v46 =	vmax.f32 v46, $0.0e+00  }
0x37b: {  	v53 =	vadd.f32 v62, v17;
	v55 =	vld [tilespmem:s21+$0xFFFFFFF0];
	v62 =	vmul.f32 v46, v16;
	v44 =	vadd.f32 v60, v44  }
0x37c: {  	v41 =	vmul.f32 v41, v11;
	v54 =	vld [tilespmem:s4+$0xFFFFFFF0];
	v39 =	vadd.f32 v45, v39;
	v43 =	vadd.f32 v43, v61  }
0x37d: {  	v47 =	vmax.f32 v47, $0.0e+00;
	v58 =	vmul.f32 v49, v12;
	v63 =	vpop (erf);
	v44 =	vadd.f32 v44, v62  }
0x37e: {  	v53 =	vmax.f32 v53, $0.0e+00;
	v56 =	vadd.f32 $1.000000000e+00, v63;
	v39 =	vadd.f32 v41, v39;
	(xrf2) =	vadd.scan.msk.f32 $0xffff, v43  }
0x37f: {  	v57 =	vmul.f32 v42, v7;
	v59 =	vmul.f32 v42, v8;
	v53 =	vadd.f32 v53, v53;
	(xrf2) =	vadd.scan.msk.f32 $0xffff, v44  }
0x380: {  	(erf) = vrcp.f32 v56;
	v56 =	vadd.f32 v47, v47;
	v39 =	vadd.f32 v39, v58  }
0x381: {  	v53 =	vmul.f32 $1.442695020e+00, v53;
	v60 =	vunpack.i.l.bf16.f32 v55;
	v61 =	vunpack.i.l.bf16.f32 v54  }
0x382: {  	v63 =	vunpack.i.u.bf16.f32 v55;
	v43 =	vmul.f32 $1.442695020e+00, v56;
	v42 =	vadd.f32 v61, v60  }
0x383: {  	v62 =	vmul.f32 v48, v13;
	(erf) = vpow2.f32 v53;
	v53 =	vunpack.i.u.bf16.f32 v54  }
0x384: {  	(erf) = vpow2.f32 v43;
	v42 =	vadd.f32 v42, v57;
	v54 =	vadd.f32 v53, v63  }
0x385: {  	v55 =	vmul.f32 v52, v14;
	v39 =	vadd.f32 v62, v39  }
0x386: {  	v42 =	vmax.f32 v42, $0.0e+00;
	v41 =	vadd.f32 v54, v59  }
0x387: {  	v39 =	vadd.f32 v39, v55;
	v56 =	vmul.f32 v42, v15  }
0x388: {  	v41 =	vmax.f32 v41, $0.0e+00;
	v57, _, _ =	vpop (xrf2)  }
0x389: {  	v39 =	vadd.f32 v56, v39;
	v59 =	vmul.f32 v41, v16;
	v58, _, _ =	vpop (xrf2)  }
0x38a: {  	v60 =	vpop (erf);
	v45 =	vadd.f32 v58, v17  }
0x38b: {  	v48 =	vpop (erf);
	v44 =	vadd.f32 v57, v17;
	v39 =	vadd.f32 v39, v59  }
0x38c: {  	v61 =	vpop (erf);
	v45 =	vmax.f32 v45, $0.0e+00  }
0x38d: {  	v44 =	vmax.f32 v44, $0.0e+00;
	v43 =	vadd.f32 $1.000000000e+00, v61;
	v62 =	vpop (erf);
	(xrf2) =	vadd.scan.msk.f32 $0xffff, v39;
	v45 =	vadd.f32 v45, v45  }
0x38e: {  	v44 =	vadd.f32 v44, v44;
	v63 =	vadd.f32 $1.000000000e+00, v62  }
0x38f: {  	(erf) = vrcp.f32 v43;
	v49 =	vmul.f32 $1.442695020e+00, v45  }
0x390: {  	v50 =	vmul.f32 $1.442695020e+00, v44;
	(erf) = vrcp.f32 v63  }
0x391: {  	(erf) = vpow2.f32 v49  }
0x392: {  	(erf) = vpow2.f32 v50;
	_ =	sdelay $0x4  }
0x393: {  	v52, _, _ =	vpop (xrf2)  }
0x394: {  	v53 =	vpop (erf);
	v39 =	vadd.f32 v52, v17  }
0x395: {  	v54 =	vpop (erf)  }
0x396: {  	v39 =	vmax.f32 v39, $0.0e+00;
	v55 =	vpop (erf)  }
0x397: {  	v39 =	vadd.f32 v39, v39;
	v45 =	vadd.f32 $1.000000000e+00, v55;
	v56 =	vpop (erf)  }
0x398: {  	v49 =	vadd.f32 $1.000000000e+00, v56  }
0x399: {  	v39 =	vmul.f32 $1.442695020e+00, v39;
	(erf) = vrcp.f32 v45  }
0x39a: {  	(erf) = vrcp.f32 v49  }
0x39b: {  	(erf) = vpow2.f32 v39;
	_ =	sdelay $0x6  }
0x39c: {  	v57 =	vpop (erf)  }
0x39d: {  	v59 =	vpop (erf)  }
0x39e: {  	v58 =	vadd.f32 v60, v60;
	v60 =	vpop (erf)  }
0x39f: {  	[tilespmem:s2+$0x60] =	vst v29;
	v62 =	vadd.f32 $1.000000000e+00, v60  }
0x3a0: {  	[tilespmem:s2+$0x70] =	vst v30  }
0x3a1: {  	[tilespmem:s19+$0x60] =	vst v33;
	(erf) = vrcp.f32 v62  }
0x3a2: {  	[tilespmem:s19+$0x70] =	vst v38  }
0x3a3: {  	[tilespmem:s19+$0xFFFFFFE0] =	vst v34  }
0x3a4: {  	[tilespmem:s19+$0xFFFFFFF0] =	vst v35  }
0x3a5: {  	[tilespmem:s23+$0x60] =	vst v51  }
0x3a6: {  	[tilespmem:s23+$0x70] =	vst v46;
	v63 =	vadd.f32 v48, v48  }
0x3a7: {  	[tilespmem:s23+$0xFFFFFFE0] =	vst v42;
	v61 =	vsub.f32 $1.000000000e+00, v58;
	v48 =	vadd.f32 v53, v53  }
0x3a8: {  	[tilespmem:s23+$0xFFFFFFF0] =	vst v41;
	v50 =	vadd.f32 v54, v54;
	v45 =	vsub.f32 $1.000000000e+00, v63  }
0x3a9: {  	[tilespmem:v24+s25+$0x0] =	vst.idx.msk vm0, v61;
	v49 =	vsub.f32 $1.000000000e+00, v48;
	v53 =	vadd.f32 v57, v57  }
0x3aa: {  	v24 =	vld.idx.msk [tilespmem:v24+s25+$0x0], $0xffff;
	v52 =	vsub.f32 $1.000000000e+00, v50;
	[tilespmem:v20+s25+$0x0] =	vst.idx.msk vm0, v45;
	v54 =	vadd.f32 v59, v59;
	v55 =	vpop (erf)  }
0x3ab: {  	[tilespmem:v28+s25+$0x0] =	vst.idx.msk vm0, v49;
	v20 =	vld.idx.msk [tilespmem:v20+s25+$0x0], $0xffff;
	v30 =	vsub.f32 $1.000000000e+00, v53;
	v33 =	vadd.f32 v55, v55  }
0x3ac: {  	[tilespmem:v23+s25+$0x0] =	vst.idx.msk vm0, v52;
	v28 =	vld.idx.msk [tilespmem:v28+s25+$0x0], $0xffff;
	v29 =	vsub.f32 $1.000000000e+00, v54  }
0x3ad: {  	v23 =	vld.idx.msk [tilespmem:v23+s25+$0x0], $0xffff;
	[tilespmem:v40+s25+$0x0] =	vst.idx.msk vm0, v30;
	v56 =	vsub.f32 $1.000000000e+00, v33  }
0x3ae: {  	v18 =	vmul.f32 v31, v18;
	v57 =	vld.idx.msk [tilespmem:v40+s25+$0x0], $0xffff;
	[tilespmem:v27+s25+$0x0] =	vst.idx.msk vm0, v29  }
0x3af: {  	v21 =	vmul.f32 v24, v21;
	v58 =	vld.idx.msk [tilespmem:v27+s25+$0x0], $0xffff;
	[tilespmem:v32+s25+$0x0] =	vst.idx.msk vm0, v56  }
0x3b0: {  	v18 =	vsel vm1, v18, v0;
	v19 =	vmul.f32 v20, v19;
	v59 =	vld.idx.msk [tilespmem:v32+s25+$0x0], $0xffff  }
0x3b1: {  	[tilespmem:s20+$0xFFFFFFF0] =	vst v18;
	s4 =	sadd.s32 $0x20, s11;
	v18 =	vsel vm1, v21, v0;
	v60 =	vmul.f32 v28, v25  }
0x3b2: {  	[tilespmem:s4+$0x0] =	vst v18;
	v18 =	vsel vm1, v19, v0;
	v19 =	vmul.f32 v23, v22  }
0x3b3: {  	s12 =	sadd.s32 $0x20, s4;
	[tilespmem:s11+$0xFFFFFFF0] =	vst v18;
	v18 =	vsel vm1, v60, v0;
	v61 =	vmul.f32 v57, v36  }
0x3b4: {  	[tilespmem:s12+$0x0] =	vst v18;
	v18 =	vsel vm1, v19, v0;
	v19 =	vmul.f32 v58, v26  }
0x3b5: {  	s13 =	sadd.s32 $0x20, s12;
	[tilespmem:s4+$0xFFFFFFF0] =	vst v18;
	v18 =	vsel vm1, v61, v0;
	v20 =	vmul.f32 v59, v37  }
0x3b6: {  	[tilespmem:s13+$0x0] =	vst v18;
	v18 =	vsel vm1, v19, v0  }
0x3b7: {  	[tilespmem:s12+$0xFFFFFFF0] =	vst v18;
	v18 =	vsel vm1, v20, v0  }
0x3b8: {  	[tilespmem:s13+$0xFFFFFFF0] =	vst v18  }
0x3b9: {  	v18 =	vld [tilespmem:$0x2880]  }
0x3ba: {  	v19 =	vld [tilespmem:$0x2890]  }
0x3bb: {  	v62 =	vld [tilespmem:$0x28A0]  }
0x3bc: {  	v63 =	vld [tilespmem:$0x28B0];
	_ =	sdelay $0x1  }
0x3bd: {  	[tilespmem:$0x9940] =	vst v18  }
0x3be: {  	s14 =	rddreg [dreg:$0x3];
	[tilespmem:$0x9950] =	vst v19  }
0x3bf: {  	s24 =	sadd.s32 $0x1, s24;
	s22 =	rddreg [dreg:$0x12];
	[tilespmem:$0x9960] =	vst v62  }
0x3c0: {  	s19 =	simm.s32 $0x7100;
	s1 =	sadd.s32 s31, s22;
	s31 =	rddreg [dreg:$0x10];
	[tilespmem:$0x9970] =	vst v63  }
0x3c1: {  	[spmem:s14] =	stream.indirect.scatter.add.f32 [tilespmem:s19], [sflag:$0x6], $0x80, s18, s0, $0xb8;
	[tilespmem:$0x1FE90] =	vst v63  }
0x3c2: {  	s20 =	rddreg [dreg:$0x4];
	s21 =	simm.s32 $0x9500;
	p0 =	sne.s32 s24, s31  }
0x3c3: {  	[spmem:s20] =	stream.indirect.scatter.add.f32 [tilespmem:s21], [sflag:$0x6], $0x10, s18, s0, $0xb8;
	[tilespmem:$0x1FE90] =	vst v63  }
.Ltmp2:
0x3c4: {  	s1 =	sshrl.u32 s1, $0x3;
	(pc) =	sbr.rel @p0 .LBB2_2-.Ltmp2, $4  }
0x3c5: {  	s23 =	sadd.s32 s9, s1  }
0x3c6: {  	[tilespmem:s15], [sflag:$0x2] =	stream.linear.gather [hbm4b:s23+s5], $0x40, $0x38;
	[tilespmem:$0x1FE90] =	vst v63  }
0x3c7: {  	s1 =	sadd.s32 s10, s1  }
0x3c8: {  	[tilespmem:s16], [sflag:$0x2] =	stream.linear.gather [hbm4b:s1+s5], $0x40, $0x38;
	[tilespmem:$0x1FE90] =	vst v63  }
0x3c9: {  	_ =	swait.ge [sflag:s26], $0x1000  }
0x3ca: {  	[sflag:s26] =	ssyncset.done $0x0  }
0x3cb: {  	[sflag:s26] =	ssyncadd.s32 $0xFFFFF000  }
0x3cc: {  	_ =	swait.ge [sflag:s26], $0x1000  }
0x3cd: {  	[sflag:s26] =	ssyncset.done $0x0  }
0x3ce: {  	[sflag:s26] =	ssyncadd.s32 $0xFFFFF000  }
0x3cf: {  	_ =	swait.ge [sflag:s26], $0x400  }
0x3d0: {  	[sflag:s26] =	ssyncset.done $0x0  }
0x3d1: {  	[sflag:s26] =	ssyncadd.s32 $0xFFFFFC00  }
0x3d2: {  	_ =	swait.ge [sflag:s26], $0x400  }
0x3d3: {  	[sflag:s26] =	ssyncset.done $0x0  }
0x3d4: {  	[sflag:s26] =	ssyncadd.s32 $0xFFFFFC00  }
0x3d5: {  	_ =	swait.ge [sflag:s17], $0x40  }
0x3d6: {  	[sflag:s17] =	ssyncset.done $0x0  }
0x3d7: {  	[sflag:s17] =	ssyncadd.s32 $0xFFFFFFC0  }
0x3d8: {  	_ =	swait.ge [sflag:s17], $0x40  }
0x3d9: {  	[sflag:s17] =	ssyncset.done $0x0  }
0x3da: {  	s4 =	simm.s32 $0x5;
	[sflag:s17] =	ssyncadd.s32 $0xFFFFFFC0  }
0x3db: {  	_ =	swait.ge [sflag:s4], $0x2000  }
0x3dc: {  	[sflag:s4] =	ssyncset.done $0x0  }
0x3dd: {  	[sflag:s4] =	ssyncadd.s32 $0xFFFFE000  }
0x3de: {  	_ =	swait.ge [sflag:s4], $0x400  }
0x3df: {  	[sflag:s4] =	ssyncset.done $0x0  }
0x3e0: {  	s11 =	simm.s32 $0x6;
	[sflag:s4] =	ssyncadd.s32 $0xFFFFFC00  }
0x3e1: {  	_ =	swait.ge [sflag:s11], $0x2000  }
0x3e2: {  	[sflag:s11] =	ssyncset.done $0x0  }
0x3e3: {  	[sflag:s11] =	ssyncadd.s32 $0xFFFFE000  }
0x3e4: {  	_ =	swait.ge [sflag:s11], $0x400  }
0x3e5: {  	[sflag:s11] =	ssyncset.done $0x0  }
0x3e6: {  	[sflag:s11] =	ssyncadd.s32 $0xFFFFFC00  }
0x3e7: {  	[bflag:$0x0] =	sbarrier.arrive $0xFFFF  }
0x3e8: {  	s1 =	rddreg [dreg:$0x13]  }
0x3e9: {  	s2 =	rddreg [dreg:$0x17]  }
0x3ea: {  	s3 =	rddreg [dreg:$0x19]  }
0x3eb: {  	[hbm:s1], [sflag:s2] =	dma.local [spmem:s3], $0x2780  }
0x3ec: {  	s1 =	rddreg [dreg:$0x15]  }
0x3ed: {  	s3 =	rddreg [dreg:$0x1a]  }
0x3ee: {  	s12 =	rddreg [dreg:$0x1b]  }
0x3ef: {  	[hbm:s1], [sflag:s3] =	dma.local [spmem:s12], $0x4F0  }
0x3f0: {  	_ =	swait.ge [sflag:s4], $0x2780  }
0x3f1: {  	[sflag:s4] =	ssyncset.done $0x0  }
0x3f2: {  	[sflag:s4] =	ssyncadd.s32 $0xFFFFD880  }
0x3f3: {  	_ =	swait.ge [sflag:s11], $0x4F0  }
0x3f4: {  	s24 =	rddreg [dreg:$0x18]  }
0x3f5: {  	s31 =	rddreg [dreg:$0x16];
	s3 =	sadd.s32 $0x1, s24  }
0x3f6: {  	p0 =	sne.s32 s3, s31  }
.Ltmp3:
0x3f7: {  	_ = 	snop;
	(pc) =	sbr.rel @p0 .LBB2_1-.Ltmp3, $3  }
0x3f8: {  	_ =	sdelay $0x1  }
0x3f9: {  	[sflag:s11] =	ssyncset.done $0x0  }
0x3fa: {  	[sflag:s11] =	ssyncadd.s32 $0xFFFFFB10  }
0x3fb: {  	_ =	sfence.sel $0x180000  }
0x3fc: {  	[bflag:$0x0] =	sbarrier.arrive $0xFFFF  }
0x3fd: {  	_ =	strace $0x90000047  }
0x3fe: {  	s0 =	stileid.u32;
	[bflag:$0x2] =	sbarrier.arrive $0xFFFF  }
0x3ff: {  	p0 =	sne.s32 s0, $0x0;
	s0 =	rddreg [dreg:$0x5]  }
0x400: {  	s0 =	sadd.s32 @!p0 $0x100000, s0  }
0x401: {  	[sflag:s0] =	ssyncadd.tile.s32 @!p0 $0x1;
	_ =	shalt  }
.Lfunc_end2:
_tile_overlayer_lowered:
.L_overlay_start_2:
0x402: {  	(tag) =	ssettag $0x2  }
0x403: {  	s0 =	rddreg [dreg:$0x0];
	s2 =	stileid.u32  }
0x404: {  	s1 =	rddreg [dreg:$0x1];
	p0 =	sne.s32 s2, $0x0  }
0x405: {  	s3 =	rddreg [dreg:$0x2];
	[bflag:$0x3] =	sbarrier.arrive $0xFFFF;
	s2 =	simm.s32 @!p0 $0x1C07  }
0x406: {  	[timem:s3], [sflag:s2] =	dma.local @!p0 [hbm:s0], s1  }
0x407: {  	s0 =	simm.s32 @!p0 $0x7  }
0x408: {  	_ =	swait.ge @!p0 [sflag:s0], s1  }
0x409: {  	s1 =	ssub.s32 @!p0 $0x0, s1;
	[sflag:s0] =	ssyncset.done @!p0 $0x0  }
0x40a: {  	[sflag:s0] =	ssyncadd.s32 @!p0 s1  }
0x40b: {  	[bflag:$0x3] =	sbarrier.arrive $0xFFFF  }
0x40c: {  	_ =	shalt  }

</sc_bundles>
